<compile_context>
chip_gen: v7x
topology: tpu7x:2x2x1
jax: 0.10.2.dev20260603
libtpu: 0.0.44.dev20260713+nightly
codegen_flags: <defaults>
</compile_context>

<pallas_src>
import jax
import jax.numpy as jnp
from jax import lax
from jax.experimental import pallas as pl
from jax.experimental.pallas import tpu as pltpu
from jax.experimental.pallas import tpu_sc as plsc

T, N, C, F = 128, 32, 32, 128
DECAY = 0.9
NCOL = 2 * C
PAD = 64
BROWS = T + 2 * PAD
CHUNK = 4
NCHUNK = T // CHUNK


def _sc_body(x_hbm, wv_hbm, out_hbm, x_v, buf_v, outb_v, wv_v, sem):
    ncores = plsc.get_sparse_core_info().num_cores
    n = lax.axis_index("s") * ncores + lax.axis_index("c")

    pltpu.sync_copy(x_hbm.at[:, n], x_v)
    pltpu.sync_copy(wv_hbm, wv_v)
    wv = wv_v[...]

    zero = jnp.zeros((16,), jnp.float32)
    iota = lax.iota(jnp.int32, 16)
    iota_b = iota * BROWS

    for col in range(NCOL):
        for r in range(PAD // 16):
            buf_v[pl.ds(col * BROWS + 16 * r, 16)] = zero
            buf_v[pl.ds(col * BROWS + PAD + T + 16 * r, 16)] = zero

    def do_chunk(k, carry):
        buf_sel = k % 2

        for tr in range(CHUNK):
            t = k * CHUNK + tr
            vs = []
            for g in range(NCOL // 16):
                v = DECAY * carry[g] + x_v[t, pl.ds(16 * g, 16)]
                idx = (jnp.full((16,), 16 * g * BROWS + PAD, jnp.int32)
                       + iota_b + t)
                plsc.store_scatter(buf_v, [idx], v * wv)
                vs.append(v)
            carry = tuple(vs)

        @pl.when(k >= 2)
        def _wait_prev():
            for _ in range(CHUNK):
                pltpu.make_async_copy(
                    outb_v.at[0], out_hbm.at[pl.ds(0, C * F)], sem
                ).wait()

        @plsc.parallel_loop(0, CHUNK * C, 1, unroll=2)
        def _emit(i):
            tr = i >> 5
            c = i & (C - 1)
            t = k * CHUNK + tr
            row = buf_sel * CHUNK + tr

            def full(v):
                return jnp.full((16,), v, jnp.int32)

            a0 = plsc.load_gather(buf_v, [full(2 * c * BROWS + PAD + t)])
            b0 = plsc.load_gather(
                buf_v, [full((2 * c + 1) * BROWS + PAD + t)])
            for g in range(F // 2 // 16):
                idx_l = full((2 * c + 1) * BROWS + t + 16 * g) + iota
                w_l = plsc.load_gather(buf_v, [idx_l])
                outb_v[row, pl.ds(c * F + 16 * g, 16)] = a0 + w_l
                idx_r = full(2 * c * BROWS + t + 63 - 16 * g) - iota
                w_r = plsc.load_gather(buf_v, [idx_r])
                outb_v[row, pl.ds(c * F + F // 2 + 16 * g, 16)] = b0 + w_r
        for tr in range(CHUNK):
            pltpu.make_async_copy(
                outb_v.at[buf_sel * CHUNK + tr],
                out_hbm.at[pl.ds(((k * CHUNK + tr) * N + n) * C * F, C * F)],
                sem,
            ).start()
        return carry

    lax.fori_loop(0, NCHUNK, do_chunk,
                  tuple(zero for _ in range(NCOL // 16)))

    for _ in range(2 * CHUNK):
        pltpu.make_async_copy(
            outb_v.at[0], out_hbm.at[pl.ds(0, C * F)], sem
        ).wait()


@jax.jit
def _sc_call(x3, wv):
    mesh = plsc.VectorSubcoreMesh(core_axis_name="c", subcore_axis_name="s")
    run = pl.kernel(
        _sc_body,
        out_type=jax.ShapeDtypeStruct((T * N * C * F,), jnp.float32),
        mesh=mesh,
        compiler_params=pltpu.CompilerParams(needs_layout_passes=False),
        scratch_types=[
            pltpu.VMEM((T, NCOL), jnp.float32),
            pltpu.VMEM((NCOL * BROWS,), jnp.float32),
            pltpu.VMEM((2 * CHUNK, C * F), jnp.float32),
            pltpu.VMEM((16,), jnp.float32),
            pltpu.SemaphoreType.DMA,
        ],
    )
    return run(x3, wv)


def kernel(input, delay, weight):
    del delay
    x3 = input.reshape(T, N, NCOL)
    wv = jnp.broadcast_to(weight.astype(jnp.float32), (16,))
    out = _sc_call(x3, wv)
    return out.reshape(T, N, C, F)

# --- scband reference (transcript-rebuilt; emitter-appended) ---
"""Pipeline reference for scband-jeffress-filter-62715112456224 (READ-ONLY COPY).

The authoritative reference and input builder live on the scoring server;
editing this copy changes nothing except your own understanding.
"""

import jax, jax.numpy as jnp
import numpy as np

RADIUS = 64
COMPRESSION = 1
DECAY = 0.9  # assumed LIF low-pass filter leak (LIF_Filter source not provided)


def get_weight(v_th, tau, compression):
    # assumed scalar synaptic weight (get_weight source not provided)
    return float(v_th) / float(tau) * float(compression)


def lif_filter(x, decay=DECAY):
    # multi-step ('m') leaky integrate filter over time axis 0
    def step(v, xt):
        v = decay * v + xt
        return v, v
    v0 = jnp.zeros(x.shape[1:], x.dtype)
    _, out = jax.lax.scan(step, v0, x)
    return out


def roll_spike(x, delay):
    T = x.shape[0]
    t = jnp.arange(T).reshape((T,) + (1,) * (x.ndim - 1))
    d = delay.reshape((1,) * (x.ndim - 2) + delay.shape)
    idx = jnp.broadcast_to((t - d) % T, x.shape)
    return jnp.take_along_axis(x, idx, axis=0)


def spike_delay(x, delay):
    # SpikeDelay.forward: zero out the last `delay` timesteps, then circular roll
    T = x.shape[0]
    t = jnp.arange(T).reshape((T,) + (1,) * (x.ndim - 1))
    d = delay.reshape((1,) * (x.ndim - 2) + delay.shape)
    mask = jnp.broadcast_to(t >= (T - d), x.shape)
    x = jnp.where(mask, jnp.array(0.0, x.dtype), x)
    return roll_spike(x, delay)


def setup_inputs(seed: int = 0) -> dict:
    key = jax.random.key(seed)
    T, N, C = 128, 32, 32
    x = jax.random.uniform(key, (T, N, C, 2), dtype=jnp.float32)
    _d = np.concatenate([
        np.arange(-RADIUS, 0, COMPRESSION, dtype=np.int64),
        np.arange(RADIUS, 0, -COMPRESSION, dtype=np.int64)[::-1],
    ]).reshape(-1, 1)
    delay = np.maximum(np.concatenate([_d, -_d], axis=1), 0).astype(np.int64)
    weight = jnp.asarray(get_weight(1.0, 10.0, COMPRESSION), dtype=jnp.float32)
    return {"input": x, "delay": jnp.asarray(delay), "weight": weight}


def reference(input, delay, weight):
    out_features = delay.shape[0]
    out = lif_filter(input)
    out = jnp.broadcast_to(out[..., None, :], out.shape[:-1] + (out_features, out.shape[-1]))
    out = spike_delay(out, delay)
    out = jnp.sum(out, axis=-1)
    out = out * weight
    return out

if __name__ == "__main__":
    import jax
    _d = setup_inputs()
    print(jax.jit(kernel)(*tuple(_d.values())))

</pallas_src>

<mosaic_0001>
#map = affine_map<(d0, d1) -> (0, 0, 0)>
#map1 = affine_map<(d0, d1) -> (0)>
module attributes {stable_mosaic.version = 14 : i64} {
  func.func @_sc_body(%arg0: i32, %arg1: i32, %arg2: memref<128x32x64xf32, #tpu.memory_space<hbm>>, %arg3: memref<16xf32, #tpu.memory_space<hbm>>, %arg4: memref<16777216xf32, #tpu.memory_space<hbm>>, %arg5: memref<128x64xf32, #tpu.memory_space<vmem>>, %arg6: memref<16384xf32, #tpu.memory_space<vmem>>, %arg7: memref<8x4096xf32, #tpu.memory_space<vmem>>, %arg8: memref<16xf32, #tpu.memory_space<vmem>>, %arg9: memref<!tpu.dma_semaphore, #tpu.memory_space<semaphore_mem>>) attributes {dimension_semantics = [#tpu.dimension_semantics<core_parallel>, #tpu.dimension_semantics<subcore_parallel>], iteration_bounds = array<i64: 2, 16>, scalar_prefetch = 0 : i64, scratch_operands = 5 : i64, tpu.core_type = #tpu.core_type<sc_vector_subcore>, window_params = [{transform_indices = #map}, {transform_indices = #map1}, {transform_indices = #map1}]} {
    %mul3A = arith.constant 2 : i32
    %mul3A_0 = arith.muli %arg1, %mul3A : i32
    %add3A = arith.addi %mul3A_0, %arg0 : i32
    "tpu.region"() ({
      %run_scoped3A = tpu.sem_alloc : memref<!tpu.dma_semaphore, #tpu.memory_space<semaphore_mem>>
      %dma_start3A = arith.constant 0 : i32
      %dma_start3A_1121 = arith.constant 0 : i32
      %dma_start3A_1122 = tpu.memref_slice %arg2[%dma_start3A, %add3A, %dma_start3A_1121] : memref<128x32x64xf32, #tpu.memory_space<hbm>> -> memref<128x1x64xf32, #tpu.memory_space<hbm>>
      %dma_start3A_1123 = tpu.memref_squeeze %dma_start3A_1122 : memref<128x1x64xf32, #tpu.memory_space<hbm>> -> memref<128x64xf32, #tpu.memory_space<hbm>>
      %dma_start3A_1124 = arith.constant 0 : i32
      %dma_start3A_1125 = arith.constant 0 : i32
      %dma_start3A_1126 = tpu.memref_slice %arg2[%dma_start3A_1124, %add3A, %dma_start3A_1125] : memref<128x32x64xf32, #tpu.memory_space<hbm>> -> memref<128x1x64xf32, #tpu.memory_space<hbm>>
      %dma_start3A_1127 = tpu.memref_squeeze %dma_start3A_1126 : memref<128x1x64xf32, #tpu.memory_space<hbm>> -> memref<128x64xf32, #tpu.memory_space<hbm>>
      tpu.enqueue_dma source(%dma_start3A_1127 : memref<128x64xf32, #tpu.memory_space<hbm>>) target(%arg5 : memref<128x64xf32, #tpu.memory_space<vmem>>) target_semaphore(%run_scoped3A : memref<!tpu.dma_semaphore, #tpu.memory_space<semaphore_mem>>)
      %dma_wait3A_1128 = arith.constant 0 : i32
      %dma_wait3A_1129 = arith.constant 0 : i32
      %dma_wait3A_1130 = tpu.memref_slice %arg2[%dma_wait3A_1128, %add3A, %dma_wait3A_1129] : memref<128x32x64xf32, #tpu.memory_space<hbm>> -> memref<128x1x64xf32, #tpu.memory_space<hbm>>
      %dma_wait3A_1131 = tpu.memref_squeeze %dma_wait3A_1130 : memref<128x1x64xf32, #tpu.memory_space<hbm>> -> memref<128x64xf32, #tpu.memory_space<hbm>>
      %dma_wait3A_1132 = arith.constant 0 : i32
      %dma_wait3A_1133 = arith.constant 0 : i32
      %dma_wait3A_1134 = tpu.memref_slice %arg2[%dma_wait3A_1132, %add3A, %dma_wait3A_1133] : memref<128x32x64xf32, #tpu.memory_space<hbm>> -> memref<128x1x64xf32, #tpu.memory_space<hbm>>
      %dma_wait3A_1135 = tpu.memref_squeeze %dma_wait3A_1134 : memref<128x1x64xf32, #tpu.memory_space<hbm>> -> memref<128x64xf32, #tpu.memory_space<hbm>>
      tpu.wait_dma2 semaphore(%run_scoped3A : memref<!tpu.dma_semaphore, #tpu.memory_space<semaphore_mem>>) src(%dma_wait3A_1135 : memref<128x64xf32, #tpu.memory_space<hbm>>) dst(%arg5 : memref<128x64xf32, #tpu.memory_space<vmem>>)
      tpu.yield
    }) : () -> ()
    "tpu.region"() ({
      %run_scoped3A = tpu.sem_alloc : memref<!tpu.dma_semaphore, #tpu.memory_space<semaphore_mem>>
      tpu.enqueue_dma source(%arg3 : memref<16xf32, #tpu.memory_space<hbm>>) target(%arg8 : memref<16xf32, #tpu.memory_space<vmem>>) target_semaphore(%run_scoped3A : memref<!tpu.dma_semaphore, #tpu.memory_space<semaphore_mem>>)
      tpu.wait_dma2 semaphore(%run_scoped3A : memref<!tpu.dma_semaphore, #tpu.memory_space<semaphore_mem>>) src(%arg3 : memref<16xf32, #tpu.memory_space<hbm>>) dst(%arg8 : memref<16xf32, #tpu.memory_space<vmem>>)
      tpu.yield
    }) : () -> ()
    %get3A = arith.constant 0 : index
    %get3A_1 = tpu.vector_load %arg8[%get3A] {strides = array<i32>} : memref<16xf32, #tpu.memory_space<vmem>>, vector<16xf32>,
    %broadcast_in_dim3A = arith.constant 0.000000e+00 : f32
    %broadcast_in_dim3A_2 = vector.broadcast %broadcast_in_dim3A : f32 to vector<16xf32>
    %iota3A = tpu.iota {dimensions = array<i32: 0>} : vector<16xi32>
    %mul3A_3 = arith.constant 256 : i32
    %mul3A_4 = vector.broadcast %mul3A_3 : i32 to vector<16xi32>
    %mul3A_5 = arith.muli %iota3A, %mul3A_4 : vector<16xi32>
    %swap3A = arith.constant 0 : index
    %swap3A_6 = tpu.vector_load %arg6[%swap3A] {strides = array<i32>} : memref<16384xf32, #tpu.memory_space<vmem>>, vector<16xf32>,
    tpu.vector_store %arg6[%swap3A], %broadcast_in_dim3A_2 {strides = array<i32>} : memref<16384xf32, #tpu.memory_space<vmem>>, vector<16xf32>,
    %swap3A_7 = arith.constant 192 : index
    %swap3A_8 = tpu.vector_load %arg6[%swap3A_7] {strides = array<i32>} : memref<16384xf32, #tpu.memory_space<vmem>>, vector<16xf32>,
    tpu.vector_store %arg6[%swap3A_7], %broadcast_in_dim3A_2 {strides = array<i32>} : memref<16384xf32, #tpu.memory_space<vmem>>, vector<16xf32>,
    %swap3A_9 = arith.constant 16 : index
    %swap3A_10 = tpu.vector_load %arg6[%swap3A_9] {strides = array<i32>} : memref<16384xf32, #tpu.memory_space<vmem>>, vector<16xf32>,
    tpu.vector_store %arg6[%swap3A_9], %broadcast_in_dim3A_2 {strides = array<i32>} : memref<16384xf32, #tpu.memory_space<vmem>>, vector<16xf32>,
    %swap3A_11 = arith.constant 208 : index
    %swap3A_12 = tpu.vector_load %arg6[%swap3A_11] {strides = array<i32>} : memref<16384xf32, #tpu.memory_space<vmem>>, vector<16xf32>,
    tpu.vector_store %arg6[%swap3A_11], %broadcast_in_dim3A_2 {strides = array<i32>} : memref<16384xf32, #tpu.memory_space<vmem>>, vector<16xf32>,
    %swap3A_13 = arith.constant 32 : index
    %swap3A_14 = tpu.vector_load %arg6[%swap3A_13] {strides = array<i32>} : memref<16384xf32, #tpu.memory_space<vmem>>, vector<16xf32>,
    tpu.vector_store %arg6[%swap3A_13], %broadcast_in_dim3A_2 {strides = array<i32>} : memref<16384xf32, #tpu.memory_space<vmem>>, vector<16xf32>,
    %swap3A_15 = arith.constant 224 : index
    %swap3A_16 = tpu.vector_load %arg6[%swap3A_15] {strides = array<i32>} : memref<16384xf32, #tpu.memory_space<vmem>>, vector<16xf32>,
    tpu.vector_store %arg6[%swap3A_15], %broadcast_in_dim3A_2 {strides = array<i32>} : memref<16384xf32, #tpu.memory_space<vmem>>, vector<16xf32>,
    %swap3A_17 = arith.constant 48 : index
    %swap3A_18 = tpu.vector_load %arg6[%swap3A_17] {strides = array<i32>} : memref<16384xf32, #tpu.memory_space<vmem>>, vector<16xf32>,
    tpu.vector_store %arg6[%swap3A_17], %broadcast_in_dim3A_2 {strides = array<i32>} : memref<16384xf32, #tpu.memory_space<vmem>>, vector<16xf32>,
    %swap3A_19 = arith.constant 240 : index
    %swap3A_20 = tpu.vector_load %arg6[%swap3A_19] {strides = array<i32>} : memref<16384xf32, #tpu.memory_space<vmem>>, vector<16xf32>,
    tpu.vector_store %arg6[%swap3A_19], %broadcast_in_dim3A_2 {strides = array<i32>} : memref<16384xf32, #tpu.memory_space<vmem>>, vector<16xf32>,
    %swap3A_21 = arith.constant 256 : index
    %swap3A_22 = tpu.vector_load %arg6[%swap3A_21] {strides = array<i32>} : memref<16384xf32, #tpu.memory_space<vmem>>, vector<16xf32>,
    tpu.vector_store %arg6[%swap3A_21], %broadcast_in_dim3A_2 {strides = array<i32>} : memref<16384xf32, #tpu.memory_space<vmem>>, vector<16xf32>,
    %swap3A_23 = arith.constant 448 : index
    %swap3A_24 = tpu.vector_load %arg6[%swap3A_23] {strides = array<i32>} : memref<16384xf32, #tpu.memory_space<vmem>>, vector<16xf32>,
    tpu.vector_store %arg6[%swap3A_23], %broadcast_in_dim3A_2 {strides = array<i32>} : memref<16384xf32, #tpu.memory_space<vmem>>, vector<16xf32>,
    %swap3A_25 = arith.constant 272 : index
    %swap3A_26 = tpu.vector_load %arg6[%swap3A_25] {strides = array<i32>} : memref<16384xf32, #tpu.memory_space<vmem>>, vector<16xf32>,
    tpu.vector_store %arg6[%swap3A_25], %broadcast_in_dim3A_2 {strides = array<i32>} : memref<16384xf32, #tpu.memory_space<vmem>>, vector<16xf32>,
    %swap3A_27 = arith.constant 464 : index
    %swap3A_28 = tpu.vector_load %arg6[%swap3A_27] {strides = array<i32>} : memref<16384xf32, #tpu.memory_space<vmem>>, vector<16xf32>,
    tpu.vector_store %arg6[%swap3A_27], %broadcast_in_dim3A_2 {strides = array<i32>} : memref<16384xf32, #tpu.memory_space<vmem>>, vector<16xf32>,
    %swap3A_29 = arith.constant 288 : index
    %swap3A_30 = tpu.vector_load %arg6[%swap3A_29] {strides = array<i32>} : memref<16384xf32, #tpu.memory_space<vmem>>, vector<16xf32>,
    tpu.vector_store %arg6[%swap3A_29], %broadcast_in_dim3A_2 {strides = array<i32>} : memref<16384xf32, #tpu.memory_space<vmem>>, vector<16xf32>,
    %swap3A_31 = arith.constant 480 : index
    %swap3A_32 = tpu.vector_load %arg6[%swap3A_31] {strides = array<i32>} : memref<16384xf32, #tpu.memory_space<vmem>>, vector<16xf32>,
    tpu.vector_store %arg6[%swap3A_31], %broadcast_in_dim3A_2 {strides = array<i32>} : memref<16384xf32, #tpu.memory_space<vmem>>, vector<16xf32>,
    %swap3A_33 = arith.constant 304 : index
    %swap3A_34 = tpu.vector_load %arg6[%swap3A_33] {strides = array<i32>} : memref<16384xf32, #tpu.memory_space<vmem>>, vector<16xf32>,
    tpu.vector_store %arg6[%swap3A_33], %broadcast_in_dim3A_2 {strides = array<i32>} : memref<16384xf32, #tpu.memory_space<vmem>>, vector<16xf32>,
    %swap3A_35 = arith.constant 496 : index
    %swap3A_36 = tpu.vector_load %arg6[%swap3A_35] {strides = array<i32>} : memref<16384xf32, #tpu.memory_space<vmem>>, vector<16xf32>,
    tpu.vector_store %arg6[%swap3A_35], %broadcast_in_dim3A_2 {strides = array<i32>} : memref<16384xf32, #tpu.memory_space<vmem>>, vector<16xf32>,
    %swap3A_37 = arith.constant 512 : index
    %swap3A_38 = tpu.vector_load %arg6[%swap3A_37] {strides = array<i32>} : memref<16384xf32, #tpu.memory_space<vmem>>, vector<16xf32>,
    tpu.vector_store %arg6[%swap3A_37], %broadcast_in_dim3A_2 {strides = array<i32>} : memref<16384xf32, #tpu.memory_space<vmem>>, vector<16xf32>,
    %swap3A_39 = arith.constant 704 : index
    %swap3A_40 = tpu.vector_load %arg6[%swap3A_39] {strides = array<i32>} : memref<16384xf32, #tpu.memory_space<vmem>>, vector<16xf32>,
    tpu.vector_store %arg6[%swap3A_39], %broadcast_in_dim3A_2 {strides = array<i32>} : memref<16384xf32, #tpu.memory_space<vmem>>, vector<16xf32>,
    %swap3A_41 = arith.constant 528 : index
    %swap3A_42 = tpu.vector_load %arg6[%swap3A_41] {strides = array<i32>} : memref<16384xf32, #tpu.memory_space<vmem>>, vector<16xf32>,
    tpu.vector_store %arg6[%swap3A_41], %broadcast_in_dim3A_2 {strides = array<i32>} : memref<16384xf32, #tpu.memory_space<vmem>>, vector<16xf32>,
    %swap3A_43 = arith.constant 720 : index
    %swap3A_44 = tpu.vector_load %arg6[%swap3A_43] {strides = array<i32>} : memref<16384xf32, #tpu.memory_space<vmem>>, vector<16xf32>,
    tpu.vector_store %arg6[%swap3A_43], %broadcast_in_dim3A_2 {strides = array<i32>} : memref<16384xf32, #tpu.memory_space<vmem>>, vector<16xf32>,
    %swap3A_45 = arith.constant 544 : index
    %swap3A_46 = tpu.vector_load %arg6[%swap3A_45] {strides = array<i32>} : memref<16384xf32, #tpu.memory_space<vmem>>, vector<16xf32>,
    tpu.vector_store %arg6[%swap3A_45], %broadcast_in_dim3A_2 {strides = array<i32>} : memref<16384xf32, #tpu.memory_space<vmem>>, vector<16xf32>,
    %swap3A_47 = arith.constant 736 : index
    %swap3A_48 = tpu.vector_load %arg6[%swap3A_47] {strides = array<i32>} : memref<16384xf32, #tpu.memory_space<vmem>>, vector<16xf32>,
    tpu.vector_store %arg6[%swap3A_47], %broadcast_in_dim3A_2 {strides = array<i32>} : memref<16384xf32, #tpu.memory_space<vmem>>, vector<16xf32>,
    %swap3A_49 = arith.constant 560 : index
    %swap3A_50 = tpu.vector_load %arg6[%swap3A_49] {strides = array<i32>} : memref<16384xf32, #tpu.memory_space<vmem>>, vector<16xf32>,
    tpu.vector_store %arg6[%swap3A_49], %broadcast_in_dim3A_2 {strides = array<i32>} : memref<16384xf32, #tpu.memory_space<vmem>>, vector<16xf32>,
    %swap3A_51 = arith.constant 752 : index
    %swap3A_52 = tpu.vector_load %arg6[%swap3A_51] {strides = array<i32>} : memref<16384xf32, #tpu.memory_space<vmem>>, vector<16xf32>,
    tpu.vector_store %arg6[%swap3A_51], %broadcast_in_dim3A_2 {strides = array<i32>} : memref<16384xf32, #tpu.memory_space<vmem>>, vector<16xf32>,
    %swap3A_53 = arith.constant 768 : index
    %swap3A_54 = tpu.vector_load %arg6[%swap3A_53] {strides = array<i32>} : memref<16384xf32, #tpu.memory_space<vmem>>, vector<16xf32>,
    tpu.vector_store %arg6[%swap3A_53], %broadcast_in_dim3A_2 {strides = array<i32>} : memref<16384xf32, #tpu.memory_space<vmem>>, vector<16xf32>,
    %swap3A_55 = arith.constant 960 : index
    %swap3A_56 = tpu.vector_load %arg6[%swap3A_55] {strides = array<i32>} : memref<16384xf32, #tpu.memory_space<vmem>>, vector<16xf32>,
    tpu.vector_store %arg6[%swap3A_55], %broadcast_in_dim3A_2 {strides = array<i32>} : memref<16384xf32, #tpu.memory_space<vmem>>, vector<16xf32>,
    %swap3A_57 = arith.constant 784 : index
    %swap3A_58 = tpu.vector_load %arg6[%swap3A_57] {strides = array<i32>} : memref<16384xf32, #tpu.memory_space<vmem>>, vector<16xf32>,
    tpu.vector_store %arg6[%swap3A_57], %broadcast_in_dim3A_2 {strides = array<i32>} : memref<16384xf32, #tpu.memory_space<vmem>>, vector<16xf32>,
    %swap3A_59 = arith.constant 976 : index
    %swap3A_60 = tpu.vector_load %arg6[%swap3A_59] {strides = array<i32>} : memref<16384xf32, #tpu.memory_space<vmem>>, vector<16xf32>,
    tpu.vector_store %arg6[%swap3A_59], %broadcast_in_dim3A_2 {strides = array<i32>} : memref<16384xf32, #tpu.memory_space<vmem>>, vector<16xf32>,
    %swap3A_61 = arith.constant 800 : index
    %swap3A_62 = tpu.vector_load %arg6[%swap3A_61] {strides = array<i32>} : memref<16384xf32, #tpu.memory_space<vmem>>, vector<16xf32>,
    tpu.vector_store %arg6[%swap3A_61], %broadcast_in_dim3A_2 {strides = array<i32>} : memref<16384xf32, #tpu.memory_space<vmem>>, vector<16xf32>,
    %swap3A_63 = arith.constant 992 : index
    %swap3A_64 = tpu.vector_load %arg6[%swap3A_63] {strides = array<i32>} : memref<16384xf32, #tpu.memory_space<vmem>>, vector<16xf32>,
    tpu.vector_store %arg6[%swap3A_63], %broadcast_in_dim3A_2 {strides = array<i32>} : memref<16384xf32, #tpu.memory_space<vmem>>, vector<16xf32>,
    %swap3A_65 = arith.constant 816 : index
    %swap3A_66 = tpu.vector_load %arg6[%swap3A_65] {strides = array<i32>} : memref<16384xf32, #tpu.memory_space<vmem>>, vector<16xf32>,
    tpu.vector_store %arg6[%swap3A_65], %broadcast_in_dim3A_2 {strides = array<i32>} : memref<16384xf32, #tpu.memory_space<vmem>>, vector<16xf32>,
    %swap3A_67 = arith.constant 1008 : index
    %swap3A_68 = tpu.vector_load %arg6[%swap3A_67] {strides = array<i32>} : memref<16384xf32, #tpu.memory_space<vmem>>, vector<16xf32>,
    tpu.vector_store %arg6[%swap3A_67], %broadcast_in_dim3A_2 {strides = array<i32>} : memref<16384xf32, #tpu.memory_space<vmem>>, vector<16xf32>,
    %swap3A_69 = arith.constant 1024 : index
    %swap3A_70 = tpu.vector_load %arg6[%swap3A_69] {strides = array<i32>} : memref<16384xf32, #tpu.memory_space<vmem>>, vector<16xf32>,
    tpu.vector_store %arg6[%swap3A_69], %broadcast_in_dim3A_2 {strides = array<i32>} : memref<16384xf32, #tpu.memory_space<vmem>>, vector<16xf32>,
    %swap3A_71 = arith.constant 1216 : index
    %swap3A_72 = tpu.vector_load %arg6[%swap3A_71] {strides = array<i32>} : memref<16384xf32, #tpu.memory_space<vmem>>, vector<16xf32>,
    tpu.vector_store %arg6[%swap3A_71], %broadcast_in_dim3A_2 {strides = array<i32>} : memref<16384xf32, #tpu.memory_space<vmem>>, vector<16xf32>,
    %swap3A_73 = arith.constant 1040 : index
    %swap3A_74 = tpu.vector_load %arg6[%swap3A_73] {strides = array<i32>} : memref<16384xf32, #tpu.memory_space<vmem>>, vector<16xf32>,
    tpu.vector_store %arg6[%swap3A_73], %broadcast_in_dim3A_2 {strides = array<i32>} : memref<16384xf32, #tpu.memory_space<vmem>>, vector<16xf32>,
    %swap3A_75 = arith.constant 1232 : index
    %swap3A_76 = tpu.vector_load %arg6[%swap3A_75] {strides = array<i32>} : memref<16384xf32, #tpu.memory_space<vmem>>, vector<16xf32>,
    tpu.vector_store %arg6[%swap3A_75], %broadcast_in_dim3A_2 {strides = array<i32>} : memref<16384xf32, #tpu.memory_space<vmem>>, vector<16xf32>,
    %swap3A_77 = arith.constant 1056 : index
    %swap3A_78 = tpu.vector_load %arg6[%swap3A_77] {strides = array<i32>} : memref<16384xf32, #tpu.memory_space<vmem>>, vector<16xf32>,
    tpu.vector_store %arg6[%swap3A_77], %broadcast_in_dim3A_2 {strides = array<i32>} : memref<16384xf32, #tpu.memory_space<vmem>>, vector<16xf32>,
    %swap3A_79 = arith.constant 1248 : index
    %swap3A_80 = tpu.vector_load %arg6[%swap3A_79] {strides = array<i32>} : memref<16384xf32, #tpu.memory_space<vmem>>, vector<16xf32>,
    tpu.vector_store %arg6[%swap3A_79], %broadcast_in_dim3A_2 {strides = array<i32>} : memref<16384xf32, #tpu.memory_space<vmem>>, vector<16xf32>,
    %swap3A_81 = arith.constant 1072 : index
    %swap3A_82 = tpu.vector_load %arg6[%swap3A_81] {strides = array<i32>} : memref<16384xf32, #tpu.memory_space<vmem>>, vector<16xf32>,
    tpu.vector_store %arg6[%swap3A_81], %broadcast_in_dim3A_2 {strides = array<i32>} : memref<16384xf32, #tpu.memory_space<vmem>>, vector<16xf32>,
    %swap3A_83 = arith.constant 1264 : index
    %swap3A_84 = tpu.vector_load %arg6[%swap3A_83] {strides = array<i32>} : memref<16384xf32, #tpu.memory_space<vmem>>, vector<16xf32>,
    tpu.vector_store %arg6[%swap3A_83], %broadcast_in_dim3A_2 {strides = array<i32>} : memref<16384xf32, #tpu.memory_space<vmem>>, vector<16xf32>,
    %swap3A_85 = arith.constant 1280 : index
    %swap3A_86 = tpu.vector_load %arg6[%swap3A_85] {strides = array<i32>} : memref<16384xf32, #tpu.memory_space<vmem>>, vector<16xf32>,
    tpu.vector_store %arg6[%swap3A_85], %broadcast_in_dim3A_2 {strides = array<i32>} : memref<16384xf32, #tpu.memory_space<vmem>>, vector<16xf32>,
    %swap3A_87 = arith.constant 1472 : index
    %swap3A_88 = tpu.vector_load %arg6[%swap3A_87] {strides = array<i32>} : memref<16384xf32, #tpu.memory_space<vmem>>, vector<16xf32>,
    tpu.vector_store %arg6[%swap3A_87], %broadcast_in_dim3A_2 {strides = array<i32>} : memref<16384xf32, #tpu.memory_space<vmem>>, vector<16xf32>,
    %swap3A_89 = arith.constant 1296 : index
    %swap3A_90 = tpu.vector_load %arg6[%swap3A_89] {strides = array<i32>} : memref<16384xf32, #tpu.memory_space<vmem>>, vector<16xf32>,
    tpu.vector_store %arg6[%swap3A_89], %broadcast_in_dim3A_2 {strides = array<i32>} : memref<16384xf32, #tpu.memory_space<vmem>>, vector<16xf32>,
    %swap3A_91 = arith.constant 1488 : index
    %swap3A_92 = tpu.vector_load %arg6[%swap3A_91] {strides = array<i32>} : memref<16384xf32, #tpu.memory_space<vmem>>, vector<16xf32>,
    tpu.vector_store %arg6[%swap3A_91], %broadcast_in_dim3A_2 {strides = array<i32>} : memref<16384xf32, #tpu.memory_space<vmem>>, vector<16xf32>,
    %swap3A_93 = arith.constant 1312 : index
    %swap3A_94 = tpu.vector_load %arg6[%swap3A_93] {strides = array<i32>} : memref<16384xf32, #tpu.memory_space<vmem>>, vector<16xf32>,
    tpu.vector_store %arg6[%swap3A_93], %broadcast_in_dim3A_2 {strides = array<i32>} : memref<16384xf32, #tpu.memory_space<vmem>>, vector<16xf32>,
    %swap3A_95 = arith.constant 1504 : index
    %swap3A_96 = tpu.vector_load %arg6[%swap3A_95] {strides = array<i32>} : memref<16384xf32, #tpu.memory_space<vmem>>, vector<16xf32>,
    tpu.vector_store %arg6[%swap3A_95], %broadcast_in_dim3A_2 {strides = array<i32>} : memref<16384xf32, #tpu.memory_space<vmem>>, vector<16xf32>,
    %swap3A_97 = arith.constant 1328 : index
    %swap3A_98 = tpu.vector_load %arg6[%swap3A_97] {strides = array<i32>} : memref<16384xf32, #tpu.memory_space<vmem>>, vector<16xf32>,
    tpu.vector_store %arg6[%swap3A_97], %broadcast_in_dim3A_2 {strides = array<i32>} : memref<16384xf32, #tpu.memory_space<vmem>>, vector<16xf32>,
    %swap3A_99 = arith.constant 1520 : index
    %swap3A_100 = tpu.vector_load %arg6[%swap3A_99] {strides = array<i32>} : memref<16384xf32, #tpu.memory_space<vmem>>, vector<16xf32>,
    tpu.vector_store %arg6[%swap3A_99], %broadcast_in_dim3A_2 {strides = array<i32>} : memref<16384xf32, #tpu.memory_space<vmem>>, vector<16xf32>,
    %swap3A_101 = arith.constant 1536 : index
    %swap3A_102 = tpu.vector_load %arg6[%swap3A_101] {strides = array<i32>} : memref<16384xf32, #tpu.memory_space<vmem>>, vector<16xf32>,
    tpu.vector_store %arg6[%swap3A_101], %broadcast_in_dim3A_2 {strides = array<i32>} : memref<16384xf32, #tpu.memory_space<vmem>>, vector<16xf32>,
    %swap3A_103 = arith.constant 1728 : index
    %swap3A_104 = tpu.vector_load %arg6[%swap3A_103] {strides = array<i32>} : memref<16384xf32, #tpu.memory_space<vmem>>, vector<16xf32>,
    tpu.vector_store %arg6[%swap3A_103], %broadcast_in_dim3A_2 {strides = array<i32>} : memref<16384xf32, #tpu.memory_space<vmem>>, vector<16xf32>,
    %swap3A_105 = arith.constant 1552 : index
    %swap3A_106 = tpu.vector_load %arg6[%swap3A_105] {strides = array<i32>} : memref<16384xf32, #tpu.memory_space<vmem>>, vector<16xf32>,
    tpu.vector_store %arg6[%swap3A_105], %broadcast_in_dim3A_2 {strides = array<i32>} : memref<16384xf32, #tpu.memory_space<vmem>>, vector<16xf32>,
    %swap3A_107 = arith.constant 1744 : index
    %swap3A_108 = tpu.vector_load %arg6[%swap3A_107] {strides = array<i32>} : memref<16384xf32, #tpu.memory_space<vmem>>, vector<16xf32>,
    tpu.vector_store %arg6[%swap3A_107], %broadcast_in_dim3A_2 {strides = array<i32>} : memref<16384xf32, #tpu.memory_space<vmem>>, vector<16xf32>,
    %swap3A_109 = arith.constant 1568 : index
    %swap3A_110 = tpu.vector_load %arg6[%swap3A_109] {strides = array<i32>} : memref<16384xf32, #tpu.memory_space<vmem>>, vector<16xf32>,
    tpu.vector_store %arg6[%swap3A_109], %broadcast_in_dim3A_2 {strides = array<i32>} : memref<16384xf32, #tpu.memory_space<vmem>>, vector<16xf32>,
    %swap3A_111 = arith.constant 1760 : index
    %swap3A_112 = tpu.vector_load %arg6[%swap3A_111] {strides = array<i32>} : memref<16384xf32, #tpu.memory_space<vmem>>, vector<16xf32>,
    tpu.vector_store %arg6[%swap3A_111], %broadcast_in_dim3A_2 {strides = array<i32>} : memref<16384xf32, #tpu.memory_space<vmem>>, vector<16xf32>,
    %swap3A_113 = arith.constant 1584 : index
    %swap3A_114 = tpu.vector_load %arg6[%swap3A_113] {strides = array<i32>} : memref<16384xf32, #tpu.memory_space<vmem>>, vector<16xf32>,
    tpu.vector_store %arg6[%swap3A_113], %broadcast_in_dim3A_2 {strides = array<i32>} : memref<16384xf32, #tpu.memory_space<vmem>>, vector<16xf32>,
    %swap3A_115 = arith.constant 1776 : index
    %swap3A_116 = tpu.vector_load %arg6[%swap3A_115] {strides = array<i32>} : memref<16384xf32, #tpu.memory_space<vmem>>, vector<16xf32>,
    tpu.vector_store %arg6[%swap3A_115], %broadcast_in_dim3A_2 {strides = array<i32>} : memref<16384xf32, #tpu.memory_space<vmem>>, vector<16xf32>,
    %swap3A_117 = arith.constant 1792 : index
    %swap3A_118 = tpu.vector_load %arg6[%swap3A_117] {strides = array<i32>} : memref<16384xf32, #tpu.memory_space<vmem>>, vector<16xf32>,
    tpu.vector_store %arg6[%swap3A_117], %broadcast_in_dim3A_2 {strides = array<i32>} : memref<16384xf32, #tpu.memory_space<vmem>>, vector<16xf32>,
    %swap3A_119 = arith.constant 1984 : index
    %swap3A_120 = tpu.vector_load %arg6[%swap3A_119] {strides = array<i32>} : memref<16384xf32, #tpu.memory_space<vmem>>, vector<16xf32>,
    tpu.vector_store %arg6[%swap3A_119], %broadcast_in_dim3A_2 {strides = array<i32>} : memref<16384xf32, #tpu.memory_space<vmem>>, vector<16xf32>,
    %swap3A_121 = arith.constant 1808 : index
    %swap3A_122 = tpu.vector_load %arg6[%swap3A_121] {strides = array<i32>} : memref<16384xf32, #tpu.memory_space<vmem>>, vector<16xf32>,
    tpu.vector_store %arg6[%swap3A_121], %broadcast_in_dim3A_2 {strides = array<i32>} : memref<16384xf32, #tpu.memory_space<vmem>>, vector<16xf32>,
    %swap3A_123 = arith.constant 2000 : index
    %swap3A_124 = tpu.vector_load %arg6[%swap3A_123] {strides = array<i32>} : memref<16384xf32, #tpu.memory_space<vmem>>, vector<16xf32>,
    tpu.vector_store %arg6[%swap3A_123], %broadcast_in_dim3A_2 {strides = array<i32>} : memref<16384xf32, #tpu.memory_space<vmem>>, vector<16xf32>,
    %swap3A_125 = arith.constant 1824 : index
    %swap3A_126 = tpu.vector_load %arg6[%swap3A_125] {strides = array<i32>} : memref<16384xf32, #tpu.memory_space<vmem>>, vector<16xf32>,
    tpu.vector_store %arg6[%swap3A_125], %broadcast_in_dim3A_2 {strides = array<i32>} : memref<16384xf32, #tpu.memory_space<vmem>>, vector<16xf32>,
    %swap3A_127 = arith.constant 2016 : index
    %swap3A_128 = tpu.vector_load %arg6[%swap3A_127] {strides = array<i32>} : memref<16384xf32, #tpu.memory_space<vmem>>, vector<16xf32>,
    tpu.vector_store %arg6[%swap3A_127], %broadcast_in_dim3A_2 {strides = array<i32>} : memref<16384xf32, #tpu.memory_space<vmem>>, vector<16xf32>,
    %swap3A_129 = arith.constant 1840 : index
    %swap3A_130 = tpu.vector_load %arg6[%swap3A_129] {strides = array<i32>} : memref<16384xf32, #tpu.memory_space<vmem>>, vector<16xf32>,
    tpu.vector_store %arg6[%swap3A_129], %broadcast_in_dim3A_2 {strides = array<i32>} : memref<16384xf32, #tpu.memory_space<vmem>>, vector<16xf32>,
    %swap3A_131 = arith.constant 2032 : index
    %swap3A_132 = tpu.vector_load %arg6[%swap3A_131] {strides = array<i32>} : memref<16384xf32, #tpu.memory_space<vmem>>, vector<16xf32>,
    tpu.vector_store %arg6[%swap3A_131], %broadcast_in_dim3A_2 {strides = array<i32>} : memref<16384xf32, #tpu.memory_space<vmem>>, vector<16xf32>,
    %swap3A_133 = arith.constant 2048 : index
    %swap3A_134 = tpu.vector_load %arg6[%swap3A_133] {strides = array<i32>} : memref<16384xf32, #tpu.memory_space<vmem>>, vector<16xf32>,
    tpu.vector_store %arg6[%swap3A_133], %broadcast_in_dim3A_2 {strides = array<i32>} : memref<16384xf32, #tpu.memory_space<vmem>>, vector<16xf32>,
    %swap3A_135 = arith.constant 2240 : index
    %swap3A_136 = tpu.vector_load %arg6[%swap3A_135] {strides = array<i32>} : memref<16384xf32, #tpu.memory_space<vmem>>, vector<16xf32>,
    tpu.vector_store %arg6[%swap3A_135], %broadcast_in_dim3A_2 {strides = array<i32>} : memref<16384xf32, #tpu.memory_space<vmem>>, vector<16xf32>,
    %swap3A_137 = arith.constant 2064 : index
    %swap3A_138 = tpu.vector_load %arg6[%swap3A_137] {strides = array<i32>} : memref<16384xf32, #tpu.memory_space<vmem>>, vector<16xf32>,
    tpu.vector_store %arg6[%swap3A_137], %broadcast_in_dim3A_2 {strides = array<i32>} : memref<16384xf32, #tpu.memory_space<vmem>>, vector<16xf32>,
    %swap3A_139 = arith.constant 2256 : index
    %swap3A_140 = tpu.vector_load %arg6[%swap3A_139] {strides = array<i32>} : memref<16384xf32, #tpu.memory_space<vmem>>, vector<16xf32>,
    tpu.vector_store %arg6[%swap3A_139], %broadcast_in_dim3A_2 {strides = array<i32>} : memref<16384xf32, #tpu.memory_space<vmem>>, vector<16xf32>,
    %swap3A_141 = arith.constant 2080 : index
    %swap3A_142 = tpu.vector_load %arg6[%swap3A_141] {strides = array<i32>} : memref<16384xf32, #tpu.memory_space<vmem>>, vector<16xf32>,
    tpu.vector_store %arg6[%swap3A_141], %broadcast_in_dim3A_2 {strides = array<i32>} : memref<16384xf32, #tpu.memory_space<vmem>>, vector<16xf32>,
    %swap3A_143 = arith.constant 2272 : index
    %swap3A_144 = tpu.vector_load %arg6[%swap3A_143] {strides = array<i32>} : memref<16384xf32, #tpu.memory_space<vmem>>, vector<16xf32>,
    tpu.vector_store %arg6[%swap3A_143], %broadcast_in_dim3A_2 {strides = array<i32>} : memref<16384xf32, #tpu.memory_space<vmem>>, vector<16xf32>,
    %swap3A_145 = arith.constant 2096 : index
    %swap3A_146 = tpu.vector_load %arg6[%swap3A_145] {strides = array<i32>} : memref<16384xf32, #tpu.memory_space<vmem>>, vector<16xf32>,
    tpu.vector_store %arg6[%swap3A_145], %broadcast_in_dim3A_2 {strides = array<i32>} : memref<16384xf32, #tpu.memory_space<vmem>>, vector<16xf32>,
    %swap3A_147 = arith.constant 2288 : index
    %swap3A_148 = tpu.vector_load %arg6[%swap3A_147] {strides = array<i32>} : memref<16384xf32, #tpu.memory_space<vmem>>, vector<16xf32>,
    tpu.vector_store %arg6[%swap3A_147], %broadcast_in_dim3A_2 {strides = array<i32>} : memref<16384xf32, #tpu.memory_space<vmem>>, vector<16xf32>,
    %swap3A_149 = arith.constant 2304 : index
    %swap3A_150 = tpu.vector_load %arg6[%swap3A_149] {strides = array<i32>} : memref<16384xf32, #tpu.memory_space<vmem>>, vector<16xf32>,
    tpu.vector_store %arg6[%swap3A_149], %broadcast_in_dim3A_2 {strides = array<i32>} : memref<16384xf32, #tpu.memory_space<vmem>>, vector<16xf32>,
    %swap3A_151 = arith.constant 2496 : index
    %swap3A_152 = tpu.vector_load %arg6[%swap3A_151] {strides = array<i32>} : memref<16384xf32, #tpu.memory_space<vmem>>, vector<16xf32>,
    tpu.vector_store %arg6[%swap3A_151], %broadcast_in_dim3A_2 {strides = array<i32>} : memref<16384xf32, #tpu.memory_space<vmem>>, vector<16xf32>,
    %swap3A_153 = arith.constant 2320 : index
    %swap3A_154 = tpu.vector_load %arg6[%swap3A_153] {strides = array<i32>} : memref<16384xf32, #tpu.memory_space<vmem>>, vector<16xf32>,
    tpu.vector_store %arg6[%swap3A_153], %broadcast_in_dim3A_2 {strides = array<i32>} : memref<16384xf32, #tpu.memory_space<vmem>>, vector<16xf32>,
    %swap3A_155 = arith.constant 2512 : index
    %swap3A_156 = tpu.vector_load %arg6[%swap3A_155] {strides = array<i32>} : memref<16384xf32, #tpu.memory_space<vmem>>, vector<16xf32>,
    tpu.vector_store %arg6[%swap3A_155], %broadcast_in_dim3A_2 {strides = array<i32>} : memref<16384xf32, #tpu.memory_space<vmem>>, vector<16xf32>,
    %swap3A_157 = arith.constant 2336 : index
    %swap3A_158 = tpu.vector_load %arg6[%swap3A_157] {strides = array<i32>} : memref<16384xf32, #tpu.memory_space<vmem>>, vector<16xf32>,
    tpu.vector_store %arg6[%swap3A_157], %broadcast_in_dim3A_2 {strides = array<i32>} : memref<16384xf32, #tpu.memory_space<vmem>>, vector<16xf32>,
    %swap3A_159 = arith.constant 2528 : index
    %swap3A_160 = tpu.vector_load %arg6[%swap3A_159] {strides = array<i32>} : memref<16384xf32, #tpu.memory_space<vmem>>, vector<16xf32>,
    tpu.vector_store %arg6[%swap3A_159], %broadcast_in_dim3A_2 {strides = array<i32>} : memref<16384xf32, #tpu.memory_space<vmem>>, vector<16xf32>,
    %swap3A_161 = arith.constant 2352 : index
    %swap3A_162 = tpu.vector_load %arg6[%swap3A_161] {strides = array<i32>} : memref<16384xf32, #tpu.memory_space<vmem>>, vector<16xf32>,
    tpu.vector_store %arg6[%swap3A_161], %broadcast_in_dim3A_2 {strides = array<i32>} : memref<16384xf32, #tpu.memory_space<vmem>>, vector<16xf32>,
    %swap3A_163 = arith.constant 2544 : index
    %swap3A_164 = tpu.vector_load %arg6[%swap3A_163] {strides = array<i32>} : memref<16384xf32, #tpu.memory_space<vmem>>, vector<16xf32>,
    tpu.vector_store %arg6[%swap3A_163], %broadcast_in_dim3A_2 {strides = array<i32>} : memref<16384xf32, #tpu.memory_space<vmem>>, vector<16xf32>,
    %swap3A_165 = arith.constant 2560 : index
    %swap3A_166 = tpu.vector_load %arg6[%swap3A_165] {strides = array<i32>} : memref<16384xf32, #tpu.memory_space<vmem>>, vector<16xf32>,
    tpu.vector_store %arg6[%swap3A_165], %broadcast_in_dim3A_2 {strides = array<i32>} : memref<16384xf32, #tpu.memory_space<vmem>>, vector<16xf32>,
    %swap3A_167 = arith.constant 2752 : index
    %swap3A_168 = tpu.vector_load %arg6[%swap3A_167] {strides = array<i32>} : memref<16384xf32, #tpu.memory_space<vmem>>, vector<16xf32>,
    tpu.vector_store %arg6[%swap3A_167], %broadcast_in_dim3A_2 {strides = array<i32>} : memref<16384xf32, #tpu.memory_space<vmem>>, vector<16xf32>,
    %swap3A_169 = arith.constant 2576 : index
    %swap3A_170 = tpu.vector_load %arg6[%swap3A_169] {strides = array<i32>} : memref<16384xf32, #tpu.memory_space<vmem>>, vector<16xf32>,
    tpu.vector_store %arg6[%swap3A_169], %broadcast_in_dim3A_2 {strides = array<i32>} : memref<16384xf32, #tpu.memory_space<vmem>>, vector<16xf32>,
    %swap3A_171 = arith.constant 2768 : index
    %swap3A_172 = tpu.vector_load %arg6[%swap3A_171] {strides = array<i32>} : memref<16384xf32, #tpu.memory_space<vmem>>, vector<16xf32>,
    tpu.vector_store %arg6[%swap3A_171], %broadcast_in_dim3A_2 {strides = array<i32>} : memref<16384xf32, #tpu.memory_space<vmem>>, vector<16xf32>,
    %swap3A_173 = arith.constant 2592 : index
    %swap3A_174 = tpu.vector_load %arg6[%swap3A_173] {strides = array<i32>} : memref<16384xf32, #tpu.memory_space<vmem>>, vector<16xf32>,
    tpu.vector_store %arg6[%swap3A_173], %broadcast_in_dim3A_2 {strides = array<i32>} : memref<16384xf32, #tpu.memory_space<vmem>>, vector<16xf32>,
    %swap3A_175 = arith.constant 2784 : index
    %swap3A_176 = tpu.vector_load %arg6[%swap3A_175] {strides = array<i32>} : memref<16384xf32, #tpu.memory_space<vmem>>, vector<16xf32>,
    tpu.vector_store %arg6[%swap3A_175], %broadcast_in_dim3A_2 {strides = array<i32>} : memref<16384xf32, #tpu.memory_space<vmem>>, vector<16xf32>,
    %swap3A_177 = arith.constant 2608 : index
    %swap3A_178 = tpu.vector_load %arg6[%swap3A_177] {strides = array<i32>} : memref<16384xf32, #tpu.memory_space<vmem>>, vector<16xf32>,
    tpu.vector_store %arg6[%swap3A_177], %broadcast_in_dim3A_2 {strides = array<i32>} : memref<16384xf32, #tpu.memory_space<vmem>>, vector<16xf32>,
    %swap3A_179 = arith.constant 2800 : index
    %swap3A_180 = tpu.vector_load %arg6[%swap3A_179] {strides = array<i32>} : memref<16384xf32, #tpu.memory_space<vmem>>, vector<16xf32>,
    tpu.vector_store %arg6[%swap3A_179], %broadcast_in_dim3A_2 {strides = array<i32>} : memref<16384xf32, #tpu.memory_space<vmem>>, vector<16xf32>,
    %swap3A_181 = arith.constant 2816 : index
    %swap3A_182 = tpu.vector_load %arg6[%swap3A_181] {strides = array<i32>} : memref<16384xf32, #tpu.memory_space<vmem>>, vector<16xf32>,
    tpu.vector_store %arg6[%swap3A_181], %broadcast_in_dim3A_2 {strides = array<i32>} : memref<16384xf32, #tpu.memory_space<vmem>>, vector<16xf32>,
    %swap3A_183 = arith.constant 3008 : index
    %swap3A_184 = tpu.vector_load %arg6[%swap3A_183] {strides = array<i32>} : memref<16384xf32, #tpu.memory_space<vmem>>, vector<16xf32>,
    tpu.vector_store %arg6[%swap3A_183], %broadcast_in_dim3A_2 {strides = array<i32>} : memref<16384xf32, #tpu.memory_space<vmem>>, vector<16xf32>,
    %swap3A_185 = arith.constant 2832 : index
    %swap3A_186 = tpu.vector_load %arg6[%swap3A_185] {strides = array<i32>} : memref<16384xf32, #tpu.memory_space<vmem>>, vector<16xf32>,
    tpu.vector_store %arg6[%swap3A_185], %broadcast_in_dim3A_2 {strides = array<i32>} : memref<16384xf32, #tpu.memory_space<vmem>>, vector<16xf32>,
    %swap3A_187 = arith.constant 3024 : index
    %swap3A_188 = tpu.vector_load %arg6[%swap3A_187] {strides = array<i32>} : memref<16384xf32, #tpu.memory_space<vmem>>, vector<16xf32>,
    tpu.vector_store %arg6[%swap3A_187], %broadcast_in_dim3A_2 {strides = array<i32>} : memref<16384xf32, #tpu.memory_space<vmem>>, vector<16xf32>,
    %swap3A_189 = arith.constant 2848 : index
    %swap3A_190 = tpu.vector_load %arg6[%swap3A_189] {strides = array<i32>} : memref<16384xf32, #tpu.memory_space<vmem>>, vector<16xf32>,
    tpu.vector_store %arg6[%swap3A_189], %broadcast_in_dim3A_2 {strides = array<i32>} : memref<16384xf32, #tpu.memory_space<vmem>>, vector<16xf32>,
    %swap3A_191 = arith.constant 3040 : index
    %swap3A_192 = tpu.vector_load %arg6[%swap3A_191] {strides = array<i32>} : memref<16384xf32, #tpu.memory_space<vmem>>, vector<16xf32>,
    tpu.vector_store %arg6[%swap3A_191], %broadcast_in_dim3A_2 {strides = array<i32>} : memref<16384xf32, #tpu.memory_space<vmem>>, vector<16xf32>,
    %swap3A_193 = arith.constant 2864 : index
    %swap3A_194 = tpu.vector_load %arg6[%swap3A_193] {strides = array<i32>} : memref<16384xf32, #tpu.memory_space<vmem>>, vector<16xf32>,
    tpu.vector_store %arg6[%swap3A_193], %broadcast_in_dim3A_2 {strides = array<i32>} : memref<16384xf32, #tpu.memory_space<vmem>>, vector<16xf32>,
    %swap3A_195 = arith.constant 3056 : index
    %swap3A_196 = tpu.vector_load %arg6[%swap3A_195] {strides = array<i32>} : memref<16384xf32, #tpu.memory_space<vmem>>, vector<16xf32>,
    tpu.vector_store %arg6[%swap3A_195], %broadcast_in_dim3A_2 {strides = array<i32>} : memref<16384xf32, #tpu.memory_space<vmem>>, vector<16xf32>,
    %swap3A_197 = arith.constant 3072 : index
    %swap3A_198 = tpu.vector_load %arg6[%swap3A_197] {strides = array<i32>} : memref<16384xf32, #tpu.memory_space<vmem>>, vector<16xf32>,
    tpu.vector_store %arg6[%swap3A_197], %broadcast_in_dim3A_2 {strides = array<i32>} : memref<16384xf32, #tpu.memory_space<vmem>>, vector<16xf32>,
    %swap3A_199 = arith.constant 3264 : index
    %swap3A_200 = tpu.vector_load %arg6[%swap3A_199] {strides = array<i32>} : memref<16384xf32, #tpu.memory_space<vmem>>, vector<16xf32>,
    tpu.vector_store %arg6[%swap3A_199], %broadcast_in_dim3A_2 {strides = array<i32>} : memref<16384xf32, #tpu.memory_space<vmem>>, vector<16xf32>,
    %swap3A_201 = arith.constant 3088 : index
    %swap3A_202 = tpu.vector_load %arg6[%swap3A_201] {strides = array<i32>} : memref<16384xf32, #tpu.memory_space<vmem>>, vector<16xf32>,
    tpu.vector_store %arg6[%swap3A_201], %broadcast_in_dim3A_2 {strides = array<i32>} : memref<16384xf32, #tpu.memory_space<vmem>>, vector<16xf32>,
    %swap3A_203 = arith.constant 3280 : index
    %swap3A_204 = tpu.vector_load %arg6[%swap3A_203] {strides = array<i32>} : memref<16384xf32, #tpu.memory_space<vmem>>, vector<16xf32>,
    tpu.vector_store %arg6[%swap3A_203], %broadcast_in_dim3A_2 {strides = array<i32>} : memref<16384xf32, #tpu.memory_space<vmem>>, vector<16xf32>,
    %swap3A_205 = arith.constant 3104 : index
    %swap3A_206 = tpu.vector_load %arg6[%swap3A_205] {strides = array<i32>} : memref<16384xf32, #tpu.memory_space<vmem>>, vector<16xf32>,
    tpu.vector_store %arg6[%swap3A_205], %broadcast_in_dim3A_2 {strides = array<i32>} : memref<16384xf32, #tpu.memory_space<vmem>>, vector<16xf32>,
    %swap3A_207 = arith.constant 3296 : index
    %swap3A_208 = tpu.vector_load %arg6[%swap3A_207] {strides = array<i32>} : memref<16384xf32, #tpu.memory_space<vmem>>, vector<16xf32>,
    tpu.vector_store %arg6[%swap3A_207], %broadcast_in_dim3A_2 {strides = array<i32>} : memref<16384xf32, #tpu.memory_space<vmem>>, vector<16xf32>,
    %swap3A_209 = arith.constant 3120 : index
    %swap3A_210 = tpu.vector_load %arg6[%swap3A_209] {strides = array<i32>} : memref<16384xf32, #tpu.memory_space<vmem>>, vector<16xf32>,
    tpu.vector_store %arg6[%swap3A_209], %broadcast_in_dim3A_2 {strides = array<i32>} : memref<16384xf32, #tpu.memory_space<vmem>>, vector<16xf32>,
    %swap3A_211 = arith.constant 3312 : index
    %swap3A_212 = tpu.vector_load %arg6[%swap3A_211] {strides = array<i32>} : memref<16384xf32, #tpu.memory_space<vmem>>, vector<16xf32>,
    tpu.vector_store %arg6[%swap3A_211], %broadcast_in_dim3A_2 {strides = array<i32>} : memref<16384xf32, #tpu.memory_space<vmem>>, vector<16xf32>,
    %swap3A_213 = arith.constant 3328 : index
    %swap3A_214 = tpu.vector_load %arg6[%swap3A_213] {strides = array<i32>} : memref<16384xf32, #tpu.memory_space<vmem>>, vector<16xf32>,
    tpu.vector_store %arg6[%swap3A_213], %broadcast_in_dim3A_2 {strides = array<i32>} : memref<16384xf32, #tpu.memory_space<vmem>>, vector<16xf32>,
    %swap3A_215 = arith.constant 3520 : index
    %swap3A_216 = tpu.vector_load %arg6[%swap3A_215] {strides = array<i32>} : memref<16384xf32, #tpu.memory_space<vmem>>, vector<16xf32>,
    tpu.vector_store %arg6[%swap3A_215], %broadcast_in_dim3A_2 {strides = array<i32>} : memref<16384xf32, #tpu.memory_space<vmem>>, vector<16xf32>,
    %swap3A_217 = arith.constant 3344 : index
    %swap3A_218 = tpu.vector_load %arg6[%swap3A_217] {strides = array<i32>} : memref<16384xf32, #tpu.memory_space<vmem>>, vector<16xf32>,
    tpu.vector_store %arg6[%swap3A_217], %broadcast_in_dim3A_2 {strides = array<i32>} : memref<16384xf32, #tpu.memory_space<vmem>>, vector<16xf32>,
    %swap3A_219 = arith.constant 3536 : index
    %swap3A_220 = tpu.vector_load %arg6[%swap3A_219] {strides = array<i32>} : memref<16384xf32, #tpu.memory_space<vmem>>, vector<16xf32>,
    tpu.vector_store %arg6[%swap3A_219], %broadcast_in_dim3A_2 {strides = array<i32>} : memref<16384xf32, #tpu.memory_space<vmem>>, vector<16xf32>,
    %swap3A_221 = arith.constant 3360 : index
    %swap3A_222 = tpu.vector_load %arg6[%swap3A_221] {strides = array<i32>} : memref<16384xf32, #tpu.memory_space<vmem>>, vector<16xf32>,
    tpu.vector_store %arg6[%swap3A_221], %broadcast_in_dim3A_2 {strides = array<i32>} : memref<16384xf32, #tpu.memory_space<vmem>>, vector<16xf32>,
    %swap3A_223 = arith.constant 3552 : index
    %swap3A_224 = tpu.vector_load %arg6[%swap3A_223] {strides = array<i32>} : memref<16384xf32, #tpu.memory_space<vmem>>, vector<16xf32>,
    tpu.vector_store %arg6[%swap3A_223], %broadcast_in_dim3A_2 {strides = array<i32>} : memref<16384xf32, #tpu.memory_space<vmem>>, vector<16xf32>,
    %swap3A_225 = arith.constant 3376 : index
    %swap3A_226 = tpu.vector_load %arg6[%swap3A_225] {strides = array<i32>} : memref<16384xf32, #tpu.memory_space<vmem>>, vector<16xf32>,
    tpu.vector_store %arg6[%swap3A_225], %broadcast_in_dim3A_2 {strides = array<i32>} : memref<16384xf32, #tpu.memory_space<vmem>>, vector<16xf32>,
    %swap3A_227 = arith.constant 3568 : index
    %swap3A_228 = tpu.vector_load %arg6[%swap3A_227] {strides = array<i32>} : memref<16384xf32, #tpu.memory_space<vmem>>, vector<16xf32>,
    tpu.vector_store %arg6[%swap3A_227], %broadcast_in_dim3A_2 {strides = array<i32>} : memref<16384xf32, #tpu.memory_space<vmem>>, vector<16xf32>,
    %swap3A_229 = arith.constant 3584 : index
    %swap3A_230 = tpu.vector_load %arg6[%swap3A_229] {strides = array<i32>} : memref<16384xf32, #tpu.memory_space<vmem>>, vector<16xf32>,
    tpu.vector_store %arg6[%swap3A_229], %broadcast_in_dim3A_2 {strides = array<i32>} : memref<16384xf32, #tpu.memory_space<vmem>>, vector<16xf32>,
    %swap3A_231 = arith.constant 3776 : index
    %swap3A_232 = tpu.vector_load %arg6[%swap3A_231] {strides = array<i32>} : memref<16384xf32, #tpu.memory_space<vmem>>, vector<16xf32>,
    tpu.vector_store %arg6[%swap3A_231], %broadcast_in_dim3A_2 {strides = array<i32>} : memref<16384xf32, #tpu.memory_space<vmem>>, vector<16xf32>,
    %swap3A_233 = arith.constant 3600 : index
    %swap3A_234 = tpu.vector_load %arg6[%swap3A_233] {strides = array<i32>} : memref<16384xf32, #tpu.memory_space<vmem>>, vector<16xf32>,
    tpu.vector_store %arg6[%swap3A_233], %broadcast_in_dim3A_2 {strides = array<i32>} : memref<16384xf32, #tpu.memory_space<vmem>>, vector<16xf32>,
    %swap3A_235 = arith.constant 3792 : index
    %swap3A_236 = tpu.vector_load %arg6[%swap3A_235] {strides = array<i32>} : memref<16384xf32, #tpu.memory_space<vmem>>, vector<16xf32>,
    tpu.vector_store %arg6[%swap3A_235], %broadcast_in_dim3A_2 {strides = array<i32>} : memref<16384xf32, #tpu.memory_space<vmem>>, vector<16xf32>,
    %swap3A_237 = arith.constant 3616 : index
    %swap3A_238 = tpu.vector_load %arg6[%swap3A_237] {strides = array<i32>} : memref<16384xf32, #tpu.memory_space<vmem>>, vector<16xf32>,
    tpu.vector_store %arg6[%swap3A_237], %broadcast_in_dim3A_2 {strides = array<i32>} : memref<16384xf32, #tpu.memory_space<vmem>>, vector<16xf32>,
    %swap3A_239 = arith.constant 3808 : index
    %swap3A_240 = tpu.vector_load %arg6[%swap3A_239] {strides = array<i32>} : memref<16384xf32, #tpu.memory_space<vmem>>, vector<16xf32>,
    tpu.vector_store %arg6[%swap3A_239], %broadcast_in_dim3A_2 {strides = array<i32>} : memref<16384xf32, #tpu.memory_space<vmem>>, vector<16xf32>,
    %swap3A_241 = arith.constant 3632 : index
    %swap3A_242 = tpu.vector_load %arg6[%swap3A_241] {strides = array<i32>} : memref<16384xf32, #tpu.memory_space<vmem>>, vector<16xf32>,
    tpu.vector_store %arg6[%swap3A_241], %broadcast_in_dim3A_2 {strides = array<i32>} : memref<16384xf32, #tpu.memory_space<vmem>>, vector<16xf32>,
    %swap3A_243 = arith.constant 3824 : index
    %swap3A_244 = tpu.vector_load %arg6[%swap3A_243] {strides = array<i32>} : memref<16384xf32, #tpu.memory_space<vmem>>, vector<16xf32>,
    tpu.vector_store %arg6[%swap3A_243], %broadcast_in_dim3A_2 {strides = array<i32>} : memref<16384xf32, #tpu.memory_space<vmem>>, vector<16xf32>,
    %swap3A_245 = arith.constant 3840 : index
    %swap3A_246 = tpu.vector_load %arg6[%swap3A_245] {strides = array<i32>} : memref<16384xf32, #tpu.memory_space<vmem>>, vector<16xf32>,
    tpu.vector_store %arg6[%swap3A_245], %broadcast_in_dim3A_2 {strides = array<i32>} : memref<16384xf32, #tpu.memory_space<vmem>>, vector<16xf32>,
    %swap3A_247 = arith.constant 4032 : index
    %swap3A_248 = tpu.vector_load %arg6[%swap3A_247] {strides = array<i32>} : memref<16384xf32, #tpu.memory_space<vmem>>, vector<16xf32>,
    tpu.vector_store %arg6[%swap3A_247], %broadcast_in_dim3A_2 {strides = array<i32>} : memref<16384xf32, #tpu.memory_space<vmem>>, vector<16xf32>,
    %swap3A_249 = arith.constant 3856 : index
    %swap3A_250 = tpu.vector_load %arg6[%swap3A_249] {strides = array<i32>} : memref<16384xf32, #tpu.memory_space<vmem>>, vector<16xf32>,
    tpu.vector_store %arg6[%swap3A_249], %broadcast_in_dim3A_2 {strides = array<i32>} : memref<16384xf32, #tpu.memory_space<vmem>>, vector<16xf32>,
    %swap3A_251 = arith.constant 4048 : index
    %swap3A_252 = tpu.vector_load %arg6[%swap3A_251] {strides = array<i32>} : memref<16384xf32, #tpu.memory_space<vmem>>, vector<16xf32>,
    tpu.vector_store %arg6[%swap3A_251], %broadcast_in_dim3A_2 {strides = array<i32>} : memref<16384xf32, #tpu.memory_space<vmem>>, vector<16xf32>,
    %swap3A_253 = arith.constant 3872 : index
    %swap3A_254 = tpu.vector_load %arg6[%swap3A_253] {strides = array<i32>} : memref<16384xf32, #tpu.memory_space<vmem>>, vector<16xf32>,
    tpu.vector_store %arg6[%swap3A_253], %broadcast_in_dim3A_2 {strides = array<i32>} : memref<16384xf32, #tpu.memory_space<vmem>>, vector<16xf32>,
    %swap3A_255 = arith.constant 4064 : index
    %swap3A_256 = tpu.vector_load %arg6[%swap3A_255] {strides = array<i32>} : memref<16384xf32, #tpu.memory_space<vmem>>, vector<16xf32>,
    tpu.vector_store %arg6[%swap3A_255], %broadcast_in_dim3A_2 {strides = array<i32>} : memref<16384xf32, #tpu.memory_space<vmem>>, vector<16xf32>,
    %swap3A_257 = arith.constant 3888 : index
    %swap3A_258 = tpu.vector_load %arg6[%swap3A_257] {strides = array<i32>} : memref<16384xf32, #tpu.memory_space<vmem>>, vector<16xf32>,
    tpu.vector_store %arg6[%swap3A_257], %broadcast_in_dim3A_2 {strides = array<i32>} : memref<16384xf32, #tpu.memory_space<vmem>>, vector<16xf32>,
    %swap3A_259 = arith.constant 4080 : index
    %swap3A_260 = tpu.vector_load %arg6[%swap3A_259] {strides = array<i32>} : memref<16384xf32, #tpu.memory_space<vmem>>, vector<16xf32>,
    tpu.vector_store %arg6[%swap3A_259], %broadcast_in_dim3A_2 {strides = array<i32>} : memref<16384xf32, #tpu.memory_space<vmem>>, vector<16xf32>,
    %swap3A_261 = arith.constant 4096 : index
    %swap3A_262 = tpu.vector_load %arg6[%swap3A_261] {strides = array<i32>} : memref<16384xf32, #tpu.memory_space<vmem>>, vector<16xf32>,
    tpu.vector_store %arg6[%swap3A_261], %broadcast_in_dim3A_2 {strides = array<i32>} : memref<16384xf32, #tpu.memory_space<vmem>>, vector<16xf32>,
    %swap3A_263 = arith.constant 4288 : index
    %swap3A_264 = tpu.vector_load %arg6[%swap3A_263] {strides = array<i32>} : memref<16384xf32, #tpu.memory_space<vmem>>, vector<16xf32>,
    tpu.vector_store %arg6[%swap3A_263], %broadcast_in_dim3A_2 {strides = array<i32>} : memref<16384xf32, #tpu.memory_space<vmem>>, vector<16xf32>,
    %swap3A_265 = arith.constant 4112 : index
    %swap3A_266 = tpu.vector_load %arg6[%swap3A_265] {strides = array<i32>} : memref<16384xf32, #tpu.memory_space<vmem>>, vector<16xf32>,
    tpu.vector_store %arg6[%swap3A_265], %broadcast_in_dim3A_2 {strides = array<i32>} : memref<16384xf32, #tpu.memory_space<vmem>>, vector<16xf32>,
    %swap3A_267 = arith.constant 4304 : index
    %swap3A_268 = tpu.vector_load %arg6[%swap3A_267] {strides = array<i32>} : memref<16384xf32, #tpu.memory_space<vmem>>, vector<16xf32>,
    tpu.vector_store %arg6[%swap3A_267], %broadcast_in_dim3A_2 {strides = array<i32>} : memref<16384xf32, #tpu.memory_space<vmem>>, vector<16xf32>,
    %swap3A_269 = arith.constant 4128 : index
    %swap3A_270 = tpu.vector_load %arg6[%swap3A_269] {strides = array<i32>} : memref<16384xf32, #tpu.memory_space<vmem>>, vector<16xf32>,
    tpu.vector_store %arg6[%swap3A_269], %broadcast_in_dim3A_2 {strides = array<i32>} : memref<16384xf32, #tpu.memory_space<vmem>>, vector<16xf32>,
    %swap3A_271 = arith.constant 4320 : index
    %swap3A_272 = tpu.vector_load %arg6[%swap3A_271] {strides = array<i32>} : memref<16384xf32, #tpu.memory_space<vmem>>, vector<16xf32>,
    tpu.vector_store %arg6[%swap3A_271], %broadcast_in_dim3A_2 {strides = array<i32>} : memref<16384xf32, #tpu.memory_space<vmem>>, vector<16xf32>,
    %swap3A_273 = arith.constant 4144 : index
    %swap3A_274 = tpu.vector_load %arg6[%swap3A_273] {strides = array<i32>} : memref<16384xf32, #tpu.memory_space<vmem>>, vector<16xf32>,
    tpu.vector_store %arg6[%swap3A_273], %broadcast_in_dim3A_2 {strides = array<i32>} : memref<16384xf32, #tpu.memory_space<vmem>>, vector<16xf32>,
    %swap3A_275 = arith.constant 4336 : index
    %swap3A_276 = tpu.vector_load %arg6[%swap3A_275] {strides = array<i32>} : memref<16384xf32, #tpu.memory_space<vmem>>, vector<16xf32>,
    tpu.vector_store %arg6[%swap3A_275], %broadcast_in_dim3A_2 {strides = array<i32>} : memref<16384xf32, #tpu.memory_space<vmem>>, vector<16xf32>,
    %swap3A_277 = arith.constant 4352 : index
    %swap3A_278 = tpu.vector_load %arg6[%swap3A_277] {strides = array<i32>} : memref<16384xf32, #tpu.memory_space<vmem>>, vector<16xf32>,
    tpu.vector_store %arg6[%swap3A_277], %broadcast_in_dim3A_2 {strides = array<i32>} : memref<16384xf32, #tpu.memory_space<vmem>>, vector<16xf32>,
    %swap3A_279 = arith.constant 4544 : index
    %swap3A_280 = tpu.vector_load %arg6[%swap3A_279] {strides = array<i32>} : memref<16384xf32, #tpu.memory_space<vmem>>, vector<16xf32>,
    tpu.vector_store %arg6[%swap3A_279], %broadcast_in_dim3A_2 {strides = array<i32>} : memref<16384xf32, #tpu.memory_space<vmem>>, vector<16xf32>,
    %swap3A_281 = arith.constant 4368 : index
    %swap3A_282 = tpu.vector_load %arg6[%swap3A_281] {strides = array<i32>} : memref<16384xf32, #tpu.memory_space<vmem>>, vector<16xf32>,
    tpu.vector_store %arg6[%swap3A_281], %broadcast_in_dim3A_2 {strides = array<i32>} : memref<16384xf32, #tpu.memory_space<vmem>>, vector<16xf32>,
    %swap3A_283 = arith.constant 4560 : index
    %swap3A_284 = tpu.vector_load %arg6[%swap3A_283] {strides = array<i32>} : memref<16384xf32, #tpu.memory_space<vmem>>, vector<16xf32>,
    tpu.vector_store %arg6[%swap3A_283], %broadcast_in_dim3A_2 {strides = array<i32>} : memref<16384xf32, #tpu.memory_space<vmem>>, vector<16xf32>,
    %swap3A_285 = arith.constant 4384 : index
    %swap3A_286 = tpu.vector_load %arg6[%swap3A_285] {strides = array<i32>} : memref<16384xf32, #tpu.memory_space<vmem>>, vector<16xf32>,
    tpu.vector_store %arg6[%swap3A_285], %broadcast_in_dim3A_2 {strides = array<i32>} : memref<16384xf32, #tpu.memory_space<vmem>>, vector<16xf32>,
    %swap3A_287 = arith.constant 4576 : index
    %swap3A_288 = tpu.vector_load %arg6[%swap3A_287] {strides = array<i32>} : memref<16384xf32, #tpu.memory_space<vmem>>, vector<16xf32>,
    tpu.vector_store %arg6[%swap3A_287], %broadcast_in_dim3A_2 {strides = array<i32>} : memref<16384xf32, #tpu.memory_space<vmem>>, vector<16xf32>,
    %swap3A_289 = arith.constant 4400 : index
    %swap3A_290 = tpu.vector_load %arg6[%swap3A_289] {strides = array<i32>} : memref<16384xf32, #tpu.memory_space<vmem>>, vector<16xf32>,
    tpu.vector_store %arg6[%swap3A_289], %broadcast_in_dim3A_2 {strides = array<i32>} : memref<16384xf32, #tpu.memory_space<vmem>>, vector<16xf32>,
    %swap3A_291 = arith.constant 4592 : index
    %swap3A_292 = tpu.vector_load %arg6[%swap3A_291] {strides = array<i32>} : memref<16384xf32, #tpu.memory_space<vmem>>, vector<16xf32>,
    tpu.vector_store %arg6[%swap3A_291], %broadcast_in_dim3A_2 {strides = array<i32>} : memref<16384xf32, #tpu.memory_space<vmem>>, vector<16xf32>,
    %swap3A_293 = arith.constant 4608 : index
    %swap3A_294 = tpu.vector_load %arg6[%swap3A_293] {strides = array<i32>} : memref<16384xf32, #tpu.memory_space<vmem>>, vector<16xf32>,
    tpu.vector_store %arg6[%swap3A_293], %broadcast_in_dim3A_2 {strides = array<i32>} : memref<16384xf32, #tpu.memory_space<vmem>>, vector<16xf32>,
    %swap3A_295 = arith.constant 4800 : index
    %swap3A_296 = tpu.vector_load %arg6[%swap3A_295] {strides = array<i32>} : memref<16384xf32, #tpu.memory_space<vmem>>, vector<16xf32>,
    tpu.vector_store %arg6[%swap3A_295], %broadcast_in_dim3A_2 {strides = array<i32>} : memref<16384xf32, #tpu.memory_space<vmem>>, vector<16xf32>,
    %swap3A_297 = arith.constant 4624 : index
    %swap3A_298 = tpu.vector_load %arg6[%swap3A_297] {strides = array<i32>} : memref<16384xf32, #tpu.memory_space<vmem>>, vector<16xf32>,
    tpu.vector_store %arg6[%swap3A_297], %broadcast_in_dim3A_2 {strides = array<i32>} : memref<16384xf32, #tpu.memory_space<vmem>>, vector<16xf32>,
    %swap3A_299 = arith.constant 4816 : index
    %swap3A_300 = tpu.vector_load %arg6[%swap3A_299] {strides = array<i32>} : memref<16384xf32, #tpu.memory_space<vmem>>, vector<16xf32>,
    tpu.vector_store %arg6[%swap3A_299], %broadcast_in_dim3A_2 {strides = array<i32>} : memref<16384xf32, #tpu.memory_space<vmem>>, vector<16xf32>,
    %swap3A_301 = arith.constant 4640 : index
    %swap3A_302 = tpu.vector_load %arg6[%swap3A_301] {strides = array<i32>} : memref<16384xf32, #tpu.memory_space<vmem>>, vector<16xf32>,
    tpu.vector_store %arg6[%swap3A_301], %broadcast_in_dim3A_2 {strides = array<i32>} : memref<16384xf32, #tpu.memory_space<vmem>>, vector<16xf32>,
    %swap3A_303 = arith.constant 4832 : index
    %swap3A_304 = tpu.vector_load %arg6[%swap3A_303] {strides = array<i32>} : memref<16384xf32, #tpu.memory_space<vmem>>, vector<16xf32>,
    tpu.vector_store %arg6[%swap3A_303], %broadcast_in_dim3A_2 {strides = array<i32>} : memref<16384xf32, #tpu.memory_space<vmem>>, vector<16xf32>,
    %swap3A_305 = arith.constant 4656 : index
    %swap3A_306 = tpu.vector_load %arg6[%swap3A_305] {strides = array<i32>} : memref<16384xf32, #tpu.memory_space<vmem>>, vector<16xf32>,
    tpu.vector_store %arg6[%swap3A_305], %broadcast_in_dim3A_2 {strides = array<i32>} : memref<16384xf32, #tpu.memory_space<vmem>>, vector<16xf32>,
    %swap3A_307 = arith.constant 4848 : index
    %swap3A_308 = tpu.vector_load %arg6[%swap3A_307] {strides = array<i32>} : memref<16384xf32, #tpu.memory_space<vmem>>, vector<16xf32>,
    tpu.vector_store %arg6[%swap3A_307], %broadcast_in_dim3A_2 {strides = array<i32>} : memref<16384xf32, #tpu.memory_space<vmem>>, vector<16xf32>,
    %swap3A_309 = arith.constant 4864 : index
    %swap3A_310 = tpu.vector_load %arg6[%swap3A_309] {strides = array<i32>} : memref<16384xf32, #tpu.memory_space<vmem>>, vector<16xf32>,
    tpu.vector_store %arg6[%swap3A_309], %broadcast_in_dim3A_2 {strides = array<i32>} : memref<16384xf32, #tpu.memory_space<vmem>>, vector<16xf32>,
    %swap3A_311 = arith.constant 5056 : index
    %swap3A_312 = tpu.vector_load %arg6[%swap3A_311] {strides = array<i32>} : memref<16384xf32, #tpu.memory_space<vmem>>, vector<16xf32>,
    tpu.vector_store %arg6[%swap3A_311], %broadcast_in_dim3A_2 {strides = array<i32>} : memref<16384xf32, #tpu.memory_space<vmem>>, vector<16xf32>,
    %swap3A_313 = arith.constant 4880 : index
    %swap3A_314 = tpu.vector_load %arg6[%swap3A_313] {strides = array<i32>} : memref<16384xf32, #tpu.memory_space<vmem>>, vector<16xf32>,
    tpu.vector_store %arg6[%swap3A_313], %broadcast_in_dim3A_2 {strides = array<i32>} : memref<16384xf32, #tpu.memory_space<vmem>>, vector<16xf32>,
    %swap3A_315 = arith.constant 5072 : index
    %swap3A_316 = tpu.vector_load %arg6[%swap3A_315] {strides = array<i32>} : memref<16384xf32, #tpu.memory_space<vmem>>, vector<16xf32>,
    tpu.vector_store %arg6[%swap3A_315], %broadcast_in_dim3A_2 {strides = array<i32>} : memref<16384xf32, #tpu.memory_space<vmem>>, vector<16xf32>,
    %swap3A_317 = arith.constant 4896 : index
    %swap3A_318 = tpu.vector_load %arg6[%swap3A_317] {strides = array<i32>} : memref<16384xf32, #tpu.memory_space<vmem>>, vector<16xf32>,
    tpu.vector_store %arg6[%swap3A_317], %broadcast_in_dim3A_2 {strides = array<i32>} : memref<16384xf32, #tpu.memory_space<vmem>>, vector<16xf32>,
    %swap3A_319 = arith.constant 5088 : index
    %swap3A_320 = tpu.vector_load %arg6[%swap3A_319] {strides = array<i32>} : memref<16384xf32, #tpu.memory_space<vmem>>, vector<16xf32>,
    tpu.vector_store %arg6[%swap3A_319], %broadcast_in_dim3A_2 {strides = array<i32>} : memref<16384xf32, #tpu.memory_space<vmem>>, vector<16xf32>,
    %swap3A_321 = arith.constant 4912 : index
    %swap3A_322 = tpu.vector_load %arg6[%swap3A_321] {strides = array<i32>} : memref<16384xf32, #tpu.memory_space<vmem>>, vector<16xf32>,
    tpu.vector_store %arg6[%swap3A_321], %broadcast_in_dim3A_2 {strides = array<i32>} : memref<16384xf32, #tpu.memory_space<vmem>>, vector<16xf32>,
    %swap3A_323 = arith.constant 5104 : index
    %swap3A_324 = tpu.vector_load %arg6[%swap3A_323] {strides = array<i32>} : memref<16384xf32, #tpu.memory_space<vmem>>, vector<16xf32>,
    tpu.vector_store %arg6[%swap3A_323], %broadcast_in_dim3A_2 {strides = array<i32>} : memref<16384xf32, #tpu.memory_space<vmem>>, vector<16xf32>,
    %swap3A_325 = arith.constant 5120 : index
    %swap3A_326 = tpu.vector_load %arg6[%swap3A_325] {strides = array<i32>} : memref<16384xf32, #tpu.memory_space<vmem>>, vector<16xf32>,
    tpu.vector_store %arg6[%swap3A_325], %broadcast_in_dim3A_2 {strides = array<i32>} : memref<16384xf32, #tpu.memory_space<vmem>>, vector<16xf32>,
    %swap3A_327 = arith.constant 5312 : index
    %swap3A_328 = tpu.vector_load %arg6[%swap3A_327] {strides = array<i32>} : memref<16384xf32, #tpu.memory_space<vmem>>, vector<16xf32>,
    tpu.vector_store %arg6[%swap3A_327], %broadcast_in_dim3A_2 {strides = array<i32>} : memref<16384xf32, #tpu.memory_space<vmem>>, vector<16xf32>,
    %swap3A_329 = arith.constant 5136 : index
    %swap3A_330 = tpu.vector_load %arg6[%swap3A_329] {strides = array<i32>} : memref<16384xf32, #tpu.memory_space<vmem>>, vector<16xf32>,
    tpu.vector_store %arg6[%swap3A_329], %broadcast_in_dim3A_2 {strides = array<i32>} : memref<16384xf32, #tpu.memory_space<vmem>>, vector<16xf32>,
    %swap3A_331 = arith.constant 5328 : index
    %swap3A_332 = tpu.vector_load %arg6[%swap3A_331] {strides = array<i32>} : memref<16384xf32, #tpu.memory_space<vmem>>, vector<16xf32>,
    tpu.vector_store %arg6[%swap3A_331], %broadcast_in_dim3A_2 {strides = array<i32>} : memref<16384xf32, #tpu.memory_space<vmem>>, vector<16xf32>,
    %swap3A_333 = arith.constant 5152 : index
    %swap3A_334 = tpu.vector_load %arg6[%swap3A_333] {strides = array<i32>} : memref<16384xf32, #tpu.memory_space<vmem>>, vector<16xf32>,
    tpu.vector_store %arg6[%swap3A_333], %broadcast_in_dim3A_2 {strides = array<i32>} : memref<16384xf32, #tpu.memory_space<vmem>>, vector<16xf32>,
    %swap3A_335 = arith.constant 5344 : index
    %swap3A_336 = tpu.vector_load %arg6[%swap3A_335] {strides = array<i32>} : memref<16384xf32, #tpu.memory_space<vmem>>, vector<16xf32>,
    tpu.vector_store %arg6[%swap3A_335], %broadcast_in_dim3A_2 {strides = array<i32>} : memref<16384xf32, #tpu.memory_space<vmem>>, vector<16xf32>,
    %swap3A_337 = arith.constant 5168 : index
    %swap3A_338 = tpu.vector_load %arg6[%swap3A_337] {strides = array<i32>} : memref<16384xf32, #tpu.memory_space<vmem>>, vector<16xf32>,
    tpu.vector_store %arg6[%swap3A_337], %broadcast_in_dim3A_2 {strides = array<i32>} : memref<16384xf32, #tpu.memory_space<vmem>>, vector<16xf32>,
    %swap3A_339 = arith.constant 5360 : index
    %swap3A_340 = tpu.vector_load %arg6[%swap3A_339] {strides = array<i32>} : memref<16384xf32, #tpu.memory_space<vmem>>, vector<16xf32>,
    tpu.vector_store %arg6[%swap3A_339], %broadcast_in_dim3A_2 {strides = array<i32>} : memref<16384xf32, #tpu.memory_space<vmem>>, vector<16xf32>,
    %swap3A_341 = arith.constant 5376 : index
    %swap3A_342 = tpu.vector_load %arg6[%swap3A_341] {strides = array<i32>} : memref<16384xf32, #tpu.memory_space<vmem>>, vector<16xf32>,
    tpu.vector_store %arg6[%swap3A_341], %broadcast_in_dim3A_2 {strides = array<i32>} : memref<16384xf32, #tpu.memory_space<vmem>>, vector<16xf32>,
    %swap3A_343 = arith.constant 5568 : index
    %swap3A_344 = tpu.vector_load %arg6[%swap3A_343] {strides = array<i32>} : memref<16384xf32, #tpu.memory_space<vmem>>, vector<16xf32>,
    tpu.vector_store %arg6[%swap3A_343], %broadcast_in_dim3A_2 {strides = array<i32>} : memref<16384xf32, #tpu.memory_space<vmem>>, vector<16xf32>,
    %swap3A_345 = arith.constant 5392 : index
    %swap3A_346 = tpu.vector_load %arg6[%swap3A_345] {strides = array<i32>} : memref<16384xf32, #tpu.memory_space<vmem>>, vector<16xf32>,
    tpu.vector_store %arg6[%swap3A_345], %broadcast_in_dim3A_2 {strides = array<i32>} : memref<16384xf32, #tpu.memory_space<vmem>>, vector<16xf32>,
    %swap3A_347 = arith.constant 5584 : index
    %swap3A_348 = tpu.vector_load %arg6[%swap3A_347] {strides = array<i32>} : memref<16384xf32, #tpu.memory_space<vmem>>, vector<16xf32>,
    tpu.vector_store %arg6[%swap3A_347], %broadcast_in_dim3A_2 {strides = array<i32>} : memref<16384xf32, #tpu.memory_space<vmem>>, vector<16xf32>,
    %swap3A_349 = arith.constant 5408 : index
    %swap3A_350 = tpu.vector_load %arg6[%swap3A_349] {strides = array<i32>} : memref<16384xf32, #tpu.memory_space<vmem>>, vector<16xf32>,
    tpu.vector_store %arg6[%swap3A_349], %broadcast_in_dim3A_2 {strides = array<i32>} : memref<16384xf32, #tpu.memory_space<vmem>>, vector<16xf32>,
    %swap3A_351 = arith.constant 5600 : index
    %swap3A_352 = tpu.vector_load %arg6[%swap3A_351] {strides = array<i32>} : memref<16384xf32, #tpu.memory_space<vmem>>, vector<16xf32>,
    tpu.vector_store %arg6[%swap3A_351], %broadcast_in_dim3A_2 {strides = array<i32>} : memref<16384xf32, #tpu.memory_space<vmem>>, vector<16xf32>,
    %swap3A_353 = arith.constant 5424 : index
    %swap3A_354 = tpu.vector_load %arg6[%swap3A_353] {strides = array<i32>} : memref<16384xf32, #tpu.memory_space<vmem>>, vector<16xf32>,
    tpu.vector_store %arg6[%swap3A_353], %broadcast_in_dim3A_2 {strides = array<i32>} : memref<16384xf32, #tpu.memory_space<vmem>>, vector<16xf32>,
    %swap3A_355 = arith.constant 5616 : index
    %swap3A_356 = tpu.vector_load %arg6[%swap3A_355] {strides = array<i32>} : memref<16384xf32, #tpu.memory_space<vmem>>, vector<16xf32>,
    tpu.vector_store %arg6[%swap3A_355], %broadcast_in_dim3A_2 {strides = array<i32>} : memref<16384xf32, #tpu.memory_space<vmem>>, vector<16xf32>,
    %swap3A_357 = arith.constant 5632 : index
    %swap3A_358 = tpu.vector_load %arg6[%swap3A_357] {strides = array<i32>} : memref<16384xf32, #tpu.memory_space<vmem>>, vector<16xf32>,
    tpu.vector_store %arg6[%swap3A_357], %broadcast_in_dim3A_2 {strides = array<i32>} : memref<16384xf32, #tpu.memory_space<vmem>>, vector<16xf32>,
    %swap3A_359 = arith.constant 5824 : index
    %swap3A_360 = tpu.vector_load %arg6[%swap3A_359] {strides = array<i32>} : memref<16384xf32, #tpu.memory_space<vmem>>, vector<16xf32>,
    tpu.vector_store %arg6[%swap3A_359], %broadcast_in_dim3A_2 {strides = array<i32>} : memref<16384xf32, #tpu.memory_space<vmem>>, vector<16xf32>,
    %swap3A_361 = arith.constant 5648 : index
    %swap3A_362 = tpu.vector_load %arg6[%swap3A_361] {strides = array<i32>} : memref<16384xf32, #tpu.memory_space<vmem>>, vector<16xf32>,
    tpu.vector_store %arg6[%swap3A_361], %broadcast_in_dim3A_2 {strides = array<i32>} : memref<16384xf32, #tpu.memory_space<vmem>>, vector<16xf32>,
    %swap3A_363 = arith.constant 5840 : index
    %swap3A_364 = tpu.vector_load %arg6[%swap3A_363] {strides = array<i32>} : memref<16384xf32, #tpu.memory_space<vmem>>, vector<16xf32>,
    tpu.vector_store %arg6[%swap3A_363], %broadcast_in_dim3A_2 {strides = array<i32>} : memref<16384xf32, #tpu.memory_space<vmem>>, vector<16xf32>,
    %swap3A_365 = arith.constant 5664 : index
    %swap3A_366 = tpu.vector_load %arg6[%swap3A_365] {strides = array<i32>} : memref<16384xf32, #tpu.memory_space<vmem>>, vector<16xf32>,
    tpu.vector_store %arg6[%swap3A_365], %broadcast_in_dim3A_2 {strides = array<i32>} : memref<16384xf32, #tpu.memory_space<vmem>>, vector<16xf32>,
    %swap3A_367 = arith.constant 5856 : index
    %swap3A_368 = tpu.vector_load %arg6[%swap3A_367] {strides = array<i32>} : memref<16384xf32, #tpu.memory_space<vmem>>, vector<16xf32>,
    tpu.vector_store %arg6[%swap3A_367], %broadcast_in_dim3A_2 {strides = array<i32>} : memref<16384xf32, #tpu.memory_space<vmem>>, vector<16xf32>,
    %swap3A_369 = arith.constant 5680 : index
    %swap3A_370 = tpu.vector_load %arg6[%swap3A_369] {strides = array<i32>} : memref<16384xf32, #tpu.memory_space<vmem>>, vector<16xf32>,
    tpu.vector_store %arg6[%swap3A_369], %broadcast_in_dim3A_2 {strides = array<i32>} : memref<16384xf32, #tpu.memory_space<vmem>>, vector<16xf32>,
    %swap3A_371 = arith.constant 5872 : index
    %swap3A_372 = tpu.vector_load %arg6[%swap3A_371] {strides = array<i32>} : memref<16384xf32, #tpu.memory_space<vmem>>, vector<16xf32>,
    tpu.vector_store %arg6[%swap3A_371], %broadcast_in_dim3A_2 {strides = array<i32>} : memref<16384xf32, #tpu.memory_space<vmem>>, vector<16xf32>,
    %swap3A_373 = arith.constant 5888 : index
    %swap3A_374 = tpu.vector_load %arg6[%swap3A_373] {strides = array<i32>} : memref<16384xf32, #tpu.memory_space<vmem>>, vector<16xf32>,
    tpu.vector_store %arg6[%swap3A_373], %broadcast_in_dim3A_2 {strides = array<i32>} : memref<16384xf32, #tpu.memory_space<vmem>>, vector<16xf32>,
    %swap3A_375 = arith.constant 6080 : index
    %swap3A_376 = tpu.vector_load %arg6[%swap3A_375] {strides = array<i32>} : memref<16384xf32, #tpu.memory_space<vmem>>, vector<16xf32>,
    tpu.vector_store %arg6[%swap3A_375], %broadcast_in_dim3A_2 {strides = array<i32>} : memref<16384xf32, #tpu.memory_space<vmem>>, vector<16xf32>,
    %swap3A_377 = arith.constant 5904 : index
    %swap3A_378 = tpu.vector_load %arg6[%swap3A_377] {strides = array<i32>} : memref<16384xf32, #tpu.memory_space<vmem>>, vector<16xf32>,
    tpu.vector_store %arg6[%swap3A_377], %broadcast_in_dim3A_2 {strides = array<i32>} : memref<16384xf32, #tpu.memory_space<vmem>>, vector<16xf32>,
    %swap3A_379 = arith.constant 6096 : index
    %swap3A_380 = tpu.vector_load %arg6[%swap3A_379] {strides = array<i32>} : memref<16384xf32, #tpu.memory_space<vmem>>, vector<16xf32>,
    tpu.vector_store %arg6[%swap3A_379], %broadcast_in_dim3A_2 {strides = array<i32>} : memref<16384xf32, #tpu.memory_space<vmem>>, vector<16xf32>,
    %swap3A_381 = arith.constant 5920 : index
    %swap3A_382 = tpu.vector_load %arg6[%swap3A_381] {strides = array<i32>} : memref<16384xf32, #tpu.memory_space<vmem>>, vector<16xf32>,
    tpu.vector_store %arg6[%swap3A_381], %broadcast_in_dim3A_2 {strides = array<i32>} : memref<16384xf32, #tpu.memory_space<vmem>>, vector<16xf32>,
    %swap3A_383 = arith.constant 6112 : index
    %swap3A_384 = tpu.vector_load %arg6[%swap3A_383] {strides = array<i32>} : memref<16384xf32, #tpu.memory_space<vmem>>, vector<16xf32>,
    tpu.vector_store %arg6[%swap3A_383], %broadcast_in_dim3A_2 {strides = array<i32>} : memref<16384xf32, #tpu.memory_space<vmem>>, vector<16xf32>,
    %swap3A_385 = arith.constant 5936 : index
    %swap3A_386 = tpu.vector_load %arg6[%swap3A_385] {strides = array<i32>} : memref<16384xf32, #tpu.memory_space<vmem>>, vector<16xf32>,
    tpu.vector_store %arg6[%swap3A_385], %broadcast_in_dim3A_2 {strides = array<i32>} : memref<16384xf32, #tpu.memory_space<vmem>>, vector<16xf32>,
    %swap3A_387 = arith.constant 6128 : index
    %swap3A_388 = tpu.vector_load %arg6[%swap3A_387] {strides = array<i32>} : memref<16384xf32, #tpu.memory_space<vmem>>, vector<16xf32>,
    tpu.vector_store %arg6[%swap3A_387], %broadcast_in_dim3A_2 {strides = array<i32>} : memref<16384xf32, #tpu.memory_space<vmem>>, vector<16xf32>,
    %swap3A_389 = arith.constant 6144 : index
    %swap3A_390 = tpu.vector_load %arg6[%swap3A_389] {strides = array<i32>} : memref<16384xf32, #tpu.memory_space<vmem>>, vector<16xf32>,
    tpu.vector_store %arg6[%swap3A_389], %broadcast_in_dim3A_2 {strides = array<i32>} : memref<16384xf32, #tpu.memory_space<vmem>>, vector<16xf32>,
    %swap3A_391 = arith.constant 6336 : index
    %swap3A_392 = tpu.vector_load %arg6[%swap3A_391] {strides = array<i32>} : memref<16384xf32, #tpu.memory_space<vmem>>, vector<16xf32>,
    tpu.vector_store %arg6[%swap3A_391], %broadcast_in_dim3A_2 {strides = array<i32>} : memref<16384xf32, #tpu.memory_space<vmem>>, vector<16xf32>,
    %swap3A_393 = arith.constant 6160 : index
    %swap3A_394 = tpu.vector_load %arg6[%swap3A_393] {strides = array<i32>} : memref<16384xf32, #tpu.memory_space<vmem>>, vector<16xf32>,
    tpu.vector_store %arg6[%swap3A_393], %broadcast_in_dim3A_2 {strides = array<i32>} : memref<16384xf32, #tpu.memory_space<vmem>>, vector<16xf32>,
    %swap3A_395 = arith.constant 6352 : index
    %swap3A_396 = tpu.vector_load %arg6[%swap3A_395] {strides = array<i32>} : memref<16384xf32, #tpu.memory_space<vmem>>, vector<16xf32>,
    tpu.vector_store %arg6[%swap3A_395], %broadcast_in_dim3A_2 {strides = array<i32>} : memref<16384xf32, #tpu.memory_space<vmem>>, vector<16xf32>,
    %swap3A_397 = arith.constant 6176 : index
    %swap3A_398 = tpu.vector_load %arg6[%swap3A_397] {strides = array<i32>} : memref<16384xf32, #tpu.memory_space<vmem>>, vector<16xf32>,
    tpu.vector_store %arg6[%swap3A_397], %broadcast_in_dim3A_2 {strides = array<i32>} : memref<16384xf32, #tpu.memory_space<vmem>>, vector<16xf32>,
    %swap3A_399 = arith.constant 6368 : index
    %swap3A_400 = tpu.vector_load %arg6[%swap3A_399] {strides = array<i32>} : memref<16384xf32, #tpu.memory_space<vmem>>, vector<16xf32>,
    tpu.vector_store %arg6[%swap3A_399], %broadcast_in_dim3A_2 {strides = array<i32>} : memref<16384xf32, #tpu.memory_space<vmem>>, vector<16xf32>,
    %swap3A_401 = arith.constant 6192 : index
    %swap3A_402 = tpu.vector_load %arg6[%swap3A_401] {strides = array<i32>} : memref<16384xf32, #tpu.memory_space<vmem>>, vector<16xf32>,
    tpu.vector_store %arg6[%swap3A_401], %broadcast_in_dim3A_2 {strides = array<i32>} : memref<16384xf32, #tpu.memory_space<vmem>>, vector<16xf32>,
    %swap3A_403 = arith.constant 6384 : index
    %swap3A_404 = tpu.vector_load %arg6[%swap3A_403] {strides = array<i32>} : memref<16384xf32, #tpu.memory_space<vmem>>, vector<16xf32>,
    tpu.vector_store %arg6[%swap3A_403], %broadcast_in_dim3A_2 {strides = array<i32>} : memref<16384xf32, #tpu.memory_space<vmem>>, vector<16xf32>,
    %swap3A_405 = arith.constant 6400 : index
    %swap3A_406 = tpu.vector_load %arg6[%swap3A_405] {strides = array<i32>} : memref<16384xf32, #tpu.memory_space<vmem>>, vector<16xf32>,
    tpu.vector_store %arg6[%swap3A_405], %broadcast_in_dim3A_2 {strides = array<i32>} : memref<16384xf32, #tpu.memory_space<vmem>>, vector<16xf32>,
    %swap3A_407 = arith.constant 6592 : index
    %swap3A_408 = tpu.vector_load %arg6[%swap3A_407] {strides = array<i32>} : memref<16384xf32, #tpu.memory_space<vmem>>, vector<16xf32>,
    tpu.vector_store %arg6[%swap3A_407], %broadcast_in_dim3A_2 {strides = array<i32>} : memref<16384xf32, #tpu.memory_space<vmem>>, vector<16xf32>,
    %swap3A_409 = arith.constant 6416 : index
    %swap3A_410 = tpu.vector_load %arg6[%swap3A_409] {strides = array<i32>} : memref<16384xf32, #tpu.memory_space<vmem>>, vector<16xf32>,
    tpu.vector_store %arg6[%swap3A_409], %broadcast_in_dim3A_2 {strides = array<i32>} : memref<16384xf32, #tpu.memory_space<vmem>>, vector<16xf32>,
    %swap3A_411 = arith.constant 6608 : index
    %swap3A_412 = tpu.vector_load %arg6[%swap3A_411] {strides = array<i32>} : memref<16384xf32, #tpu.memory_space<vmem>>, vector<16xf32>,
    tpu.vector_store %arg6[%swap3A_411], %broadcast_in_dim3A_2 {strides = array<i32>} : memref<16384xf32, #tpu.memory_space<vmem>>, vector<16xf32>,
    %swap3A_413 = arith.constant 6432 : index
    %swap3A_414 = tpu.vector_load %arg6[%swap3A_413] {strides = array<i32>} : memref<16384xf32, #tpu.memory_space<vmem>>, vector<16xf32>,
    tpu.vector_store %arg6[%swap3A_413], %broadcast_in_dim3A_2 {strides = array<i32>} : memref<16384xf32, #tpu.memory_space<vmem>>, vector<16xf32>,
    %swap3A_415 = arith.constant 6624 : index
    %swap3A_416 = tpu.vector_load %arg6[%swap3A_415] {strides = array<i32>} : memref<16384xf32, #tpu.memory_space<vmem>>, vector<16xf32>,
    tpu.vector_store %arg6[%swap3A_415], %broadcast_in_dim3A_2 {strides = array<i32>} : memref<16384xf32, #tpu.memory_space<vmem>>, vector<16xf32>,
    %swap3A_417 = arith.constant 6448 : index
    %swap3A_418 = tpu.vector_load %arg6[%swap3A_417] {strides = array<i32>} : memref<16384xf32, #tpu.memory_space<vmem>>, vector<16xf32>,
    tpu.vector_store %arg6[%swap3A_417], %broadcast_in_dim3A_2 {strides = array<i32>} : memref<16384xf32, #tpu.memory_space<vmem>>, vector<16xf32>,
    %swap3A_419 = arith.constant 6640 : index
    %swap3A_420 = tpu.vector_load %arg6[%swap3A_419] {strides = array<i32>} : memref<16384xf32, #tpu.memory_space<vmem>>, vector<16xf32>,
    tpu.vector_store %arg6[%swap3A_419], %broadcast_in_dim3A_2 {strides = array<i32>} : memref<16384xf32, #tpu.memory_space<vmem>>, vector<16xf32>,
    %swap3A_421 = arith.constant 6656 : index
    %swap3A_422 = tpu.vector_load %arg6[%swap3A_421] {strides = array<i32>} : memref<16384xf32, #tpu.memory_space<vmem>>, vector<16xf32>,
    tpu.vector_store %arg6[%swap3A_421], %broadcast_in_dim3A_2 {strides = array<i32>} : memref<16384xf32, #tpu.memory_space<vmem>>, vector<16xf32>,
    %swap3A_423 = arith.constant 6848 : index
    %swap3A_424 = tpu.vector_load %arg6[%swap3A_423] {strides = array<i32>} : memref<16384xf32, #tpu.memory_space<vmem>>, vector<16xf32>,
    tpu.vector_store %arg6[%swap3A_423], %broadcast_in_dim3A_2 {strides = array<i32>} : memref<16384xf32, #tpu.memory_space<vmem>>, vector<16xf32>,
    %swap3A_425 = arith.constant 6672 : index
    %swap3A_426 = tpu.vector_load %arg6[%swap3A_425] {strides = array<i32>} : memref<16384xf32, #tpu.memory_space<vmem>>, vector<16xf32>,
    tpu.vector_store %arg6[%swap3A_425], %broadcast_in_dim3A_2 {strides = array<i32>} : memref<16384xf32, #tpu.memory_space<vmem>>, vector<16xf32>,
    %swap3A_427 = arith.constant 6864 : index
    %swap3A_428 = tpu.vector_load %arg6[%swap3A_427] {strides = array<i32>} : memref<16384xf32, #tpu.memory_space<vmem>>, vector<16xf32>,
    tpu.vector_store %arg6[%swap3A_427], %broadcast_in_dim3A_2 {strides = array<i32>} : memref<16384xf32, #tpu.memory_space<vmem>>, vector<16xf32>,
    %swap3A_429 = arith.constant 6688 : index
    %swap3A_430 = tpu.vector_load %arg6[%swap3A_429] {strides = array<i32>} : memref<16384xf32, #tpu.memory_space<vmem>>, vector<16xf32>,
    tpu.vector_store %arg6[%swap3A_429], %broadcast_in_dim3A_2 {strides = array<i32>} : memref<16384xf32, #tpu.memory_space<vmem>>, vector<16xf32>,
    %swap3A_431 = arith.constant 6880 : index
    %swap3A_432 = tpu.vector_load %arg6[%swap3A_431] {strides = array<i32>} : memref<16384xf32, #tpu.memory_space<vmem>>, vector<16xf32>,
    tpu.vector_store %arg6[%swap3A_431], %broadcast_in_dim3A_2 {strides = array<i32>} : memref<16384xf32, #tpu.memory_space<vmem>>, vector<16xf32>,
    %swap3A_433 = arith.constant 6704 : index
    %swap3A_434 = tpu.vector_load %arg6[%swap3A_433] {strides = array<i32>} : memref<16384xf32, #tpu.memory_space<vmem>>, vector<16xf32>,
    tpu.vector_store %arg6[%swap3A_433], %broadcast_in_dim3A_2 {strides = array<i32>} : memref<16384xf32, #tpu.memory_space<vmem>>, vector<16xf32>,
    %swap3A_435 = arith.constant 6896 : index
    %swap3A_436 = tpu.vector_load %arg6[%swap3A_435] {strides = array<i32>} : memref<16384xf32, #tpu.memory_space<vmem>>, vector<16xf32>,
    tpu.vector_store %arg6[%swap3A_435], %broadcast_in_dim3A_2 {strides = array<i32>} : memref<16384xf32, #tpu.memory_space<vmem>>, vector<16xf32>,
    %swap3A_437 = arith.constant 6912 : index
    %swap3A_438 = tpu.vector_load %arg6[%swap3A_437] {strides = array<i32>} : memref<16384xf32, #tpu.memory_space<vmem>>, vector<16xf32>,
    tpu.vector_store %arg6[%swap3A_437], %broadcast_in_dim3A_2 {strides = array<i32>} : memref<16384xf32, #tpu.memory_space<vmem>>, vector<16xf32>,
    %swap3A_439 = arith.constant 7104 : index
    %swap3A_440 = tpu.vector_load %arg6[%swap3A_439] {strides = array<i32>} : memref<16384xf32, #tpu.memory_space<vmem>>, vector<16xf32>,
    tpu.vector_store %arg6[%swap3A_439], %broadcast_in_dim3A_2 {strides = array<i32>} : memref<16384xf32, #tpu.memory_space<vmem>>, vector<16xf32>,
    %swap3A_441 = arith.constant 6928 : index
    %swap3A_442 = tpu.vector_load %arg6[%swap3A_441] {strides = array<i32>} : memref<16384xf32, #tpu.memory_space<vmem>>, vector<16xf32>,
    tpu.vector_store %arg6[%swap3A_441], %broadcast_in_dim3A_2 {strides = array<i32>} : memref<16384xf32, #tpu.memory_space<vmem>>, vector<16xf32>,
    %swap3A_443 = arith.constant 7120 : index
    %swap3A_444 = tpu.vector_load %arg6[%swap3A_443] {strides = array<i32>} : memref<16384xf32, #tpu.memory_space<vmem>>, vector<16xf32>,
    tpu.vector_store %arg6[%swap3A_443], %broadcast_in_dim3A_2 {strides = array<i32>} : memref<16384xf32, #tpu.memory_space<vmem>>, vector<16xf32>,
    %swap3A_445 = arith.constant 6944 : index
    %swap3A_446 = tpu.vector_load %arg6[%swap3A_445] {strides = array<i32>} : memref<16384xf32, #tpu.memory_space<vmem>>, vector<16xf32>,
    tpu.vector_store %arg6[%swap3A_445], %broadcast_in_dim3A_2 {strides = array<i32>} : memref<16384xf32, #tpu.memory_space<vmem>>, vector<16xf32>,
    %swap3A_447 = arith.constant 7136 : index
    %swap3A_448 = tpu.vector_load %arg6[%swap3A_447] {strides = array<i32>} : memref<16384xf32, #tpu.memory_space<vmem>>, vector<16xf32>,
    tpu.vector_store %arg6[%swap3A_447], %broadcast_in_dim3A_2 {strides = array<i32>} : memref<16384xf32, #tpu.memory_space<vmem>>, vector<16xf32>,
    %swap3A_449 = arith.constant 6960 : index
    %swap3A_450 = tpu.vector_load %arg6[%swap3A_449] {strides = array<i32>} : memref<16384xf32, #tpu.memory_space<vmem>>, vector<16xf32>,
    tpu.vector_store %arg6[%swap3A_449], %broadcast_in_dim3A_2 {strides = array<i32>} : memref<16384xf32, #tpu.memory_space<vmem>>, vector<16xf32>,
    %swap3A_451 = arith.constant 7152 : index
    %swap3A_452 = tpu.vector_load %arg6[%swap3A_451] {strides = array<i32>} : memref<16384xf32, #tpu.memory_space<vmem>>, vector<16xf32>,
    tpu.vector_store %arg6[%swap3A_451], %broadcast_in_dim3A_2 {strides = array<i32>} : memref<16384xf32, #tpu.memory_space<vmem>>, vector<16xf32>,
    %swap3A_453 = arith.constant 7168 : index
    %swap3A_454 = tpu.vector_load %arg6[%swap3A_453] {strides = array<i32>} : memref<16384xf32, #tpu.memory_space<vmem>>, vector<16xf32>,
    tpu.vector_store %arg6[%swap3A_453], %broadcast_in_dim3A_2 {strides = array<i32>} : memref<16384xf32, #tpu.memory_space<vmem>>, vector<16xf32>,
    %swap3A_455 = arith.constant 7360 : index
    %swap3A_456 = tpu.vector_load %arg6[%swap3A_455] {strides = array<i32>} : memref<16384xf32, #tpu.memory_space<vmem>>, vector<16xf32>,
    tpu.vector_store %arg6[%swap3A_455], %broadcast_in_dim3A_2 {strides = array<i32>} : memref<16384xf32, #tpu.memory_space<vmem>>, vector<16xf32>,
    %swap3A_457 = arith.constant 7184 : index
    %swap3A_458 = tpu.vector_load %arg6[%swap3A_457] {strides = array<i32>} : memref<16384xf32, #tpu.memory_space<vmem>>, vector<16xf32>,
    tpu.vector_store %arg6[%swap3A_457], %broadcast_in_dim3A_2 {strides = array<i32>} : memref<16384xf32, #tpu.memory_space<vmem>>, vector<16xf32>,
    %swap3A_459 = arith.constant 7376 : index
    %swap3A_460 = tpu.vector_load %arg6[%swap3A_459] {strides = array<i32>} : memref<16384xf32, #tpu.memory_space<vmem>>, vector<16xf32>,
    tpu.vector_store %arg6[%swap3A_459], %broadcast_in_dim3A_2 {strides = array<i32>} : memref<16384xf32, #tpu.memory_space<vmem>>, vector<16xf32>,
    %swap3A_461 = arith.constant 7200 : index
    %swap3A_462 = tpu.vector_load %arg6[%swap3A_461] {strides = array<i32>} : memref<16384xf32, #tpu.memory_space<vmem>>, vector<16xf32>,
    tpu.vector_store %arg6[%swap3A_461], %broadcast_in_dim3A_2 {strides = array<i32>} : memref<16384xf32, #tpu.memory_space<vmem>>, vector<16xf32>,
    %swap3A_463 = arith.constant 7392 : index
    %swap3A_464 = tpu.vector_load %arg6[%swap3A_463] {strides = array<i32>} : memref<16384xf32, #tpu.memory_space<vmem>>, vector<16xf32>,
    tpu.vector_store %arg6[%swap3A_463], %broadcast_in_dim3A_2 {strides = array<i32>} : memref<16384xf32, #tpu.memory_space<vmem>>, vector<16xf32>,
    %swap3A_465 = arith.constant 7216 : index
    %swap3A_466 = tpu.vector_load %arg6[%swap3A_465] {strides = array<i32>} : memref<16384xf32, #tpu.memory_space<vmem>>, vector<16xf32>,
    tpu.vector_store %arg6[%swap3A_465], %broadcast_in_dim3A_2 {strides = array<i32>} : memref<16384xf32, #tpu.memory_space<vmem>>, vector<16xf32>,
    %swap3A_467 = arith.constant 7408 : index
    %swap3A_468 = tpu.vector_load %arg6[%swap3A_467] {strides = array<i32>} : memref<16384xf32, #tpu.memory_space<vmem>>, vector<16xf32>,
    tpu.vector_store %arg6[%swap3A_467], %broadcast_in_dim3A_2 {strides = array<i32>} : memref<16384xf32, #tpu.memory_space<vmem>>, vector<16xf32>,
    %swap3A_469 = arith.constant 7424 : index
    %swap3A_470 = tpu.vector_load %arg6[%swap3A_469] {strides = array<i32>} : memref<16384xf32, #tpu.memory_space<vmem>>, vector<16xf32>,
    tpu.vector_store %arg6[%swap3A_469], %broadcast_in_dim3A_2 {strides = array<i32>} : memref<16384xf32, #tpu.memory_space<vmem>>, vector<16xf32>,
    %swap3A_471 = arith.constant 7616 : index
    %swap3A_472 = tpu.vector_load %arg6[%swap3A_471] {strides = array<i32>} : memref<16384xf32, #tpu.memory_space<vmem>>, vector<16xf32>,
    tpu.vector_store %arg6[%swap3A_471], %broadcast_in_dim3A_2 {strides = array<i32>} : memref<16384xf32, #tpu.memory_space<vmem>>, vector<16xf32>,
    %swap3A_473 = arith.constant 7440 : index
    %swap3A_474 = tpu.vector_load %arg6[%swap3A_473] {strides = array<i32>} : memref<16384xf32, #tpu.memory_space<vmem>>, vector<16xf32>,
    tpu.vector_store %arg6[%swap3A_473], %broadcast_in_dim3A_2 {strides = array<i32>} : memref<16384xf32, #tpu.memory_space<vmem>>, vector<16xf32>,
    %swap3A_475 = arith.constant 7632 : index
    %swap3A_476 = tpu.vector_load %arg6[%swap3A_475] {strides = array<i32>} : memref<16384xf32, #tpu.memory_space<vmem>>, vector<16xf32>,
    tpu.vector_store %arg6[%swap3A_475], %broadcast_in_dim3A_2 {strides = array<i32>} : memref<16384xf32, #tpu.memory_space<vmem>>, vector<16xf32>,
    %swap3A_477 = arith.constant 7456 : index
    %swap3A_478 = tpu.vector_load %arg6[%swap3A_477] {strides = array<i32>} : memref<16384xf32, #tpu.memory_space<vmem>>, vector<16xf32>,
    tpu.vector_store %arg6[%swap3A_477], %broadcast_in_dim3A_2 {strides = array<i32>} : memref<16384xf32, #tpu.memory_space<vmem>>, vector<16xf32>,
    %swap3A_479 = arith.constant 7648 : index
    %swap3A_480 = tpu.vector_load %arg6[%swap3A_479] {strides = array<i32>} : memref<16384xf32, #tpu.memory_space<vmem>>, vector<16xf32>,
    tpu.vector_store %arg6[%swap3A_479], %broadcast_in_dim3A_2 {strides = array<i32>} : memref<16384xf32, #tpu.memory_space<vmem>>, vector<16xf32>,
    %swap3A_481 = arith.constant 7472 : index
    %swap3A_482 = tpu.vector_load %arg6[%swap3A_481] {strides = array<i32>} : memref<16384xf32, #tpu.memory_space<vmem>>, vector<16xf32>,
    tpu.vector_store %arg6[%swap3A_481], %broadcast_in_dim3A_2 {strides = array<i32>} : memref<16384xf32, #tpu.memory_space<vmem>>, vector<16xf32>,
    %swap3A_483 = arith.constant 7664 : index
    %swap3A_484 = tpu.vector_load %arg6[%swap3A_483] {strides = array<i32>} : memref<16384xf32, #tpu.memory_space<vmem>>, vector<16xf32>,
    tpu.vector_store %arg6[%swap3A_483], %broadcast_in_dim3A_2 {strides = array<i32>} : memref<16384xf32, #tpu.memory_space<vmem>>, vector<16xf32>,
    %swap3A_485 = arith.constant 7680 : index
    %swap3A_486 = tpu.vector_load %arg6[%swap3A_485] {strides = array<i32>} : memref<16384xf32, #tpu.memory_space<vmem>>, vector<16xf32>,
    tpu.vector_store %arg6[%swap3A_485], %broadcast_in_dim3A_2 {strides = array<i32>} : memref<16384xf32, #tpu.memory_space<vmem>>, vector<16xf32>,
    %swap3A_487 = arith.constant 7872 : index
    %swap3A_488 = tpu.vector_load %arg6[%swap3A_487] {strides = array<i32>} : memref<16384xf32, #tpu.memory_space<vmem>>, vector<16xf32>,
    tpu.vector_store %arg6[%swap3A_487], %broadcast_in_dim3A_2 {strides = array<i32>} : memref<16384xf32, #tpu.memory_space<vmem>>, vector<16xf32>,
    %swap3A_489 = arith.constant 7696 : index
    %swap3A_490 = tpu.vector_load %arg6[%swap3A_489] {strides = array<i32>} : memref<16384xf32, #tpu.memory_space<vmem>>, vector<16xf32>,
    tpu.vector_store %arg6[%swap3A_489], %broadcast_in_dim3A_2 {strides = array<i32>} : memref<16384xf32, #tpu.memory_space<vmem>>, vector<16xf32>,
    %swap3A_491 = arith.constant 7888 : index
    %swap3A_492 = tpu.vector_load %arg6[%swap3A_491] {strides = array<i32>} : memref<16384xf32, #tpu.memory_space<vmem>>, vector<16xf32>,
    tpu.vector_store %arg6[%swap3A_491], %broadcast_in_dim3A_2 {strides = array<i32>} : memref<16384xf32, #tpu.memory_space<vmem>>, vector<16xf32>,
    %swap3A_493 = arith.constant 7712 : index
    %swap3A_494 = tpu.vector_load %arg6[%swap3A_493] {strides = array<i32>} : memref<16384xf32, #tpu.memory_space<vmem>>, vector<16xf32>,
    tpu.vector_store %arg6[%swap3A_493], %broadcast_in_dim3A_2 {strides = array<i32>} : memref<16384xf32, #tpu.memory_space<vmem>>, vector<16xf32>,
    %swap3A_495 = arith.constant 7904 : index
    %swap3A_496 = tpu.vector_load %arg6[%swap3A_495] {strides = array<i32>} : memref<16384xf32, #tpu.memory_space<vmem>>, vector<16xf32>,
    tpu.vector_store %arg6[%swap3A_495], %broadcast_in_dim3A_2 {strides = array<i32>} : memref<16384xf32, #tpu.memory_space<vmem>>, vector<16xf32>,
    %swap3A_497 = arith.constant 7728 : index
    %swap3A_498 = tpu.vector_load %arg6[%swap3A_497] {strides = array<i32>} : memref<16384xf32, #tpu.memory_space<vmem>>, vector<16xf32>,
    tpu.vector_store %arg6[%swap3A_497], %broadcast_in_dim3A_2 {strides = array<i32>} : memref<16384xf32, #tpu.memory_space<vmem>>, vector<16xf32>,
    %swap3A_499 = arith.constant 7920 : index
    %swap3A_500 = tpu.vector_load %arg6[%swap3A_499] {strides = array<i32>} : memref<16384xf32, #tpu.memory_space<vmem>>, vector<16xf32>,
    tpu.vector_store %arg6[%swap3A_499], %broadcast_in_dim3A_2 {strides = array<i32>} : memref<16384xf32, #tpu.memory_space<vmem>>, vector<16xf32>,
    %swap3A_501 = arith.constant 7936 : index
    %swap3A_502 = tpu.vector_load %arg6[%swap3A_501] {strides = array<i32>} : memref<16384xf32, #tpu.memory_space<vmem>>, vector<16xf32>,
    tpu.vector_store %arg6[%swap3A_501], %broadcast_in_dim3A_2 {strides = array<i32>} : memref<16384xf32, #tpu.memory_space<vmem>>, vector<16xf32>,
    %swap3A_503 = arith.constant 8128 : index
    %swap3A_504 = tpu.vector_load %arg6[%swap3A_503] {strides = array<i32>} : memref<16384xf32, #tpu.memory_space<vmem>>, vector<16xf32>,
    tpu.vector_store %arg6[%swap3A_503], %broadcast_in_dim3A_2 {strides = array<i32>} : memref<16384xf32, #tpu.memory_space<vmem>>, vector<16xf32>,
    %swap3A_505 = arith.constant 7952 : index
    %swap3A_506 = tpu.vector_load %arg6[%swap3A_505] {strides = array<i32>} : memref<16384xf32, #tpu.memory_space<vmem>>, vector<16xf32>,
    tpu.vector_store %arg6[%swap3A_505], %broadcast_in_dim3A_2 {strides = array<i32>} : memref<16384xf32, #tpu.memory_space<vmem>>, vector<16xf32>,
    %swap3A_507 = arith.constant 8144 : index
    %swap3A_508 = tpu.vector_load %arg6[%swap3A_507] {strides = array<i32>} : memref<16384xf32, #tpu.memory_space<vmem>>, vector<16xf32>,
    tpu.vector_store %arg6[%swap3A_507], %broadcast_in_dim3A_2 {strides = array<i32>} : memref<16384xf32, #tpu.memory_space<vmem>>, vector<16xf32>,
    %swap3A_509 = arith.constant 7968 : index
    %swap3A_510 = tpu.vector_load %arg6[%swap3A_509] {strides = array<i32>} : memref<16384xf32, #tpu.memory_space<vmem>>, vector<16xf32>,
    tpu.vector_store %arg6[%swap3A_509], %broadcast_in_dim3A_2 {strides = array<i32>} : memref<16384xf32, #tpu.memory_space<vmem>>, vector<16xf32>,
    %swap3A_511 = arith.constant 8160 : index
    %swap3A_512 = tpu.vector_load %arg6[%swap3A_511] {strides = array<i32>} : memref<16384xf32, #tpu.memory_space<vmem>>, vector<16xf32>,
    tpu.vector_store %arg6[%swap3A_511], %broadcast_in_dim3A_2 {strides = array<i32>} : memref<16384xf32, #tpu.memory_space<vmem>>, vector<16xf32>,
    %swap3A_513 = arith.constant 7984 : index
    %swap3A_514 = tpu.vector_load %arg6[%swap3A_513] {strides = array<i32>} : memref<16384xf32, #tpu.memory_space<vmem>>, vector<16xf32>,
    tpu.vector_store %arg6[%swap3A_513], %broadcast_in_dim3A_2 {strides = array<i32>} : memref<16384xf32, #tpu.memory_space<vmem>>, vector<16xf32>,
    %swap3A_515 = arith.constant 8176 : index
    %swap3A_516 = tpu.vector_load %arg6[%swap3A_515] {strides = array<i32>} : memref<16384xf32, #tpu.memory_space<vmem>>, vector<16xf32>,
    tpu.vector_store %arg6[%swap3A_515], %broadcast_in_dim3A_2 {strides = array<i32>} : memref<16384xf32, #tpu.memory_space<vmem>>, vector<16xf32>,
    %swap3A_517 = arith.constant 8192 : index
    %swap3A_518 = tpu.vector_load %arg6[%swap3A_517] {strides = array<i32>} : memref<16384xf32, #tpu.memory_space<vmem>>, vector<16xf32>,
    tpu.vector_store %arg6[%swap3A_517], %broadcast_in_dim3A_2 {strides = array<i32>} : memref<16384xf32, #tpu.memory_space<vmem>>, vector<16xf32>,
    %swap3A_519 = arith.constant 8384 : index
    %swap3A_520 = tpu.vector_load %arg6[%swap3A_519] {strides = array<i32>} : memref<16384xf32, #tpu.memory_space<vmem>>, vector<16xf32>,
    tpu.vector_store %arg6[%swap3A_519], %broadcast_in_dim3A_2 {strides = array<i32>} : memref<16384xf32, #tpu.memory_space<vmem>>, vector<16xf32>,
    %swap3A_521 = arith.constant 8208 : index
    %swap3A_522 = tpu.vector_load %arg6[%swap3A_521] {strides = array<i32>} : memref<16384xf32, #tpu.memory_space<vmem>>, vector<16xf32>,
    tpu.vector_store %arg6[%swap3A_521], %broadcast_in_dim3A_2 {strides = array<i32>} : memref<16384xf32, #tpu.memory_space<vmem>>, vector<16xf32>,
    %swap3A_523 = arith.constant 8400 : index
    %swap3A_524 = tpu.vector_load %arg6[%swap3A_523] {strides = array<i32>} : memref<16384xf32, #tpu.memory_space<vmem>>, vector<16xf32>,
    tpu.vector_store %arg6[%swap3A_523], %broadcast_in_dim3A_2 {strides = array<i32>} : memref<16384xf32, #tpu.memory_space<vmem>>, vector<16xf32>,
    %swap3A_525 = arith.constant 8224 : index
    %swap3A_526 = tpu.vector_load %arg6[%swap3A_525] {strides = array<i32>} : memref<16384xf32, #tpu.memory_space<vmem>>, vector<16xf32>,
    tpu.vector_store %arg6[%swap3A_525], %broadcast_in_dim3A_2 {strides = array<i32>} : memref<16384xf32, #tpu.memory_space<vmem>>, vector<16xf32>,
    %swap3A_527 = arith.constant 8416 : index
    %swap3A_528 = tpu.vector_load %arg6[%swap3A_527] {strides = array<i32>} : memref<16384xf32, #tpu.memory_space<vmem>>, vector<16xf32>,
    tpu.vector_store %arg6[%swap3A_527], %broadcast_in_dim3A_2 {strides = array<i32>} : memref<16384xf32, #tpu.memory_space<vmem>>, vector<16xf32>,
    %swap3A_529 = arith.constant 8240 : index
    %swap3A_530 = tpu.vector_load %arg6[%swap3A_529] {strides = array<i32>} : memref<16384xf32, #tpu.memory_space<vmem>>, vector<16xf32>,
    tpu.vector_store %arg6[%swap3A_529], %broadcast_in_dim3A_2 {strides = array<i32>} : memref<16384xf32, #tpu.memory_space<vmem>>, vector<16xf32>,
    %swap3A_531 = arith.constant 8432 : index
    %swap3A_532 = tpu.vector_load %arg6[%swap3A_531] {strides = array<i32>} : memref<16384xf32, #tpu.memory_space<vmem>>, vector<16xf32>,
    tpu.vector_store %arg6[%swap3A_531], %broadcast_in_dim3A_2 {strides = array<i32>} : memref<16384xf32, #tpu.memory_space<vmem>>, vector<16xf32>,
    %swap3A_533 = arith.constant 8448 : index
    %swap3A_534 = tpu.vector_load %arg6[%swap3A_533] {strides = array<i32>} : memref<16384xf32, #tpu.memory_space<vmem>>, vector<16xf32>,
    tpu.vector_store %arg6[%swap3A_533], %broadcast_in_dim3A_2 {strides = array<i32>} : memref<16384xf32, #tpu.memory_space<vmem>>, vector<16xf32>,
    %swap3A_535 = arith.constant 8640 : index
    %swap3A_536 = tpu.vector_load %arg6[%swap3A_535] {strides = array<i32>} : memref<16384xf32, #tpu.memory_space<vmem>>, vector<16xf32>,
    tpu.vector_store %arg6[%swap3A_535], %broadcast_in_dim3A_2 {strides = array<i32>} : memref<16384xf32, #tpu.memory_space<vmem>>, vector<16xf32>,
    %swap3A_537 = arith.constant 8464 : index
    %swap3A_538 = tpu.vector_load %arg6[%swap3A_537] {strides = array<i32>} : memref<16384xf32, #tpu.memory_space<vmem>>, vector<16xf32>,
    tpu.vector_store %arg6[%swap3A_537], %broadcast_in_dim3A_2 {strides = array<i32>} : memref<16384xf32, #tpu.memory_space<vmem>>, vector<16xf32>,
    %swap3A_539 = arith.constant 8656 : index
    %swap3A_540 = tpu.vector_load %arg6[%swap3A_539] {strides = array<i32>} : memref<16384xf32, #tpu.memory_space<vmem>>, vector<16xf32>,
    tpu.vector_store %arg6[%swap3A_539], %broadcast_in_dim3A_2 {strides = array<i32>} : memref<16384xf32, #tpu.memory_space<vmem>>, vector<16xf32>,
    %swap3A_541 = arith.constant 8480 : index
    %swap3A_542 = tpu.vector_load %arg6[%swap3A_541] {strides = array<i32>} : memref<16384xf32, #tpu.memory_space<vmem>>, vector<16xf32>,
    tpu.vector_store %arg6[%swap3A_541], %broadcast_in_dim3A_2 {strides = array<i32>} : memref<16384xf32, #tpu.memory_space<vmem>>, vector<16xf32>,
    %swap3A_543 = arith.constant 8672 : index
    %swap3A_544 = tpu.vector_load %arg6[%swap3A_543] {strides = array<i32>} : memref<16384xf32, #tpu.memory_space<vmem>>, vector<16xf32>,
    tpu.vector_store %arg6[%swap3A_543], %broadcast_in_dim3A_2 {strides = array<i32>} : memref<16384xf32, #tpu.memory_space<vmem>>, vector<16xf32>,
    %swap3A_545 = arith.constant 8496 : index
    %swap3A_546 = tpu.vector_load %arg6[%swap3A_545] {strides = array<i32>} : memref<16384xf32, #tpu.memory_space<vmem>>, vector<16xf32>,
    tpu.vector_store %arg6[%swap3A_545], %broadcast_in_dim3A_2 {strides = array<i32>} : memref<16384xf32, #tpu.memory_space<vmem>>, vector<16xf32>,
    %swap3A_547 = arith.constant 8688 : index
    %swap3A_548 = tpu.vector_load %arg6[%swap3A_547] {strides = array<i32>} : memref<16384xf32, #tpu.memory_space<vmem>>, vector<16xf32>,
    tpu.vector_store %arg6[%swap3A_547], %broadcast_in_dim3A_2 {strides = array<i32>} : memref<16384xf32, #tpu.memory_space<vmem>>, vector<16xf32>,
    %swap3A_549 = arith.constant 8704 : index
    %swap3A_550 = tpu.vector_load %arg6[%swap3A_549] {strides = array<i32>} : memref<16384xf32, #tpu.memory_space<vmem>>, vector<16xf32>,
    tpu.vector_store %arg6[%swap3A_549], %broadcast_in_dim3A_2 {strides = array<i32>} : memref<16384xf32, #tpu.memory_space<vmem>>, vector<16xf32>,
    %swap3A_551 = arith.constant 8896 : index
    %swap3A_552 = tpu.vector_load %arg6[%swap3A_551] {strides = array<i32>} : memref<16384xf32, #tpu.memory_space<vmem>>, vector<16xf32>,
    tpu.vector_store %arg6[%swap3A_551], %broadcast_in_dim3A_2 {strides = array<i32>} : memref<16384xf32, #tpu.memory_space<vmem>>, vector<16xf32>,
    %swap3A_553 = arith.constant 8720 : index
    %swap3A_554 = tpu.vector_load %arg6[%swap3A_553] {strides = array<i32>} : memref<16384xf32, #tpu.memory_space<vmem>>, vector<16xf32>,
    tpu.vector_store %arg6[%swap3A_553], %broadcast_in_dim3A_2 {strides = array<i32>} : memref<16384xf32, #tpu.memory_space<vmem>>, vector<16xf32>,
    %swap3A_555 = arith.constant 8912 : index
    %swap3A_556 = tpu.vector_load %arg6[%swap3A_555] {strides = array<i32>} : memref<16384xf32, #tpu.memory_space<vmem>>, vector<16xf32>,
    tpu.vector_store %arg6[%swap3A_555], %broadcast_in_dim3A_2 {strides = array<i32>} : memref<16384xf32, #tpu.memory_space<vmem>>, vector<16xf32>,
    %swap3A_557 = arith.constant 8736 : index
    %swap3A_558 = tpu.vector_load %arg6[%swap3A_557] {strides = array<i32>} : memref<16384xf32, #tpu.memory_space<vmem>>, vector<16xf32>,
    tpu.vector_store %arg6[%swap3A_557], %broadcast_in_dim3A_2 {strides = array<i32>} : memref<16384xf32, #tpu.memory_space<vmem>>, vector<16xf32>,
    %swap3A_559 = arith.constant 8928 : index
    %swap3A_560 = tpu.vector_load %arg6[%swap3A_559] {strides = array<i32>} : memref<16384xf32, #tpu.memory_space<vmem>>, vector<16xf32>,
    tpu.vector_store %arg6[%swap3A_559], %broadcast_in_dim3A_2 {strides = array<i32>} : memref<16384xf32, #tpu.memory_space<vmem>>, vector<16xf32>,
    %swap3A_561 = arith.constant 8752 : index
    %swap3A_562 = tpu.vector_load %arg6[%swap3A_561] {strides = array<i32>} : memref<16384xf32, #tpu.memory_space<vmem>>, vector<16xf32>,
    tpu.vector_store %arg6[%swap3A_561], %broadcast_in_dim3A_2 {strides = array<i32>} : memref<16384xf32, #tpu.memory_space<vmem>>, vector<16xf32>,
    %swap3A_563 = arith.constant 8944 : index
    %swap3A_564 = tpu.vector_load %arg6[%swap3A_563] {strides = array<i32>} : memref<16384xf32, #tpu.memory_space<vmem>>, vector<16xf32>,
    tpu.vector_store %arg6[%swap3A_563], %broadcast_in_dim3A_2 {strides = array<i32>} : memref<16384xf32, #tpu.memory_space<vmem>>, vector<16xf32>,
    %swap3A_565 = arith.constant 8960 : index
    %swap3A_566 = tpu.vector_load %arg6[%swap3A_565] {strides = array<i32>} : memref<16384xf32, #tpu.memory_space<vmem>>, vector<16xf32>,
    tpu.vector_store %arg6[%swap3A_565], %broadcast_in_dim3A_2 {strides = array<i32>} : memref<16384xf32, #tpu.memory_space<vmem>>, vector<16xf32>,
    %swap3A_567 = arith.constant 9152 : index
    %swap3A_568 = tpu.vector_load %arg6[%swap3A_567] {strides = array<i32>} : memref<16384xf32, #tpu.memory_space<vmem>>, vector<16xf32>,
    tpu.vector_store %arg6[%swap3A_567], %broadcast_in_dim3A_2 {strides = array<i32>} : memref<16384xf32, #tpu.memory_space<vmem>>, vector<16xf32>,
    %swap3A_569 = arith.constant 8976 : index
    %swap3A_570 = tpu.vector_load %arg6[%swap3A_569] {strides = array<i32>} : memref<16384xf32, #tpu.memory_space<vmem>>, vector<16xf32>,
    tpu.vector_store %arg6[%swap3A_569], %broadcast_in_dim3A_2 {strides = array<i32>} : memref<16384xf32, #tpu.memory_space<vmem>>, vector<16xf32>,
    %swap3A_571 = arith.constant 9168 : index
    %swap3A_572 = tpu.vector_load %arg6[%swap3A_571] {strides = array<i32>} : memref<16384xf32, #tpu.memory_space<vmem>>, vector<16xf32>,
    tpu.vector_store %arg6[%swap3A_571], %broadcast_in_dim3A_2 {strides = array<i32>} : memref<16384xf32, #tpu.memory_space<vmem>>, vector<16xf32>,
    %swap3A_573 = arith.constant 8992 : index
    %swap3A_574 = tpu.vector_load %arg6[%swap3A_573] {strides = array<i32>} : memref<16384xf32, #tpu.memory_space<vmem>>, vector<16xf32>,
    tpu.vector_store %arg6[%swap3A_573], %broadcast_in_dim3A_2 {strides = array<i32>} : memref<16384xf32, #tpu.memory_space<vmem>>, vector<16xf32>,
    %swap3A_575 = arith.constant 9184 : index
    %swap3A_576 = tpu.vector_load %arg6[%swap3A_575] {strides = array<i32>} : memref<16384xf32, #tpu.memory_space<vmem>>, vector<16xf32>,
    tpu.vector_store %arg6[%swap3A_575], %broadcast_in_dim3A_2 {strides = array<i32>} : memref<16384xf32, #tpu.memory_space<vmem>>, vector<16xf32>,
    %swap3A_577 = arith.constant 9008 : index
    %swap3A_578 = tpu.vector_load %arg6[%swap3A_577] {strides = array<i32>} : memref<16384xf32, #tpu.memory_space<vmem>>, vector<16xf32>,
    tpu.vector_store %arg6[%swap3A_577], %broadcast_in_dim3A_2 {strides = array<i32>} : memref<16384xf32, #tpu.memory_space<vmem>>, vector<16xf32>,
    %swap3A_579 = arith.constant 9200 : index
    %swap3A_580 = tpu.vector_load %arg6[%swap3A_579] {strides = array<i32>} : memref<16384xf32, #tpu.memory_space<vmem>>, vector<16xf32>,
    tpu.vector_store %arg6[%swap3A_579], %broadcast_in_dim3A_2 {strides = array<i32>} : memref<16384xf32, #tpu.memory_space<vmem>>, vector<16xf32>,
    %swap3A_581 = arith.constant 9216 : index
    %swap3A_582 = tpu.vector_load %arg6[%swap3A_581] {strides = array<i32>} : memref<16384xf32, #tpu.memory_space<vmem>>, vector<16xf32>,
    tpu.vector_store %arg6[%swap3A_581], %broadcast_in_dim3A_2 {strides = array<i32>} : memref<16384xf32, #tpu.memory_space<vmem>>, vector<16xf32>,
    %swap3A_583 = arith.constant 9408 : index
    %swap3A_584 = tpu.vector_load %arg6[%swap3A_583] {strides = array<i32>} : memref<16384xf32, #tpu.memory_space<vmem>>, vector<16xf32>,
    tpu.vector_store %arg6[%swap3A_583], %broadcast_in_dim3A_2 {strides = array<i32>} : memref<16384xf32, #tpu.memory_space<vmem>>, vector<16xf32>,
    %swap3A_585 = arith.constant 9232 : index
    %swap3A_586 = tpu.vector_load %arg6[%swap3A_585] {strides = array<i32>} : memref<16384xf32, #tpu.memory_space<vmem>>, vector<16xf32>,
    tpu.vector_store %arg6[%swap3A_585], %broadcast_in_dim3A_2 {strides = array<i32>} : memref<16384xf32, #tpu.memory_space<vmem>>, vector<16xf32>,
    %swap3A_587 = arith.constant 9424 : index
    %swap3A_588 = tpu.vector_load %arg6[%swap3A_587] {strides = array<i32>} : memref<16384xf32, #tpu.memory_space<vmem>>, vector<16xf32>,
    tpu.vector_store %arg6[%swap3A_587], %broadcast_in_dim3A_2 {strides = array<i32>} : memref<16384xf32, #tpu.memory_space<vmem>>, vector<16xf32>,
    %swap3A_589 = arith.constant 9248 : index
    %swap3A_590 = tpu.vector_load %arg6[%swap3A_589] {strides = array<i32>} : memref<16384xf32, #tpu.memory_space<vmem>>, vector<16xf32>,
    tpu.vector_store %arg6[%swap3A_589], %broadcast_in_dim3A_2 {strides = array<i32>} : memref<16384xf32, #tpu.memory_space<vmem>>, vector<16xf32>,
    %swap3A_591 = arith.constant 9440 : index
    %swap3A_592 = tpu.vector_load %arg6[%swap3A_591] {strides = array<i32>} : memref<16384xf32, #tpu.memory_space<vmem>>, vector<16xf32>,
    tpu.vector_store %arg6[%swap3A_591], %broadcast_in_dim3A_2 {strides = array<i32>} : memref<16384xf32, #tpu.memory_space<vmem>>, vector<16xf32>,
    %swap3A_593 = arith.constant 9264 : index
    %swap3A_594 = tpu.vector_load %arg6[%swap3A_593] {strides = array<i32>} : memref<16384xf32, #tpu.memory_space<vmem>>, vector<16xf32>,
    tpu.vector_store %arg6[%swap3A_593], %broadcast_in_dim3A_2 {strides = array<i32>} : memref<16384xf32, #tpu.memory_space<vmem>>, vector<16xf32>,
    %swap3A_595 = arith.constant 9456 : index
    %swap3A_596 = tpu.vector_load %arg6[%swap3A_595] {strides = array<i32>} : memref<16384xf32, #tpu.memory_space<vmem>>, vector<16xf32>,
    tpu.vector_store %arg6[%swap3A_595], %broadcast_in_dim3A_2 {strides = array<i32>} : memref<16384xf32, #tpu.memory_space<vmem>>, vector<16xf32>,
    %swap3A_597 = arith.constant 9472 : index
    %swap3A_598 = tpu.vector_load %arg6[%swap3A_597] {strides = array<i32>} : memref<16384xf32, #tpu.memory_space<vmem>>, vector<16xf32>,
    tpu.vector_store %arg6[%swap3A_597], %broadcast_in_dim3A_2 {strides = array<i32>} : memref<16384xf32, #tpu.memory_space<vmem>>, vector<16xf32>,
    %swap3A_599 = arith.constant 9664 : index
    %swap3A_600 = tpu.vector_load %arg6[%swap3A_599] {strides = array<i32>} : memref<16384xf32, #tpu.memory_space<vmem>>, vector<16xf32>,
    tpu.vector_store %arg6[%swap3A_599], %broadcast_in_dim3A_2 {strides = array<i32>} : memref<16384xf32, #tpu.memory_space<vmem>>, vector<16xf32>,
    %swap3A_601 = arith.constant 9488 : index
    %swap3A_602 = tpu.vector_load %arg6[%swap3A_601] {strides = array<i32>} : memref<16384xf32, #tpu.memory_space<vmem>>, vector<16xf32>,
    tpu.vector_store %arg6[%swap3A_601], %broadcast_in_dim3A_2 {strides = array<i32>} : memref<16384xf32, #tpu.memory_space<vmem>>, vector<16xf32>,
    %swap3A_603 = arith.constant 9680 : index
    %swap3A_604 = tpu.vector_load %arg6[%swap3A_603] {strides = array<i32>} : memref<16384xf32, #tpu.memory_space<vmem>>, vector<16xf32>,
    tpu.vector_store %arg6[%swap3A_603], %broadcast_in_dim3A_2 {strides = array<i32>} : memref<16384xf32, #tpu.memory_space<vmem>>, vector<16xf32>,
    %swap3A_605 = arith.constant 9504 : index
    %swap3A_606 = tpu.vector_load %arg6[%swap3A_605] {strides = array<i32>} : memref<16384xf32, #tpu.memory_space<vmem>>, vector<16xf32>,
    tpu.vector_store %arg6[%swap3A_605], %broadcast_in_dim3A_2 {strides = array<i32>} : memref<16384xf32, #tpu.memory_space<vmem>>, vector<16xf32>,
    %swap3A_607 = arith.constant 9696 : index
    %swap3A_608 = tpu.vector_load %arg6[%swap3A_607] {strides = array<i32>} : memref<16384xf32, #tpu.memory_space<vmem>>, vector<16xf32>,
    tpu.vector_store %arg6[%swap3A_607], %broadcast_in_dim3A_2 {strides = array<i32>} : memref<16384xf32, #tpu.memory_space<vmem>>, vector<16xf32>,
    %swap3A_609 = arith.constant 9520 : index
    %swap3A_610 = tpu.vector_load %arg6[%swap3A_609] {strides = array<i32>} : memref<16384xf32, #tpu.memory_space<vmem>>, vector<16xf32>,
    tpu.vector_store %arg6[%swap3A_609], %broadcast_in_dim3A_2 {strides = array<i32>} : memref<16384xf32, #tpu.memory_space<vmem>>, vector<16xf32>,
    %swap3A_611 = arith.constant 9712 : index
    %swap3A_612 = tpu.vector_load %arg6[%swap3A_611] {strides = array<i32>} : memref<16384xf32, #tpu.memory_space<vmem>>, vector<16xf32>,
    tpu.vector_store %arg6[%swap3A_611], %broadcast_in_dim3A_2 {strides = array<i32>} : memref<16384xf32, #tpu.memory_space<vmem>>, vector<16xf32>,
    %swap3A_613 = arith.constant 9728 : index
    %swap3A_614 = tpu.vector_load %arg6[%swap3A_613] {strides = array<i32>} : memref<16384xf32, #tpu.memory_space<vmem>>, vector<16xf32>,
    tpu.vector_store %arg6[%swap3A_613], %broadcast_in_dim3A_2 {strides = array<i32>} : memref<16384xf32, #tpu.memory_space<vmem>>, vector<16xf32>,
    %swap3A_615 = arith.constant 9920 : index
    %swap3A_616 = tpu.vector_load %arg6[%swap3A_615] {strides = array<i32>} : memref<16384xf32, #tpu.memory_space<vmem>>, vector<16xf32>,
    tpu.vector_store %arg6[%swap3A_615], %broadcast_in_dim3A_2 {strides = array<i32>} : memref<16384xf32, #tpu.memory_space<vmem>>, vector<16xf32>,
    %swap3A_617 = arith.constant 9744 : index
    %swap3A_618 = tpu.vector_load %arg6[%swap3A_617] {strides = array<i32>} : memref<16384xf32, #tpu.memory_space<vmem>>, vector<16xf32>,
    tpu.vector_store %arg6[%swap3A_617], %broadcast_in_dim3A_2 {strides = array<i32>} : memref<16384xf32, #tpu.memory_space<vmem>>, vector<16xf32>,
    %swap3A_619 = arith.constant 9936 : index
    %swap3A_620 = tpu.vector_load %arg6[%swap3A_619] {strides = array<i32>} : memref<16384xf32, #tpu.memory_space<vmem>>, vector<16xf32>,
    tpu.vector_store %arg6[%swap3A_619], %broadcast_in_dim3A_2 {strides = array<i32>} : memref<16384xf32, #tpu.memory_space<vmem>>, vector<16xf32>,
    %swap3A_621 = arith.constant 9760 : index
    %swap3A_622 = tpu.vector_load %arg6[%swap3A_621] {strides = array<i32>} : memref<16384xf32, #tpu.memory_space<vmem>>, vector<16xf32>,
    tpu.vector_store %arg6[%swap3A_621], %broadcast_in_dim3A_2 {strides = array<i32>} : memref<16384xf32, #tpu.memory_space<vmem>>, vector<16xf32>,
    %swap3A_623 = arith.constant 9952 : index
    %swap3A_624 = tpu.vector_load %arg6[%swap3A_623] {strides = array<i32>} : memref<16384xf32, #tpu.memory_space<vmem>>, vector<16xf32>,
    tpu.vector_store %arg6[%swap3A_623], %broadcast_in_dim3A_2 {strides = array<i32>} : memref<16384xf32, #tpu.memory_space<vmem>>, vector<16xf32>,
    %swap3A_625 = arith.constant 9776 : index
    %swap3A_626 = tpu.vector_load %arg6[%swap3A_625] {strides = array<i32>} : memref<16384xf32, #tpu.memory_space<vmem>>, vector<16xf32>,
    tpu.vector_store %arg6[%swap3A_625], %broadcast_in_dim3A_2 {strides = array<i32>} : memref<16384xf32, #tpu.memory_space<vmem>>, vector<16xf32>,
    %swap3A_627 = arith.constant 9968 : index
    %swap3A_628 = tpu.vector_load %arg6[%swap3A_627] {strides = array<i32>} : memref<16384xf32, #tpu.memory_space<vmem>>, vector<16xf32>,
    tpu.vector_store %arg6[%swap3A_627], %broadcast_in_dim3A_2 {strides = array<i32>} : memref<16384xf32, #tpu.memory_space<vmem>>, vector<16xf32>,
    %swap3A_629 = arith.constant 9984 : index
    %swap3A_630 = tpu.vector_load %arg6[%swap3A_629] {strides = array<i32>} : memref<16384xf32, #tpu.memory_space<vmem>>, vector<16xf32>,
    tpu.vector_store %arg6[%swap3A_629], %broadcast_in_dim3A_2 {strides = array<i32>} : memref<16384xf32, #tpu.memory_space<vmem>>, vector<16xf32>,
    %swap3A_631 = arith.constant 10176 : index
    %swap3A_632 = tpu.vector_load %arg6[%swap3A_631] {strides = array<i32>} : memref<16384xf32, #tpu.memory_space<vmem>>, vector<16xf32>,
    tpu.vector_store %arg6[%swap3A_631], %broadcast_in_dim3A_2 {strides = array<i32>} : memref<16384xf32, #tpu.memory_space<vmem>>, vector<16xf32>,
    %swap3A_633 = arith.constant 10000 : index
    %swap3A_634 = tpu.vector_load %arg6[%swap3A_633] {strides = array<i32>} : memref<16384xf32, #tpu.memory_space<vmem>>, vector<16xf32>,
    tpu.vector_store %arg6[%swap3A_633], %broadcast_in_dim3A_2 {strides = array<i32>} : memref<16384xf32, #tpu.memory_space<vmem>>, vector<16xf32>,
    %swap3A_635 = arith.constant 10192 : index
    %swap3A_636 = tpu.vector_load %arg6[%swap3A_635] {strides = array<i32>} : memref<16384xf32, #tpu.memory_space<vmem>>, vector<16xf32>,
    tpu.vector_store %arg6[%swap3A_635], %broadcast_in_dim3A_2 {strides = array<i32>} : memref<16384xf32, #tpu.memory_space<vmem>>, vector<16xf32>,
    %swap3A_637 = arith.constant 10016 : index
    %swap3A_638 = tpu.vector_load %arg6[%swap3A_637] {strides = array<i32>} : memref<16384xf32, #tpu.memory_space<vmem>>, vector<16xf32>,
    tpu.vector_store %arg6[%swap3A_637], %broadcast_in_dim3A_2 {strides = array<i32>} : memref<16384xf32, #tpu.memory_space<vmem>>, vector<16xf32>,
    %swap3A_639 = arith.constant 10208 : index
    %swap3A_640 = tpu.vector_load %arg6[%swap3A_639] {strides = array<i32>} : memref<16384xf32, #tpu.memory_space<vmem>>, vector<16xf32>,
    tpu.vector_store %arg6[%swap3A_639], %broadcast_in_dim3A_2 {strides = array<i32>} : memref<16384xf32, #tpu.memory_space<vmem>>, vector<16xf32>,
    %swap3A_641 = arith.constant 10032 : index
    %swap3A_642 = tpu.vector_load %arg6[%swap3A_641] {strides = array<i32>} : memref<16384xf32, #tpu.memory_space<vmem>>, vector<16xf32>,
    tpu.vector_store %arg6[%swap3A_641], %broadcast_in_dim3A_2 {strides = array<i32>} : memref<16384xf32, #tpu.memory_space<vmem>>, vector<16xf32>,
    %swap3A_643 = arith.constant 10224 : index
    %swap3A_644 = tpu.vector_load %arg6[%swap3A_643] {strides = array<i32>} : memref<16384xf32, #tpu.memory_space<vmem>>, vector<16xf32>,
    tpu.vector_store %arg6[%swap3A_643], %broadcast_in_dim3A_2 {strides = array<i32>} : memref<16384xf32, #tpu.memory_space<vmem>>, vector<16xf32>,
    %swap3A_645 = arith.constant 10240 : index
    %swap3A_646 = tpu.vector_load %arg6[%swap3A_645] {strides = array<i32>} : memref<16384xf32, #tpu.memory_space<vmem>>, vector<16xf32>,
    tpu.vector_store %arg6[%swap3A_645], %broadcast_in_dim3A_2 {strides = array<i32>} : memref<16384xf32, #tpu.memory_space<vmem>>, vector<16xf32>,
    %swap3A_647 = arith.constant 10432 : index
    %swap3A_648 = tpu.vector_load %arg6[%swap3A_647] {strides = array<i32>} : memref<16384xf32, #tpu.memory_space<vmem>>, vector<16xf32>,
    tpu.vector_store %arg6[%swap3A_647], %broadcast_in_dim3A_2 {strides = array<i32>} : memref<16384xf32, #tpu.memory_space<vmem>>, vector<16xf32>,
    %swap3A_649 = arith.constant 10256 : index
    %swap3A_650 = tpu.vector_load %arg6[%swap3A_649] {strides = array<i32>} : memref<16384xf32, #tpu.memory_space<vmem>>, vector<16xf32>,
    tpu.vector_store %arg6[%swap3A_649], %broadcast_in_dim3A_2 {strides = array<i32>} : memref<16384xf32, #tpu.memory_space<vmem>>, vector<16xf32>,
    %swap3A_651 = arith.constant 10448 : index
    %swap3A_652 = tpu.vector_load %arg6[%swap3A_651] {strides = array<i32>} : memref<16384xf32, #tpu.memory_space<vmem>>, vector<16xf32>,
    tpu.vector_store %arg6[%swap3A_651], %broadcast_in_dim3A_2 {strides = array<i32>} : memref<16384xf32, #tpu.memory_space<vmem>>, vector<16xf32>,
    %swap3A_653 = arith.constant 10272 : index
    %swap3A_654 = tpu.vector_load %arg6[%swap3A_653] {strides = array<i32>} : memref<16384xf32, #tpu.memory_space<vmem>>, vector<16xf32>,
    tpu.vector_store %arg6[%swap3A_653], %broadcast_in_dim3A_2 {strides = array<i32>} : memref<16384xf32, #tpu.memory_space<vmem>>, vector<16xf32>,
    %swap3A_655 = arith.constant 10464 : index
    %swap3A_656 = tpu.vector_load %arg6[%swap3A_655] {strides = array<i32>} : memref<16384xf32, #tpu.memory_space<vmem>>, vector<16xf32>,
    tpu.vector_store %arg6[%swap3A_655], %broadcast_in_dim3A_2 {strides = array<i32>} : memref<16384xf32, #tpu.memory_space<vmem>>, vector<16xf32>,
    %swap3A_657 = arith.constant 10288 : index
    %swap3A_658 = tpu.vector_load %arg6[%swap3A_657] {strides = array<i32>} : memref<16384xf32, #tpu.memory_space<vmem>>, vector<16xf32>,
    tpu.vector_store %arg6[%swap3A_657], %broadcast_in_dim3A_2 {strides = array<i32>} : memref<16384xf32, #tpu.memory_space<vmem>>, vector<16xf32>,
    %swap3A_659 = arith.constant 10480 : index
    %swap3A_660 = tpu.vector_load %arg6[%swap3A_659] {strides = array<i32>} : memref<16384xf32, #tpu.memory_space<vmem>>, vector<16xf32>,
    tpu.vector_store %arg6[%swap3A_659], %broadcast_in_dim3A_2 {strides = array<i32>} : memref<16384xf32, #tpu.memory_space<vmem>>, vector<16xf32>,
    %swap3A_661 = arith.constant 10496 : index
    %swap3A_662 = tpu.vector_load %arg6[%swap3A_661] {strides = array<i32>} : memref<16384xf32, #tpu.memory_space<vmem>>, vector<16xf32>,
    tpu.vector_store %arg6[%swap3A_661], %broadcast_in_dim3A_2 {strides = array<i32>} : memref<16384xf32, #tpu.memory_space<vmem>>, vector<16xf32>,
    %swap3A_663 = arith.constant 10688 : index
    %swap3A_664 = tpu.vector_load %arg6[%swap3A_663] {strides = array<i32>} : memref<16384xf32, #tpu.memory_space<vmem>>, vector<16xf32>,
    tpu.vector_store %arg6[%swap3A_663], %broadcast_in_dim3A_2 {strides = array<i32>} : memref<16384xf32, #tpu.memory_space<vmem>>, vector<16xf32>,
    %swap3A_665 = arith.constant 10512 : index
    %swap3A_666 = tpu.vector_load %arg6[%swap3A_665] {strides = array<i32>} : memref<16384xf32, #tpu.memory_space<vmem>>, vector<16xf32>,
    tpu.vector_store %arg6[%swap3A_665], %broadcast_in_dim3A_2 {strides = array<i32>} : memref<16384xf32, #tpu.memory_space<vmem>>, vector<16xf32>,
    %swap3A_667 = arith.constant 10704 : index
    %swap3A_668 = tpu.vector_load %arg6[%swap3A_667] {strides = array<i32>} : memref<16384xf32, #tpu.memory_space<vmem>>, vector<16xf32>,
    tpu.vector_store %arg6[%swap3A_667], %broadcast_in_dim3A_2 {strides = array<i32>} : memref<16384xf32, #tpu.memory_space<vmem>>, vector<16xf32>,
    %swap3A_669 = arith.constant 10528 : index
    %swap3A_670 = tpu.vector_load %arg6[%swap3A_669] {strides = array<i32>} : memref<16384xf32, #tpu.memory_space<vmem>>, vector<16xf32>,
    tpu.vector_store %arg6[%swap3A_669], %broadcast_in_dim3A_2 {strides = array<i32>} : memref<16384xf32, #tpu.memory_space<vmem>>, vector<16xf32>,
    %swap3A_671 = arith.constant 10720 : index
    %swap3A_672 = tpu.vector_load %arg6[%swap3A_671] {strides = array<i32>} : memref<16384xf32, #tpu.memory_space<vmem>>, vector<16xf32>,
    tpu.vector_store %arg6[%swap3A_671], %broadcast_in_dim3A_2 {strides = array<i32>} : memref<16384xf32, #tpu.memory_space<vmem>>, vector<16xf32>,
    %swap3A_673 = arith.constant 10544 : index
    %swap3A_674 = tpu.vector_load %arg6[%swap3A_673] {strides = array<i32>} : memref<16384xf32, #tpu.memory_space<vmem>>, vector<16xf32>,
    tpu.vector_store %arg6[%swap3A_673], %broadcast_in_dim3A_2 {strides = array<i32>} : memref<16384xf32, #tpu.memory_space<vmem>>, vector<16xf32>,
    %swap3A_675 = arith.constant 10736 : index
    %swap3A_676 = tpu.vector_load %arg6[%swap3A_675] {strides = array<i32>} : memref<16384xf32, #tpu.memory_space<vmem>>, vector<16xf32>,
    tpu.vector_store %arg6[%swap3A_675], %broadcast_in_dim3A_2 {strides = array<i32>} : memref<16384xf32, #tpu.memory_space<vmem>>, vector<16xf32>,
    %swap3A_677 = arith.constant 10752 : index
    %swap3A_678 = tpu.vector_load %arg6[%swap3A_677] {strides = array<i32>} : memref<16384xf32, #tpu.memory_space<vmem>>, vector<16xf32>,
    tpu.vector_store %arg6[%swap3A_677], %broadcast_in_dim3A_2 {strides = array<i32>} : memref<16384xf32, #tpu.memory_space<vmem>>, vector<16xf32>,
    %swap3A_679 = arith.constant 10944 : index
    %swap3A_680 = tpu.vector_load %arg6[%swap3A_679] {strides = array<i32>} : memref<16384xf32, #tpu.memory_space<vmem>>, vector<16xf32>,
    tpu.vector_store %arg6[%swap3A_679], %broadcast_in_dim3A_2 {strides = array<i32>} : memref<16384xf32, #tpu.memory_space<vmem>>, vector<16xf32>,
    %swap3A_681 = arith.constant 10768 : index
    %swap3A_682 = tpu.vector_load %arg6[%swap3A_681] {strides = array<i32>} : memref<16384xf32, #tpu.memory_space<vmem>>, vector<16xf32>,
    tpu.vector_store %arg6[%swap3A_681], %broadcast_in_dim3A_2 {strides = array<i32>} : memref<16384xf32, #tpu.memory_space<vmem>>, vector<16xf32>,
    %swap3A_683 = arith.constant 10960 : index
    %swap3A_684 = tpu.vector_load %arg6[%swap3A_683] {strides = array<i32>} : memref<16384xf32, #tpu.memory_space<vmem>>, vector<16xf32>,
    tpu.vector_store %arg6[%swap3A_683], %broadcast_in_dim3A_2 {strides = array<i32>} : memref<16384xf32, #tpu.memory_space<vmem>>, vector<16xf32>,
    %swap3A_685 = arith.constant 10784 : index
    %swap3A_686 = tpu.vector_load %arg6[%swap3A_685] {strides = array<i32>} : memref<16384xf32, #tpu.memory_space<vmem>>, vector<16xf32>,
    tpu.vector_store %arg6[%swap3A_685], %broadcast_in_dim3A_2 {strides = array<i32>} : memref<16384xf32, #tpu.memory_space<vmem>>, vector<16xf32>,
    %swap3A_687 = arith.constant 10976 : index
    %swap3A_688 = tpu.vector_load %arg6[%swap3A_687] {strides = array<i32>} : memref<16384xf32, #tpu.memory_space<vmem>>, vector<16xf32>,
    tpu.vector_store %arg6[%swap3A_687], %broadcast_in_dim3A_2 {strides = array<i32>} : memref<16384xf32, #tpu.memory_space<vmem>>, vector<16xf32>,
    %swap3A_689 = arith.constant 10800 : index
    %swap3A_690 = tpu.vector_load %arg6[%swap3A_689] {strides = array<i32>} : memref<16384xf32, #tpu.memory_space<vmem>>, vector<16xf32>,
    tpu.vector_store %arg6[%swap3A_689], %broadcast_in_dim3A_2 {strides = array<i32>} : memref<16384xf32, #tpu.memory_space<vmem>>, vector<16xf32>,
    %swap3A_691 = arith.constant 10992 : index
    %swap3A_692 = tpu.vector_load %arg6[%swap3A_691] {strides = array<i32>} : memref<16384xf32, #tpu.memory_space<vmem>>, vector<16xf32>,
    tpu.vector_store %arg6[%swap3A_691], %broadcast_in_dim3A_2 {strides = array<i32>} : memref<16384xf32, #tpu.memory_space<vmem>>, vector<16xf32>,
    %swap3A_693 = arith.constant 11008 : index
    %swap3A_694 = tpu.vector_load %arg6[%swap3A_693] {strides = array<i32>} : memref<16384xf32, #tpu.memory_space<vmem>>, vector<16xf32>,
    tpu.vector_store %arg6[%swap3A_693], %broadcast_in_dim3A_2 {strides = array<i32>} : memref<16384xf32, #tpu.memory_space<vmem>>, vector<16xf32>,
    %swap3A_695 = arith.constant 11200 : index
    %swap3A_696 = tpu.vector_load %arg6[%swap3A_695] {strides = array<i32>} : memref<16384xf32, #tpu.memory_space<vmem>>, vector<16xf32>,
    tpu.vector_store %arg6[%swap3A_695], %broadcast_in_dim3A_2 {strides = array<i32>} : memref<16384xf32, #tpu.memory_space<vmem>>, vector<16xf32>,
    %swap3A_697 = arith.constant 11024 : index
    %swap3A_698 = tpu.vector_load %arg6[%swap3A_697] {strides = array<i32>} : memref<16384xf32, #tpu.memory_space<vmem>>, vector<16xf32>,
    tpu.vector_store %arg6[%swap3A_697], %broadcast_in_dim3A_2 {strides = array<i32>} : memref<16384xf32, #tpu.memory_space<vmem>>, vector<16xf32>,
    %swap3A_699 = arith.constant 11216 : index
    %swap3A_700 = tpu.vector_load %arg6[%swap3A_699] {strides = array<i32>} : memref<16384xf32, #tpu.memory_space<vmem>>, vector<16xf32>,
    tpu.vector_store %arg6[%swap3A_699], %broadcast_in_dim3A_2 {strides = array<i32>} : memref<16384xf32, #tpu.memory_space<vmem>>, vector<16xf32>,
    %swap3A_701 = arith.constant 11040 : index
    %swap3A_702 = tpu.vector_load %arg6[%swap3A_701] {strides = array<i32>} : memref<16384xf32, #tpu.memory_space<vmem>>, vector<16xf32>,
    tpu.vector_store %arg6[%swap3A_701], %broadcast_in_dim3A_2 {strides = array<i32>} : memref<16384xf32, #tpu.memory_space<vmem>>, vector<16xf32>,
    %swap3A_703 = arith.constant 11232 : index
    %swap3A_704 = tpu.vector_load %arg6[%swap3A_703] {strides = array<i32>} : memref<16384xf32, #tpu.memory_space<vmem>>, vector<16xf32>,
    tpu.vector_store %arg6[%swap3A_703], %broadcast_in_dim3A_2 {strides = array<i32>} : memref<16384xf32, #tpu.memory_space<vmem>>, vector<16xf32>,
    %swap3A_705 = arith.constant 11056 : index
    %swap3A_706 = tpu.vector_load %arg6[%swap3A_705] {strides = array<i32>} : memref<16384xf32, #tpu.memory_space<vmem>>, vector<16xf32>,
    tpu.vector_store %arg6[%swap3A_705], %broadcast_in_dim3A_2 {strides = array<i32>} : memref<16384xf32, #tpu.memory_space<vmem>>, vector<16xf32>,
    %swap3A_707 = arith.constant 11248 : index
    %swap3A_708 = tpu.vector_load %arg6[%swap3A_707] {strides = array<i32>} : memref<16384xf32, #tpu.memory_space<vmem>>, vector<16xf32>,
    tpu.vector_store %arg6[%swap3A_707], %broadcast_in_dim3A_2 {strides = array<i32>} : memref<16384xf32, #tpu.memory_space<vmem>>, vector<16xf32>,
    %swap3A_709 = arith.constant 11264 : index
    %swap3A_710 = tpu.vector_load %arg6[%swap3A_709] {strides = array<i32>} : memref<16384xf32, #tpu.memory_space<vmem>>, vector<16xf32>,
    tpu.vector_store %arg6[%swap3A_709], %broadcast_in_dim3A_2 {strides = array<i32>} : memref<16384xf32, #tpu.memory_space<vmem>>, vector<16xf32>,
    %swap3A_711 = arith.constant 11456 : index
    %swap3A_712 = tpu.vector_load %arg6[%swap3A_711] {strides = array<i32>} : memref<16384xf32, #tpu.memory_space<vmem>>, vector<16xf32>,
    tpu.vector_store %arg6[%swap3A_711], %broadcast_in_dim3A_2 {strides = array<i32>} : memref<16384xf32, #tpu.memory_space<vmem>>, vector<16xf32>,
    %swap3A_713 = arith.constant 11280 : index
    %swap3A_714 = tpu.vector_load %arg6[%swap3A_713] {strides = array<i32>} : memref<16384xf32, #tpu.memory_space<vmem>>, vector<16xf32>,
    tpu.vector_store %arg6[%swap3A_713], %broadcast_in_dim3A_2 {strides = array<i32>} : memref<16384xf32, #tpu.memory_space<vmem>>, vector<16xf32>,
    %swap3A_715 = arith.constant 11472 : index
    %swap3A_716 = tpu.vector_load %arg6[%swap3A_715] {strides = array<i32>} : memref<16384xf32, #tpu.memory_space<vmem>>, vector<16xf32>,
    tpu.vector_store %arg6[%swap3A_715], %broadcast_in_dim3A_2 {strides = array<i32>} : memref<16384xf32, #tpu.memory_space<vmem>>, vector<16xf32>,
    %swap3A_717 = arith.constant 11296 : index
    %swap3A_718 = tpu.vector_load %arg6[%swap3A_717] {strides = array<i32>} : memref<16384xf32, #tpu.memory_space<vmem>>, vector<16xf32>,
    tpu.vector_store %arg6[%swap3A_717], %broadcast_in_dim3A_2 {strides = array<i32>} : memref<16384xf32, #tpu.memory_space<vmem>>, vector<16xf32>,
    %swap3A_719 = arith.constant 11488 : index
    %swap3A_720 = tpu.vector_load %arg6[%swap3A_719] {strides = array<i32>} : memref<16384xf32, #tpu.memory_space<vmem>>, vector<16xf32>,
    tpu.vector_store %arg6[%swap3A_719], %broadcast_in_dim3A_2 {strides = array<i32>} : memref<16384xf32, #tpu.memory_space<vmem>>, vector<16xf32>,
    %swap3A_721 = arith.constant 11312 : index
    %swap3A_722 = tpu.vector_load %arg6[%swap3A_721] {strides = array<i32>} : memref<16384xf32, #tpu.memory_space<vmem>>, vector<16xf32>,
    tpu.vector_store %arg6[%swap3A_721], %broadcast_in_dim3A_2 {strides = array<i32>} : memref<16384xf32, #tpu.memory_space<vmem>>, vector<16xf32>,
    %swap3A_723 = arith.constant 11504 : index
    %swap3A_724 = tpu.vector_load %arg6[%swap3A_723] {strides = array<i32>} : memref<16384xf32, #tpu.memory_space<vmem>>, vector<16xf32>,
    tpu.vector_store %arg6[%swap3A_723], %broadcast_in_dim3A_2 {strides = array<i32>} : memref<16384xf32, #tpu.memory_space<vmem>>, vector<16xf32>,
    %swap3A_725 = arith.constant 11520 : index
    %swap3A_726 = tpu.vector_load %arg6[%swap3A_725] {strides = array<i32>} : memref<16384xf32, #tpu.memory_space<vmem>>, vector<16xf32>,
    tpu.vector_store %arg6[%swap3A_725], %broadcast_in_dim3A_2 {strides = array<i32>} : memref<16384xf32, #tpu.memory_space<vmem>>, vector<16xf32>,
    %swap3A_727 = arith.constant 11712 : index
    %swap3A_728 = tpu.vector_load %arg6[%swap3A_727] {strides = array<i32>} : memref<16384xf32, #tpu.memory_space<vmem>>, vector<16xf32>,
    tpu.vector_store %arg6[%swap3A_727], %broadcast_in_dim3A_2 {strides = array<i32>} : memref<16384xf32, #tpu.memory_space<vmem>>, vector<16xf32>,
    %swap3A_729 = arith.constant 11536 : index
    %swap3A_730 = tpu.vector_load %arg6[%swap3A_729] {strides = array<i32>} : memref<16384xf32, #tpu.memory_space<vmem>>, vector<16xf32>,
    tpu.vector_store %arg6[%swap3A_729], %broadcast_in_dim3A_2 {strides = array<i32>} : memref<16384xf32, #tpu.memory_space<vmem>>, vector<16xf32>,
    %swap3A_731 = arith.constant 11728 : index
    %swap3A_732 = tpu.vector_load %arg6[%swap3A_731] {strides = array<i32>} : memref<16384xf32, #tpu.memory_space<vmem>>, vector<16xf32>,
    tpu.vector_store %arg6[%swap3A_731], %broadcast_in_dim3A_2 {strides = array<i32>} : memref<16384xf32, #tpu.memory_space<vmem>>, vector<16xf32>,
    %swap3A_733 = arith.constant 11552 : index
    %swap3A_734 = tpu.vector_load %arg6[%swap3A_733] {strides = array<i32>} : memref<16384xf32, #tpu.memory_space<vmem>>, vector<16xf32>,
    tpu.vector_store %arg6[%swap3A_733], %broadcast_in_dim3A_2 {strides = array<i32>} : memref<16384xf32, #tpu.memory_space<vmem>>, vector<16xf32>,
    %swap3A_735 = arith.constant 11744 : index
    %swap3A_736 = tpu.vector_load %arg6[%swap3A_735] {strides = array<i32>} : memref<16384xf32, #tpu.memory_space<vmem>>, vector<16xf32>,
    tpu.vector_store %arg6[%swap3A_735], %broadcast_in_dim3A_2 {strides = array<i32>} : memref<16384xf32, #tpu.memory_space<vmem>>, vector<16xf32>,
    %swap3A_737 = arith.constant 11568 : index
    %swap3A_738 = tpu.vector_load %arg6[%swap3A_737] {strides = array<i32>} : memref<16384xf32, #tpu.memory_space<vmem>>, vector<16xf32>,
    tpu.vector_store %arg6[%swap3A_737], %broadcast_in_dim3A_2 {strides = array<i32>} : memref<16384xf32, #tpu.memory_space<vmem>>, vector<16xf32>,
    %swap3A_739 = arith.constant 11760 : index
    %swap3A_740 = tpu.vector_load %arg6[%swap3A_739] {strides = array<i32>} : memref<16384xf32, #tpu.memory_space<vmem>>, vector<16xf32>,
    tpu.vector_store %arg6[%swap3A_739], %broadcast_in_dim3A_2 {strides = array<i32>} : memref<16384xf32, #tpu.memory_space<vmem>>, vector<16xf32>,
    %swap3A_741 = arith.constant 11776 : index
    %swap3A_742 = tpu.vector_load %arg6[%swap3A_741] {strides = array<i32>} : memref<16384xf32, #tpu.memory_space<vmem>>, vector<16xf32>,
    tpu.vector_store %arg6[%swap3A_741], %broadcast_in_dim3A_2 {strides = array<i32>} : memref<16384xf32, #tpu.memory_space<vmem>>, vector<16xf32>,
    %swap3A_743 = arith.constant 11968 : index
    %swap3A_744 = tpu.vector_load %arg6[%swap3A_743] {strides = array<i32>} : memref<16384xf32, #tpu.memory_space<vmem>>, vector<16xf32>,
    tpu.vector_store %arg6[%swap3A_743], %broadcast_in_dim3A_2 {strides = array<i32>} : memref<16384xf32, #tpu.memory_space<vmem>>, vector<16xf32>,
    %swap3A_745 = arith.constant 11792 : index
    %swap3A_746 = tpu.vector_load %arg6[%swap3A_745] {strides = array<i32>} : memref<16384xf32, #tpu.memory_space<vmem>>, vector<16xf32>,
    tpu.vector_store %arg6[%swap3A_745], %broadcast_in_dim3A_2 {strides = array<i32>} : memref<16384xf32, #tpu.memory_space<vmem>>, vector<16xf32>,
    %swap3A_747 = arith.constant 11984 : index
    %swap3A_748 = tpu.vector_load %arg6[%swap3A_747] {strides = array<i32>} : memref<16384xf32, #tpu.memory_space<vmem>>, vector<16xf32>,
    tpu.vector_store %arg6[%swap3A_747], %broadcast_in_dim3A_2 {strides = array<i32>} : memref<16384xf32, #tpu.memory_space<vmem>>, vector<16xf32>,
    %swap3A_749 = arith.constant 11808 : index
    %swap3A_750 = tpu.vector_load %arg6[%swap3A_749] {strides = array<i32>} : memref<16384xf32, #tpu.memory_space<vmem>>, vector<16xf32>,
    tpu.vector_store %arg6[%swap3A_749], %broadcast_in_dim3A_2 {strides = array<i32>} : memref<16384xf32, #tpu.memory_space<vmem>>, vector<16xf32>,
    %swap3A_751 = arith.constant 12000 : index
    %swap3A_752 = tpu.vector_load %arg6[%swap3A_751] {strides = array<i32>} : memref<16384xf32, #tpu.memory_space<vmem>>, vector<16xf32>,
    tpu.vector_store %arg6[%swap3A_751], %broadcast_in_dim3A_2 {strides = array<i32>} : memref<16384xf32, #tpu.memory_space<vmem>>, vector<16xf32>,
    %swap3A_753 = arith.constant 11824 : index
    %swap3A_754 = tpu.vector_load %arg6[%swap3A_753] {strides = array<i32>} : memref<16384xf32, #tpu.memory_space<vmem>>, vector<16xf32>,
    tpu.vector_store %arg6[%swap3A_753], %broadcast_in_dim3A_2 {strides = array<i32>} : memref<16384xf32, #tpu.memory_space<vmem>>, vector<16xf32>,
    %swap3A_755 = arith.constant 12016 : index
    %swap3A_756 = tpu.vector_load %arg6[%swap3A_755] {strides = array<i32>} : memref<16384xf32, #tpu.memory_space<vmem>>, vector<16xf32>,
    tpu.vector_store %arg6[%swap3A_755], %broadcast_in_dim3A_2 {strides = array<i32>} : memref<16384xf32, #tpu.memory_space<vmem>>, vector<16xf32>,
    %swap3A_757 = arith.constant 12032 : index
    %swap3A_758 = tpu.vector_load %arg6[%swap3A_757] {strides = array<i32>} : memref<16384xf32, #tpu.memory_space<vmem>>, vector<16xf32>,
    tpu.vector_store %arg6[%swap3A_757], %broadcast_in_dim3A_2 {strides = array<i32>} : memref<16384xf32, #tpu.memory_space<vmem>>, vector<16xf32>,
    %swap3A_759 = arith.constant 12224 : index
    %swap3A_760 = tpu.vector_load %arg6[%swap3A_759] {strides = array<i32>} : memref<16384xf32, #tpu.memory_space<vmem>>, vector<16xf32>,
    tpu.vector_store %arg6[%swap3A_759], %broadcast_in_dim3A_2 {strides = array<i32>} : memref<16384xf32, #tpu.memory_space<vmem>>, vector<16xf32>,
    %swap3A_761 = arith.constant 12048 : index
    %swap3A_762 = tpu.vector_load %arg6[%swap3A_761] {strides = array<i32>} : memref<16384xf32, #tpu.memory_space<vmem>>, vector<16xf32>,
    tpu.vector_store %arg6[%swap3A_761], %broadcast_in_dim3A_2 {strides = array<i32>} : memref<16384xf32, #tpu.memory_space<vmem>>, vector<16xf32>,
    %swap3A_763 = arith.constant 12240 : index
    %swap3A_764 = tpu.vector_load %arg6[%swap3A_763] {strides = array<i32>} : memref<16384xf32, #tpu.memory_space<vmem>>, vector<16xf32>,
    tpu.vector_store %arg6[%swap3A_763], %broadcast_in_dim3A_2 {strides = array<i32>} : memref<16384xf32, #tpu.memory_space<vmem>>, vector<16xf32>,
    %swap3A_765 = arith.constant 12064 : index
    %swap3A_766 = tpu.vector_load %arg6[%swap3A_765] {strides = array<i32>} : memref<16384xf32, #tpu.memory_space<vmem>>, vector<16xf32>,
    tpu.vector_store %arg6[%swap3A_765], %broadcast_in_dim3A_2 {strides = array<i32>} : memref<16384xf32, #tpu.memory_space<vmem>>, vector<16xf32>,
    %swap3A_767 = arith.constant 12256 : index
    %swap3A_768 = tpu.vector_load %arg6[%swap3A_767] {strides = array<i32>} : memref<16384xf32, #tpu.memory_space<vmem>>, vector<16xf32>,
    tpu.vector_store %arg6[%swap3A_767], %broadcast_in_dim3A_2 {strides = array<i32>} : memref<16384xf32, #tpu.memory_space<vmem>>, vector<16xf32>,
    %swap3A_769 = arith.constant 12080 : index
    %swap3A_770 = tpu.vector_load %arg6[%swap3A_769] {strides = array<i32>} : memref<16384xf32, #tpu.memory_space<vmem>>, vector<16xf32>,
    tpu.vector_store %arg6[%swap3A_769], %broadcast_in_dim3A_2 {strides = array<i32>} : memref<16384xf32, #tpu.memory_space<vmem>>, vector<16xf32>,
    %swap3A_771 = arith.constant 12272 : index
    %swap3A_772 = tpu.vector_load %arg6[%swap3A_771] {strides = array<i32>} : memref<16384xf32, #tpu.memory_space<vmem>>, vector<16xf32>,
    tpu.vector_store %arg6[%swap3A_771], %broadcast_in_dim3A_2 {strides = array<i32>} : memref<16384xf32, #tpu.memory_space<vmem>>, vector<16xf32>,
    %swap3A_773 = arith.constant 12288 : index
    %swap3A_774 = tpu.vector_load %arg6[%swap3A_773] {strides = array<i32>} : memref<16384xf32, #tpu.memory_space<vmem>>, vector<16xf32>,
    tpu.vector_store %arg6[%swap3A_773], %broadcast_in_dim3A_2 {strides = array<i32>} : memref<16384xf32, #tpu.memory_space<vmem>>, vector<16xf32>,
    %swap3A_775 = arith.constant 12480 : index
    %swap3A_776 = tpu.vector_load %arg6[%swap3A_775] {strides = array<i32>} : memref<16384xf32, #tpu.memory_space<vmem>>, vector<16xf32>,
    tpu.vector_store %arg6[%swap3A_775], %broadcast_in_dim3A_2 {strides = array<i32>} : memref<16384xf32, #tpu.memory_space<vmem>>, vector<16xf32>,
    %swap3A_777 = arith.constant 12304 : index
    %swap3A_778 = tpu.vector_load %arg6[%swap3A_777] {strides = array<i32>} : memref<16384xf32, #tpu.memory_space<vmem>>, vector<16xf32>,
    tpu.vector_store %arg6[%swap3A_777], %broadcast_in_dim3A_2 {strides = array<i32>} : memref<16384xf32, #tpu.memory_space<vmem>>, vector<16xf32>,
    %swap3A_779 = arith.constant 12496 : index
    %swap3A_780 = tpu.vector_load %arg6[%swap3A_779] {strides = array<i32>} : memref<16384xf32, #tpu.memory_space<vmem>>, vector<16xf32>,
    tpu.vector_store %arg6[%swap3A_779], %broadcast_in_dim3A_2 {strides = array<i32>} : memref<16384xf32, #tpu.memory_space<vmem>>, vector<16xf32>,
    %swap3A_781 = arith.constant 12320 : index
    %swap3A_782 = tpu.vector_load %arg6[%swap3A_781] {strides = array<i32>} : memref<16384xf32, #tpu.memory_space<vmem>>, vector<16xf32>,
    tpu.vector_store %arg6[%swap3A_781], %broadcast_in_dim3A_2 {strides = array<i32>} : memref<16384xf32, #tpu.memory_space<vmem>>, vector<16xf32>,
    %swap3A_783 = arith.constant 12512 : index
    %swap3A_784 = tpu.vector_load %arg6[%swap3A_783] {strides = array<i32>} : memref<16384xf32, #tpu.memory_space<vmem>>, vector<16xf32>,
    tpu.vector_store %arg6[%swap3A_783], %broadcast_in_dim3A_2 {strides = array<i32>} : memref<16384xf32, #tpu.memory_space<vmem>>, vector<16xf32>,
    %swap3A_785 = arith.constant 12336 : index
    %swap3A_786 = tpu.vector_load %arg6[%swap3A_785] {strides = array<i32>} : memref<16384xf32, #tpu.memory_space<vmem>>, vector<16xf32>,
    tpu.vector_store %arg6[%swap3A_785], %broadcast_in_dim3A_2 {strides = array<i32>} : memref<16384xf32, #tpu.memory_space<vmem>>, vector<16xf32>,
    %swap3A_787 = arith.constant 12528 : index
    %swap3A_788 = tpu.vector_load %arg6[%swap3A_787] {strides = array<i32>} : memref<16384xf32, #tpu.memory_space<vmem>>, vector<16xf32>,
    tpu.vector_store %arg6[%swap3A_787], %broadcast_in_dim3A_2 {strides = array<i32>} : memref<16384xf32, #tpu.memory_space<vmem>>, vector<16xf32>,
    %swap3A_789 = arith.constant 12544 : index
    %swap3A_790 = tpu.vector_load %arg6[%swap3A_789] {strides = array<i32>} : memref<16384xf32, #tpu.memory_space<vmem>>, vector<16xf32>,
    tpu.vector_store %arg6[%swap3A_789], %broadcast_in_dim3A_2 {strides = array<i32>} : memref<16384xf32, #tpu.memory_space<vmem>>, vector<16xf32>,
    %swap3A_791 = arith.constant 12736 : index
    %swap3A_792 = tpu.vector_load %arg6[%swap3A_791] {strides = array<i32>} : memref<16384xf32, #tpu.memory_space<vmem>>, vector<16xf32>,
    tpu.vector_store %arg6[%swap3A_791], %broadcast_in_dim3A_2 {strides = array<i32>} : memref<16384xf32, #tpu.memory_space<vmem>>, vector<16xf32>,
    %swap3A_793 = arith.constant 12560 : index
    %swap3A_794 = tpu.vector_load %arg6[%swap3A_793] {strides = array<i32>} : memref<16384xf32, #tpu.memory_space<vmem>>, vector<16xf32>,
    tpu.vector_store %arg6[%swap3A_793], %broadcast_in_dim3A_2 {strides = array<i32>} : memref<16384xf32, #tpu.memory_space<vmem>>, vector<16xf32>,
    %swap3A_795 = arith.constant 12752 : index
    %swap3A_796 = tpu.vector_load %arg6[%swap3A_795] {strides = array<i32>} : memref<16384xf32, #tpu.memory_space<vmem>>, vector<16xf32>,
    tpu.vector_store %arg6[%swap3A_795], %broadcast_in_dim3A_2 {strides = array<i32>} : memref<16384xf32, #tpu.memory_space<vmem>>, vector<16xf32>,
    %swap3A_797 = arith.constant 12576 : index
    %swap3A_798 = tpu.vector_load %arg6[%swap3A_797] {strides = array<i32>} : memref<16384xf32, #tpu.memory_space<vmem>>, vector<16xf32>,
    tpu.vector_store %arg6[%swap3A_797], %broadcast_in_dim3A_2 {strides = array<i32>} : memref<16384xf32, #tpu.memory_space<vmem>>, vector<16xf32>,
    %swap3A_799 = arith.constant 12768 : index
    %swap3A_800 = tpu.vector_load %arg6[%swap3A_799] {strides = array<i32>} : memref<16384xf32, #tpu.memory_space<vmem>>, vector<16xf32>,
    tpu.vector_store %arg6[%swap3A_799], %broadcast_in_dim3A_2 {strides = array<i32>} : memref<16384xf32, #tpu.memory_space<vmem>>, vector<16xf32>,
    %swap3A_801 = arith.constant 12592 : index
    %swap3A_802 = tpu.vector_load %arg6[%swap3A_801] {strides = array<i32>} : memref<16384xf32, #tpu.memory_space<vmem>>, vector<16xf32>,
    tpu.vector_store %arg6[%swap3A_801], %broadcast_in_dim3A_2 {strides = array<i32>} : memref<16384xf32, #tpu.memory_space<vmem>>, vector<16xf32>,
    %swap3A_803 = arith.constant 12784 : index
    %swap3A_804 = tpu.vector_load %arg6[%swap3A_803] {strides = array<i32>} : memref<16384xf32, #tpu.memory_space<vmem>>, vector<16xf32>,
    tpu.vector_store %arg6[%swap3A_803], %broadcast_in_dim3A_2 {strides = array<i32>} : memref<16384xf32, #tpu.memory_space<vmem>>, vector<16xf32>,
    %swap3A_805 = arith.constant 12800 : index
    %swap3A_806 = tpu.vector_load %arg6[%swap3A_805] {strides = array<i32>} : memref<16384xf32, #tpu.memory_space<vmem>>, vector<16xf32>,
    tpu.vector_store %arg6[%swap3A_805], %broadcast_in_dim3A_2 {strides = array<i32>} : memref<16384xf32, #tpu.memory_space<vmem>>, vector<16xf32>,
    %swap3A_807 = arith.constant 12992 : index
    %swap3A_808 = tpu.vector_load %arg6[%swap3A_807] {strides = array<i32>} : memref<16384xf32, #tpu.memory_space<vmem>>, vector<16xf32>,
    tpu.vector_store %arg6[%swap3A_807], %broadcast_in_dim3A_2 {strides = array<i32>} : memref<16384xf32, #tpu.memory_space<vmem>>, vector<16xf32>,
    %swap3A_809 = arith.constant 12816 : index
    %swap3A_810 = tpu.vector_load %arg6[%swap3A_809] {strides = array<i32>} : memref<16384xf32, #tpu.memory_space<vmem>>, vector<16xf32>,
    tpu.vector_store %arg6[%swap3A_809], %broadcast_in_dim3A_2 {strides = array<i32>} : memref<16384xf32, #tpu.memory_space<vmem>>, vector<16xf32>,
    %swap3A_811 = arith.constant 13008 : index
    %swap3A_812 = tpu.vector_load %arg6[%swap3A_811] {strides = array<i32>} : memref<16384xf32, #tpu.memory_space<vmem>>, vector<16xf32>,
    tpu.vector_store %arg6[%swap3A_811], %broadcast_in_dim3A_2 {strides = array<i32>} : memref<16384xf32, #tpu.memory_space<vmem>>, vector<16xf32>,
    %swap3A_813 = arith.constant 12832 : index
    %swap3A_814 = tpu.vector_load %arg6[%swap3A_813] {strides = array<i32>} : memref<16384xf32, #tpu.memory_space<vmem>>, vector<16xf32>,
    tpu.vector_store %arg6[%swap3A_813], %broadcast_in_dim3A_2 {strides = array<i32>} : memref<16384xf32, #tpu.memory_space<vmem>>, vector<16xf32>,
    %swap3A_815 = arith.constant 13024 : index
    %swap3A_816 = tpu.vector_load %arg6[%swap3A_815] {strides = array<i32>} : memref<16384xf32, #tpu.memory_space<vmem>>, vector<16xf32>,
    tpu.vector_store %arg6[%swap3A_815], %broadcast_in_dim3A_2 {strides = array<i32>} : memref<16384xf32, #tpu.memory_space<vmem>>, vector<16xf32>,
    %swap3A_817 = arith.constant 12848 : index
    %swap3A_818 = tpu.vector_load %arg6[%swap3A_817] {strides = array<i32>} : memref<16384xf32, #tpu.memory_space<vmem>>, vector<16xf32>,
    tpu.vector_store %arg6[%swap3A_817], %broadcast_in_dim3A_2 {strides = array<i32>} : memref<16384xf32, #tpu.memory_space<vmem>>, vector<16xf32>,
    %swap3A_819 = arith.constant 13040 : index
    %swap3A_820 = tpu.vector_load %arg6[%swap3A_819] {strides = array<i32>} : memref<16384xf32, #tpu.memory_space<vmem>>, vector<16xf32>,
    tpu.vector_store %arg6[%swap3A_819], %broadcast_in_dim3A_2 {strides = array<i32>} : memref<16384xf32, #tpu.memory_space<vmem>>, vector<16xf32>,
    %swap3A_821 = arith.constant 13056 : index
    %swap3A_822 = tpu.vector_load %arg6[%swap3A_821] {strides = array<i32>} : memref<16384xf32, #tpu.memory_space<vmem>>, vector<16xf32>,
    tpu.vector_store %arg6[%swap3A_821], %broadcast_in_dim3A_2 {strides = array<i32>} : memref<16384xf32, #tpu.memory_space<vmem>>, vector<16xf32>,
    %swap3A_823 = arith.constant 13248 : index
    %swap3A_824 = tpu.vector_load %arg6[%swap3A_823] {strides = array<i32>} : memref<16384xf32, #tpu.memory_space<vmem>>, vector<16xf32>,
    tpu.vector_store %arg6[%swap3A_823], %broadcast_in_dim3A_2 {strides = array<i32>} : memref<16384xf32, #tpu.memory_space<vmem>>, vector<16xf32>,
    %swap3A_825 = arith.constant 13072 : index
    %swap3A_826 = tpu.vector_load %arg6[%swap3A_825] {strides = array<i32>} : memref<16384xf32, #tpu.memory_space<vmem>>, vector<16xf32>,
    tpu.vector_store %arg6[%swap3A_825], %broadcast_in_dim3A_2 {strides = array<i32>} : memref<16384xf32, #tpu.memory_space<vmem>>, vector<16xf32>,
    %swap3A_827 = arith.constant 13264 : index
    %swap3A_828 = tpu.vector_load %arg6[%swap3A_827] {strides = array<i32>} : memref<16384xf32, #tpu.memory_space<vmem>>, vector<16xf32>,
    tpu.vector_store %arg6[%swap3A_827], %broadcast_in_dim3A_2 {strides = array<i32>} : memref<16384xf32, #tpu.memory_space<vmem>>, vector<16xf32>,
    %swap3A_829 = arith.constant 13088 : index
    %swap3A_830 = tpu.vector_load %arg6[%swap3A_829] {strides = array<i32>} : memref<16384xf32, #tpu.memory_space<vmem>>, vector<16xf32>,
    tpu.vector_store %arg6[%swap3A_829], %broadcast_in_dim3A_2 {strides = array<i32>} : memref<16384xf32, #tpu.memory_space<vmem>>, vector<16xf32>,
    %swap3A_831 = arith.constant 13280 : index
    %swap3A_832 = tpu.vector_load %arg6[%swap3A_831] {strides = array<i32>} : memref<16384xf32, #tpu.memory_space<vmem>>, vector<16xf32>,
    tpu.vector_store %arg6[%swap3A_831], %broadcast_in_dim3A_2 {strides = array<i32>} : memref<16384xf32, #tpu.memory_space<vmem>>, vector<16xf32>,
    %swap3A_833 = arith.constant 13104 : index
    %swap3A_834 = tpu.vector_load %arg6[%swap3A_833] {strides = array<i32>} : memref<16384xf32, #tpu.memory_space<vmem>>, vector<16xf32>,
    tpu.vector_store %arg6[%swap3A_833], %broadcast_in_dim3A_2 {strides = array<i32>} : memref<16384xf32, #tpu.memory_space<vmem>>, vector<16xf32>,
    %swap3A_835 = arith.constant 13296 : index
    %swap3A_836 = tpu.vector_load %arg6[%swap3A_835] {strides = array<i32>} : memref<16384xf32, #tpu.memory_space<vmem>>, vector<16xf32>,
    tpu.vector_store %arg6[%swap3A_835], %broadcast_in_dim3A_2 {strides = array<i32>} : memref<16384xf32, #tpu.memory_space<vmem>>, vector<16xf32>,
    %swap3A_837 = arith.constant 13312 : index
    %swap3A_838 = tpu.vector_load %arg6[%swap3A_837] {strides = array<i32>} : memref<16384xf32, #tpu.memory_space<vmem>>, vector<16xf32>,
    tpu.vector_store %arg6[%swap3A_837], %broadcast_in_dim3A_2 {strides = array<i32>} : memref<16384xf32, #tpu.memory_space<vmem>>, vector<16xf32>,
    %swap3A_839 = arith.constant 13504 : index
    %swap3A_840 = tpu.vector_load %arg6[%swap3A_839] {strides = array<i32>} : memref<16384xf32, #tpu.memory_space<vmem>>, vector<16xf32>,
    tpu.vector_store %arg6[%swap3A_839], %broadcast_in_dim3A_2 {strides = array<i32>} : memref<16384xf32, #tpu.memory_space<vmem>>, vector<16xf32>,
    %swap3A_841 = arith.constant 13328 : index
    %swap3A_842 = tpu.vector_load %arg6[%swap3A_841] {strides = array<i32>} : memref<16384xf32, #tpu.memory_space<vmem>>, vector<16xf32>,
    tpu.vector_store %arg6[%swap3A_841], %broadcast_in_dim3A_2 {strides = array<i32>} : memref<16384xf32, #tpu.memory_space<vmem>>, vector<16xf32>,
    %swap3A_843 = arith.constant 13520 : index
    %swap3A_844 = tpu.vector_load %arg6[%swap3A_843] {strides = array<i32>} : memref<16384xf32, #tpu.memory_space<vmem>>, vector<16xf32>,
    tpu.vector_store %arg6[%swap3A_843], %broadcast_in_dim3A_2 {strides = array<i32>} : memref<16384xf32, #tpu.memory_space<vmem>>, vector<16xf32>,
    %swap3A_845 = arith.constant 13344 : index
    %swap3A_846 = tpu.vector_load %arg6[%swap3A_845] {strides = array<i32>} : memref<16384xf32, #tpu.memory_space<vmem>>, vector<16xf32>,
    tpu.vector_store %arg6[%swap3A_845], %broadcast_in_dim3A_2 {strides = array<i32>} : memref<16384xf32, #tpu.memory_space<vmem>>, vector<16xf32>,
    %swap3A_847 = arith.constant 13536 : index
    %swap3A_848 = tpu.vector_load %arg6[%swap3A_847] {strides = array<i32>} : memref<16384xf32, #tpu.memory_space<vmem>>, vector<16xf32>,
    tpu.vector_store %arg6[%swap3A_847], %broadcast_in_dim3A_2 {strides = array<i32>} : memref<16384xf32, #tpu.memory_space<vmem>>, vector<16xf32>,
    %swap3A_849 = arith.constant 13360 : index
    %swap3A_850 = tpu.vector_load %arg6[%swap3A_849] {strides = array<i32>} : memref<16384xf32, #tpu.memory_space<vmem>>, vector<16xf32>,
    tpu.vector_store %arg6[%swap3A_849], %broadcast_in_dim3A_2 {strides = array<i32>} : memref<16384xf32, #tpu.memory_space<vmem>>, vector<16xf32>,
    %swap3A_851 = arith.constant 13552 : index
    %swap3A_852 = tpu.vector_load %arg6[%swap3A_851] {strides = array<i32>} : memref<16384xf32, #tpu.memory_space<vmem>>, vector<16xf32>,
    tpu.vector_store %arg6[%swap3A_851], %broadcast_in_dim3A_2 {strides = array<i32>} : memref<16384xf32, #tpu.memory_space<vmem>>, vector<16xf32>,
    %swap3A_853 = arith.constant 13568 : index
    %swap3A_854 = tpu.vector_load %arg6[%swap3A_853] {strides = array<i32>} : memref<16384xf32, #tpu.memory_space<vmem>>, vector<16xf32>,
    tpu.vector_store %arg6[%swap3A_853], %broadcast_in_dim3A_2 {strides = array<i32>} : memref<16384xf32, #tpu.memory_space<vmem>>, vector<16xf32>,
    %swap3A_855 = arith.constant 13760 : index
    %swap3A_856 = tpu.vector_load %arg6[%swap3A_855] {strides = array<i32>} : memref<16384xf32, #tpu.memory_space<vmem>>, vector<16xf32>,
    tpu.vector_store %arg6[%swap3A_855], %broadcast_in_dim3A_2 {strides = array<i32>} : memref<16384xf32, #tpu.memory_space<vmem>>, vector<16xf32>,
    %swap3A_857 = arith.constant 13584 : index
    %swap3A_858 = tpu.vector_load %arg6[%swap3A_857] {strides = array<i32>} : memref<16384xf32, #tpu.memory_space<vmem>>, vector<16xf32>,
    tpu.vector_store %arg6[%swap3A_857], %broadcast_in_dim3A_2 {strides = array<i32>} : memref<16384xf32, #tpu.memory_space<vmem>>, vector<16xf32>,
    %swap3A_859 = arith.constant 13776 : index
    %swap3A_860 = tpu.vector_load %arg6[%swap3A_859] {strides = array<i32>} : memref<16384xf32, #tpu.memory_space<vmem>>, vector<16xf32>,
    tpu.vector_store %arg6[%swap3A_859], %broadcast_in_dim3A_2 {strides = array<i32>} : memref<16384xf32, #tpu.memory_space<vmem>>, vector<16xf32>,
    %swap3A_861 = arith.constant 13600 : index
    %swap3A_862 = tpu.vector_load %arg6[%swap3A_861] {strides = array<i32>} : memref<16384xf32, #tpu.memory_space<vmem>>, vector<16xf32>,
    tpu.vector_store %arg6[%swap3A_861], %broadcast_in_dim3A_2 {strides = array<i32>} : memref<16384xf32, #tpu.memory_space<vmem>>, vector<16xf32>,
    %swap3A_863 = arith.constant 13792 : index
    %swap3A_864 = tpu.vector_load %arg6[%swap3A_863] {strides = array<i32>} : memref<16384xf32, #tpu.memory_space<vmem>>, vector<16xf32>,
    tpu.vector_store %arg6[%swap3A_863], %broadcast_in_dim3A_2 {strides = array<i32>} : memref<16384xf32, #tpu.memory_space<vmem>>, vector<16xf32>,
    %swap3A_865 = arith.constant 13616 : index
    %swap3A_866 = tpu.vector_load %arg6[%swap3A_865] {strides = array<i32>} : memref<16384xf32, #tpu.memory_space<vmem>>, vector<16xf32>,
    tpu.vector_store %arg6[%swap3A_865], %broadcast_in_dim3A_2 {strides = array<i32>} : memref<16384xf32, #tpu.memory_space<vmem>>, vector<16xf32>,
    %swap3A_867 = arith.constant 13808 : index
    %swap3A_868 = tpu.vector_load %arg6[%swap3A_867] {strides = array<i32>} : memref<16384xf32, #tpu.memory_space<vmem>>, vector<16xf32>,
    tpu.vector_store %arg6[%swap3A_867], %broadcast_in_dim3A_2 {strides = array<i32>} : memref<16384xf32, #tpu.memory_space<vmem>>, vector<16xf32>,
    %swap3A_869 = arith.constant 13824 : index
    %swap3A_870 = tpu.vector_load %arg6[%swap3A_869] {strides = array<i32>} : memref<16384xf32, #tpu.memory_space<vmem>>, vector<16xf32>,
    tpu.vector_store %arg6[%swap3A_869], %broadcast_in_dim3A_2 {strides = array<i32>} : memref<16384xf32, #tpu.memory_space<vmem>>, vector<16xf32>,
    %swap3A_871 = arith.constant 14016 : index
    %swap3A_872 = tpu.vector_load %arg6[%swap3A_871] {strides = array<i32>} : memref<16384xf32, #tpu.memory_space<vmem>>, vector<16xf32>,
    tpu.vector_store %arg6[%swap3A_871], %broadcast_in_dim3A_2 {strides = array<i32>} : memref<16384xf32, #tpu.memory_space<vmem>>, vector<16xf32>,
    %swap3A_873 = arith.constant 13840 : index
    %swap3A_874 = tpu.vector_load %arg6[%swap3A_873] {strides = array<i32>} : memref<16384xf32, #tpu.memory_space<vmem>>, vector<16xf32>,
    tpu.vector_store %arg6[%swap3A_873], %broadcast_in_dim3A_2 {strides = array<i32>} : memref<16384xf32, #tpu.memory_space<vmem>>, vector<16xf32>,
    %swap3A_875 = arith.constant 14032 : index
    %swap3A_876 = tpu.vector_load %arg6[%swap3A_875] {strides = array<i32>} : memref<16384xf32, #tpu.memory_space<vmem>>, vector<16xf32>,
    tpu.vector_store %arg6[%swap3A_875], %broadcast_in_dim3A_2 {strides = array<i32>} : memref<16384xf32, #tpu.memory_space<vmem>>, vector<16xf32>,
    %swap3A_877 = arith.constant 13856 : index
    %swap3A_878 = tpu.vector_load %arg6[%swap3A_877] {strides = array<i32>} : memref<16384xf32, #tpu.memory_space<vmem>>, vector<16xf32>,
    tpu.vector_store %arg6[%swap3A_877], %broadcast_in_dim3A_2 {strides = array<i32>} : memref<16384xf32, #tpu.memory_space<vmem>>, vector<16xf32>,
    %swap3A_879 = arith.constant 14048 : index
    %swap3A_880 = tpu.vector_load %arg6[%swap3A_879] {strides = array<i32>} : memref<16384xf32, #tpu.memory_space<vmem>>, vector<16xf32>,
    tpu.vector_store %arg6[%swap3A_879], %broadcast_in_dim3A_2 {strides = array<i32>} : memref<16384xf32, #tpu.memory_space<vmem>>, vector<16xf32>,
    %swap3A_881 = arith.constant 13872 : index
    %swap3A_882 = tpu.vector_load %arg6[%swap3A_881] {strides = array<i32>} : memref<16384xf32, #tpu.memory_space<vmem>>, vector<16xf32>,
    tpu.vector_store %arg6[%swap3A_881], %broadcast_in_dim3A_2 {strides = array<i32>} : memref<16384xf32, #tpu.memory_space<vmem>>, vector<16xf32>,
    %swap3A_883 = arith.constant 14064 : index
    %swap3A_884 = tpu.vector_load %arg6[%swap3A_883] {strides = array<i32>} : memref<16384xf32, #tpu.memory_space<vmem>>, vector<16xf32>,
    tpu.vector_store %arg6[%swap3A_883], %broadcast_in_dim3A_2 {strides = array<i32>} : memref<16384xf32, #tpu.memory_space<vmem>>, vector<16xf32>,
    %swap3A_885 = arith.constant 14080 : index
    %swap3A_886 = tpu.vector_load %arg6[%swap3A_885] {strides = array<i32>} : memref<16384xf32, #tpu.memory_space<vmem>>, vector<16xf32>,
    tpu.vector_store %arg6[%swap3A_885], %broadcast_in_dim3A_2 {strides = array<i32>} : memref<16384xf32, #tpu.memory_space<vmem>>, vector<16xf32>,
    %swap3A_887 = arith.constant 14272 : index
    %swap3A_888 = tpu.vector_load %arg6[%swap3A_887] {strides = array<i32>} : memref<16384xf32, #tpu.memory_space<vmem>>, vector<16xf32>,
    tpu.vector_store %arg6[%swap3A_887], %broadcast_in_dim3A_2 {strides = array<i32>} : memref<16384xf32, #tpu.memory_space<vmem>>, vector<16xf32>,
    %swap3A_889 = arith.constant 14096 : index
    %swap3A_890 = tpu.vector_load %arg6[%swap3A_889] {strides = array<i32>} : memref<16384xf32, #tpu.memory_space<vmem>>, vector<16xf32>,
    tpu.vector_store %arg6[%swap3A_889], %broadcast_in_dim3A_2 {strides = array<i32>} : memref<16384xf32, #tpu.memory_space<vmem>>, vector<16xf32>,
    %swap3A_891 = arith.constant 14288 : index
    %swap3A_892 = tpu.vector_load %arg6[%swap3A_891] {strides = array<i32>} : memref<16384xf32, #tpu.memory_space<vmem>>, vector<16xf32>,
    tpu.vector_store %arg6[%swap3A_891], %broadcast_in_dim3A_2 {strides = array<i32>} : memref<16384xf32, #tpu.memory_space<vmem>>, vector<16xf32>,
    %swap3A_893 = arith.constant 14112 : index
    %swap3A_894 = tpu.vector_load %arg6[%swap3A_893] {strides = array<i32>} : memref<16384xf32, #tpu.memory_space<vmem>>, vector<16xf32>,
    tpu.vector_store %arg6[%swap3A_893], %broadcast_in_dim3A_2 {strides = array<i32>} : memref<16384xf32, #tpu.memory_space<vmem>>, vector<16xf32>,
    %swap3A_895 = arith.constant 14304 : index
    %swap3A_896 = tpu.vector_load %arg6[%swap3A_895] {strides = array<i32>} : memref<16384xf32, #tpu.memory_space<vmem>>, vector<16xf32>,
    tpu.vector_store %arg6[%swap3A_895], %broadcast_in_dim3A_2 {strides = array<i32>} : memref<16384xf32, #tpu.memory_space<vmem>>, vector<16xf32>,
    %swap3A_897 = arith.constant 14128 : index
    %swap3A_898 = tpu.vector_load %arg6[%swap3A_897] {strides = array<i32>} : memref<16384xf32, #tpu.memory_space<vmem>>, vector<16xf32>,
    tpu.vector_store %arg6[%swap3A_897], %broadcast_in_dim3A_2 {strides = array<i32>} : memref<16384xf32, #tpu.memory_space<vmem>>, vector<16xf32>,
    %swap3A_899 = arith.constant 14320 : index
    %swap3A_900 = tpu.vector_load %arg6[%swap3A_899] {strides = array<i32>} : memref<16384xf32, #tpu.memory_space<vmem>>, vector<16xf32>,
    tpu.vector_store %arg6[%swap3A_899], %broadcast_in_dim3A_2 {strides = array<i32>} : memref<16384xf32, #tpu.memory_space<vmem>>, vector<16xf32>,
    %swap3A_901 = arith.constant 14336 : index
    %swap3A_902 = tpu.vector_load %arg6[%swap3A_901] {strides = array<i32>} : memref<16384xf32, #tpu.memory_space<vmem>>, vector<16xf32>,
    tpu.vector_store %arg6[%swap3A_901], %broadcast_in_dim3A_2 {strides = array<i32>} : memref<16384xf32, #tpu.memory_space<vmem>>, vector<16xf32>,
    %swap3A_903 = arith.constant 14528 : index
    %swap3A_904 = tpu.vector_load %arg6[%swap3A_903] {strides = array<i32>} : memref<16384xf32, #tpu.memory_space<vmem>>, vector<16xf32>,
    tpu.vector_store %arg6[%swap3A_903], %broadcast_in_dim3A_2 {strides = array<i32>} : memref<16384xf32, #tpu.memory_space<vmem>>, vector<16xf32>,
    %swap3A_905 = arith.constant 14352 : index
    %swap3A_906 = tpu.vector_load %arg6[%swap3A_905] {strides = array<i32>} : memref<16384xf32, #tpu.memory_space<vmem>>, vector<16xf32>,
    tpu.vector_store %arg6[%swap3A_905], %broadcast_in_dim3A_2 {strides = array<i32>} : memref<16384xf32, #tpu.memory_space<vmem>>, vector<16xf32>,
    %swap3A_907 = arith.constant 14544 : index
    %swap3A_908 = tpu.vector_load %arg6[%swap3A_907] {strides = array<i32>} : memref<16384xf32, #tpu.memory_space<vmem>>, vector<16xf32>,
    tpu.vector_store %arg6[%swap3A_907], %broadcast_in_dim3A_2 {strides = array<i32>} : memref<16384xf32, #tpu.memory_space<vmem>>, vector<16xf32>,
    %swap3A_909 = arith.constant 14368 : index
    %swap3A_910 = tpu.vector_load %arg6[%swap3A_909] {strides = array<i32>} : memref<16384xf32, #tpu.memory_space<vmem>>, vector<16xf32>,
    tpu.vector_store %arg6[%swap3A_909], %broadcast_in_dim3A_2 {strides = array<i32>} : memref<16384xf32, #tpu.memory_space<vmem>>, vector<16xf32>,
    %swap3A_911 = arith.constant 14560 : index
    %swap3A_912 = tpu.vector_load %arg6[%swap3A_911] {strides = array<i32>} : memref<16384xf32, #tpu.memory_space<vmem>>, vector<16xf32>,
    tpu.vector_store %arg6[%swap3A_911], %broadcast_in_dim3A_2 {strides = array<i32>} : memref<16384xf32, #tpu.memory_space<vmem>>, vector<16xf32>,
    %swap3A_913 = arith.constant 14384 : index
    %swap3A_914 = tpu.vector_load %arg6[%swap3A_913] {strides = array<i32>} : memref<16384xf32, #tpu.memory_space<vmem>>, vector<16xf32>,
    tpu.vector_store %arg6[%swap3A_913], %broadcast_in_dim3A_2 {strides = array<i32>} : memref<16384xf32, #tpu.memory_space<vmem>>, vector<16xf32>,
    %swap3A_915 = arith.constant 14576 : index
    %swap3A_916 = tpu.vector_load %arg6[%swap3A_915] {strides = array<i32>} : memref<16384xf32, #tpu.memory_space<vmem>>, vector<16xf32>,
    tpu.vector_store %arg6[%swap3A_915], %broadcast_in_dim3A_2 {strides = array<i32>} : memref<16384xf32, #tpu.memory_space<vmem>>, vector<16xf32>,
    %swap3A_917 = arith.constant 14592 : index
    %swap3A_918 = tpu.vector_load %arg6[%swap3A_917] {strides = array<i32>} : memref<16384xf32, #tpu.memory_space<vmem>>, vector<16xf32>,
    tpu.vector_store %arg6[%swap3A_917], %broadcast_in_dim3A_2 {strides = array<i32>} : memref<16384xf32, #tpu.memory_space<vmem>>, vector<16xf32>,
    %swap3A_919 = arith.constant 14784 : index
    %swap3A_920 = tpu.vector_load %arg6[%swap3A_919] {strides = array<i32>} : memref<16384xf32, #tpu.memory_space<vmem>>, vector<16xf32>,
    tpu.vector_store %arg6[%swap3A_919], %broadcast_in_dim3A_2 {strides = array<i32>} : memref<16384xf32, #tpu.memory_space<vmem>>, vector<16xf32>,
    %swap3A_921 = arith.constant 14608 : index
    %swap3A_922 = tpu.vector_load %arg6[%swap3A_921] {strides = array<i32>} : memref<16384xf32, #tpu.memory_space<vmem>>, vector<16xf32>,
    tpu.vector_store %arg6[%swap3A_921], %broadcast_in_dim3A_2 {strides = array<i32>} : memref<16384xf32, #tpu.memory_space<vmem>>, vector<16xf32>,
    %swap3A_923 = arith.constant 14800 : index
    %swap3A_924 = tpu.vector_load %arg6[%swap3A_923] {strides = array<i32>} : memref<16384xf32, #tpu.memory_space<vmem>>, vector<16xf32>,
    tpu.vector_store %arg6[%swap3A_923], %broadcast_in_dim3A_2 {strides = array<i32>} : memref<16384xf32, #tpu.memory_space<vmem>>, vector<16xf32>,
    %swap3A_925 = arith.constant 14624 : index
    %swap3A_926 = tpu.vector_load %arg6[%swap3A_925] {strides = array<i32>} : memref<16384xf32, #tpu.memory_space<vmem>>, vector<16xf32>,
    tpu.vector_store %arg6[%swap3A_925], %broadcast_in_dim3A_2 {strides = array<i32>} : memref<16384xf32, #tpu.memory_space<vmem>>, vector<16xf32>,
    %swap3A_927 = arith.constant 14816 : index
    %swap3A_928 = tpu.vector_load %arg6[%swap3A_927] {strides = array<i32>} : memref<16384xf32, #tpu.memory_space<vmem>>, vector<16xf32>,
    tpu.vector_store %arg6[%swap3A_927], %broadcast_in_dim3A_2 {strides = array<i32>} : memref<16384xf32, #tpu.memory_space<vmem>>, vector<16xf32>,
    %swap3A_929 = arith.constant 14640 : index
    %swap3A_930 = tpu.vector_load %arg6[%swap3A_929] {strides = array<i32>} : memref<16384xf32, #tpu.memory_space<vmem>>, vector<16xf32>,
    tpu.vector_store %arg6[%swap3A_929], %broadcast_in_dim3A_2 {strides = array<i32>} : memref<16384xf32, #tpu.memory_space<vmem>>, vector<16xf32>,
    %swap3A_931 = arith.constant 14832 : index
    %swap3A_932 = tpu.vector_load %arg6[%swap3A_931] {strides = array<i32>} : memref<16384xf32, #tpu.memory_space<vmem>>, vector<16xf32>,
    tpu.vector_store %arg6[%swap3A_931], %broadcast_in_dim3A_2 {strides = array<i32>} : memref<16384xf32, #tpu.memory_space<vmem>>, vector<16xf32>,
    %swap3A_933 = arith.constant 14848 : index
    %swap3A_934 = tpu.vector_load %arg6[%swap3A_933] {strides = array<i32>} : memref<16384xf32, #tpu.memory_space<vmem>>, vector<16xf32>,
    tpu.vector_store %arg6[%swap3A_933], %broadcast_in_dim3A_2 {strides = array<i32>} : memref<16384xf32, #tpu.memory_space<vmem>>, vector<16xf32>,
    %swap3A_935 = arith.constant 15040 : index
    %swap3A_936 = tpu.vector_load %arg6[%swap3A_935] {strides = array<i32>} : memref<16384xf32, #tpu.memory_space<vmem>>, vector<16xf32>,
    tpu.vector_store %arg6[%swap3A_935], %broadcast_in_dim3A_2 {strides = array<i32>} : memref<16384xf32, #tpu.memory_space<vmem>>, vector<16xf32>,
    %swap3A_937 = arith.constant 14864 : index
    %swap3A_938 = tpu.vector_load %arg6[%swap3A_937] {strides = array<i32>} : memref<16384xf32, #tpu.memory_space<vmem>>, vector<16xf32>,
    tpu.vector_store %arg6[%swap3A_937], %broadcast_in_dim3A_2 {strides = array<i32>} : memref<16384xf32, #tpu.memory_space<vmem>>, vector<16xf32>,
    %swap3A_939 = arith.constant 15056 : index
    %swap3A_940 = tpu.vector_load %arg6[%swap3A_939] {strides = array<i32>} : memref<16384xf32, #tpu.memory_space<vmem>>, vector<16xf32>,
    tpu.vector_store %arg6[%swap3A_939], %broadcast_in_dim3A_2 {strides = array<i32>} : memref<16384xf32, #tpu.memory_space<vmem>>, vector<16xf32>,
    %swap3A_941 = arith.constant 14880 : index
    %swap3A_942 = tpu.vector_load %arg6[%swap3A_941] {strides = array<i32>} : memref<16384xf32, #tpu.memory_space<vmem>>, vector<16xf32>,
    tpu.vector_store %arg6[%swap3A_941], %broadcast_in_dim3A_2 {strides = array<i32>} : memref<16384xf32, #tpu.memory_space<vmem>>, vector<16xf32>,
    %swap3A_943 = arith.constant 15072 : index
    %swap3A_944 = tpu.vector_load %arg6[%swap3A_943] {strides = array<i32>} : memref<16384xf32, #tpu.memory_space<vmem>>, vector<16xf32>,
    tpu.vector_store %arg6[%swap3A_943], %broadcast_in_dim3A_2 {strides = array<i32>} : memref<16384xf32, #tpu.memory_space<vmem>>, vector<16xf32>,
    %swap3A_945 = arith.constant 14896 : index
    %swap3A_946 = tpu.vector_load %arg6[%swap3A_945] {strides = array<i32>} : memref<16384xf32, #tpu.memory_space<vmem>>, vector<16xf32>,
    tpu.vector_store %arg6[%swap3A_945], %broadcast_in_dim3A_2 {strides = array<i32>} : memref<16384xf32, #tpu.memory_space<vmem>>, vector<16xf32>,
    %swap3A_947 = arith.constant 15088 : index
    %swap3A_948 = tpu.vector_load %arg6[%swap3A_947] {strides = array<i32>} : memref<16384xf32, #tpu.memory_space<vmem>>, vector<16xf32>,
    tpu.vector_store %arg6[%swap3A_947], %broadcast_in_dim3A_2 {strides = array<i32>} : memref<16384xf32, #tpu.memory_space<vmem>>, vector<16xf32>,
    %swap3A_949 = arith.constant 15104 : index
    %swap3A_950 = tpu.vector_load %arg6[%swap3A_949] {strides = array<i32>} : memref<16384xf32, #tpu.memory_space<vmem>>, vector<16xf32>,
    tpu.vector_store %arg6[%swap3A_949], %broadcast_in_dim3A_2 {strides = array<i32>} : memref<16384xf32, #tpu.memory_space<vmem>>, vector<16xf32>,
    %swap3A_951 = arith.constant 15296 : index
    %swap3A_952 = tpu.vector_load %arg6[%swap3A_951] {strides = array<i32>} : memref<16384xf32, #tpu.memory_space<vmem>>, vector<16xf32>,
    tpu.vector_store %arg6[%swap3A_951], %broadcast_in_dim3A_2 {strides = array<i32>} : memref<16384xf32, #tpu.memory_space<vmem>>, vector<16xf32>,
    %swap3A_953 = arith.constant 15120 : index
    %swap3A_954 = tpu.vector_load %arg6[%swap3A_953] {strides = array<i32>} : memref<16384xf32, #tpu.memory_space<vmem>>, vector<16xf32>,
    tpu.vector_store %arg6[%swap3A_953], %broadcast_in_dim3A_2 {strides = array<i32>} : memref<16384xf32, #tpu.memory_space<vmem>>, vector<16xf32>,
    %swap3A_955 = arith.constant 15312 : index
    %swap3A_956 = tpu.vector_load %arg6[%swap3A_955] {strides = array<i32>} : memref<16384xf32, #tpu.memory_space<vmem>>, vector<16xf32>,
    tpu.vector_store %arg6[%swap3A_955], %broadcast_in_dim3A_2 {strides = array<i32>} : memref<16384xf32, #tpu.memory_space<vmem>>, vector<16xf32>,
    %swap3A_957 = arith.constant 15136 : index
    %swap3A_958 = tpu.vector_load %arg6[%swap3A_957] {strides = array<i32>} : memref<16384xf32, #tpu.memory_space<vmem>>, vector<16xf32>,
    tpu.vector_store %arg6[%swap3A_957], %broadcast_in_dim3A_2 {strides = array<i32>} : memref<16384xf32, #tpu.memory_space<vmem>>, vector<16xf32>,
    %swap3A_959 = arith.constant 15328 : index
    %swap3A_960 = tpu.vector_load %arg6[%swap3A_959] {strides = array<i32>} : memref<16384xf32, #tpu.memory_space<vmem>>, vector<16xf32>,
    tpu.vector_store %arg6[%swap3A_959], %broadcast_in_dim3A_2 {strides = array<i32>} : memref<16384xf32, #tpu.memory_space<vmem>>, vector<16xf32>,
    %swap3A_961 = arith.constant 15152 : index
    %swap3A_962 = tpu.vector_load %arg6[%swap3A_961] {strides = array<i32>} : memref<16384xf32, #tpu.memory_space<vmem>>, vector<16xf32>,
    tpu.vector_store %arg6[%swap3A_961], %broadcast_in_dim3A_2 {strides = array<i32>} : memref<16384xf32, #tpu.memory_space<vmem>>, vector<16xf32>,
    %swap3A_963 = arith.constant 15344 : index
    %swap3A_964 = tpu.vector_load %arg6[%swap3A_963] {strides = array<i32>} : memref<16384xf32, #tpu.memory_space<vmem>>, vector<16xf32>,
    tpu.vector_store %arg6[%swap3A_963], %broadcast_in_dim3A_2 {strides = array<i32>} : memref<16384xf32, #tpu.memory_space<vmem>>, vector<16xf32>,
    %swap3A_965 = arith.constant 15360 : index
    %swap3A_966 = tpu.vector_load %arg6[%swap3A_965] {strides = array<i32>} : memref<16384xf32, #tpu.memory_space<vmem>>, vector<16xf32>,
    tpu.vector_store %arg6[%swap3A_965], %broadcast_in_dim3A_2 {strides = array<i32>} : memref<16384xf32, #tpu.memory_space<vmem>>, vector<16xf32>,
    %swap3A_967 = arith.constant 15552 : index
    %swap3A_968 = tpu.vector_load %arg6[%swap3A_967] {strides = array<i32>} : memref<16384xf32, #tpu.memory_space<vmem>>, vector<16xf32>,
    tpu.vector_store %arg6[%swap3A_967], %broadcast_in_dim3A_2 {strides = array<i32>} : memref<16384xf32, #tpu.memory_space<vmem>>, vector<16xf32>,
    %swap3A_969 = arith.constant 15376 : index
    %swap3A_970 = tpu.vector_load %arg6[%swap3A_969] {strides = array<i32>} : memref<16384xf32, #tpu.memory_space<vmem>>, vector<16xf32>,
    tpu.vector_store %arg6[%swap3A_969], %broadcast_in_dim3A_2 {strides = array<i32>} : memref<16384xf32, #tpu.memory_space<vmem>>, vector<16xf32>,
    %swap3A_971 = arith.constant 15568 : index
    %swap3A_972 = tpu.vector_load %arg6[%swap3A_971] {strides = array<i32>} : memref<16384xf32, #tpu.memory_space<vmem>>, vector<16xf32>,
    tpu.vector_store %arg6[%swap3A_971], %broadcast_in_dim3A_2 {strides = array<i32>} : memref<16384xf32, #tpu.memory_space<vmem>>, vector<16xf32>,
    %swap3A_973 = arith.constant 15392 : index
    %swap3A_974 = tpu.vector_load %arg6[%swap3A_973] {strides = array<i32>} : memref<16384xf32, #tpu.memory_space<vmem>>, vector<16xf32>,
    tpu.vector_store %arg6[%swap3A_973], %broadcast_in_dim3A_2 {strides = array<i32>} : memref<16384xf32, #tpu.memory_space<vmem>>, vector<16xf32>,
    %swap3A_975 = arith.constant 15584 : index
    %swap3A_976 = tpu.vector_load %arg6[%swap3A_975] {strides = array<i32>} : memref<16384xf32, #tpu.memory_space<vmem>>, vector<16xf32>,
    tpu.vector_store %arg6[%swap3A_975], %broadcast_in_dim3A_2 {strides = array<i32>} : memref<16384xf32, #tpu.memory_space<vmem>>, vector<16xf32>,
    %swap3A_977 = arith.constant 15408 : index
    %swap3A_978 = tpu.vector_load %arg6[%swap3A_977] {strides = array<i32>} : memref<16384xf32, #tpu.memory_space<vmem>>, vector<16xf32>,
    tpu.vector_store %arg6[%swap3A_977], %broadcast_in_dim3A_2 {strides = array<i32>} : memref<16384xf32, #tpu.memory_space<vmem>>, vector<16xf32>,
    %swap3A_979 = arith.constant 15600 : index
    %swap3A_980 = tpu.vector_load %arg6[%swap3A_979] {strides = array<i32>} : memref<16384xf32, #tpu.memory_space<vmem>>, vector<16xf32>,
    tpu.vector_store %arg6[%swap3A_979], %broadcast_in_dim3A_2 {strides = array<i32>} : memref<16384xf32, #tpu.memory_space<vmem>>, vector<16xf32>,
    %swap3A_981 = arith.constant 15616 : index
    %swap3A_982 = tpu.vector_load %arg6[%swap3A_981] {strides = array<i32>} : memref<16384xf32, #tpu.memory_space<vmem>>, vector<16xf32>,
    tpu.vector_store %arg6[%swap3A_981], %broadcast_in_dim3A_2 {strides = array<i32>} : memref<16384xf32, #tpu.memory_space<vmem>>, vector<16xf32>,
    %swap3A_983 = arith.constant 15808 : index
    %swap3A_984 = tpu.vector_load %arg6[%swap3A_983] {strides = array<i32>} : memref<16384xf32, #tpu.memory_space<vmem>>, vector<16xf32>,
    tpu.vector_store %arg6[%swap3A_983], %broadcast_in_dim3A_2 {strides = array<i32>} : memref<16384xf32, #tpu.memory_space<vmem>>, vector<16xf32>,
    %swap3A_985 = arith.constant 15632 : index
    %swap3A_986 = tpu.vector_load %arg6[%swap3A_985] {strides = array<i32>} : memref<16384xf32, #tpu.memory_space<vmem>>, vector<16xf32>,
    tpu.vector_store %arg6[%swap3A_985], %broadcast_in_dim3A_2 {strides = array<i32>} : memref<16384xf32, #tpu.memory_space<vmem>>, vector<16xf32>,
    %swap3A_987 = arith.constant 15824 : index
    %swap3A_988 = tpu.vector_load %arg6[%swap3A_987] {strides = array<i32>} : memref<16384xf32, #tpu.memory_space<vmem>>, vector<16xf32>,
    tpu.vector_store %arg6[%swap3A_987], %broadcast_in_dim3A_2 {strides = array<i32>} : memref<16384xf32, #tpu.memory_space<vmem>>, vector<16xf32>,
    %swap3A_989 = arith.constant 15648 : index
    %swap3A_990 = tpu.vector_load %arg6[%swap3A_989] {strides = array<i32>} : memref<16384xf32, #tpu.memory_space<vmem>>, vector<16xf32>,
    tpu.vector_store %arg6[%swap3A_989], %broadcast_in_dim3A_2 {strides = array<i32>} : memref<16384xf32, #tpu.memory_space<vmem>>, vector<16xf32>,
    %swap3A_991 = arith.constant 15840 : index
    %swap3A_992 = tpu.vector_load %arg6[%swap3A_991] {strides = array<i32>} : memref<16384xf32, #tpu.memory_space<vmem>>, vector<16xf32>,
    tpu.vector_store %arg6[%swap3A_991], %broadcast_in_dim3A_2 {strides = array<i32>} : memref<16384xf32, #tpu.memory_space<vmem>>, vector<16xf32>,
    %swap3A_993 = arith.constant 15664 : index
    %swap3A_994 = tpu.vector_load %arg6[%swap3A_993] {strides = array<i32>} : memref<16384xf32, #tpu.memory_space<vmem>>, vector<16xf32>,
    tpu.vector_store %arg6[%swap3A_993], %broadcast_in_dim3A_2 {strides = array<i32>} : memref<16384xf32, #tpu.memory_space<vmem>>, vector<16xf32>,
    %swap3A_995 = arith.constant 15856 : index
    %swap3A_996 = tpu.vector_load %arg6[%swap3A_995] {strides = array<i32>} : memref<16384xf32, #tpu.memory_space<vmem>>, vector<16xf32>,
    tpu.vector_store %arg6[%swap3A_995], %broadcast_in_dim3A_2 {strides = array<i32>} : memref<16384xf32, #tpu.memory_space<vmem>>, vector<16xf32>,
    %swap3A_997 = arith.constant 15872 : index
    %swap3A_998 = tpu.vector_load %arg6[%swap3A_997] {strides = array<i32>} : memref<16384xf32, #tpu.memory_space<vmem>>, vector<16xf32>,
    tpu.vector_store %arg6[%swap3A_997], %broadcast_in_dim3A_2 {strides = array<i32>} : memref<16384xf32, #tpu.memory_space<vmem>>, vector<16xf32>,
    %swap3A_999 = arith.constant 16064 : index
    %swap3A_1000 = tpu.vector_load %arg6[%swap3A_999] {strides = array<i32>} : memref<16384xf32, #tpu.memory_space<vmem>>, vector<16xf32>,
    tpu.vector_store %arg6[%swap3A_999], %broadcast_in_dim3A_2 {strides = array<i32>} : memref<16384xf32, #tpu.memory_space<vmem>>, vector<16xf32>,
    %swap3A_1001 = arith.constant 15888 : index
    %swap3A_1002 = tpu.vector_load %arg6[%swap3A_1001] {strides = array<i32>} : memref<16384xf32, #tpu.memory_space<vmem>>, vector<16xf32>,
    tpu.vector_store %arg6[%swap3A_1001], %broadcast_in_dim3A_2 {strides = array<i32>} : memref<16384xf32, #tpu.memory_space<vmem>>, vector<16xf32>,
    %swap3A_1003 = arith.constant 16080 : index
    %swap3A_1004 = tpu.vector_load %arg6[%swap3A_1003] {strides = array<i32>} : memref<16384xf32, #tpu.memory_space<vmem>>, vector<16xf32>,
    tpu.vector_store %arg6[%swap3A_1003], %broadcast_in_dim3A_2 {strides = array<i32>} : memref<16384xf32, #tpu.memory_space<vmem>>, vector<16xf32>,
    %swap3A_1005 = arith.constant 15904 : index
    %swap3A_1006 = tpu.vector_load %arg6[%swap3A_1005] {strides = array<i32>} : memref<16384xf32, #tpu.memory_space<vmem>>, vector<16xf32>,
    tpu.vector_store %arg6[%swap3A_1005], %broadcast_in_dim3A_2 {strides = array<i32>} : memref<16384xf32, #tpu.memory_space<vmem>>, vector<16xf32>,
    %swap3A_1007 = arith.constant 16096 : index
    %swap3A_1008 = tpu.vector_load %arg6[%swap3A_1007] {strides = array<i32>} : memref<16384xf32, #tpu.memory_space<vmem>>, vector<16xf32>,
    tpu.vector_store %arg6[%swap3A_1007], %broadcast_in_dim3A_2 {strides = array<i32>} : memref<16384xf32, #tpu.memory_space<vmem>>, vector<16xf32>,
    %swap3A_1009 = arith.constant 15920 : index
    %swap3A_1010 = tpu.vector_load %arg6[%swap3A_1009] {strides = array<i32>} : memref<16384xf32, #tpu.memory_space<vmem>>, vector<16xf32>,
    tpu.vector_store %arg6[%swap3A_1009], %broadcast_in_dim3A_2 {strides = array<i32>} : memref<16384xf32, #tpu.memory_space<vmem>>, vector<16xf32>,
    %swap3A_1011 = arith.constant 16112 : index
    %swap3A_1012 = tpu.vector_load %arg6[%swap3A_1011] {strides = array<i32>} : memref<16384xf32, #tpu.memory_space<vmem>>, vector<16xf32>,
    tpu.vector_store %arg6[%swap3A_1011], %broadcast_in_dim3A_2 {strides = array<i32>} : memref<16384xf32, #tpu.memory_space<vmem>>, vector<16xf32>,
    %swap3A_1013 = arith.constant 16128 : index
    %swap3A_1014 = tpu.vector_load %arg6[%swap3A_1013] {strides = array<i32>} : memref<16384xf32, #tpu.memory_space<vmem>>, vector<16xf32>,
    tpu.vector_store %arg6[%swap3A_1013], %broadcast_in_dim3A_2 {strides = array<i32>} : memref<16384xf32, #tpu.memory_space<vmem>>, vector<16xf32>,
    %swap3A_1015 = arith.constant 16320 : index
    %swap3A_1016 = tpu.vector_load %arg6[%swap3A_1015] {strides = array<i32>} : memref<16384xf32, #tpu.memory_space<vmem>>, vector<16xf32>,
    tpu.vector_store %arg6[%swap3A_1015], %broadcast_in_dim3A_2 {strides = array<i32>} : memref<16384xf32, #tpu.memory_space<vmem>>, vector<16xf32>,
    %swap3A_1017 = arith.constant 16144 : index
    %swap3A_1018 = tpu.vector_load %arg6[%swap3A_1017] {strides = array<i32>} : memref<16384xf32, #tpu.memory_space<vmem>>, vector<16xf32>,
    tpu.vector_store %arg6[%swap3A_1017], %broadcast_in_dim3A_2 {strides = array<i32>} : memref<16384xf32, #tpu.memory_space<vmem>>, vector<16xf32>,
    %swap3A_1019 = arith.constant 16336 : index
    %swap3A_1020 = tpu.vector_load %arg6[%swap3A_1019] {strides = array<i32>} : memref<16384xf32, #tpu.memory_space<vmem>>, vector<16xf32>,
    tpu.vector_store %arg6[%swap3A_1019], %broadcast_in_dim3A_2 {strides = array<i32>} : memref<16384xf32, #tpu.memory_space<vmem>>, vector<16xf32>,
    %swap3A_1021 = arith.constant 16160 : index
    %swap3A_1022 = tpu.vector_load %arg6[%swap3A_1021] {strides = array<i32>} : memref<16384xf32, #tpu.memory_space<vmem>>, vector<16xf32>,
    tpu.vector_store %arg6[%swap3A_1021], %broadcast_in_dim3A_2 {strides = array<i32>} : memref<16384xf32, #tpu.memory_space<vmem>>, vector<16xf32>,
    %swap3A_1023 = arith.constant 16352 : index
    %swap3A_1024 = tpu.vector_load %arg6[%swap3A_1023] {strides = array<i32>} : memref<16384xf32, #tpu.memory_space<vmem>>, vector<16xf32>,
    tpu.vector_store %arg6[%swap3A_1023], %broadcast_in_dim3A_2 {strides = array<i32>} : memref<16384xf32, #tpu.memory_space<vmem>>, vector<16xf32>,
    %swap3A_1025 = arith.constant 16176 : index
    %swap3A_1026 = tpu.vector_load %arg6[%swap3A_1025] {strides = array<i32>} : memref<16384xf32, #tpu.memory_space<vmem>>, vector<16xf32>,
    tpu.vector_store %arg6[%swap3A_1025], %broadcast_in_dim3A_2 {strides = array<i32>} : memref<16384xf32, #tpu.memory_space<vmem>>, vector<16xf32>,
    %swap3A_1027 = arith.constant 16368 : index
    %swap3A_1028 = tpu.vector_load %arg6[%swap3A_1027] {strides = array<i32>} : memref<16384xf32, #tpu.memory_space<vmem>>, vector<16xf32>,
    tpu.vector_store %arg6[%swap3A_1027], %broadcast_in_dim3A_2 {strides = array<i32>} : memref<16384xf32, #tpu.memory_space<vmem>>, vector<16xf32>,
    %scan3A = arith.constant 0 : i32
    %scan3A_1029 = arith.constant 32 : i32
    %scan3A_1030 = arith.addi %scan3A, %scan3A_1029 : i32
    %scan3A_1031 = arith.constant 1 : i32
    %scan3A_1032:4 = scf.for %scan3A_1121 = %scan3A to %scan3A_1030 step %scan3A_1031 iter_args(%scan3A_1122 = %broadcast_in_dim3A_2, %scan3A_1123 = %broadcast_in_dim3A_2, %scan3A_1124 = %broadcast_in_dim3A_2, %scan3A_1125 = %broadcast_in_dim3A_2) -> (vector<16xf32>, vector<16xf32>, vector<16xf32>, vector<16xf32>)  : i32 {
      %jit3A = arith.constant 2 : i32
      %eq3A = arith.constant 0 : i32
      %eq3A_1126 = arith.cmpi eq, %jit3A, %eq3A : i32
      %jit3A_1127 = arith.constant 1 : i32
      %select_n3A = arith.select %eq3A_1126, %jit3A_1127, %jit3A : i32
      %rem3A = arith.remsi %scan3A_1121, %select_n3A : i32
      %ne3A = arith.constant 0 : i32
      %ne3A_1128 = arith.cmpi ne, %rem3A, %ne3A : i32
      %lt3A = arith.constant 0 : i32
      %lt3A_1129 = arith.cmpi slt, %rem3A, %lt3A : i32
      %lt3A_1130 = arith.constant 0 : i32
      %lt3A_1131 = arith.cmpi slt, %select_n3A, %lt3A_1130 : i32
      %ne3A_1132 = arith.xori %lt3A_1129, %lt3A_1131 : i1
      %and3A = arith.andi %ne3A_1132, %ne3A_1128 : i1
      %add3A_1133 = arith.addi %rem3A, %select_n3A : i32
      %select_n3A_1134 = arith.select %and3A, %add3A_1133, %rem3A : i32
      %mul3A_1135 = arith.constant 4 : i32
      %mul3A_1136 = arith.muli %scan3A_1121, %mul3A_1135 : i32
      %add3A_1137 = arith.constant 0 : i32
      %add3A_1138 = arith.addi %mul3A_1136, %add3A_1137 : i32
      %mul3A_1139 = arith.constant 0.899999976 : f32
      %mul3A_1140 = vector.broadcast %mul3A_1139 : f32 to vector<16xf32>
      %mul3A_1141 = arith.mulf %mul3A_1140, %scan3A_1122 : vector<16xf32>
      %get3A_1142 = arith.index_cast %add3A_1138 : i32 to index
      %get3A_1143 = arith.constant 0 : index
      %get3A_1144 = tpu.vector_load %arg5[%get3A_1142, %get3A_1143] {strides = array<i32>} : memref<128x64xf32, #tpu.memory_space<vmem>>, vector<16xf32>,
      %add3A_1145 = arith.addf %mul3A_1141, %get3A_1144 : vector<16xf32>
      %broadcast_in_dim3A_1146 = arith.constant 64 : i32
      %broadcast_in_dim3A_1147 = vector.broadcast %broadcast_in_dim3A_1146 : i32 to vector<16xi32>
      %add3A_1148 = arith.addi %broadcast_in_dim3A_1147, %mul3A_5 : vector<16xi32>
      %add3A_1149 = vector.broadcast %add3A_1138 : i32 to vector<16xi32>
      %add3A_1150 = arith.addi %add3A_1148, %add3A_1149 : vector<16xi32>
      %mul3A_1151 = arith.mulf %add3A_1145, %get3A_1 : vector<16xf32>
      tpu.vector_store_idx %arg6[%add3A_1150], %mul3A_1151 : memref<16384xf32, #tpu.memory_space<vmem>>[vector<16xi32>], vector<16xf32>,
      %mul3A_1152 = arith.constant 0.899999976 : f32
      %mul3A_1153 = vector.broadcast %mul3A_1152 : f32 to vector<16xf32>
      %mul3A_1154 = arith.mulf %mul3A_1153, %scan3A_1123 : vector<16xf32>
      %get3A_1155 = arith.index_cast %add3A_1138 : i32 to index
      %get3A_1156 = arith.constant 16 : index
      %get3A_1157 = tpu.vector_load %arg5[%get3A_1155, %get3A_1156] {strides = array<i32>} : memref<128x64xf32, #tpu.memory_space<vmem>>, vector<16xf32>,
      %add3A_1158 = arith.addf %mul3A_1154, %get3A_1157 : vector<16xf32>
      %broadcast_in_dim3A_1159 = arith.constant 4160 : i32
      %broadcast_in_dim3A_1160 = vector.broadcast %broadcast_in_dim3A_1159 : i32 to vector<16xi32>
      %add3A_1161 = arith.addi %broadcast_in_dim3A_1160, %mul3A_5 : vector<16xi32>
      %add3A_1162 = vector.broadcast %add3A_1138 : i32 to vector<16xi32>
      %add3A_1163 = arith.addi %add3A_1161, %add3A_1162 : vector<16xi32>
      %mul3A_1164 = arith.mulf %add3A_1158, %get3A_1 : vector<16xf32>
      tpu.vector_store_idx %arg6[%add3A_1163], %mul3A_1164 : memref<16384xf32, #tpu.memory_space<vmem>>[vector<16xi32>], vector<16xf32>,
      %mul3A_1165 = arith.constant 0.899999976 : f32
      %mul3A_1166 = vector.broadcast %mul3A_1165 : f32 to vector<16xf32>
      %mul3A_1167 = arith.mulf %mul3A_1166, %scan3A_1124 : vector<16xf32>
      %get3A_1168 = arith.index_cast %add3A_1138 : i32 to index
      %get3A_1169 = arith.constant 32 : index
      %get3A_1170 = tpu.vector_load %arg5[%get3A_1168, %get3A_1169] {strides = array<i32>} : memref<128x64xf32, #tpu.memory_space<vmem>>, vector<16xf32>,
      %add3A_1171 = arith.addf %mul3A_1167, %get3A_1170 : vector<16xf32>
      %broadcast_in_dim3A_1172 = arith.constant 8256 : i32
      %broadcast_in_dim3A_1173 = vector.broadcast %broadcast_in_dim3A_1172 : i32 to vector<16xi32>
      %add3A_1174 = arith.addi %broadcast_in_dim3A_1173, %mul3A_5 : vector<16xi32>
      %add3A_1175 = vector.broadcast %add3A_1138 : i32 to vector<16xi32>
      %add3A_1176 = arith.addi %add3A_1174, %add3A_1175 : vector<16xi32>
      %mul3A_1177 = arith.mulf %add3A_1171, %get3A_1 : vector<16xf32>
      tpu.vector_store_idx %arg6[%add3A_1176], %mul3A_1177 : memref<16384xf32, #tpu.memory_space<vmem>>[vector<16xi32>], vector<16xf32>,
      %mul3A_1178 = arith.constant 0.899999976 : f32
      %mul3A_1179 = vector.broadcast %mul3A_1178 : f32 to vector<16xf32>
      %mul3A_1180 = arith.mulf %mul3A_1179, %scan3A_1125 : vector<16xf32>
      %get3A_1181 = arith.index_cast %add3A_1138 : i32 to index
      %get3A_1182 = arith.constant 48 : index
      %get3A_1183 = tpu.vector_load %arg5[%get3A_1181, %get3A_1182] {strides = array<i32>} : memref<128x64xf32, #tpu.memory_space<vmem>>, vector<16xf32>,
      %add3A_1184 = arith.addf %mul3A_1180, %get3A_1183 : vector<16xf32>
      %broadcast_in_dim3A_1185 = arith.constant 12352 : i32
      %broadcast_in_dim3A_1186 = vector.broadcast %broadcast_in_dim3A_1185 : i32 to vector<16xi32>
      %add3A_1187 = arith.addi %broadcast_in_dim3A_1186, %mul3A_5 : vector<16xi32>
      %add3A_1188 = vector.broadcast %add3A_1138 : i32 to vector<16xi32>
      %add3A_1189 = arith.addi %add3A_1187, %add3A_1188 : vector<16xi32>
      %mul3A_1190 = arith.mulf %add3A_1184, %get3A_1 : vector<16xf32>
      tpu.vector_store_idx %arg6[%add3A_1189], %mul3A_1190 : memref<16384xf32, #tpu.memory_space<vmem>>[vector<16xi32>], vector<16xf32>,
      %mul3A_1191 = arith.constant 4 : i32
      %mul3A_1192 = arith.muli %scan3A_1121, %mul3A_1191 : i32
      %add3A_1193 = arith.constant 1 : i32
      %add3A_1194 = arith.addi %mul3A_1192, %add3A_1193 : i32
      %mul3A_1195 = arith.constant 0.899999976 : f32
      %mul3A_1196 = vector.broadcast %mul3A_1195 : f32 to vector<16xf32>
      %mul3A_1197 = arith.mulf %mul3A_1196, %add3A_1145 : vector<16xf32>
      %get3A_1198 = arith.index_cast %add3A_1194 : i32 to index
      %get3A_1199 = arith.constant 0 : index
      %get3A_1200 = tpu.vector_load %arg5[%get3A_1198, %get3A_1199] {strides = array<i32>} : memref<128x64xf32, #tpu.memory_space<vmem>>, vector<16xf32>,
      %add3A_1201 = arith.addf %mul3A_1197, %get3A_1200 : vector<16xf32>
      %broadcast_in_dim3A_1202 = arith.constant 64 : i32
      %broadcast_in_dim3A_1203 = vector.broadcast %broadcast_in_dim3A_1202 : i32 to vector<16xi32>
      %add3A_1204 = arith.addi %broadcast_in_dim3A_1203, %mul3A_5 : vector<16xi32>
      %add3A_1205 = vector.broadcast %add3A_1194 : i32 to vector<16xi32>
      %add3A_1206 = arith.addi %add3A_1204, %add3A_1205 : vector<16xi32>
      %mul3A_1207 = arith.mulf %add3A_1201, %get3A_1 : vector<16xf32>
      tpu.vector_store_idx %arg6[%add3A_1206], %mul3A_1207 : memref<16384xf32, #tpu.memory_space<vmem>>[vector<16xi32>], vector<16xf32>,
      %mul3A_1208 = arith.constant 0.899999976 : f32
      %mul3A_1209 = vector.broadcast %mul3A_1208 : f32 to vector<16xf32>
      %mul3A_1210 = arith.mulf %mul3A_1209, %add3A_1158 : vector<16xf32>
      %get3A_1211 = arith.index_cast %add3A_1194 : i32 to index
      %get3A_1212 = arith.constant 16 : index
      %get3A_1213 = tpu.vector_load %arg5[%get3A_1211, %get3A_1212] {strides = array<i32>} : memref<128x64xf32, #tpu.memory_space<vmem>>, vector<16xf32>,
      %add3A_1214 = arith.addf %mul3A_1210, %get3A_1213 : vector<16xf32>
      %broadcast_in_dim3A_1215 = arith.constant 4160 : i32
      %broadcast_in_dim3A_1216 = vector.broadcast %broadcast_in_dim3A_1215 : i32 to vector<16xi32>
      %add3A_1217 = arith.addi %broadcast_in_dim3A_1216, %mul3A_5 : vector<16xi32>
      %add3A_1218 = vector.broadcast %add3A_1194 : i32 to vector<16xi32>
      %add3A_1219 = arith.addi %add3A_1217, %add3A_1218 : vector<16xi32>
      %mul3A_1220 = arith.mulf %add3A_1214, %get3A_1 : vector<16xf32>
      tpu.vector_store_idx %arg6[%add3A_1219], %mul3A_1220 : memref<16384xf32, #tpu.memory_space<vmem>>[vector<16xi32>], vector<16xf32>,
      %mul3A_1221 = arith.constant 0.899999976 : f32
      %mul3A_1222 = vector.broadcast %mul3A_1221 : f32 to vector<16xf32>
      %mul3A_1223 = arith.mulf %mul3A_1222, %add3A_1171 : vector<16xf32>
      %get3A_1224 = arith.index_cast %add3A_1194 : i32 to index
      %get3A_1225 = arith.constant 32 : index
      %get3A_1226 = tpu.vector_load %arg5[%get3A_1224, %get3A_1225] {strides = array<i32>} : memref<128x64xf32, #tpu.memory_space<vmem>>, vector<16xf32>,
      %add3A_1227 = arith.addf %mul3A_1223, %get3A_1226 : vector<16xf32>
      %broadcast_in_dim3A_1228 = arith.constant 8256 : i32
      %broadcast_in_dim3A_1229 = vector.broadcast %broadcast_in_dim3A_1228 : i32 to vector<16xi32>
      %add3A_1230 = arith.addi %broadcast_in_dim3A_1229, %mul3A_5 : vector<16xi32>
      %add3A_1231 = vector.broadcast %add3A_1194 : i32 to vector<16xi32>
      %add3A_1232 = arith.addi %add3A_1230, %add3A_1231 : vector<16xi32>
      %mul3A_1233 = arith.mulf %add3A_1227, %get3A_1 : vector<16xf32>
      tpu.vector_store_idx %arg6[%add3A_1232], %mul3A_1233 : memref<16384xf32, #tpu.memory_space<vmem>>[vector<16xi32>], vector<16xf32>,
      %mul3A_1234 = arith.constant 0.899999976 : f32
      %mul3A_1235 = vector.broadcast %mul3A_1234 : f32 to vector<16xf32>
      %mul3A_1236 = arith.mulf %mul3A_1235, %add3A_1184 : vector<16xf32>
      %get3A_1237 = arith.index_cast %add3A_1194 : i32 to index
      %get3A_1238 = arith.constant 48 : index
      %get3A_1239 = tpu.vector_load %arg5[%get3A_1237, %get3A_1238] {strides = array<i32>} : memref<128x64xf32, #tpu.memory_space<vmem>>, vector<16xf32>,
      %add3A_1240 = arith.addf %mul3A_1236, %get3A_1239 : vector<16xf32>
      %broadcast_in_dim3A_1241 = arith.constant 12352 : i32
      %broadcast_in_dim3A_1242 = vector.broadcast %broadcast_in_dim3A_1241 : i32 to vector<16xi32>
      %add3A_1243 = arith.addi %broadcast_in_dim3A_1242, %mul3A_5 : vector<16xi32>
      %add3A_1244 = vector.broadcast %add3A_1194 : i32 to vector<16xi32>
      %add3A_1245 = arith.addi %add3A_1243, %add3A_1244 : vector<16xi32>
      %mul3A_1246 = arith.mulf %add3A_1240, %get3A_1 : vector<16xf32>
      tpu.vector_store_idx %arg6[%add3A_1245], %mul3A_1246 : memref<16384xf32, #tpu.memory_space<vmem>>[vector<16xi32>], vector<16xf32>,
      %mul3A_1247 = arith.constant 4 : i32
      %mul3A_1248 = arith.muli %scan3A_1121, %mul3A_1247 : i32
      %add3A_1249 = arith.constant 2 : i32
      %add3A_1250 = arith.addi %mul3A_1248, %add3A_1249 : i32
      %mul3A_1251 = arith.constant 0.899999976 : f32
      %mul3A_1252 = vector.broadcast %mul3A_1251 : f32 to vector<16xf32>
      %mul3A_1253 = arith.mulf %mul3A_1252, %add3A_1201 : vector<16xf32>
      %get3A_1254 = arith.index_cast %add3A_1250 : i32 to index
      %get3A_1255 = arith.constant 0 : index
      %get3A_1256 = tpu.vector_load %arg5[%get3A_1254, %get3A_1255] {strides = array<i32>} : memref<128x64xf32, #tpu.memory_space<vmem>>, vector<16xf32>,
      %add3A_1257 = arith.addf %mul3A_1253, %get3A_1256 : vector<16xf32>
      %broadcast_in_dim3A_1258 = arith.constant 64 : i32
      %broadcast_in_dim3A_1259 = vector.broadcast %broadcast_in_dim3A_1258 : i32 to vector<16xi32>
      %add3A_1260 = arith.addi %broadcast_in_dim3A_1259, %mul3A_5 : vector<16xi32>
      %add3A_1261 = vector.broadcast %add3A_1250 : i32 to vector<16xi32>
      %add3A_1262 = arith.addi %add3A_1260, %add3A_1261 : vector<16xi32>
      %mul3A_1263 = arith.mulf %add3A_1257, %get3A_1 : vector<16xf32>
      tpu.vector_store_idx %arg6[%add3A_1262], %mul3A_1263 : memref<16384xf32, #tpu.memory_space<vmem>>[vector<16xi32>], vector<16xf32>,
      %mul3A_1264 = arith.constant 0.899999976 : f32
      %mul3A_1265 = vector.broadcast %mul3A_1264 : f32 to vector<16xf32>
      %mul3A_1266 = arith.mulf %mul3A_1265, %add3A_1214 : vector<16xf32>
      %get3A_1267 = arith.index_cast %add3A_1250 : i32 to index
      %get3A_1268 = arith.constant 16 : index
      %get3A_1269 = tpu.vector_load %arg5[%get3A_1267, %get3A_1268] {strides = array<i32>} : memref<128x64xf32, #tpu.memory_space<vmem>>, vector<16xf32>,
      %add3A_1270 = arith.addf %mul3A_1266, %get3A_1269 : vector<16xf32>
      %broadcast_in_dim3A_1271 = arith.constant 4160 : i32
      %broadcast_in_dim3A_1272 = vector.broadcast %broadcast_in_dim3A_1271 : i32 to vector<16xi32>
      %add3A_1273 = arith.addi %broadcast_in_dim3A_1272, %mul3A_5 : vector<16xi32>
      %add3A_1274 = vector.broadcast %add3A_1250 : i32 to vector<16xi32>
      %add3A_1275 = arith.addi %add3A_1273, %add3A_1274 : vector<16xi32>
      %mul3A_1276 = arith.mulf %add3A_1270, %get3A_1 : vector<16xf32>
      tpu.vector_store_idx %arg6[%add3A_1275], %mul3A_1276 : memref<16384xf32, #tpu.memory_space<vmem>>[vector<16xi32>], vector<16xf32>,
      %mul3A_1277 = arith.constant 0.899999976 : f32
      %mul3A_1278 = vector.broadcast %mul3A_1277 : f32 to vector<16xf32>
      %mul3A_1279 = arith.mulf %mul3A_1278, %add3A_1227 : vector<16xf32>
      %get3A_1280 = arith.index_cast %add3A_1250 : i32 to index
      %get3A_1281 = arith.constant 32 : index
      %get3A_1282 = tpu.vector_load %arg5[%get3A_1280, %get3A_1281] {strides = array<i32>} : memref<128x64xf32, #tpu.memory_space<vmem>>, vector<16xf32>,
      %add3A_1283 = arith.addf %mul3A_1279, %get3A_1282 : vector<16xf32>
      %broadcast_in_dim3A_1284 = arith.constant 8256 : i32
      %broadcast_in_dim3A_1285 = vector.broadcast %broadcast_in_dim3A_1284 : i32 to vector<16xi32>
      %add3A_1286 = arith.addi %broadcast_in_dim3A_1285, %mul3A_5 : vector<16xi32>
      %add3A_1287 = vector.broadcast %add3A_1250 : i32 to vector<16xi32>
      %add3A_1288 = arith.addi %add3A_1286, %add3A_1287 : vector<16xi32>
      %mul3A_1289 = arith.mulf %add3A_1283, %get3A_1 : vector<16xf32>
      tpu.vector_store_idx %arg6[%add3A_1288], %mul3A_1289 : memref<16384xf32, #tpu.memory_space<vmem>>[vector<16xi32>], vector<16xf32>,
      %mul3A_1290 = arith.constant 0.899999976 : f32
      %mul3A_1291 = vector.broadcast %mul3A_1290 : f32 to vector<16xf32>
      %mul3A_1292 = arith.mulf %mul3A_1291, %add3A_1240 : vector<16xf32>
      %get3A_1293 = arith.index_cast %add3A_1250 : i32 to index
      %get3A_1294 = arith.constant 48 : index
      %get3A_1295 = tpu.vector_load %arg5[%get3A_1293, %get3A_1294] {strides = array<i32>} : memref<128x64xf32, #tpu.memory_space<vmem>>, vector<16xf32>,
      %add3A_1296 = arith.addf %mul3A_1292, %get3A_1295 : vector<16xf32>
      %broadcast_in_dim3A_1297 = arith.constant 12352 : i32
      %broadcast_in_dim3A_1298 = vector.broadcast %broadcast_in_dim3A_1297 : i32 to vector<16xi32>
      %add3A_1299 = arith.addi %broadcast_in_dim3A_1298, %mul3A_5 : vector<16xi32>
      %add3A_1300 = vector.broadcast %add3A_1250 : i32 to vector<16xi32>
      %add3A_1301 = arith.addi %add3A_1299, %add3A_1300 : vector<16xi32>
      %mul3A_1302 = arith.mulf %add3A_1296, %get3A_1 : vector<16xf32>
      tpu.vector_store_idx %arg6[%add3A_1301], %mul3A_1302 : memref<16384xf32, #tpu.memory_space<vmem>>[vector<16xi32>], vector<16xf32>,
      %mul3A_1303 = arith.constant 4 : i32
      %mul3A_1304 = arith.muli %scan3A_1121, %mul3A_1303 : i32
      %add3A_1305 = arith.constant 3 : i32
      %add3A_1306 = arith.addi %mul3A_1304, %add3A_1305 : i32
      %mul3A_1307 = arith.constant 0.899999976 : f32
      %mul3A_1308 = vector.broadcast %mul3A_1307 : f32 to vector<16xf32>
      %mul3A_1309 = arith.mulf %mul3A_1308, %add3A_1257 : vector<16xf32>
      %get3A_1310 = arith.index_cast %add3A_1306 : i32 to index
      %get3A_1311 = arith.constant 0 : index
      %get3A_1312 = tpu.vector_load %arg5[%get3A_1310, %get3A_1311] {strides = array<i32>} : memref<128x64xf32, #tpu.memory_space<vmem>>, vector<16xf32>,
      %add3A_1313 = arith.addf %mul3A_1309, %get3A_1312 : vector<16xf32>
      %broadcast_in_dim3A_1314 = arith.constant 64 : i32
      %broadcast_in_dim3A_1315 = vector.broadcast %broadcast_in_dim3A_1314 : i32 to vector<16xi32>
      %add3A_1316 = arith.addi %broadcast_in_dim3A_1315, %mul3A_5 : vector<16xi32>
      %add3A_1317 = vector.broadcast %add3A_1306 : i32 to vector<16xi32>
      %add3A_1318 = arith.addi %add3A_1316, %add3A_1317 : vector<16xi32>
      %mul3A_1319 = arith.mulf %add3A_1313, %get3A_1 : vector<16xf32>
      tpu.vector_store_idx %arg6[%add3A_1318], %mul3A_1319 : memref<16384xf32, #tpu.memory_space<vmem>>[vector<16xi32>], vector<16xf32>,
      %mul3A_1320 = arith.constant 0.899999976 : f32
      %mul3A_1321 = vector.broadcast %mul3A_1320 : f32 to vector<16xf32>
      %mul3A_1322 = arith.mulf %mul3A_1321, %add3A_1270 : vector<16xf32>
      %get3A_1323 = arith.index_cast %add3A_1306 : i32 to index
      %get3A_1324 = arith.constant 16 : index
      %get3A_1325 = tpu.vector_load %arg5[%get3A_1323, %get3A_1324] {strides = array<i32>} : memref<128x64xf32, #tpu.memory_space<vmem>>, vector<16xf32>,
      %add3A_1326 = arith.addf %mul3A_1322, %get3A_1325 : vector<16xf32>
      %broadcast_in_dim3A_1327 = arith.constant 4160 : i32
      %broadcast_in_dim3A_1328 = vector.broadcast %broadcast_in_dim3A_1327 : i32 to vector<16xi32>
      %add3A_1329 = arith.addi %broadcast_in_dim3A_1328, %mul3A_5 : vector<16xi32>
      %add3A_1330 = vector.broadcast %add3A_1306 : i32 to vector<16xi32>
      %add3A_1331 = arith.addi %add3A_1329, %add3A_1330 : vector<16xi32>
      %mul3A_1332 = arith.mulf %add3A_1326, %get3A_1 : vector<16xf32>
      tpu.vector_store_idx %arg6[%add3A_1331], %mul3A_1332 : memref<16384xf32, #tpu.memory_space<vmem>>[vector<16xi32>], vector<16xf32>,
      %mul3A_1333 = arith.constant 0.899999976 : f32
      %mul3A_1334 = vector.broadcast %mul3A_1333 : f32 to vector<16xf32>
      %mul3A_1335 = arith.mulf %mul3A_1334, %add3A_1283 : vector<16xf32>
      %get3A_1336 = arith.index_cast %add3A_1306 : i32 to index
      %get3A_1337 = arith.constant 32 : index
      %get3A_1338 = tpu.vector_load %arg5[%get3A_1336, %get3A_1337] {strides = array<i32>} : memref<128x64xf32, #tpu.memory_space<vmem>>, vector<16xf32>,
      %add3A_1339 = arith.addf %mul3A_1335, %get3A_1338 : vector<16xf32>
      %broadcast_in_dim3A_1340 = arith.constant 8256 : i32
      %broadcast_in_dim3A_1341 = vector.broadcast %broadcast_in_dim3A_1340 : i32 to vector<16xi32>
      %add3A_1342 = arith.addi %broadcast_in_dim3A_1341, %mul3A_5 : vector<16xi32>
      %add3A_1343 = vector.broadcast %add3A_1306 : i32 to vector<16xi32>
      %add3A_1344 = arith.addi %add3A_1342, %add3A_1343 : vector<16xi32>
      %mul3A_1345 = arith.mulf %add3A_1339, %get3A_1 : vector<16xf32>
      tpu.vector_store_idx %arg6[%add3A_1344], %mul3A_1345 : memref<16384xf32, #tpu.memory_space<vmem>>[vector<16xi32>], vector<16xf32>,
      %mul3A_1346 = arith.constant 0.899999976 : f32
      %mul3A_1347 = vector.broadcast %mul3A_1346 : f32 to vector<16xf32>
      %mul3A_1348 = arith.mulf %mul3A_1347, %add3A_1296 : vector<16xf32>
      %get3A_1349 = arith.index_cast %add3A_1306 : i32 to index
      %get3A_1350 = arith.constant 48 : index
      %get3A_1351 = tpu.vector_load %arg5[%get3A_1349, %get3A_1350] {strides = array<i32>} : memref<128x64xf32, #tpu.memory_space<vmem>>, vector<16xf32>,
      %add3A_1352 = arith.addf %mul3A_1348, %get3A_1351 : vector<16xf32>
      %broadcast_in_dim3A_1353 = arith.constant 12352 : i32
      %broadcast_in_dim3A_1354 = vector.broadcast %broadcast_in_dim3A_1353 : i32 to vector<16xi32>
      %add3A_1355 = arith.addi %broadcast_in_dim3A_1354, %mul3A_5 : vector<16xi32>
      %add3A_1356 = vector.broadcast %add3A_1306 : i32 to vector<16xi32>
      %add3A_1357 = arith.addi %add3A_1355, %add3A_1356 : vector<16xi32>
      %mul3A_1358 = arith.mulf %add3A_1352, %get3A_1 : vector<16xf32>
      tpu.vector_store_idx %arg6[%add3A_1357], %mul3A_1358 : memref<16384xf32, #tpu.memory_space<vmem>>[vector<16xi32>], vector<16xf32>,
      %ge3A = arith.constant 2 : i32
      %ge3A_1359 = arith.cmpi sge, %scan3A_1121, %ge3A : i32
      %convert_element_type3A = arith.extui %ge3A_1359 : i1 to i32
      %cond3A = arith.constant 0 : i32
      %cond3A_1360 = arith.cmpi ne, %convert_element_type3A, %cond3A : i32
      scf.if %cond3A_1360 {
        %dma_wait3A_1454 = arith.constant 0 : i32
        %dma_wait3A_1455 = arith.constant 0 : i32
        %dma_wait3A_1456 = tpu.memref_slice %arg7[%dma_wait3A_1454, %dma_wait3A_1455] : memref<8x4096xf32, #tpu.memory_space<vmem>> -> memref<1x4096xf32, #tpu.memory_space<vmem>>
        %dma_wait3A_1457 = tpu.memref_squeeze %dma_wait3A_1456 : memref<1x4096xf32, #tpu.memory_space<vmem>> -> memref<4096xf32, #tpu.memory_space<vmem>>
        %dma_wait3A_1458 = arith.constant 0 : i32
        %dma_wait3A_1459 = tpu.memref_slice %arg4[%dma_wait3A_1458] : memref<16777216xf32, #tpu.memory_space<hbm>> -> memref<4096xf32, #tpu.memory_space<hbm>>
        %dma_wait3A_1460 = arith.constant 0 : i32
        %dma_wait3A_1461 = tpu.memref_slice %arg4[%dma_wait3A_1460] : memref<16777216xf32, #tpu.memory_space<hbm>> -> memref<4096xf32, #tpu.memory_space<hbm>>
        %dma_wait3A_1462 = arith.constant 0 : i32
        %dma_wait3A_1463 = tpu.memref_slice %arg7[%dma_wait3A_1454, %dma_wait3A_1462] : memref<8x4096xf32, #tpu.memory_space<vmem>> -> memref<1x4096xf32, #tpu.memory_space<vmem>>
        %dma_wait3A_1464 = tpu.memref_squeeze %dma_wait3A_1463 : memref<1x4096xf32, #tpu.memory_space<vmem>> -> memref<4096xf32, #tpu.memory_space<vmem>>
        tpu.wait_dma2 semaphore(%arg9 : memref<!tpu.dma_semaphore, #tpu.memory_space<semaphore_mem>>) src(%dma_wait3A_1464 : memref<4096xf32, #tpu.memory_space<vmem>>) dst(%dma_wait3A_1461 : memref<4096xf32, #tpu.memory_space<hbm>>)
        %dma_wait3A_1465 = arith.constant 0 : i32
        %dma_wait3A_1466 = arith.constant 0 : i32
        %dma_wait3A_1467 = tpu.memref_slice %arg7[%dma_wait3A_1465, %dma_wait3A_1466] : memref<8x4096xf32, #tpu.memory_space<vmem>> -> memref<1x4096xf32, #tpu.memory_space<vmem>>
        %dma_wait3A_1468 = tpu.memref_squeeze %dma_wait3A_1467 : memref<1x4096xf32, #tpu.memory_space<vmem>> -> memref<4096xf32, #tpu.memory_space<vmem>>
        %dma_wait3A_1469 = arith.constant 0 : i32
        %dma_wait3A_1470 = tpu.memref_slice %arg4[%dma_wait3A_1469] : memref<16777216xf32, #tpu.memory_space<hbm>> -> memref<4096xf32, #tpu.memory_space<hbm>>
        %dma_wait3A_1471 = arith.constant 0 : i32
        %dma_wait3A_1472 = tpu.memref_slice %arg4[%dma_wait3A_1471] : memref<16777216xf32, #tpu.memory_space<hbm>> -> memref<4096xf32, #tpu.memory_space<hbm>>
        %dma_wait3A_1473 = arith.constant 0 : i32
        %dma_wait3A_1474 = tpu.memref_slice %arg7[%dma_wait3A_1465, %dma_wait3A_1473] : memref<8x4096xf32, #tpu.memory_space<vmem>> -> memref<1x4096xf32, #tpu.memory_space<vmem>>
        %dma_wait3A_1475 = tpu.memref_squeeze %dma_wait3A_1474 : memref<1x4096xf32, #tpu.memory_space<vmem>> -> memref<4096xf32, #tpu.memory_space<vmem>>
        tpu.wait_dma2 semaphore(%arg9 : memref<!tpu.dma_semaphore, #tpu.memory_space<semaphore_mem>>) src(%dma_wait3A_1475 : memref<4096xf32, #tpu.memory_space<vmem>>) dst(%dma_wait3A_1472 : memref<4096xf32, #tpu.memory_space<hbm>>)
        %dma_wait3A_1476 = arith.constant 0 : i32
        %dma_wait3A_1477 = arith.constant 0 : i32
        %dma_wait3A_1478 = tpu.memref_slice %arg7[%dma_wait3A_1476, %dma_wait3A_1477] : memref<8x4096xf32, #tpu.memory_space<vmem>> -> memref<1x4096xf32, #tpu.memory_space<vmem>>
        %dma_wait3A_1479 = tpu.memref_squeeze %dma_wait3A_1478 : memref<1x4096xf32, #tpu.memory_space<vmem>> -> memref<4096xf32, #tpu.memory_space<vmem>>
        %dma_wait3A_1480 = arith.constant 0 : i32
        %dma_wait3A_1481 = tpu.memref_slice %arg4[%dma_wait3A_1480] : memref<16777216xf32, #tpu.memory_space<hbm>> -> memref<4096xf32, #tpu.memory_space<hbm>>
        %dma_wait3A_1482 = arith.constant 0 : i32
        %dma_wait3A_1483 = tpu.memref_slice %arg4[%dma_wait3A_1482] : memref<16777216xf32, #tpu.memory_space<hbm>> -> memref<4096xf32, #tpu.memory_space<hbm>>
        %dma_wait3A_1484 = arith.constant 0 : i32
        %dma_wait3A_1485 = tpu.memref_slice %arg7[%dma_wait3A_1476, %dma_wait3A_1484] : memref<8x4096xf32, #tpu.memory_space<vmem>> -> memref<1x4096xf32, #tpu.memory_space<vmem>>
        %dma_wait3A_1486 = tpu.memref_squeeze %dma_wait3A_1485 : memref<1x4096xf32, #tpu.memory_space<vmem>> -> memref<4096xf32, #tpu.memory_space<vmem>>
        tpu.wait_dma2 semaphore(%arg9 : memref<!tpu.dma_semaphore, #tpu.memory_space<semaphore_mem>>) src(%dma_wait3A_1486 : memref<4096xf32, #tpu.memory_space<vmem>>) dst(%dma_wait3A_1483 : memref<4096xf32, #tpu.memory_space<hbm>>)
        %dma_wait3A_1487 = arith.constant 0 : i32
        %dma_wait3A_1488 = arith.constant 0 : i32
        %dma_wait3A_1489 = tpu.memref_slice %arg7[%dma_wait3A_1487, %dma_wait3A_1488] : memref<8x4096xf32, #tpu.memory_space<vmem>> -> memref<1x4096xf32, #tpu.memory_space<vmem>>
        %dma_wait3A_1490 = tpu.memref_squeeze %dma_wait3A_1489 : memref<1x4096xf32, #tpu.memory_space<vmem>> -> memref<4096xf32, #tpu.memory_space<vmem>>
        %dma_wait3A_1491 = arith.constant 0 : i32
        %dma_wait3A_1492 = tpu.memref_slice %arg4[%dma_wait3A_1491] : memref<16777216xf32, #tpu.memory_space<hbm>> -> memref<4096xf32, #tpu.memory_space<hbm>>
        %dma_wait3A_1493 = arith.constant 0 : i32
        %dma_wait3A_1494 = tpu.memref_slice %arg4[%dma_wait3A_1493] : memref<16777216xf32, #tpu.memory_space<hbm>> -> memref<4096xf32, #tpu.memory_space<hbm>>
        %dma_wait3A_1495 = arith.constant 0 : i32
        %dma_wait3A_1496 = tpu.memref_slice %arg7[%dma_wait3A_1487, %dma_wait3A_1495] : memref<8x4096xf32, #tpu.memory_space<vmem>> -> memref<1x4096xf32, #tpu.memory_space<vmem>>
        %dma_wait3A_1497 = tpu.memref_squeeze %dma_wait3A_1496 : memref<1x4096xf32, #tpu.memory_space<vmem>> -> memref<4096xf32, #tpu.memory_space<vmem>>
        tpu.wait_dma2 semaphore(%arg9 : memref<!tpu.dma_semaphore, #tpu.memory_space<semaphore_mem>>) src(%dma_wait3A_1497 : memref<4096xf32, #tpu.memory_space<vmem>>) dst(%dma_wait3A_1494 : memref<4096xf32, #tpu.memory_space<hbm>>)
      } else {
      }
      %parallel_loop3A = arith.constant 0 : i32
      %parallel_loop3A_1361 = arith.constant 128 : i32
      %parallel_loop3A_1362 = arith.constant 1 : i32
      scf.for %parallel_loop3A_1454 = %parallel_loop3A to %parallel_loop3A_1361 step %parallel_loop3A_1362  : i32 {
        %parallel_loop3A_1455 = arith.constant 5 : i32
        %parallel_loop3A_1456 = arith.shrsi %parallel_loop3A_1454, %parallel_loop3A_1455 : i32
        %parallel_loop3A_1457 = arith.constant 31 : i32
        %parallel_loop3A_1458 = arith.andi %parallel_loop3A_1454, %parallel_loop3A_1457 : i32
        %parallel_loop3A_1459 = arith.constant 4 : i32
        %parallel_loop3A_1460 = arith.muli %scan3A_1121, %parallel_loop3A_1459 : i32
        %parallel_loop3A_1461 = arith.addi %parallel_loop3A_1460, %parallel_loop3A_1456 : i32
        %parallel_loop3A_1462 = arith.constant 4 : i32
        %parallel_loop3A_1463 = arith.muli %select_n3A_1134, %parallel_loop3A_1462 : i32
        %parallel_loop3A_1464 = arith.addi %parallel_loop3A_1463, %parallel_loop3A_1456 : i32
        %parallel_loop3A_1465 = arith.constant 2 : i32
        %parallel_loop3A_1466 = arith.muli %parallel_loop3A_1465, %parallel_loop3A_1458 : i32
        %parallel_loop3A_1467 = arith.constant 256 : i32
        %parallel_loop3A_1468 = arith.muli %parallel_loop3A_1466, %parallel_loop3A_1467 : i32
        %parallel_loop3A_1469 = arith.constant 64 : i32
        %parallel_loop3A_1470 = arith.addi %parallel_loop3A_1468, %parallel_loop3A_1469 : i32
        %parallel_loop3A_1471 = arith.addi %parallel_loop3A_1470, %parallel_loop3A_1461 : i32
        %parallel_loop3A_1472 = vector.broadcast %parallel_loop3A_1471 : i32 to vector<16xi32>
        %parallel_loop3A_1473 = tpu.vector_load_idx %arg6[%parallel_loop3A_1472] : memref<16384xf32, #tpu.memory_space<vmem>>[vector<16xi32>], vector<16xf32>,
        %parallel_loop3A_1474 = arith.constant 2 : i32
        %parallel_loop3A_1475 = arith.muli %parallel_loop3A_1474, %parallel_loop3A_1458 : i32
        %parallel_loop3A_1476 = arith.constant 1 : i32
        %parallel_loop3A_1477 = arith.addi %parallel_loop3A_1475, %parallel_loop3A_1476 : i32
        %parallel_loop3A_1478 = arith.constant 256 : i32
        %parallel_loop3A_1479 = arith.muli %parallel_loop3A_1477, %parallel_loop3A_1478 : i32
        %parallel_loop3A_1480 = arith.constant 64 : i32
        %parallel_loop3A_1481 = arith.addi %parallel_loop3A_1479, %parallel_loop3A_1480 : i32
        %parallel_loop3A_1482 = arith.addi %parallel_loop3A_1481, %parallel_loop3A_1461 : i32
        %parallel_loop3A_1483 = vector.broadcast %parallel_loop3A_1482 : i32 to vector<16xi32>
        %parallel_loop3A_1484 = tpu.vector_load_idx %arg6[%parallel_loop3A_1483] : memref<16384xf32, #tpu.memory_space<vmem>>[vector<16xi32>], vector<16xf32>,
        %parallel_loop3A_1485 = arith.constant 2 : i32
        %parallel_loop3A_1486 = arith.muli %parallel_loop3A_1485, %parallel_loop3A_1458 : i32
        %parallel_loop3A_1487 = arith.constant 1 : i32
        %parallel_loop3A_1488 = arith.addi %parallel_loop3A_1486, %parallel_loop3A_1487 : i32
        %parallel_loop3A_1489 = arith.constant 256 : i32
        %parallel_loop3A_1490 = arith.muli %parallel_loop3A_1488, %parallel_loop3A_1489 : i32
        %parallel_loop3A_1491 = arith.addi %parallel_loop3A_1490, %parallel_loop3A_1461 : i32
        %parallel_loop3A_1492 = arith.constant 0 : i32
        %parallel_loop3A_1493 = arith.addi %parallel_loop3A_1491, %parallel_loop3A_1492 : i32
        %parallel_loop3A_1494 = vector.broadcast %parallel_loop3A_1493 : i32 to vector<16xi32>
        %parallel_loop3A_1495 = arith.addi %parallel_loop3A_1494, %iota3A : vector<16xi32>
        %parallel_loop3A_1496 = tpu.vector_load_idx %arg6[%parallel_loop3A_1495] : memref<16384xf32, #tpu.memory_space<vmem>>[vector<16xi32>], vector<16xf32>,
        %parallel_loop3A_1497 = arith.addf %parallel_loop3A_1473, %parallel_loop3A_1496 : vector<16xf32>
        %parallel_loop3A_1498 = arith.constant 128 : i32
        %parallel_loop3A_1499 = arith.muli %parallel_loop3A_1458, %parallel_loop3A_1498 : i32
        %parallel_loop3A_1500 = arith.constant 0 : i32
        %parallel_loop3A_1501 = arith.addi %parallel_loop3A_1499, %parallel_loop3A_1500 : i32
        %parallel_loop3A_1502 = arith.index_cast %parallel_loop3A_1464 : i32 to index
        %parallel_loop3A_1503 = arith.index_cast %parallel_loop3A_1501 : i32 to index
        %parallel_loop3A_1504 = tpu.vector_load %arg7[%parallel_loop3A_1502, %parallel_loop3A_1503] {strides = array<i32>} : memref<8x4096xf32, #tpu.memory_space<vmem>>, vector<16xf32>,
        tpu.vector_store %arg7[%parallel_loop3A_1502, %parallel_loop3A_1503], %parallel_loop3A_1497 {strides = array<i32>} : memref<8x4096xf32, #tpu.memory_space<vmem>>, vector<16xf32>,
        %parallel_loop3A_1505 = arith.constant 2 : i32
        %parallel_loop3A_1506 = arith.muli %parallel_loop3A_1505, %parallel_loop3A_1458 : i32
        %parallel_loop3A_1507 = arith.constant 256 : i32
        %parallel_loop3A_1508 = arith.muli %parallel_loop3A_1506, %parallel_loop3A_1507 : i32
        %parallel_loop3A_1509 = arith.addi %parallel_loop3A_1508, %parallel_loop3A_1461 : i32
        %parallel_loop3A_1510 = arith.constant 63 : i32
        %parallel_loop3A_1511 = arith.addi %parallel_loop3A_1509, %parallel_loop3A_1510 : i32
        %parallel_loop3A_1512 = arith.constant 0 : i32
        %parallel_loop3A_1513 = arith.subi %parallel_loop3A_1511, %parallel_loop3A_1512 : i32
        %parallel_loop3A_1514 = vector.broadcast %parallel_loop3A_1513 : i32 to vector<16xi32>
        %parallel_loop3A_1515 = arith.subi %parallel_loop3A_1514, %iota3A : vector<16xi32>
        %parallel_loop3A_1516 = tpu.vector_load_idx %arg6[%parallel_loop3A_1515] : memref<16384xf32, #tpu.memory_space<vmem>>[vector<16xi32>], vector<16xf32>,
        %parallel_loop3A_1517 = arith.addf %parallel_loop3A_1484, %parallel_loop3A_1516 : vector<16xf32>
        %parallel_loop3A_1518 = arith.constant 128 : i32
        %parallel_loop3A_1519 = arith.muli %parallel_loop3A_1458, %parallel_loop3A_1518 : i32
        %parallel_loop3A_1520 = arith.constant 64 : i32
        %parallel_loop3A_1521 = arith.addi %parallel_loop3A_1519, %parallel_loop3A_1520 : i32
        %parallel_loop3A_1522 = arith.constant 0 : i32
        %parallel_loop3A_1523 = arith.addi %parallel_loop3A_1521, %parallel_loop3A_1522 : i32
        %parallel_loop3A_1524 = arith.index_cast %parallel_loop3A_1464 : i32 to index
        %parallel_loop3A_1525 = arith.index_cast %parallel_loop3A_1523 : i32 to index
        %parallel_loop3A_1526 = tpu.vector_load %arg7[%parallel_loop3A_1524, %parallel_loop3A_1525] {strides = array<i32>} : memref<8x4096xf32, #tpu.memory_space<vmem>>, vector<16xf32>,
        tpu.vector_store %arg7[%parallel_loop3A_1524, %parallel_loop3A_1525], %parallel_loop3A_1517 {strides = array<i32>} : memref<8x4096xf32, #tpu.memory_space<vmem>>, vector<16xf32>,
        %parallel_loop3A_1527 = arith.constant 2 : i32
        %parallel_loop3A_1528 = arith.muli %parallel_loop3A_1527, %parallel_loop3A_1458 : i32
        %parallel_loop3A_1529 = arith.constant 1 : i32
        %parallel_loop3A_1530 = arith.addi %parallel_loop3A_1528, %parallel_loop3A_1529 : i32
        %parallel_loop3A_1531 = arith.constant 256 : i32
        %parallel_loop3A_1532 = arith.muli %parallel_loop3A_1530, %parallel_loop3A_1531 : i32
        %parallel_loop3A_1533 = arith.addi %parallel_loop3A_1532, %parallel_loop3A_1461 : i32
        %parallel_loop3A_1534 = arith.constant 16 : i32
        %parallel_loop3A_1535 = arith.addi %parallel_loop3A_1533, %parallel_loop3A_1534 : i32
        %parallel_loop3A_1536 = vector.broadcast %parallel_loop3A_1535 : i32 to vector<16xi32>
        %parallel_loop3A_1537 = arith.addi %parallel_loop3A_1536, %iota3A : vector<16xi32>
        %parallel_loop3A_1538 = tpu.vector_load_idx %arg6[%parallel_loop3A_1537] : memref<16384xf32, #tpu.memory_space<vmem>>[vector<16xi32>], vector<16xf32>,
        %parallel_loop3A_1539 = arith.addf %parallel_loop3A_1473, %parallel_loop3A_1538 : vector<16xf32>
        %parallel_loop3A_1540 = arith.constant 128 : i32
        %parallel_loop3A_1541 = arith.muli %parallel_loop3A_1458, %parallel_loop3A_1540 : i32
        %parallel_loop3A_1542 = arith.constant 16 : i32
        %parallel_loop3A_1543 = arith.addi %parallel_loop3A_1541, %parallel_loop3A_1542 : i32
        %parallel_loop3A_1544 = arith.index_cast %parallel_loop3A_1464 : i32 to index
        %parallel_loop3A_1545 = arith.index_cast %parallel_loop3A_1543 : i32 to index
        %parallel_loop3A_1546 = tpu.vector_load %arg7[%parallel_loop3A_1544, %parallel_loop3A_1545] {strides = array<i32>} : memref<8x4096xf32, #tpu.memory_space<vmem>>, vector<16xf32>,
        tpu.vector_store %arg7[%parallel_loop3A_1544, %parallel_loop3A_1545], %parallel_loop3A_1539 {strides = array<i32>} : memref<8x4096xf32, #tpu.memory_space<vmem>>, vector<16xf32>,
        %parallel_loop3A_1547 = arith.constant 2 : i32
        %parallel_loop3A_1548 = arith.muli %parallel_loop3A_1547, %parallel_loop3A_1458 : i32
        %parallel_loop3A_1549 = arith.constant 256 : i32
        %parallel_loop3A_1550 = arith.muli %parallel_loop3A_1548, %parallel_loop3A_1549 : i32
        %parallel_loop3A_1551 = arith.addi %parallel_loop3A_1550, %parallel_loop3A_1461 : i32
        %parallel_loop3A_1552 = arith.constant 63 : i32
        %parallel_loop3A_1553 = arith.addi %parallel_loop3A_1551, %parallel_loop3A_1552 : i32
        %parallel_loop3A_1554 = arith.constant 16 : i32
        %parallel_loop3A_1555 = arith.subi %parallel_loop3A_1553, %parallel_loop3A_1554 : i32
        %parallel_loop3A_1556 = vector.broadcast %parallel_loop3A_1555 : i32 to vector<16xi32>
        %parallel_loop3A_1557 = arith.subi %parallel_loop3A_1556, %iota3A : vector<16xi32>
        %parallel_loop3A_1558 = tpu.vector_load_idx %arg6[%parallel_loop3A_1557] : memref<16384xf32, #tpu.memory_space<vmem>>[vector<16xi32>], vector<16xf32>,
        %parallel_loop3A_1559 = arith.addf %parallel_loop3A_1484, %parallel_loop3A_1558 : vector<16xf32>
        %parallel_loop3A_1560 = arith.constant 128 : i32
        %parallel_loop3A_1561 = arith.muli %parallel_loop3A_1458, %parallel_loop3A_1560 : i32
        %parallel_loop3A_1562 = arith.constant 64 : i32
        %parallel_loop3A_1563 = arith.addi %parallel_loop3A_1561, %parallel_loop3A_1562 : i32
        %parallel_loop3A_1564 = arith.constant 16 : i32
        %parallel_loop3A_1565 = arith.addi %parallel_loop3A_1563, %parallel_loop3A_1564 : i32
        %parallel_loop3A_1566 = arith.index_cast %parallel_loop3A_1464 : i32 to index
        %parallel_loop3A_1567 = arith.index_cast %parallel_loop3A_1565 : i32 to index
        %parallel_loop3A_1568 = tpu.vector_load %arg7[%parallel_loop3A_1566, %parallel_loop3A_1567] {strides = array<i32>} : memref<8x4096xf32, #tpu.memory_space<vmem>>, vector<16xf32>,
        tpu.vector_store %arg7[%parallel_loop3A_1566, %parallel_loop3A_1567], %parallel_loop3A_1559 {strides = array<i32>} : memref<8x4096xf32, #tpu.memory_space<vmem>>, vector<16xf32>,
        %parallel_loop3A_1569 = arith.constant 2 : i32
        %parallel_loop3A_1570 = arith.muli %parallel_loop3A_1569, %parallel_loop3A_1458 : i32
        %parallel_loop3A_1571 = arith.constant 1 : i32
        %parallel_loop3A_1572 = arith.addi %parallel_loop3A_1570, %parallel_loop3A_1571 : i32
        %parallel_loop3A_1573 = arith.constant 256 : i32
        %parallel_loop3A_1574 = arith.muli %parallel_loop3A_1572, %parallel_loop3A_1573 : i32
        %parallel_loop3A_1575 = arith.addi %parallel_loop3A_1574, %parallel_loop3A_1461 : i32
        %parallel_loop3A_1576 = arith.constant 32 : i32
        %parallel_loop3A_1577 = arith.addi %parallel_loop3A_1575, %parallel_loop3A_1576 : i32
        %parallel_loop3A_1578 = vector.broadcast %parallel_loop3A_1577 : i32 to vector<16xi32>
        %parallel_loop3A_1579 = arith.addi %parallel_loop3A_1578, %iota3A : vector<16xi32>
        %parallel_loop3A_1580 = tpu.vector_load_idx %arg6[%parallel_loop3A_1579] : memref<16384xf32, #tpu.memory_space<vmem>>[vector<16xi32>], vector<16xf32>,
        %parallel_loop3A_1581 = arith.addf %parallel_loop3A_1473, %parallel_loop3A_1580 : vector<16xf32>
        %parallel_loop3A_1582 = arith.constant 128 : i32
        %parallel_loop3A_1583 = arith.muli %parallel_loop3A_1458, %parallel_loop3A_1582 : i32
        %parallel_loop3A_1584 = arith.constant 32 : i32
        %parallel_loop3A_1585 = arith.addi %parallel_loop3A_1583, %parallel_loop3A_1584 : i32
        %parallel_loop3A_1586 = arith.index_cast %parallel_loop3A_1464 : i32 to index
        %parallel_loop3A_1587 = arith.index_cast %parallel_loop3A_1585 : i32 to index
        %parallel_loop3A_1588 = tpu.vector_load %arg7[%parallel_loop3A_1586, %parallel_loop3A_1587] {strides = array<i32>} : memref<8x4096xf32, #tpu.memory_space<vmem>>, vector<16xf32>,
        tpu.vector_store %arg7[%parallel_loop3A_1586, %parallel_loop3A_1587], %parallel_loop3A_1581 {strides = array<i32>} : memref<8x4096xf32, #tpu.memory_space<vmem>>, vector<16xf32>,
        %parallel_loop3A_1589 = arith.constant 2 : i32
        %parallel_loop3A_1590 = arith.muli %parallel_loop3A_1589, %parallel_loop3A_1458 : i32
        %parallel_loop3A_1591 = arith.constant 256 : i32
        %parallel_loop3A_1592 = arith.muli %parallel_loop3A_1590, %parallel_loop3A_1591 : i32
        %parallel_loop3A_1593 = arith.addi %parallel_loop3A_1592, %parallel_loop3A_1461 : i32
        %parallel_loop3A_1594 = arith.constant 63 : i32
        %parallel_loop3A_1595 = arith.addi %parallel_loop3A_1593, %parallel_loop3A_1594 : i32
        %parallel_loop3A_1596 = arith.constant 32 : i32
        %parallel_loop3A_1597 = arith.subi %parallel_loop3A_1595, %parallel_loop3A_1596 : i32
        %parallel_loop3A_1598 = vector.broadcast %parallel_loop3A_1597 : i32 to vector<16xi32>
        %parallel_loop3A_1599 = arith.subi %parallel_loop3A_1598, %iota3A : vector<16xi32>
        %parallel_loop3A_1600 = tpu.vector_load_idx %arg6[%parallel_loop3A_1599] : memref<16384xf32, #tpu.memory_space<vmem>>[vector<16xi32>], vector<16xf32>,
        %parallel_loop3A_1601 = arith.addf %parallel_loop3A_1484, %parallel_loop3A_1600 : vector<16xf32>
        %parallel_loop3A_1602 = arith.constant 128 : i32
        %parallel_loop3A_1603 = arith.muli %parallel_loop3A_1458, %parallel_loop3A_1602 : i32
        %parallel_loop3A_1604 = arith.constant 64 : i32
        %parallel_loop3A_1605 = arith.addi %parallel_loop3A_1603, %parallel_loop3A_1604 : i32
        %parallel_loop3A_1606 = arith.constant 32 : i32
        %parallel_loop3A_1607 = arith.addi %parallel_loop3A_1605, %parallel_loop3A_1606 : i32
        %parallel_loop3A_1608 = arith.index_cast %parallel_loop3A_1464 : i32 to index
        %parallel_loop3A_1609 = arith.index_cast %parallel_loop3A_1607 : i32 to index
        %parallel_loop3A_1610 = tpu.vector_load %arg7[%parallel_loop3A_1608, %parallel_loop3A_1609] {strides = array<i32>} : memref<8x4096xf32, #tpu.memory_space<vmem>>, vector<16xf32>,
        tpu.vector_store %arg7[%parallel_loop3A_1608, %parallel_loop3A_1609], %parallel_loop3A_1601 {strides = array<i32>} : memref<8x4096xf32, #tpu.memory_space<vmem>>, vector<16xf32>,
        %parallel_loop3A_1611 = arith.constant 2 : i32
        %parallel_loop3A_1612 = arith.muli %parallel_loop3A_1611, %parallel_loop3A_1458 : i32
        %parallel_loop3A_1613 = arith.constant 1 : i32
        %parallel_loop3A_1614 = arith.addi %parallel_loop3A_1612, %parallel_loop3A_1613 : i32
        %parallel_loop3A_1615 = arith.constant 256 : i32
        %parallel_loop3A_1616 = arith.muli %parallel_loop3A_1614, %parallel_loop3A_1615 : i32
        %parallel_loop3A_1617 = arith.addi %parallel_loop3A_1616, %parallel_loop3A_1461 : i32
        %parallel_loop3A_1618 = arith.constant 48 : i32
        %parallel_loop3A_1619 = arith.addi %parallel_loop3A_1617, %parallel_loop3A_1618 : i32
        %parallel_loop3A_1620 = vector.broadcast %parallel_loop3A_1619 : i32 to vector<16xi32>
        %parallel_loop3A_1621 = arith.addi %parallel_loop3A_1620, %iota3A : vector<16xi32>
        %parallel_loop3A_1622 = tpu.vector_load_idx %arg6[%parallel_loop3A_1621] : memref<16384xf32, #tpu.memory_space<vmem>>[vector<16xi32>], vector<16xf32>,
        %parallel_loop3A_1623 = arith.addf %parallel_loop3A_1473, %parallel_loop3A_1622 : vector<16xf32>
        %parallel_loop3A_1624 = arith.constant 128 : i32
        %parallel_loop3A_1625 = arith.muli %parallel_loop3A_1458, %parallel_loop3A_1624 : i32
        %parallel_loop3A_1626 = arith.constant 48 : i32
        %parallel_loop3A_1627 = arith.addi %parallel_loop3A_1625, %parallel_loop3A_1626 : i32
        %parallel_loop3A_1628 = arith.index_cast %parallel_loop3A_1464 : i32 to index
        %parallel_loop3A_1629 = arith.index_cast %parallel_loop3A_1627 : i32 to index
        %parallel_loop3A_1630 = tpu.vector_load %arg7[%parallel_loop3A_1628, %parallel_loop3A_1629] {strides = array<i32>} : memref<8x4096xf32, #tpu.memory_space<vmem>>, vector<16xf32>,
        tpu.vector_store %arg7[%parallel_loop3A_1628, %parallel_loop3A_1629], %parallel_loop3A_1623 {strides = array<i32>} : memref<8x4096xf32, #tpu.memory_space<vmem>>, vector<16xf32>,
        %parallel_loop3A_1631 = arith.constant 2 : i32
        %parallel_loop3A_1632 = arith.muli %parallel_loop3A_1631, %parallel_loop3A_1458 : i32
        %parallel_loop3A_1633 = arith.constant 256 : i32
        %parallel_loop3A_1634 = arith.muli %parallel_loop3A_1632, %parallel_loop3A_1633 : i32
        %parallel_loop3A_1635 = arith.addi %parallel_loop3A_1634, %parallel_loop3A_1461 : i32
        %parallel_loop3A_1636 = arith.constant 63 : i32
        %parallel_loop3A_1637 = arith.addi %parallel_loop3A_1635, %parallel_loop3A_1636 : i32
        %parallel_loop3A_1638 = arith.constant 48 : i32
        %parallel_loop3A_1639 = arith.subi %parallel_loop3A_1637, %parallel_loop3A_1638 : i32
        %parallel_loop3A_1640 = vector.broadcast %parallel_loop3A_1639 : i32 to vector<16xi32>
        %parallel_loop3A_1641 = arith.subi %parallel_loop3A_1640, %iota3A : vector<16xi32>
        %parallel_loop3A_1642 = tpu.vector_load_idx %arg6[%parallel_loop3A_1641] : memref<16384xf32, #tpu.memory_space<vmem>>[vector<16xi32>], vector<16xf32>,
        %parallel_loop3A_1643 = arith.addf %parallel_loop3A_1484, %parallel_loop3A_1642 : vector<16xf32>
        %parallel_loop3A_1644 = arith.constant 128 : i32
        %parallel_loop3A_1645 = arith.muli %parallel_loop3A_1458, %parallel_loop3A_1644 : i32
        %parallel_loop3A_1646 = arith.constant 64 : i32
        %parallel_loop3A_1647 = arith.addi %parallel_loop3A_1645, %parallel_loop3A_1646 : i32
        %parallel_loop3A_1648 = arith.constant 48 : i32
        %parallel_loop3A_1649 = arith.addi %parallel_loop3A_1647, %parallel_loop3A_1648 : i32
        %parallel_loop3A_1650 = arith.index_cast %parallel_loop3A_1464 : i32 to index
        %parallel_loop3A_1651 = arith.index_cast %parallel_loop3A_1649 : i32 to index
        %parallel_loop3A_1652 = tpu.vector_load %arg7[%parallel_loop3A_1650, %parallel_loop3A_1651] {strides = array<i32>} : memref<8x4096xf32, #tpu.memory_space<vmem>>, vector<16xf32>,
        tpu.vector_store %arg7[%parallel_loop3A_1650, %parallel_loop3A_1651], %parallel_loop3A_1643 {strides = array<i32>} : memref<8x4096xf32, #tpu.memory_space<vmem>>, vector<16xf32>,
      } {sc.loop_unroll_factor = 2 : i64, sc.parallel_access}
      %mul3A_1363 = arith.constant 4 : i32
      %mul3A_1364 = arith.muli %select_n3A_1134, %mul3A_1363 : i32
      %add3A_1365 = arith.constant 0 : i32
      %add3A_1366 = arith.addi %mul3A_1364, %add3A_1365 : i32
      %mul3A_1367 = arith.constant 4 : i32
      %mul3A_1368 = arith.muli %scan3A_1121, %mul3A_1367 : i32
      %add3A_1369 = arith.constant 0 : i32
      %add3A_1370 = arith.addi %mul3A_1368, %add3A_1369 : i32
      %mul3A_1371 = arith.constant 32 : i32
      %mul3A_1372 = arith.muli %add3A_1370, %mul3A_1371 : i32
      %add3A_1373 = arith.addi %mul3A_1372, %add3A : i32
      %mul3A_1374 = arith.constant 32 : i32
      %mul3A_1375 = arith.muli %add3A_1373, %mul3A_1374 : i32
      %mul3A_1376 = arith.constant 128 : i32
      %mul3A_1377 = arith.muli %mul3A_1375, %mul3A_1376 : i32
      %dma_start3A = arith.constant 0 : i32
      %dma_start3A_1378 = tpu.memref_slice %arg7[%add3A_1366, %dma_start3A] : memref<8x4096xf32, #tpu.memory_space<vmem>> -> memref<1x4096xf32, #tpu.memory_space<vmem>>
      %dma_start3A_1379 = tpu.memref_squeeze %dma_start3A_1378 : memref<1x4096xf32, #tpu.memory_space<vmem>> -> memref<4096xf32, #tpu.memory_space<vmem>>
      %dma_start3A_1380 = tpu.memref_slice %arg4[%mul3A_1377] : memref<16777216xf32, #tpu.memory_space<hbm>> -> memref<4096xf32, #tpu.memory_space<hbm>>
      %dma_start3A_1381 = tpu.memref_slice %arg4[%mul3A_1377] : memref<16777216xf32, #tpu.memory_space<hbm>> -> memref<4096xf32, #tpu.memory_space<hbm>>
      %dma_start3A_1382 = arith.constant 0 : i32
      %dma_start3A_1383 = tpu.memref_slice %arg7[%add3A_1366, %dma_start3A_1382] : memref<8x4096xf32, #tpu.memory_space<vmem>> -> memref<1x4096xf32, #tpu.memory_space<vmem>>
      %dma_start3A_1384 = tpu.memref_squeeze %dma_start3A_1383 : memref<1x4096xf32, #tpu.memory_space<vmem>> -> memref<4096xf32, #tpu.memory_space<vmem>>
      tpu.enqueue_dma source(%dma_start3A_1384 : memref<4096xf32, #tpu.memory_space<vmem>>) target(%dma_start3A_1381 : memref<4096xf32, #tpu.memory_space<hbm>>) target_semaphore(%arg9 : memref<!tpu.dma_semaphore, #tpu.memory_space<semaphore_mem>>)
      %mul3A_1385 = arith.constant 4 : i32
      %mul3A_1386 = arith.muli %select_n3A_1134, %mul3A_1385 : i32
      %add3A_1387 = arith.constant 1 : i32
      %add3A_1388 = arith.addi %mul3A_1386, %add3A_1387 : i32
      %mul3A_1389 = arith.constant 4 : i32
      %mul3A_1390 = arith.muli %scan3A_1121, %mul3A_1389 : i32
      %add3A_1391 = arith.constant 1 : i32
      %add3A_1392 = arith.addi %mul3A_1390, %add3A_1391 : i32
      %mul3A_1393 = arith.constant 32 : i32
      %mul3A_1394 = arith.muli %add3A_1392, %mul3A_1393 : i32
      %add3A_1395 = arith.addi %mul3A_1394, %add3A : i32
      %mul3A_1396 = arith.constant 32 : i32
      %mul3A_1397 = arith.muli %add3A_1395, %mul3A_1396 : i32
      %mul3A_1398 = arith.constant 128 : i32
      %mul3A_1399 = arith.muli %mul3A_1397, %mul3A_1398 : i32
      %dma_start3A_1400 = arith.constant 0 : i32
      %dma_start3A_1401 = tpu.memref_slice %arg7[%add3A_1388, %dma_start3A_1400] : memref<8x4096xf32, #tpu.memory_space<vmem>> -> memref<1x4096xf32, #tpu.memory_space<vmem>>
      %dma_start3A_1402 = tpu.memref_squeeze %dma_start3A_1401 : memref<1x4096xf32, #tpu.memory_space<vmem>> -> memref<4096xf32, #tpu.memory_space<vmem>>
      %dma_start3A_1403 = tpu.memref_slice %arg4[%mul3A_1399] : memref<16777216xf32, #tpu.memory_space<hbm>> -> memref<4096xf32, #tpu.memory_space<hbm>>
      %dma_start3A_1404 = tpu.memref_slice %arg4[%mul3A_1399] : memref<16777216xf32, #tpu.memory_space<hbm>> -> memref<4096xf32, #tpu.memory_space<hbm>>
      %dma_start3A_1405 = arith.constant 0 : i32
      %dma_start3A_1406 = tpu.memref_slice %arg7[%add3A_1388, %dma_start3A_1405] : memref<8x4096xf32, #tpu.memory_space<vmem>> -> memref<1x4096xf32, #tpu.memory_space<vmem>>
      %dma_start3A_1407 = tpu.memref_squeeze %dma_start3A_1406 : memref<1x4096xf32, #tpu.memory_space<vmem>> -> memref<4096xf32, #tpu.memory_space<vmem>>
      tpu.enqueue_dma source(%dma_start3A_1407 : memref<4096xf32, #tpu.memory_space<vmem>>) target(%dma_start3A_1404 : memref<4096xf32, #tpu.memory_space<hbm>>) target_semaphore(%arg9 : memref<!tpu.dma_semaphore, #tpu.memory_space<semaphore_mem>>)
      %mul3A_1408 = arith.constant 4 : i32
      %mul3A_1409 = arith.muli %select_n3A_1134, %mul3A_1408 : i32
      %add3A_1410 = arith.constant 2 : i32
      %add3A_1411 = arith.addi %mul3A_1409, %add3A_1410 : i32
      %mul3A_1412 = arith.constant 4 : i32
      %mul3A_1413 = arith.muli %scan3A_1121, %mul3A_1412 : i32
      %add3A_1414 = arith.constant 2 : i32
      %add3A_1415 = arith.addi %mul3A_1413, %add3A_1414 : i32
      %mul3A_1416 = arith.constant 32 : i32
      %mul3A_1417 = arith.muli %add3A_1415, %mul3A_1416 : i32
      %add3A_1418 = arith.addi %mul3A_1417, %add3A : i32
      %mul3A_1419 = arith.constant 32 : i32
      %mul3A_1420 = arith.muli %add3A_1418, %mul3A_1419 : i32
      %mul3A_1421 = arith.constant 128 : i32
      %mul3A_1422 = arith.muli %mul3A_1420, %mul3A_1421 : i32
      %dma_start3A_1423 = arith.constant 0 : i32
      %dma_start3A_1424 = tpu.memref_slice %arg7[%add3A_1411, %dma_start3A_1423] : memref<8x4096xf32, #tpu.memory_space<vmem>> -> memref<1x4096xf32, #tpu.memory_space<vmem>>
      %dma_start3A_1425 = tpu.memref_squeeze %dma_start3A_1424 : memref<1x4096xf32, #tpu.memory_space<vmem>> -> memref<4096xf32, #tpu.memory_space<vmem>>
      %dma_start3A_1426 = tpu.memref_slice %arg4[%mul3A_1422] : memref<16777216xf32, #tpu.memory_space<hbm>> -> memref<4096xf32, #tpu.memory_space<hbm>>
      %dma_start3A_1427 = tpu.memref_slice %arg4[%mul3A_1422] : memref<16777216xf32, #tpu.memory_space<hbm>> -> memref<4096xf32, #tpu.memory_space<hbm>>
      %dma_start3A_1428 = arith.constant 0 : i32
      %dma_start3A_1429 = tpu.memref_slice %arg7[%add3A_1411, %dma_start3A_1428] : memref<8x4096xf32, #tpu.memory_space<vmem>> -> memref<1x4096xf32, #tpu.memory_space<vmem>>
      %dma_start3A_1430 = tpu.memref_squeeze %dma_start3A_1429 : memref<1x4096xf32, #tpu.memory_space<vmem>> -> memref<4096xf32, #tpu.memory_space<vmem>>
      tpu.enqueue_dma source(%dma_start3A_1430 : memref<4096xf32, #tpu.memory_space<vmem>>) target(%dma_start3A_1427 : memref<4096xf32, #tpu.memory_space<hbm>>) target_semaphore(%arg9 : memref<!tpu.dma_semaphore, #tpu.memory_space<semaphore_mem>>)
      %mul3A_1431 = arith.constant 4 : i32
      %mul3A_1432 = arith.muli %select_n3A_1134, %mul3A_1431 : i32
      %add3A_1433 = arith.constant 3 : i32
      %add3A_1434 = arith.addi %mul3A_1432, %add3A_1433 : i32
      %mul3A_1435 = arith.constant 4 : i32
      %mul3A_1436 = arith.muli %scan3A_1121, %mul3A_1435 : i32
      %add3A_1437 = arith.constant 3 : i32
      %add3A_1438 = arith.addi %mul3A_1436, %add3A_1437 : i32
      %mul3A_1439 = arith.constant 32 : i32
      %mul3A_1440 = arith.muli %add3A_1438, %mul3A_1439 : i32
      %add3A_1441 = arith.addi %mul3A_1440, %add3A : i32
      %mul3A_1442 = arith.constant 32 : i32
      %mul3A_1443 = arith.muli %add3A_1441, %mul3A_1442 : i32
      %mul3A_1444 = arith.constant 128 : i32
      %mul3A_1445 = arith.muli %mul3A_1443, %mul3A_1444 : i32
      %dma_start3A_1446 = arith.constant 0 : i32
      %dma_start3A_1447 = tpu.memref_slice %arg7[%add3A_1434, %dma_start3A_1446] : memref<8x4096xf32, #tpu.memory_space<vmem>> -> memref<1x4096xf32, #tpu.memory_space<vmem>>
      %dma_start3A_1448 = tpu.memref_squeeze %dma_start3A_1447 : memref<1x4096xf32, #tpu.memory_space<vmem>> -> memref<4096xf32, #tpu.memory_space<vmem>>
      %dma_start3A_1449 = tpu.memref_slice %arg4[%mul3A_1445] : memref<16777216xf32, #tpu.memory_space<hbm>> -> memref<4096xf32, #tpu.memory_space<hbm>>
      %dma_start3A_1450 = tpu.memref_slice %arg4[%mul3A_1445] : memref<16777216xf32, #tpu.memory_space<hbm>> -> memref<4096xf32, #tpu.memory_space<hbm>>
      %dma_start3A_1451 = arith.constant 0 : i32
      %dma_start3A_1452 = tpu.memref_slice %arg7[%add3A_1434, %dma_start3A_1451] : memref<8x4096xf32, #tpu.memory_space<vmem>> -> memref<1x4096xf32, #tpu.memory_space<vmem>>
      %dma_start3A_1453 = tpu.memref_squeeze %dma_start3A_1452 : memref<1x4096xf32, #tpu.memory_space<vmem>> -> memref<4096xf32, #tpu.memory_space<vmem>>
      tpu.enqueue_dma source(%dma_start3A_1453 : memref<4096xf32, #tpu.memory_space<vmem>>) target(%dma_start3A_1450 : memref<4096xf32, #tpu.memory_space<hbm>>) target_semaphore(%arg9 : memref<!tpu.dma_semaphore, #tpu.memory_space<semaphore_mem>>)
      scf.yield %add3A_1313, %add3A_1326, %add3A_1339, %add3A_1352 : vector<16xf32>, vector<16xf32>, vector<16xf32>, vector<16xf32>
    }
    %scan3A_1033 = arith.constant 32 : i32
    %dma_wait3A = arith.constant 0 : i32
    %dma_wait3A_1034 = arith.constant 0 : i32
    %dma_wait3A_1035 = tpu.memref_slice %arg7[%dma_wait3A, %dma_wait3A_1034] : memref<8x4096xf32, #tpu.memory_space<vmem>> -> memref<1x4096xf32, #tpu.memory_space<vmem>>
    %dma_wait3A_1036 = tpu.memref_squeeze %dma_wait3A_1035 : memref<1x4096xf32, #tpu.memory_space<vmem>> -> memref<4096xf32, #tpu.memory_space<vmem>>
    %dma_wait3A_1037 = arith.constant 0 : i32
    %dma_wait3A_1038 = tpu.memref_slice %arg4[%dma_wait3A_1037] : memref<16777216xf32, #tpu.memory_space<hbm>> -> memref<4096xf32, #tpu.memory_space<hbm>>
    %dma_wait3A_1039 = arith.constant 0 : i32
    %dma_wait3A_1040 = tpu.memref_slice %arg4[%dma_wait3A_1039] : memref<16777216xf32, #tpu.memory_space<hbm>> -> memref<4096xf32, #tpu.memory_space<hbm>>
    %dma_wait3A_1041 = arith.constant 0 : i32
    %dma_wait3A_1042 = tpu.memref_slice %arg7[%dma_wait3A, %dma_wait3A_1041] : memref<8x4096xf32, #tpu.memory_space<vmem>> -> memref<1x4096xf32, #tpu.memory_space<vmem>>
    %dma_wait3A_1043 = tpu.memref_squeeze %dma_wait3A_1042 : memref<1x4096xf32, #tpu.memory_space<vmem>> -> memref<4096xf32, #tpu.memory_space<vmem>>
    tpu.wait_dma2 semaphore(%arg9 : memref<!tpu.dma_semaphore, #tpu.memory_space<semaphore_mem>>) src(%dma_wait3A_1043 : memref<4096xf32, #tpu.memory_space<vmem>>) dst(%dma_wait3A_1040 : memref<4096xf32, #tpu.memory_space<hbm>>)
    %dma_wait3A_1044 = arith.constant 0 : i32
    %dma_wait3A_1045 = arith.constant 0 : i32
    %dma_wait3A_1046 = tpu.memref_slice %arg7[%dma_wait3A_1044, %dma_wait3A_1045] : memref<8x4096xf32, #tpu.memory_space<vmem>> -> memref<1x4096xf32, #tpu.memory_space<vmem>>
    %dma_wait3A_1047 = tpu.memref_squeeze %dma_wait3A_1046 : memref<1x4096xf32, #tpu.memory_space<vmem>> -> memref<4096xf32, #tpu.memory_space<vmem>>
    %dma_wait3A_1048 = arith.constant 0 : i32
    %dma_wait3A_1049 = tpu.memref_slice %arg4[%dma_wait3A_1048] : memref<16777216xf32, #tpu.memory_space<hbm>> -> memref<4096xf32, #tpu.memory_space<hbm>>
    %dma_wait3A_1050 = arith.constant 0 : i32
    %dma_wait3A_1051 = tpu.memref_slice %arg4[%dma_wait3A_1050] : memref<16777216xf32, #tpu.memory_space<hbm>> -> memref<4096xf32, #tpu.memory_space<hbm>>
    %dma_wait3A_1052 = arith.constant 0 : i32
    %dma_wait3A_1053 = tpu.memref_slice %arg7[%dma_wait3A_1044, %dma_wait3A_1052] : memref<8x4096xf32, #tpu.memory_space<vmem>> -> memref<1x4096xf32, #tpu.memory_space<vmem>>
    %dma_wait3A_1054 = tpu.memref_squeeze %dma_wait3A_1053 : memref<1x4096xf32, #tpu.memory_space<vmem>> -> memref<4096xf32, #tpu.memory_space<vmem>>
    tpu.wait_dma2 semaphore(%arg9 : memref<!tpu.dma_semaphore, #tpu.memory_space<semaphore_mem>>) src(%dma_wait3A_1054 : memref<4096xf32, #tpu.memory_space<vmem>>) dst(%dma_wait3A_1051 : memref<4096xf32, #tpu.memory_space<hbm>>)
    %dma_wait3A_1055 = arith.constant 0 : i32
    %dma_wait3A_1056 = arith.constant 0 : i32
    %dma_wait3A_1057 = tpu.memref_slice %arg7[%dma_wait3A_1055, %dma_wait3A_1056] : memref<8x4096xf32, #tpu.memory_space<vmem>> -> memref<1x4096xf32, #tpu.memory_space<vmem>>
    %dma_wait3A_1058 = tpu.memref_squeeze %dma_wait3A_1057 : memref<1x4096xf32, #tpu.memory_space<vmem>> -> memref<4096xf32, #tpu.memory_space<vmem>>
    %dma_wait3A_1059 = arith.constant 0 : i32
    %dma_wait3A_1060 = tpu.memref_slice %arg4[%dma_wait3A_1059] : memref<16777216xf32, #tpu.memory_space<hbm>> -> memref<4096xf32, #tpu.memory_space<hbm>>
    %dma_wait3A_1061 = arith.constant 0 : i32
    %dma_wait3A_1062 = tpu.memref_slice %arg4[%dma_wait3A_1061] : memref<16777216xf32, #tpu.memory_space<hbm>> -> memref<4096xf32, #tpu.memory_space<hbm>>
    %dma_wait3A_1063 = arith.constant 0 : i32
    %dma_wait3A_1064 = tpu.memref_slice %arg7[%dma_wait3A_1055, %dma_wait3A_1063] : memref<8x4096xf32, #tpu.memory_space<vmem>> -> memref<1x4096xf32, #tpu.memory_space<vmem>>
    %dma_wait3A_1065 = tpu.memref_squeeze %dma_wait3A_1064 : memref<1x4096xf32, #tpu.memory_space<vmem>> -> memref<4096xf32, #tpu.memory_space<vmem>>
    tpu.wait_dma2 semaphore(%arg9 : memref<!tpu.dma_semaphore, #tpu.memory_space<semaphore_mem>>) src(%dma_wait3A_1065 : memref<4096xf32, #tpu.memory_space<vmem>>) dst(%dma_wait3A_1062 : memref<4096xf32, #tpu.memory_space<hbm>>)
    %dma_wait3A_1066 = arith.constant 0 : i32
    %dma_wait3A_1067 = arith.constant 0 : i32
    %dma_wait3A_1068 = tpu.memref_slice %arg7[%dma_wait3A_1066, %dma_wait3A_1067] : memref<8x4096xf32, #tpu.memory_space<vmem>> -> memref<1x4096xf32, #tpu.memory_space<vmem>>
    %dma_wait3A_1069 = tpu.memref_squeeze %dma_wait3A_1068 : memref<1x4096xf32, #tpu.memory_space<vmem>> -> memref<4096xf32, #tpu.memory_space<vmem>>
    %dma_wait3A_1070 = arith.constant 0 : i32
    %dma_wait3A_1071 = tpu.memref_slice %arg4[%dma_wait3A_1070] : memref<16777216xf32, #tpu.memory_space<hbm>> -> memref<4096xf32, #tpu.memory_space<hbm>>
    %dma_wait3A_1072 = arith.constant 0 : i32
    %dma_wait3A_1073 = tpu.memref_slice %arg4[%dma_wait3A_1072] : memref<16777216xf32, #tpu.memory_space<hbm>> -> memref<4096xf32, #tpu.memory_space<hbm>>
    %dma_wait3A_1074 = arith.constant 0 : i32
    %dma_wait3A_1075 = tpu.memref_slice %arg7[%dma_wait3A_1066, %dma_wait3A_1074] : memref<8x4096xf32, #tpu.memory_space<vmem>> -> memref<1x4096xf32, #tpu.memory_space<vmem>>
    %dma_wait3A_1076 = tpu.memref_squeeze %dma_wait3A_1075 : memref<1x4096xf32, #tpu.memory_space<vmem>> -> memref<4096xf32, #tpu.memory_space<vmem>>
    tpu.wait_dma2 semaphore(%arg9 : memref<!tpu.dma_semaphore, #tpu.memory_space<semaphore_mem>>) src(%dma_wait3A_1076 : memref<4096xf32, #tpu.memory_space<vmem>>) dst(%dma_wait3A_1073 : memref<4096xf32, #tpu.memory_space<hbm>>)
    %dma_wait3A_1077 = arith.constant 0 : i32
    %dma_wait3A_1078 = arith.constant 0 : i32
    %dma_wait3A_1079 = tpu.memref_slice %arg7[%dma_wait3A_1077, %dma_wait3A_1078] : memref<8x4096xf32, #tpu.memory_space<vmem>> -> memref<1x4096xf32, #tpu.memory_space<vmem>>
    %dma_wait3A_1080 = tpu.memref_squeeze %dma_wait3A_1079 : memref<1x4096xf32, #tpu.memory_space<vmem>> -> memref<4096xf32, #tpu.memory_space<vmem>>
    %dma_wait3A_1081 = arith.constant 0 : i32
    %dma_wait3A_1082 = tpu.memref_slice %arg4[%dma_wait3A_1081] : memref<16777216xf32, #tpu.memory_space<hbm>> -> memref<4096xf32, #tpu.memory_space<hbm>>
    %dma_wait3A_1083 = arith.constant 0 : i32
    %dma_wait3A_1084 = tpu.memref_slice %arg4[%dma_wait3A_1083] : memref<16777216xf32, #tpu.memory_space<hbm>> -> memref<4096xf32, #tpu.memory_space<hbm>>
    %dma_wait3A_1085 = arith.constant 0 : i32
    %dma_wait3A_1086 = tpu.memref_slice %arg7[%dma_wait3A_1077, %dma_wait3A_1085] : memref<8x4096xf32, #tpu.memory_space<vmem>> -> memref<1x4096xf32, #tpu.memory_space<vmem>>
    %dma_wait3A_1087 = tpu.memref_squeeze %dma_wait3A_1086 : memref<1x4096xf32, #tpu.memory_space<vmem>> -> memref<4096xf32, #tpu.memory_space<vmem>>
    tpu.wait_dma2 semaphore(%arg9 : memref<!tpu.dma_semaphore, #tpu.memory_space<semaphore_mem>>) src(%dma_wait3A_1087 : memref<4096xf32, #tpu.memory_space<vmem>>) dst(%dma_wait3A_1084 : memref<4096xf32, #tpu.memory_space<hbm>>)
    %dma_wait3A_1088 = arith.constant 0 : i32
    %dma_wait3A_1089 = arith.constant 0 : i32
    %dma_wait3A_1090 = tpu.memref_slice %arg7[%dma_wait3A_1088, %dma_wait3A_1089] : memref<8x4096xf32, #tpu.memory_space<vmem>> -> memref<1x4096xf32, #tpu.memory_space<vmem>>
    %dma_wait3A_1091 = tpu.memref_squeeze %dma_wait3A_1090 : memref<1x4096xf32, #tpu.memory_space<vmem>> -> memref<4096xf32, #tpu.memory_space<vmem>>
    %dma_wait3A_1092 = arith.constant 0 : i32
    %dma_wait3A_1093 = tpu.memref_slice %arg4[%dma_wait3A_1092] : memref<16777216xf32, #tpu.memory_space<hbm>> -> memref<4096xf32, #tpu.memory_space<hbm>>
    %dma_wait3A_1094 = arith.constant 0 : i32
    %dma_wait3A_1095 = tpu.memref_slice %arg4[%dma_wait3A_1094] : memref<16777216xf32, #tpu.memory_space<hbm>> -> memref<4096xf32, #tpu.memory_space<hbm>>
    %dma_wait3A_1096 = arith.constant 0 : i32
    %dma_wait3A_1097 = tpu.memref_slice %arg7[%dma_wait3A_1088, %dma_wait3A_1096] : memref<8x4096xf32, #tpu.memory_space<vmem>> -> memref<1x4096xf32, #tpu.memory_space<vmem>>
    %dma_wait3A_1098 = tpu.memref_squeeze %dma_wait3A_1097 : memref<1x4096xf32, #tpu.memory_space<vmem>> -> memref<4096xf32, #tpu.memory_space<vmem>>
    tpu.wait_dma2 semaphore(%arg9 : memref<!tpu.dma_semaphore, #tpu.memory_space<semaphore_mem>>) src(%dma_wait3A_1098 : memref<4096xf32, #tpu.memory_space<vmem>>) dst(%dma_wait3A_1095 : memref<4096xf32, #tpu.memory_space<hbm>>)
    %dma_wait3A_1099 = arith.constant 0 : i32
    %dma_wait3A_1100 = arith.constant 0 : i32
    %dma_wait3A_1101 = tpu.memref_slice %arg7[%dma_wait3A_1099, %dma_wait3A_1100] : memref<8x4096xf32, #tpu.memory_space<vmem>> -> memref<1x4096xf32, #tpu.memory_space<vmem>>
    %dma_wait3A_1102 = tpu.memref_squeeze %dma_wait3A_1101 : memref<1x4096xf32, #tpu.memory_space<vmem>> -> memref<4096xf32, #tpu.memory_space<vmem>>
    %dma_wait3A_1103 = arith.constant 0 : i32
    %dma_wait3A_1104 = tpu.memref_slice %arg4[%dma_wait3A_1103] : memref<16777216xf32, #tpu.memory_space<hbm>> -> memref<4096xf32, #tpu.memory_space<hbm>>
    %dma_wait3A_1105 = arith.constant 0 : i32
    %dma_wait3A_1106 = tpu.memref_slice %arg4[%dma_wait3A_1105] : memref<16777216xf32, #tpu.memory_space<hbm>> -> memref<4096xf32, #tpu.memory_space<hbm>>
    %dma_wait3A_1107 = arith.constant 0 : i32
    %dma_wait3A_1108 = tpu.memref_slice %arg7[%dma_wait3A_1099, %dma_wait3A_1107] : memref<8x4096xf32, #tpu.memory_space<vmem>> -> memref<1x4096xf32, #tpu.memory_space<vmem>>
    %dma_wait3A_1109 = tpu.memref_squeeze %dma_wait3A_1108 : memref<1x4096xf32, #tpu.memory_space<vmem>> -> memref<4096xf32, #tpu.memory_space<vmem>>
    tpu.wait_dma2 semaphore(%arg9 : memref<!tpu.dma_semaphore, #tpu.memory_space<semaphore_mem>>) src(%dma_wait3A_1109 : memref<4096xf32, #tpu.memory_space<vmem>>) dst(%dma_wait3A_1106 : memref<4096xf32, #tpu.memory_space<hbm>>)
    %dma_wait3A_1110 = arith.constant 0 : i32
    %dma_wait3A_1111 = arith.constant 0 : i32
    %dma_wait3A_1112 = tpu.memref_slice %arg7[%dma_wait3A_1110, %dma_wait3A_1111] : memref<8x4096xf32, #tpu.memory_space<vmem>> -> memref<1x4096xf32, #tpu.memory_space<vmem>>
    %dma_wait3A_1113 = tpu.memref_squeeze %dma_wait3A_1112 : memref<1x4096xf32, #tpu.memory_space<vmem>> -> memref<4096xf32, #tpu.memory_space<vmem>>
    %dma_wait3A_1114 = arith.constant 0 : i32
    %dma_wait3A_1115 = tpu.memref_slice %arg4[%dma_wait3A_1114] : memref<16777216xf32, #tpu.memory_space<hbm>> -> memref<4096xf32, #tpu.memory_space<hbm>>
    %dma_wait3A_1116 = arith.constant 0 : i32
    %dma_wait3A_1117 = tpu.memref_slice %arg4[%dma_wait3A_1116] : memref<16777216xf32, #tpu.memory_space<hbm>> -> memref<4096xf32, #tpu.memory_space<hbm>>
    %dma_wait3A_1118 = arith.constant 0 : i32
    %dma_wait3A_1119 = tpu.memref_slice %arg7[%dma_wait3A_1110, %dma_wait3A_1118] : memref<8x4096xf32, #tpu.memory_space<vmem>> -> memref<1x4096xf32, #tpu.memory_space<vmem>>
    %dma_wait3A_1120 = tpu.memref_squeeze %dma_wait3A_1119 : memref<1x4096xf32, #tpu.memory_space<vmem>> -> memref<4096xf32, #tpu.memory_space<vmem>>
    tpu.wait_dma2 semaphore(%arg9 : memref<!tpu.dma_semaphore, #tpu.memory_space<semaphore_mem>>) src(%dma_wait3A_1120 : memref<4096xf32, #tpu.memory_space<vmem>>) dst(%dma_wait3A_1117 : memref<4096xf32, #tpu.memory_space<hbm>>)
    return
  }
}

</mosaic_0001>

<sc_bundles>
// kernel: _sc_call.3.cloned.1.call-start
scs
__scs_entry_jumppad:
0x0: {  	(pc) =	sbr.rel $0x88, $3  }
0x1: {  	(tag) =	ssettag $0x0;
	lr =	simm.s32 $0x1  }
0x2: {  	[smem:$0x3F9F] =	sst lr;
	_ =	strace $0xD0000000  }
0x3: {  	_ = 	snop  }
0x4: {  	_ = 	snop  }
0x5: {  	_ = 	snop  }
0x6: {  	_ = 	snop  }
0x7: {  	_ = 	snop  }
__scs_overlays_trampoline_lowered:
0x8: {  	[smem:$0x3FAE] =	sst s0  }
0x9: {  	[smem:$0x3FAF] =	sst s1  }
0xa: {  	[smem:$0x3FB0] =	sst s2  }
0xb: {  	[smem:$0x3FB1] =	sst s3  }
0xc: {  	[smem:$0x3FB2] =	sst s4  }
0xd: {  	[smem:$0x3FB3] =	sst s5  }
0xe: {  	[smem:$0x3FB4] =	sst s6  }
0xf: {  	[smem:$0x3FB5] =	sst s7  }
0x10: {  	[smem:$0x3FB6] =	sst s8  }
0x11: {  	[smem:$0x3FB7] =	sst s9;
	s0 =	simm.s32 @!p0 $0x0  }
0x12: {  	s1 =	sld [smem:$0x3F9D];
	s0 =	simm.s32 @p0 $0x1  }
0x13: {  	[smem:$0x3FB8] =	sst s0;
	s0 =	simm.s32 @!p1 $0x0  }
0x14: {  	s2 =	sld [smem:$0x3F9C];
	s0 =	simm.s32 @p1 $0x1  }
0x15: {  	[smem:$0x3FB9] =	sst s0;
	s0 =	simm.s32 @!p2 $0x0  }
0x16: {  	s3 =	sld [smem:$0x3FDB];
	s0 =	simm.s32 @p2 $0x1  }
0x17: {  	s4 =	simm.s32 $0x1BF5;
	[smem:$0x3FBB] =	sst s0  }
0x18: {  	s0 =	sld [smem:$0x3F9E];
	_ =	swait.ge [sflag:s4], $0x0  }
0x19: {  	s7 =	sld [smem:$0x3F9F]  }
0x1a: {  	s8 =	sadd.s32 $0xFFFFE003, lr  }
0x1b: {  	s9 =	sadd.s32 $0xFFFFFEF7, lr;
	s5 =	simm.s32 $0xFFFFFFFF;
	p2 =	slt.u32 s8, $0xFFFFF086  }
0x1c: {  	p1 =	slt.u32 s9, $0xF7A;
	s5 =	simm.s32 @!p2 $0x0  }
0x1d: {  	s5 =	simm.s32 @p1 $0x1;
	p0 =	seq.s32 s7, s2  }
0x1e: {  	s7 =	smul.u32 @!p0 $0xF7A, s2;
	p2 =	seq.s32 @!p0 s5, $0x0  }
0x1f: {  	s9 =	smul.u32 $0xF7A, s1;
	s8 =	simm.s32 @!p0 $0x1BF5;
	p2 =	por !p2, p0  }
0x20: {  	[sflag:s8] =	ssyncset.s32 @!p0 $0xFFFFF086;
	s6 =	sadd.s32 @!p0 s3, s7;
	s7 =	simm.s32 @!p0 $0x108  }
0x21: {  	s3 =	sadd.s32 s3, s9;
	s6 =	sadd.s32 @!p0 $0x88, s6;
	s7 =	simm.s32 @p2 $0x1082  }
0x22: {  	[simem:s7], [sflag:s8] =	dma.local @!p0 [hbm:s6], $0xF7A  }
0x23: {  	s9 =	sor.u32 $0xD0000000, s2;
	s6 =	simm.s32 $0x108;
	_ =	swait.ge @!p0 [sflag:s8], $0x0  }
0x24: {  	s3 =	sadd.s32 $0x88, s3;
	s6 =	simm.s32 @!p1 $0x1082;
	[sflag:s4] =	ssyncset.s32 $0xFFFFF086  }
0x25: {  	[simem:s6], [sflag:s4] =	dma.local [hbm:s3], $0xF7A  }
0x26: {  	[smem:$0x3F9F] =	sst s1;
	(tag) =	ssettag s2;
	_ =	strace s9  }
0x27: {  	s1 =	sld [smem:$0x3FAF]  }
0x28: {  	s2 =	sld [smem:$0x3FB0]  }
0x29: {  	s4 =	sld [smem:$0x3FB2]  }
0x2a: {  	p0 =	seq.s32 s5, $0x0;
	s5 =	sld [smem:$0x3FB3]  }
0x2b: {  	s6 =	sld [smem:$0x3FB4]  }
0x2c: {  	s7 =	sld [smem:$0x3FB5]  }
0x2d: {  	s3 =	simm.s32 $0x108;
	s8 =	sld [smem:$0x3FB6]  }
0x2e: {  	s3 =	simm.s32 @!p0 $0x1082;
	s9 =	sld [smem:$0x3FB7]  }
0x2f: {  	lr =	sadd.s32 s0, s3;
	s0 =	sld [smem:$0x3FAE]  }
0x30: {  	s3 =	sld [smem:$0x3FB1]  }
0x31: {  	[smem:$0x3FBA] =	sst s10  }
0x32: {  	s10 =	sld [smem:$0x3FB8];
	_ =	sdelay $0x3  }
0x33: {  	p0 =	seq.s32 s10, $0x1;
	s10 =	sld [smem:$0x3FBA];
	_ =	sdelay $0x3  }
0x34: {  	[smem:$0x3FBA] =	sst s10  }
0x35: {  	s10 =	sld [smem:$0x3FB9];
	_ =	sdelay $0x3  }
0x36: {  	p1 =	seq.s32 s10, $0x1;
	s10 =	sld [smem:$0x3FBA];
	_ =	sdelay $0x3  }
0x37: {  	[smem:$0x3FBA] =	sst s10  }
0x38: {  	s10 =	sld [smem:$0x3FBB]  }
0x39: {  	_ = 	snop;
	(pc) =	sbr.ind lr, $3  }
0x3a: {  	_ = 	snop  }
0x3b: {  	_ = 	snop  }
0x3c: {  	p2 =	seq.s32 s10, $0x1;
	s10 =	sld [smem:$0x3FBA]  }
0x3d: {  	_ =	shalt  }
0x3e: {  	_ =	shalt  }
0x3f: {  	_ =	shalt  }
0x40: {  	_ =	shalt  }
0x41: {  	_ =	shalt  }
0x42: {  	_ =	shalt  }
0x43: {  	_ =	shalt  }
0x44: {  	_ =	shalt  }
0x45: {  	_ =	shalt  }
0x46: {  	_ =	shalt  }
0x47: {  	_ =	shalt  }
0x48: {  	_ =	shalt  }
0x49: {  	_ =	shalt  }
0x4a: {  	_ =	shalt  }
0x4b: {  	_ =	shalt  }
0x4c: {  	_ =	shalt  }
0x4d: {  	_ =	shalt  }
0x4e: {  	_ =	shalt  }
0x4f: {  	_ =	shalt  }
0x50: {  	_ =	shalt  }
0x51: {  	_ =	shalt  }
0x52: {  	_ =	shalt  }
0x53: {  	_ =	shalt  }
0x54: {  	_ =	shalt  }
0x55: {  	_ =	shalt  }
0x56: {  	_ =	shalt  }
0x57: {  	_ =	shalt  }
0x58: {  	_ =	shalt  }
0x59: {  	_ =	shalt  }
0x5a: {  	_ =	shalt  }
0x5b: {  	_ =	shalt  }
0x5c: {  	_ =	shalt  }
0x5d: {  	_ =	shalt  }
0x5e: {  	_ =	shalt  }
0x5f: {  	_ =	shalt  }
0x60: {  	_ =	shalt  }
0x61: {  	_ =	shalt  }
0x62: {  	_ =	shalt  }
0x63: {  	_ =	shalt  }
0x64: {  	_ =	shalt  }
0x65: {  	_ =	shalt  }
0x66: {  	_ =	shalt  }
0x67: {  	_ =	shalt  }
0x68: {  	_ =	shalt  }
0x69: {  	_ =	shalt  }
0x6a: {  	_ =	shalt  }
0x6b: {  	_ =	shalt  }
0x6c: {  	_ =	shalt  }
0x6d: {  	_ =	shalt  }
0x6e: {  	_ =	shalt  }
0x6f: {  	_ =	shalt  }
0x70: {  	_ =	shalt  }
0x71: {  	_ =	shalt  }
0x72: {  	_ =	shalt  }
0x73: {  	_ =	shalt  }
0x74: {  	_ =	shalt  }
0x75: {  	_ =	shalt  }
0x76: {  	_ =	shalt  }
0x77: {  	_ =	shalt  }
0x78: {  	_ =	shalt  }
0x79: {  	_ =	shalt  }
0x7a: {  	_ =	shalt  }
0x7b: {  	_ =	shalt  }
0x7c: {  	_ =	shalt  }
0x7d: {  	_ =	shalt  }
0x7e: {  	_ =	shalt  }
0x7f: {  	_ =	shalt  }
0x80: {  	_ =	shalt  }
0x81: {  	_ =	shalt  }
0x82: {  	_ =	shalt  }
0x83: {  	_ =	shalt  }
0x84: {  	_ =	shalt  }
0x85: {  	_ =	shalt  }
0x86: {  	_ =	shalt  }
0x87: {  	_ =	shalt  }
.Lfunc_end0:
.L_simem_size_0:
called_computation_lowered:
.L_overlay_start_0:
0x88: {  	s2 =	sld [smem:$0x3FD9]  }
0x89: {  	s3 =	sld [smem:$0x3FFE];
	_ =	sdelay $0x1  }
0x8a: {  	s1 =	srdreg.scid  }
0x8b: {  	s0 =	sand.u32 $0x1, s1  }
0x8c: {  	s17 =	sshll.u32 s0, $0xA;
	s2 =	sadd.s32 s3, s2  }
0x8d: {  	s2 =	sadd.s32 s2, s17  }
0x8e: {  	[smem:$0x3FC6] =	sst s2  }
0x8f: {  	_ = 	snop  }
0x90: {  	s2 =	sld [smem:$0x3FC8]  }
0x91: {  	s18 =	sld [smem:$0x3FD0];
	(tm) =	ssettm $0x1  }
0x92: {  	s4 =	sld [smem:$0x3FFB];
	_ =	sdelay $0x3  }
0x93: {  	_ =	strace s4  }
0x94: {  	s4 =	sld [smem:$0x3FFC];
	_ =	sdelay $0x3  }
0x95: {  	_ =	strace s4  }
0x96: {  	s4 =	sld [smem:$0x3FFD];
	_ =	sdelay $0x3  }
0x97: {  	_ =	strace s4  }
0x98: {  	_ =	strace $0x8FFFFFFF  }
0x99: {  	s19 =	sld [smem:$0x3FDB];
	_ =	sdelay $0x1  }
0x9a: {  	s5 =	simm.s32 $_scs_section_size  }
0x9b: {  	s6 =	simm.s32 $_size__tile_overlayer_lowered;
	s7 =	simm.s32 $_tile_overlayer_lowered  }
0x9c: {  	s22 =	simm.s32 $0x1BFF;
	s21 =	sshll.u32 s7, $0x1;
	s4 =	sadd.s32 s5, s19  }
0x9d: {  	s8 =	simm.s32 $0x0;
	s20 =	sshll.u32 s6, $0x1;
	s6 =	sadd.s32 s21, s4  }
0x9e: {  	[timem:s8], [sflag:s22] =	dma.local [hbm:s6], s20  }
0x9f: {  	_ =	swait.ge [sflag:s22], s20  }
0xa0: {  	s5 =	ssub.s32 $0x0, s20;
	[sflag:s22] =	ssyncset.done $0x0  }
0xa1: {  	[sflag:s22] =	ssyncadd.s32 s5;
	_ =	sdelay $0x1  }
0xa2: {  	s23 =	simm.s32 $0x1B8B  }
0xa3: {  	_ =	swait.ge [sflag:s23], $0x1  }
0xa4: {  	[sflag:s23] =	ssyncset.done $0x0  }
0xa5: {  	s25 =	simm.s32 $0x1B8E;
	s24 =	sld [smem:$0x3FFE];
	[sflag:s23] =	ssyncadd.s32 $0xFFFFFFFF  }
0xa6: {  	s26 =	simm.s32 $execute0_lowered;
	[smem:$0x3FD2] =	sst s25  }
0xa7: {  	s6 =	sshll.u32 s26, $0x1;
	_ =	strace $0x80000046;
	[dreg:$0x1] =	wrdreg $0xFFFFFFFF  }
0xa8: {  	s28 =	simm.s32 $_size_execute0_lowered;
	s4 =	sadd.s32 s4, s6;
	[dreg:$0x0] =	wrdreg $0x0  }
0xa9: {  	s6 =	sshll.u32 s28, $0x1;
	[dreg:$0x2] =	wrdreg s4  }
0xaa: {  	[dreg:$0x3] =	wrdreg s6  }
0xab: {  	[dreg:$0x4] =	wrdreg $0xC0  }
0xac: {  	_ =	task [dreg:s8], $0x5FFFF  }
0xad: {  	[dreg:$0x1] =	wrdreg $0xFFFFFFFF  }
0xae: {  	[dreg:$0x0] =	wrdreg $0x60  }
0xaf: {  	[dreg:$0x2] =	wrdreg s24  }
0xb0: {  	[dreg:$0x3] =	wrdreg s2  }
0xb1: {  	[dreg:$0x4] =	wrdreg s18  }
0xb2: {  	[dreg:$0x5] =	wrdreg $0x9  }
0xb3: {  	_ =	task.clear_ibuf [dreg:s8], $0x6FFFF;
	_ =	strace $0x90000046  }
0xb4: {  	s29 =	simm.s32 $0x9;
	_ =	strace $0x80000048  }
0xb5: {  	_ =	swait.ge [sflag:s29], $0x1  }
0xb6: {  	[sflag:s29] =	ssyncadd.s32 $0xFFFFFFFF  }
0xb7: {  	_ =	strace $0x90000048  }
0xb8: {  	_ =	sfence  }
0xb9: {  	s30 =	sld [smem:$0x0];
	_ =	sdelay $0x2  }
0xba: {  	s31 =	sshll.u32 s1, $0xD;
	s1 =	sshrl.u32 s1, $0x2  }
0xbb: {  	s3 =	sand.u32 $0x4000, s31;
	s1 =	sadd.s32 s1, s30  }
0xbc: {  	s0 =	sor.u32 s3, s0;
	s1 =	sshll.u32 s1, $0x11  }
0xbd: {  	s0 =	sor.u32 s1, s0  }
0xbe: {  	s0 =	sadd.s32 $0x8F2B, s0  }
0xbf: {  	[sflag:s0] =	ssyncadd.remote.s32 $0x1  }
0xc0: {  	_ =	sfence.sel $0xFFFF  }
0xc1: {  	[dreg:$0x0] =	wrdreg $0xFFFFFFFF;
	(pc) =	sbr.abs _section_cstart, $3  }
0xc2: {  	[dreg:$0x1] =	wrdreg $0xFFFFFFFF  }
0xc3: {  	_ =	task.clear_ibuf [dreg:s8], $0x2FFFF;
	_ =	strace $0x9FFFFFFF  }
0xc4: {  	(tm) =	ssettm $0x7FFFFFFF  }
0xc5: {  	_ =	shalt  }
tec
execute0_lowered:
.L_overlay_start_1:
0x0: {  	(tag) =	ssettag $0x1  }
0x1: {  	s0 =	rddreg [dreg:$0x0];
	s1 =	srdreg.scid  }
0x2: {  	s3 =	stileid.u32;
	s2 =	rddreg [dreg:$0x2];
	v0 =	vlaneseq.u32  }
0x3: {  	s1 =	sand.u32 $0x1, s1;
	s4 =	sshll.u32 s3, $0x1;
	s3 =	simm.s32 $0x0;
	v4 =	vmul.u32 $0x100, v0  }
0x4: {  	s4 =	sor.u32 s1, s4;
	[smem:$0x7FF] =	sst s3;
	s1 =	ssub.s32 $0x2, s1  }
0x5: {  	s5 =	sshll.u32 s4, $0x4;
	_ =	strace $0x80000047;
	s30 =	sshll.u32 s4, $0x9;
	v1 =	vor.u32 $0x40, v4  }
0x6: {  	s29 =	sshrl.u32 s1, $0x1;
	s0 =	sadd.s32 s5, s0;
	s8 =	sadd.s32 s2, s30;
	[tilespmem:$0x1FFC0] =	vst v1;
	v1 =	vor.u32 $0x1040, v4  }
0x7: {  	s1 =	ssub.s32 s1, s29;
	s0 =	sadd.s32 $0x400, s0;
	[tilespmem:$0x1FFD0] =	vst v1;
	v1 =	vor.u32 $0x2040, v4;
	[dreg:$0x6] =	wrdreg s8  }
0x8: {  	s31 =	smax.u32 s1, $0x1;
	[dreg:$0x5] =	wrdreg s0;
	[tilespmem:$0x1FFE0] =	vst v1;
	v1 =	vor.u32 $0x3040, v4  }
0x9: {  	s12 =	simm.s32 $0x4000;
	v5 =	vmul.u32 $0xFFFFFFFF, v0;
	s2 =	simm.s32 $0x0;
	[dreg:$0x7] =	wrdreg s31;
	[tilespmem:$0x1FFF0] =	vst v1  }
.LBB2_1:
0xa: {  	[dreg:$0x8] =	wrdreg s2  }
0xb: {  	s0 =	rddreg [dreg:$0x5]  }
0xc: {  	s1 =	simm.s32 $0x80;
	s28 =	simm.s32 $0x1000;
	s29 =	simm.s32 $0x2  }
0xd: {  	[tilespmem:s3], [sflag:$0x2] =	stream.strided.gather [hbm4b:s0+s1], $0x4000, s28, s1, $0x38;
	[tilespmem:$0x10080] =	vst v63  }
0xe: {  	_ =	swait.ge [sflag:s29], $0x4000  }
0xf: {  	[sflag:s29] =	ssyncset.done $0x0  }
0x10: {  	[sflag:s29] =	ssyncadd.s32 $0xFFFFC000  }
0x11: {  	s31 =	simm.s32 $0x10000;
	s30 =	rddreg [dreg:$0x1]  }
0x12: {  	[tilespmem:s31], [sflag:$0x2] =	stream.linear.gather [hbm4b:s30+s3], $0x80, $0x38;
	[tilespmem:$0x10080] =	vst v63  }
0x13: {  	_ =	swait.ge [sflag:s29], $0x80  }
0x14: {  	[sflag:s29] =	ssyncset.done $0x0  }
0x15: {  	v7 =	vimm.f32 $0.0e+00;
	[sflag:s29] =	ssyncadd.s32 $0xFFFFFF80  }
0x16: {  	[tilespmem:$0x4000] =	vst v7  }
0x17: {  	[tilespmem:$0x40C0] =	vst v7  }
0x18: {  	[tilespmem:$0x4010] =	vst v7  }
0x19: {  	[tilespmem:$0x40D0] =	vst v7  }
0x1a: {  	[tilespmem:$0x4020] =	vst v7  }
0x1b: {  	[tilespmem:$0x40E0] =	vst v7  }
0x1c: {  	[tilespmem:$0x4030] =	vst v7  }
0x1d: {  	[tilespmem:$0x40F0] =	vst v7  }
0x1e: {  	[tilespmem:$0x4100] =	vst v7  }
0x1f: {  	[tilespmem:$0x41C0] =	vst v7  }
0x20: {  	[tilespmem:$0x4110] =	vst v7  }
0x21: {  	[tilespmem:$0x41D0] =	vst v7  }
0x22: {  	v6 =	vld [tilespmem:$0x10000];
	[tilespmem:$0x4120] =	vst v7  }
0x23: {  	[tilespmem:$0x41E0] =	vst v7  }
0x24: {  	[tilespmem:$0x4130] =	vst v7  }
0x25: {  	[tilespmem:$0x41F0] =	vst v7  }
0x26: {  	[tilespmem:$0x4200] =	vst v7  }
0x27: {  	[tilespmem:$0x42C0] =	vst v7  }
0x28: {  	[tilespmem:$0x4210] =	vst v7  }
0x29: {  	[tilespmem:$0x42D0] =	vst v7  }
0x2a: {  	[tilespmem:$0x4220] =	vst v7  }
0x2b: {  	[tilespmem:$0x42E0] =	vst v7  }
0x2c: {  	[tilespmem:$0x4230] =	vst v7  }
0x2d: {  	[tilespmem:$0x42F0] =	vst v7  }
0x2e: {  	[tilespmem:$0x4300] =	vst v7  }
0x2f: {  	[tilespmem:$0x43C0] =	vst v7  }
0x30: {  	[tilespmem:$0x4310] =	vst v7  }
0x31: {  	[tilespmem:$0x43D0] =	vst v7  }
0x32: {  	[tilespmem:$0x4320] =	vst v7  }
0x33: {  	[tilespmem:$0x43E0] =	vst v7  }
0x34: {  	[tilespmem:$0x4330] =	vst v7  }
0x35: {  	[tilespmem:$0x43F0] =	vst v7  }
0x36: {  	[tilespmem:$0x4400] =	vst v7  }
0x37: {  	[tilespmem:$0x44C0] =	vst v7  }
0x38: {  	[tilespmem:$0x4410] =	vst v7  }
0x39: {  	[tilespmem:$0x44D0] =	vst v7  }
0x3a: {  	[tilespmem:$0x4420] =	vst v7  }
0x3b: {  	[tilespmem:$0x44E0] =	vst v7  }
0x3c: {  	[tilespmem:$0x4430] =	vst v7  }
0x3d: {  	[tilespmem:$0x44F0] =	vst v7  }
0x3e: {  	[tilespmem:$0x4500] =	vst v7  }
0x3f: {  	[tilespmem:$0x45C0] =	vst v7  }
0x40: {  	[tilespmem:$0x4510] =	vst v7  }
0x41: {  	[tilespmem:$0x45D0] =	vst v7  }
0x42: {  	[tilespmem:$0x4520] =	vst v7  }
0x43: {  	[tilespmem:$0x45E0] =	vst v7  }
0x44: {  	[tilespmem:$0x4530] =	vst v7  }
0x45: {  	[tilespmem:$0x45F0] =	vst v7  }
0x46: {  	[tilespmem:$0x4600] =	vst v7  }
0x47: {  	[tilespmem:$0x46C0] =	vst v7  }
0x48: {  	[tilespmem:$0x4610] =	vst v7  }
0x49: {  	[tilespmem:$0x46D0] =	vst v7  }
0x4a: {  	[tilespmem:$0x4620] =	vst v7  }
0x4b: {  	[tilespmem:$0x46E0] =	vst v7  }
0x4c: {  	[tilespmem:$0x4630] =	vst v7  }
0x4d: {  	[tilespmem:$0x46F0] =	vst v7  }
0x4e: {  	[tilespmem:$0x4700] =	vst v7  }
0x4f: {  	[tilespmem:$0x47C0] =	vst v7  }
0x50: {  	[tilespmem:$0x4710] =	vst v7  }
0x51: {  	[tilespmem:$0x47D0] =	vst v7  }
0x52: {  	[tilespmem:$0x4720] =	vst v7  }
0x53: {  	[tilespmem:$0x47E0] =	vst v7  }
0x54: {  	[tilespmem:$0x4730] =	vst v7  }
0x55: {  	[tilespmem:$0x47F0] =	vst v7  }
0x56: {  	[tilespmem:$0x4800] =	vst v7  }
0x57: {  	[tilespmem:$0x48C0] =	vst v7  }
0x58: {  	[tilespmem:$0x4810] =	vst v7  }
0x59: {  	[tilespmem:$0x48D0] =	vst v7  }
0x5a: {  	[tilespmem:$0x4820] =	vst v7  }
0x5b: {  	[tilespmem:$0x48E0] =	vst v7  }
0x5c: {  	[tilespmem:$0x4830] =	vst v7  }
0x5d: {  	[tilespmem:$0x48F0] =	vst v7  }
0x5e: {  	[tilespmem:$0x4900] =	vst v7  }
0x5f: {  	[tilespmem:$0x49C0] =	vst v7  }
0x60: {  	[tilespmem:$0x4910] =	vst v7  }
0x61: {  	[tilespmem:$0x49D0] =	vst v7  }
0x62: {  	[tilespmem:$0x4920] =	vst v7  }
0x63: {  	[tilespmem:$0x49E0] =	vst v7  }
0x64: {  	[tilespmem:$0x4930] =	vst v7  }
0x65: {  	[tilespmem:$0x49F0] =	vst v7  }
0x66: {  	[tilespmem:$0x4A00] =	vst v7  }
0x67: {  	[tilespmem:$0x4AC0] =	vst v7  }
0x68: {  	[tilespmem:$0x4A10] =	vst v7  }
0x69: {  	[tilespmem:$0x4AD0] =	vst v7  }
0x6a: {  	[tilespmem:$0x4A20] =	vst v7  }
0x6b: {  	[tilespmem:$0x4AE0] =	vst v7  }
0x6c: {  	[tilespmem:$0x4A30] =	vst v7  }
0x6d: {  	[tilespmem:$0x4AF0] =	vst v7  }
0x6e: {  	[tilespmem:$0x4B00] =	vst v7  }
0x6f: {  	[tilespmem:$0x4BC0] =	vst v7  }
0x70: {  	[tilespmem:$0x4B10] =	vst v7  }
0x71: {  	[tilespmem:$0x4BD0] =	vst v7  }
0x72: {  	[tilespmem:$0x4B20] =	vst v7  }
0x73: {  	[tilespmem:$0x4BE0] =	vst v7  }
0x74: {  	[tilespmem:$0x4B30] =	vst v7  }
0x75: {  	[tilespmem:$0x4BF0] =	vst v7  }
0x76: {  	[tilespmem:$0x4C00] =	vst v7  }
0x77: {  	[tilespmem:$0x4CC0] =	vst v7  }
0x78: {  	[tilespmem:$0x4C10] =	vst v7  }
0x79: {  	[tilespmem:$0x4CD0] =	vst v7  }
0x7a: {  	[tilespmem:$0x4C20] =	vst v7  }
0x7b: {  	[tilespmem:$0x4CE0] =	vst v7  }
0x7c: {  	[tilespmem:$0x4C30] =	vst v7  }
0x7d: {  	[tilespmem:$0x4CF0] =	vst v7  }
0x7e: {  	[tilespmem:$0x4D00] =	vst v7  }
0x7f: {  	[tilespmem:$0x4DC0] =	vst v7  }
0x80: {  	[tilespmem:$0x4D10] =	vst v7  }
0x81: {  	[tilespmem:$0x4DD0] =	vst v7  }
0x82: {  	[tilespmem:$0x4D20] =	vst v7  }
0x83: {  	[tilespmem:$0x4DE0] =	vst v7  }
0x84: {  	[tilespmem:$0x4D30] =	vst v7  }
0x85: {  	[tilespmem:$0x4DF0] =	vst v7  }
0x86: {  	[tilespmem:$0x4E00] =	vst v7  }
0x87: {  	[tilespmem:$0x4EC0] =	vst v7  }
0x88: {  	[tilespmem:$0x4E10] =	vst v7  }
0x89: {  	[tilespmem:$0x4ED0] =	vst v7  }
0x8a: {  	[tilespmem:$0x4E20] =	vst v7  }
0x8b: {  	[tilespmem:$0x4EE0] =	vst v7  }
0x8c: {  	[tilespmem:$0x4E30] =	vst v7  }
0x8d: {  	[tilespmem:$0x4EF0] =	vst v7  }
0x8e: {  	[tilespmem:$0x4F00] =	vst v7  }
0x8f: {  	[tilespmem:$0x4FC0] =	vst v7  }
0x90: {  	[tilespmem:$0x4F10] =	vst v7  }
0x91: {  	[tilespmem:$0x4FD0] =	vst v7  }
0x92: {  	[tilespmem:$0x4F20] =	vst v7  }
0x93: {  	[tilespmem:$0x4FE0] =	vst v7  }
0x94: {  	[tilespmem:$0x4F30] =	vst v7  }
0x95: {  	[tilespmem:$0x4FF0] =	vst v7  }
0x96: {  	[tilespmem:$0x5000] =	vst v7  }
0x97: {  	[tilespmem:$0x50C0] =	vst v7  }
0x98: {  	[tilespmem:$0x5010] =	vst v7  }
0x99: {  	[tilespmem:$0x50D0] =	vst v7  }
0x9a: {  	[tilespmem:$0x5020] =	vst v7  }
0x9b: {  	[tilespmem:$0x50E0] =	vst v7  }
0x9c: {  	[tilespmem:$0x5030] =	vst v7  }
0x9d: {  	[tilespmem:$0x50F0] =	vst v7  }
0x9e: {  	[tilespmem:$0x5100] =	vst v7  }
0x9f: {  	[tilespmem:$0x51C0] =	vst v7  }
0xa0: {  	[tilespmem:$0x5110] =	vst v7  }
0xa1: {  	[tilespmem:$0x51D0] =	vst v7  }
0xa2: {  	[tilespmem:$0x5120] =	vst v7  }
0xa3: {  	[tilespmem:$0x51E0] =	vst v7  }
0xa4: {  	[tilespmem:$0x5130] =	vst v7  }
0xa5: {  	[tilespmem:$0x51F0] =	vst v7  }
0xa6: {  	[tilespmem:$0x5200] =	vst v7  }
0xa7: {  	[tilespmem:$0x52C0] =	vst v7  }
0xa8: {  	[tilespmem:$0x5210] =	vst v7  }
0xa9: {  	[tilespmem:$0x52D0] =	vst v7  }
0xaa: {  	[tilespmem:$0x5220] =	vst v7  }
0xab: {  	[tilespmem:$0x52E0] =	vst v7  }
0xac: {  	[tilespmem:$0x5230] =	vst v7  }
0xad: {  	[tilespmem:$0x52F0] =	vst v7  }
0xae: {  	[tilespmem:$0x5300] =	vst v7  }
0xaf: {  	[tilespmem:$0x53C0] =	vst v7  }
0xb0: {  	[tilespmem:$0x5310] =	vst v7  }
0xb1: {  	[tilespmem:$0x53D0] =	vst v7  }
0xb2: {  	[tilespmem:$0x5320] =	vst v7  }
0xb3: {  	[tilespmem:$0x53E0] =	vst v7  }
0xb4: {  	[tilespmem:$0x5330] =	vst v7  }
0xb5: {  	[tilespmem:$0x53F0] =	vst v7  }
0xb6: {  	[tilespmem:$0x5400] =	vst v7  }
0xb7: {  	[tilespmem:$0x54C0] =	vst v7  }
0xb8: {  	[tilespmem:$0x5410] =	vst v7  }
0xb9: {  	[tilespmem:$0x54D0] =	vst v7  }
0xba: {  	[tilespmem:$0x5420] =	vst v7  }
0xbb: {  	[tilespmem:$0x54E0] =	vst v7  }
0xbc: {  	[tilespmem:$0x5430] =	vst v7  }
0xbd: {  	[tilespmem:$0x54F0] =	vst v7  }
0xbe: {  	[tilespmem:$0x5500] =	vst v7  }
0xbf: {  	[tilespmem:$0x55C0] =	vst v7  }
0xc0: {  	[tilespmem:$0x5510] =	vst v7  }
0xc1: {  	[tilespmem:$0x55D0] =	vst v7  }
0xc2: {  	[tilespmem:$0x5520] =	vst v7  }
0xc3: {  	[tilespmem:$0x55E0] =	vst v7  }
0xc4: {  	[tilespmem:$0x5530] =	vst v7  }
0xc5: {  	[tilespmem:$0x55F0] =	vst v7  }
0xc6: {  	[tilespmem:$0x5600] =	vst v7  }
0xc7: {  	[tilespmem:$0x56C0] =	vst v7  }
0xc8: {  	[tilespmem:$0x5610] =	vst v7  }
0xc9: {  	[tilespmem:$0x56D0] =	vst v7  }
0xca: {  	[tilespmem:$0x5620] =	vst v7  }
0xcb: {  	[tilespmem:$0x56E0] =	vst v7  }
0xcc: {  	[tilespmem:$0x5630] =	vst v7  }
0xcd: {  	[tilespmem:$0x56F0] =	vst v7  }
0xce: {  	[tilespmem:$0x5700] =	vst v7  }
0xcf: {  	[tilespmem:$0x57C0] =	vst v7  }
0xd0: {  	[tilespmem:$0x5710] =	vst v7  }
0xd1: {  	[tilespmem:$0x57D0] =	vst v7  }
0xd2: {  	[tilespmem:$0x5720] =	vst v7  }
0xd3: {  	[tilespmem:$0x57E0] =	vst v7  }
0xd4: {  	[tilespmem:$0x5730] =	vst v7  }
0xd5: {  	[tilespmem:$0x57F0] =	vst v7  }
0xd6: {  	[tilespmem:$0x5800] =	vst v7  }
0xd7: {  	[tilespmem:$0x58C0] =	vst v7  }
0xd8: {  	[tilespmem:$0x5810] =	vst v7  }
0xd9: {  	[tilespmem:$0x58D0] =	vst v7  }
0xda: {  	[tilespmem:$0x5820] =	vst v7  }
0xdb: {  	[tilespmem:$0x58E0] =	vst v7  }
0xdc: {  	[tilespmem:$0x5830] =	vst v7  }
0xdd: {  	[tilespmem:$0x58F0] =	vst v7  }
0xde: {  	[tilespmem:$0x5900] =	vst v7  }
0xdf: {  	[tilespmem:$0x59C0] =	vst v7  }
0xe0: {  	[tilespmem:$0x5910] =	vst v7  }
0xe1: {  	[tilespmem:$0x59D0] =	vst v7  }
0xe2: {  	[tilespmem:$0x5920] =	vst v7  }
0xe3: {  	[tilespmem:$0x59E0] =	vst v7  }
0xe4: {  	[tilespmem:$0x5930] =	vst v7  }
0xe5: {  	[tilespmem:$0x59F0] =	vst v7  }
0xe6: {  	[tilespmem:$0x5A00] =	vst v7  }
0xe7: {  	[tilespmem:$0x5AC0] =	vst v7  }
0xe8: {  	[tilespmem:$0x5A10] =	vst v7  }
0xe9: {  	[tilespmem:$0x5AD0] =	vst v7  }
0xea: {  	[tilespmem:$0x5A20] =	vst v7  }
0xeb: {  	[tilespmem:$0x5AE0] =	vst v7  }
0xec: {  	[tilespmem:$0x5A30] =	vst v7  }
0xed: {  	[tilespmem:$0x5AF0] =	vst v7  }
0xee: {  	[tilespmem:$0x5B00] =	vst v7  }
0xef: {  	[tilespmem:$0x5BC0] =	vst v7  }
0xf0: {  	[tilespmem:$0x5B10] =	vst v7  }
0xf1: {  	[tilespmem:$0x5BD0] =	vst v7  }
0xf2: {  	[tilespmem:$0x5B20] =	vst v7  }
0xf3: {  	[tilespmem:$0x5BE0] =	vst v7  }
0xf4: {  	[tilespmem:$0x5B30] =	vst v7  }
0xf5: {  	[tilespmem:$0x5BF0] =	vst v7  }
0xf6: {  	[tilespmem:$0x5C00] =	vst v7  }
0xf7: {  	[tilespmem:$0x5CC0] =	vst v7  }
0xf8: {  	[tilespmem:$0x5C10] =	vst v7  }
0xf9: {  	[tilespmem:$0x5CD0] =	vst v7  }
0xfa: {  	[tilespmem:$0x5C20] =	vst v7  }
0xfb: {  	[tilespmem:$0x5CE0] =	vst v7  }
0xfc: {  	[tilespmem:$0x5C30] =	vst v7  }
0xfd: {  	[tilespmem:$0x5CF0] =	vst v7  }
0xfe: {  	[tilespmem:$0x5D00] =	vst v7  }
0xff: {  	[tilespmem:$0x5DC0] =	vst v7  }
0x100: {  	[tilespmem:$0x5D10] =	vst v7  }
0x101: {  	[tilespmem:$0x5DD0] =	vst v7  }
0x102: {  	[tilespmem:$0x5D20] =	vst v7  }
0x103: {  	[tilespmem:$0x5DE0] =	vst v7  }
0x104: {  	[tilespmem:$0x5D30] =	vst v7  }
0x105: {  	[tilespmem:$0x5DF0] =	vst v7  }
0x106: {  	[tilespmem:$0x5E00] =	vst v7  }
0x107: {  	[tilespmem:$0x5EC0] =	vst v7  }
0x108: {  	[tilespmem:$0x5E10] =	vst v7  }
0x109: {  	[tilespmem:$0x5ED0] =	vst v7  }
0x10a: {  	[tilespmem:$0x5E20] =	vst v7  }
0x10b: {  	[tilespmem:$0x5EE0] =	vst v7  }
0x10c: {  	[tilespmem:$0x5E30] =	vst v7  }
0x10d: {  	[tilespmem:$0x5EF0] =	vst v7  }
0x10e: {  	[tilespmem:$0x5F00] =	vst v7  }
0x10f: {  	[tilespmem:$0x5FC0] =	vst v7  }
0x110: {  	[tilespmem:$0x5F10] =	vst v7  }
0x111: {  	[tilespmem:$0x5FD0] =	vst v7  }
0x112: {  	[tilespmem:$0x5F20] =	vst v7  }
0x113: {  	[tilespmem:$0x5FE0] =	vst v7  }
0x114: {  	[tilespmem:$0x5F30] =	vst v7  }
0x115: {  	[tilespmem:$0x5FF0] =	vst v7  }
0x116: {  	[tilespmem:$0x6000] =	vst v7  }
0x117: {  	[tilespmem:$0x60C0] =	vst v7  }
0x118: {  	[tilespmem:$0x6010] =	vst v7  }
0x119: {  	[tilespmem:$0x60D0] =	vst v7  }
0x11a: {  	[tilespmem:$0x6020] =	vst v7  }
0x11b: {  	[tilespmem:$0x60E0] =	vst v7  }
0x11c: {  	[tilespmem:$0x6030] =	vst v7  }
0x11d: {  	[tilespmem:$0x60F0] =	vst v7  }
0x11e: {  	[tilespmem:$0x6100] =	vst v7  }
0x11f: {  	[tilespmem:$0x61C0] =	vst v7  }
0x120: {  	[tilespmem:$0x6110] =	vst v7  }
0x121: {  	[tilespmem:$0x61D0] =	vst v7  }
0x122: {  	[tilespmem:$0x6120] =	vst v7  }
0x123: {  	[tilespmem:$0x61E0] =	vst v7  }
0x124: {  	[tilespmem:$0x6130] =	vst v7  }
0x125: {  	[tilespmem:$0x61F0] =	vst v7  }
0x126: {  	[tilespmem:$0x6200] =	vst v7  }
0x127: {  	[tilespmem:$0x62C0] =	vst v7  }
0x128: {  	[tilespmem:$0x6210] =	vst v7  }
0x129: {  	[tilespmem:$0x62D0] =	vst v7  }
0x12a: {  	[tilespmem:$0x6220] =	vst v7  }
0x12b: {  	[tilespmem:$0x62E0] =	vst v7  }
0x12c: {  	[tilespmem:$0x6230] =	vst v7  }
0x12d: {  	[tilespmem:$0x62F0] =	vst v7  }
0x12e: {  	[tilespmem:$0x6300] =	vst v7  }
0x12f: {  	[tilespmem:$0x63C0] =	vst v7  }
0x130: {  	[tilespmem:$0x6310] =	vst v7  }
0x131: {  	[tilespmem:$0x63D0] =	vst v7  }
0x132: {  	[tilespmem:$0x6320] =	vst v7  }
0x133: {  	[tilespmem:$0x63E0] =	vst v7  }
0x134: {  	[tilespmem:$0x6330] =	vst v7  }
0x135: {  	[tilespmem:$0x63F0] =	vst v7  }
0x136: {  	[tilespmem:$0x6400] =	vst v7  }
0x137: {  	[tilespmem:$0x64C0] =	vst v7  }
0x138: {  	[tilespmem:$0x6410] =	vst v7  }
0x139: {  	[tilespmem:$0x64D0] =	vst v7  }
0x13a: {  	[tilespmem:$0x6420] =	vst v7  }
0x13b: {  	[tilespmem:$0x64E0] =	vst v7  }
0x13c: {  	[tilespmem:$0x6430] =	vst v7  }
0x13d: {  	[tilespmem:$0x64F0] =	vst v7  }
0x13e: {  	[tilespmem:$0x6500] =	vst v7  }
0x13f: {  	[tilespmem:$0x65C0] =	vst v7  }
0x140: {  	[tilespmem:$0x6510] =	vst v7  }
0x141: {  	[tilespmem:$0x65D0] =	vst v7  }
0x142: {  	[tilespmem:$0x6520] =	vst v7  }
0x143: {  	[tilespmem:$0x65E0] =	vst v7  }
0x144: {  	[tilespmem:$0x6530] =	vst v7  }
0x145: {  	[tilespmem:$0x65F0] =	vst v7  }
0x146: {  	[tilespmem:$0x6600] =	vst v7  }
0x147: {  	[tilespmem:$0x66C0] =	vst v7  }
0x148: {  	[tilespmem:$0x6610] =	vst v7  }
0x149: {  	[tilespmem:$0x66D0] =	vst v7  }
0x14a: {  	[tilespmem:$0x6620] =	vst v7  }
0x14b: {  	[tilespmem:$0x66E0] =	vst v7  }
0x14c: {  	[tilespmem:$0x6630] =	vst v7  }
0x14d: {  	[tilespmem:$0x66F0] =	vst v7  }
0x14e: {  	[tilespmem:$0x6700] =	vst v7  }
0x14f: {  	[tilespmem:$0x67C0] =	vst v7  }
0x150: {  	[tilespmem:$0x6710] =	vst v7  }
0x151: {  	[tilespmem:$0x67D0] =	vst v7  }
0x152: {  	[tilespmem:$0x6720] =	vst v7  }
0x153: {  	[tilespmem:$0x67E0] =	vst v7  }
0x154: {  	[tilespmem:$0x6730] =	vst v7  }
0x155: {  	[tilespmem:$0x67F0] =	vst v7  }
0x156: {  	[tilespmem:$0x6800] =	vst v7  }
0x157: {  	[tilespmem:$0x68C0] =	vst v7  }
0x158: {  	[tilespmem:$0x6810] =	vst v7  }
0x159: {  	[tilespmem:$0x68D0] =	vst v7  }
0x15a: {  	[tilespmem:$0x6820] =	vst v7  }
0x15b: {  	[tilespmem:$0x68E0] =	vst v7  }
0x15c: {  	[tilespmem:$0x6830] =	vst v7  }
0x15d: {  	[tilespmem:$0x68F0] =	vst v7  }
0x15e: {  	[tilespmem:$0x6900] =	vst v7  }
0x15f: {  	[tilespmem:$0x69C0] =	vst v7  }
0x160: {  	[tilespmem:$0x6910] =	vst v7  }
0x161: {  	[tilespmem:$0x69D0] =	vst v7  }
0x162: {  	[tilespmem:$0x6920] =	vst v7  }
0x163: {  	[tilespmem:$0x69E0] =	vst v7  }
0x164: {  	[tilespmem:$0x6930] =	vst v7  }
0x165: {  	[tilespmem:$0x69F0] =	vst v7  }
0x166: {  	[tilespmem:$0x6A00] =	vst v7  }
0x167: {  	[tilespmem:$0x6AC0] =	vst v7  }
0x168: {  	[tilespmem:$0x6A10] =	vst v7  }
0x169: {  	[tilespmem:$0x6AD0] =	vst v7  }
0x16a: {  	[tilespmem:$0x6A20] =	vst v7  }
0x16b: {  	[tilespmem:$0x6AE0] =	vst v7  }
0x16c: {  	[tilespmem:$0x6A30] =	vst v7  }
0x16d: {  	[tilespmem:$0x6AF0] =	vst v7  }
0x16e: {  	[tilespmem:$0x6B00] =	vst v7  }
0x16f: {  	[tilespmem:$0x6BC0] =	vst v7  }
0x170: {  	[tilespmem:$0x6B10] =	vst v7  }
0x171: {  	[tilespmem:$0x6BD0] =	vst v7  }
0x172: {  	[tilespmem:$0x6B20] =	vst v7  }
0x173: {  	[tilespmem:$0x6BE0] =	vst v7  }
0x174: {  	[tilespmem:$0x6B30] =	vst v7  }
0x175: {  	[tilespmem:$0x6BF0] =	vst v7  }
0x176: {  	[tilespmem:$0x6C00] =	vst v7  }
0x177: {  	[tilespmem:$0x6CC0] =	vst v7  }
0x178: {  	[tilespmem:$0x6C10] =	vst v7  }
0x179: {  	[tilespmem:$0x6CD0] =	vst v7  }
0x17a: {  	[tilespmem:$0x6C20] =	vst v7  }
0x17b: {  	[tilespmem:$0x6CE0] =	vst v7  }
0x17c: {  	[tilespmem:$0x6C30] =	vst v7  }
0x17d: {  	[tilespmem:$0x6CF0] =	vst v7  }
0x17e: {  	[tilespmem:$0x6D00] =	vst v7  }
0x17f: {  	[tilespmem:$0x6DC0] =	vst v7  }
0x180: {  	[tilespmem:$0x6D10] =	vst v7  }
0x181: {  	[tilespmem:$0x6DD0] =	vst v7  }
0x182: {  	[tilespmem:$0x6D20] =	vst v7  }
0x183: {  	[tilespmem:$0x6DE0] =	vst v7  }
0x184: {  	[tilespmem:$0x6D30] =	vst v7  }
0x185: {  	[tilespmem:$0x6DF0] =	vst v7  }
0x186: {  	[tilespmem:$0x6E00] =	vst v7  }
0x187: {  	[tilespmem:$0x6EC0] =	vst v7  }
0x188: {  	[tilespmem:$0x6E10] =	vst v7  }
0x189: {  	[tilespmem:$0x6ED0] =	vst v7  }
0x18a: {  	[tilespmem:$0x6E20] =	vst v7  }
0x18b: {  	[tilespmem:$0x6EE0] =	vst v7  }
0x18c: {  	[tilespmem:$0x6E30] =	vst v7  }
0x18d: {  	[tilespmem:$0x6EF0] =	vst v7  }
0x18e: {  	[tilespmem:$0x6F00] =	vst v7  }
0x18f: {  	[tilespmem:$0x6FC0] =	vst v7  }
0x190: {  	[tilespmem:$0x6F10] =	vst v7  }
0x191: {  	[tilespmem:$0x6FD0] =	vst v7  }
0x192: {  	[tilespmem:$0x6F20] =	vst v7  }
0x193: {  	[tilespmem:$0x6FE0] =	vst v7  }
0x194: {  	[tilespmem:$0x6F30] =	vst v7  }
0x195: {  	[tilespmem:$0x6FF0] =	vst v7  }
0x196: {  	[tilespmem:$0x7000] =	vst v7  }
0x197: {  	[tilespmem:$0x70C0] =	vst v7  }
0x198: {  	[tilespmem:$0x7010] =	vst v7  }
0x199: {  	[tilespmem:$0x70D0] =	vst v7  }
0x19a: {  	[tilespmem:$0x7020] =	vst v7  }
0x19b: {  	[tilespmem:$0x70E0] =	vst v7  }
0x19c: {  	[tilespmem:$0x7030] =	vst v7  }
0x19d: {  	[tilespmem:$0x70F0] =	vst v7  }
0x19e: {  	[tilespmem:$0x7100] =	vst v7  }
0x19f: {  	[tilespmem:$0x71C0] =	vst v7  }
0x1a0: {  	[tilespmem:$0x7110] =	vst v7  }
0x1a1: {  	[tilespmem:$0x71D0] =	vst v7  }
0x1a2: {  	[tilespmem:$0x7120] =	vst v7  }
0x1a3: {  	[tilespmem:$0x71E0] =	vst v7  }
0x1a4: {  	[tilespmem:$0x7130] =	vst v7  }
0x1a5: {  	[tilespmem:$0x71F0] =	vst v7  }
0x1a6: {  	[tilespmem:$0x7200] =	vst v7  }
0x1a7: {  	[tilespmem:$0x72C0] =	vst v7  }
0x1a8: {  	[tilespmem:$0x7210] =	vst v7  }
0x1a9: {  	[tilespmem:$0x72D0] =	vst v7  }
0x1aa: {  	[tilespmem:$0x7220] =	vst v7  }
0x1ab: {  	[tilespmem:$0x72E0] =	vst v7  }
0x1ac: {  	[tilespmem:$0x7230] =	vst v7  }
0x1ad: {  	[tilespmem:$0x72F0] =	vst v7  }
0x1ae: {  	[tilespmem:$0x7300] =	vst v7  }
0x1af: {  	[tilespmem:$0x73C0] =	vst v7  }
0x1b0: {  	[tilespmem:$0x7310] =	vst v7  }
0x1b1: {  	[tilespmem:$0x73D0] =	vst v7  }
0x1b2: {  	[tilespmem:$0x7320] =	vst v7  }
0x1b3: {  	[tilespmem:$0x73E0] =	vst v7  }
0x1b4: {  	[tilespmem:$0x7330] =	vst v7  }
0x1b5: {  	[tilespmem:$0x73F0] =	vst v7  }
0x1b6: {  	[tilespmem:$0x7400] =	vst v7  }
0x1b7: {  	[tilespmem:$0x74C0] =	vst v7  }
0x1b8: {  	[tilespmem:$0x7410] =	vst v7  }
0x1b9: {  	[tilespmem:$0x74D0] =	vst v7  }
0x1ba: {  	[tilespmem:$0x7420] =	vst v7  }
0x1bb: {  	[tilespmem:$0x74E0] =	vst v7  }
0x1bc: {  	[tilespmem:$0x7430] =	vst v7  }
0x1bd: {  	[tilespmem:$0x74F0] =	vst v7  }
0x1be: {  	[tilespmem:$0x7500] =	vst v7  }
0x1bf: {  	[tilespmem:$0x75C0] =	vst v7  }
0x1c0: {  	[tilespmem:$0x7510] =	vst v7  }
0x1c1: {  	[tilespmem:$0x75D0] =	vst v7  }
0x1c2: {  	[tilespmem:$0x7520] =	vst v7  }
0x1c3: {  	[tilespmem:$0x75E0] =	vst v7  }
0x1c4: {  	[tilespmem:$0x7530] =	vst v7  }
0x1c5: {  	[tilespmem:$0x75F0] =	vst v7  }
0x1c6: {  	[tilespmem:$0x7600] =	vst v7  }
0x1c7: {  	[tilespmem:$0x76C0] =	vst v7  }
0x1c8: {  	[tilespmem:$0x7610] =	vst v7  }
0x1c9: {  	[tilespmem:$0x76D0] =	vst v7  }
0x1ca: {  	[tilespmem:$0x7620] =	vst v7  }
0x1cb: {  	[tilespmem:$0x76E0] =	vst v7  }
0x1cc: {  	[tilespmem:$0x7630] =	vst v7  }
0x1cd: {  	[tilespmem:$0x76F0] =	vst v7  }
0x1ce: {  	[tilespmem:$0x7700] =	vst v7  }
0x1cf: {  	[tilespmem:$0x77C0] =	vst v7  }
0x1d0: {  	[tilespmem:$0x7710] =	vst v7  }
0x1d1: {  	[tilespmem:$0x77D0] =	vst v7  }
0x1d2: {  	[tilespmem:$0x7720] =	vst v7  }
0x1d3: {  	[tilespmem:$0x77E0] =	vst v7  }
0x1d4: {  	[tilespmem:$0x7730] =	vst v7  }
0x1d5: {  	[tilespmem:$0x77F0] =	vst v7  }
0x1d6: {  	[tilespmem:$0x7800] =	vst v7  }
0x1d7: {  	[tilespmem:$0x78C0] =	vst v7  }
0x1d8: {  	[tilespmem:$0x7810] =	vst v7  }
0x1d9: {  	[tilespmem:$0x78D0] =	vst v7  }
0x1da: {  	[tilespmem:$0x7820] =	vst v7  }
0x1db: {  	[tilespmem:$0x78E0] =	vst v7  }
0x1dc: {  	[tilespmem:$0x7830] =	vst v7  }
0x1dd: {  	[tilespmem:$0x78F0] =	vst v7  }
0x1de: {  	[tilespmem:$0x7900] =	vst v7  }
0x1df: {  	[tilespmem:$0x79C0] =	vst v7  }
0x1e0: {  	[tilespmem:$0x7910] =	vst v7  }
0x1e1: {  	[tilespmem:$0x79D0] =	vst v7  }
0x1e2: {  	[tilespmem:$0x7920] =	vst v7  }
0x1e3: {  	[tilespmem:$0x79E0] =	vst v7  }
0x1e4: {  	[tilespmem:$0x7930] =	vst v7  }
0x1e5: {  	[tilespmem:$0x79F0] =	vst v7  }
0x1e6: {  	[tilespmem:$0x7A00] =	vst v7  }
0x1e7: {  	[tilespmem:$0x7AC0] =	vst v7  }
0x1e8: {  	[tilespmem:$0x7A10] =	vst v7  }
0x1e9: {  	[tilespmem:$0x7AD0] =	vst v7  }
0x1ea: {  	[tilespmem:$0x7A20] =	vst v7  }
0x1eb: {  	[tilespmem:$0x7AE0] =	vst v7  }
0x1ec: {  	[tilespmem:$0x7A30] =	vst v7  }
0x1ed: {  	[tilespmem:$0x7AF0] =	vst v7  }
0x1ee: {  	[tilespmem:$0x7B00] =	vst v7  }
0x1ef: {  	[tilespmem:$0x7BC0] =	vst v7  }
0x1f0: {  	[tilespmem:$0x7B10] =	vst v7  }
0x1f1: {  	[tilespmem:$0x7BD0] =	vst v7  }
0x1f2: {  	[tilespmem:$0x7B20] =	vst v7  }
0x1f3: {  	[tilespmem:$0x7BE0] =	vst v7  }
0x1f4: {  	[tilespmem:$0x7B30] =	vst v7  }
0x1f5: {  	[tilespmem:$0x7BF0] =	vst v7  }
0x1f6: {  	[tilespmem:$0x7C00] =	vst v7  }
0x1f7: {  	[tilespmem:$0x7CC0] =	vst v7  }
0x1f8: {  	[tilespmem:$0x7C10] =	vst v7  }
0x1f9: {  	[tilespmem:$0x7CD0] =	vst v7  }
0x1fa: {  	[tilespmem:$0x7C20] =	vst v7  }
0x1fb: {  	[tilespmem:$0x7CE0] =	vst v7  }
0x1fc: {  	[tilespmem:$0x7C30] =	vst v7  }
0x1fd: {  	[tilespmem:$0x7CF0] =	vst v7  }
0x1fe: {  	[tilespmem:$0x7D00] =	vst v7  }
0x1ff: {  	[tilespmem:$0x7DC0] =	vst v7  }
0x200: {  	[tilespmem:$0x7D10] =	vst v7  }
0x201: {  	[tilespmem:$0x7DD0] =	vst v7  }
0x202: {  	[tilespmem:$0x7D20] =	vst v7  }
0x203: {  	[tilespmem:$0x7DE0] =	vst v7  }
0x204: {  	[tilespmem:$0x7D30] =	vst v7  }
0x205: {  	[tilespmem:$0x7DF0] =	vst v7  }
0x206: {  	[tilespmem:$0x7E00] =	vst v7  }
0x207: {  	[tilespmem:$0x7EC0] =	vst v7  }
0x208: {  	[tilespmem:$0x7E10] =	vst v7  }
0x209: {  	[tilespmem:$0x7ED0] =	vst v7  }
0x20a: {  	[tilespmem:$0x7E20] =	vst v7  }
0x20b: {  	[tilespmem:$0x7EE0] =	vst v7  }
0x20c: {  	[tilespmem:$0x7E30] =	vst v7  }
0x20d: {  	[tilespmem:$0x7EF0] =	vst v7  }
0x20e: {  	[tilespmem:$0x7F00] =	vst v7  }
0x20f: {  	[tilespmem:$0x7FC0] =	vst v7  }
0x210: {  	[tilespmem:$0x7F10] =	vst v7  }
0x211: {  	[tilespmem:$0x7FD0] =	vst v7  }
0x212: {  	[tilespmem:$0x7F20] =	vst v7  }
0x213: {  	[tilespmem:$0x7FE0] =	vst v7  }
0x214: {  	[tilespmem:$0x7F30] =	vst v7  }
0x215: {  	p0 =	por $0x0, $0x0;
	v8 =	vimm.f32 $0.0e+00;
	v9 =	vimm.f32 $0.0e+00;
	v10 =	vimm.f32 $0.0e+00;
	s14 =	simm.s32 $0x0;
	[tilespmem:$0x7FF0] =	vst v7  }
.LBB2_2:
0x216: {  	s0 =	sshll.u32 s14, $0x9  }
0x217: {  	v1 =	vld [tilespmem:$0x1FFC0];
	s0 =	sand.u32 $0x3FFFFE00, s0  }
0x218: {  	v11 =	vld [tilespmem:s0+$0x0];
	_ =	sdelay $0x2  }
0x219: {  	s18 =	sshll.u32 s14, $0x2;
	v10 =	vmul.f32 $8.999999760e-01, v10  }
0x21a: {  	v12 =	vadd.s32 s18, v1  }
0x21b: {  	v10 =	vadd.f32 v11, v10;
	_ =	sdelay $0x1  }
0x21c: {  	v11 =	vmul.f32 v10, v6;
	_ =	sdelay $0x1  }
0x21d: {  	v2 =	vld [tilespmem:$0x1FFD0];
	[tilespmem:v12+s12+$0x0] =	vst.idx.msk $0xffff, v11  }
0x21e: {  	v11 =	vld [tilespmem:s0+$0x10];
	_ =	sdelay $0x2  }
0x21f: {  	v9 =	vmul.f32 $8.999999760e-01, v9  }
0x220: {  	v12 =	vadd.s32 s18, v2  }
0x221: {  	v9 =	vadd.f32 v11, v9;
	_ =	sdelay $0x1  }
0x222: {  	v11 =	vmul.f32 v9, v6;
	_ =	sdelay $0x1  }
0x223: {  	v3 =	vld [tilespmem:$0x1FFE0];
	[tilespmem:v12+s12+$0x0] =	vst.idx.msk $0xffff, v11  }
0x224: {  	v11 =	vld [tilespmem:s0+$0x20];
	_ =	sdelay $0x2  }
0x225: {  	v8 =	vmul.f32 $8.999999760e-01, v8  }
0x226: {  	v12 =	vadd.s32 s18, v3  }
0x227: {  	v8 =	vadd.f32 v11, v8;
	_ =	sdelay $0x1  }
0x228: {  	v11 =	vmul.f32 v8, v6;
	_ =	sdelay $0x1  }
0x229: {  	v4 =	vld [tilespmem:$0x1FFF0];
	[tilespmem:v12+s12+$0x0] =	vst.idx.msk $0xffff, v11  }
0x22a: {  	v11 =	vld [tilespmem:s0+$0x30];
	_ =	sdelay $0x2  }
0x22b: {  	v7 =	vmul.f32 $8.999999760e-01, v7  }
0x22c: {  	v12 =	vadd.s32 s18, v4  }
0x22d: {  	v7 =	vadd.f32 v11, v7;
	_ =	sdelay $0x1  }
0x22e: {  	s1 =	sor.u32 $0x1, s18;
	v11 =	vmul.f32 v7, v6  }
0x22f: {  	s11 =	sshll.u32 s1, $0x7  }
0x230: {  	s0 =	sand.u32 $0x3FFFFE80, s11;
	[tilespmem:v12+s12+$0x0] =	vst.idx.msk $0xffff, v11  }
0x231: {  	v11 =	vld [tilespmem:s0+$0x0];
	_ =	sdelay $0x2  }
0x232: {  	v10 =	vmul.f32 $8.999999760e-01, v10  }
0x233: {  	v12 =	vadd.s32 s1, v1  }
0x234: {  	v10 =	vadd.f32 v11, v10;
	_ =	sdelay $0x1  }
0x235: {  	v11 =	vmul.f32 v10, v6;
	_ =	sdelay $0x1  }
0x236: {  	[tilespmem:v12+s12+$0x0] =	vst.idx.msk $0xffff, v11  }
0x237: {  	v11 =	vld [tilespmem:s0+$0x10];
	_ =	sdelay $0x2  }
0x238: {  	v9 =	vmul.f32 $8.999999760e-01, v9  }
0x239: {  	v12 =	vadd.s32 s1, v2  }
0x23a: {  	v9 =	vadd.f32 v11, v9;
	_ =	sdelay $0x1  }
0x23b: {  	v11 =	vmul.f32 v9, v6;
	_ =	sdelay $0x1  }
0x23c: {  	[tilespmem:v12+s12+$0x0] =	vst.idx.msk $0xffff, v11  }
0x23d: {  	v11 =	vld [tilespmem:s0+$0x20];
	_ =	sdelay $0x2  }
0x23e: {  	v8 =	vmul.f32 $8.999999760e-01, v8  }
0x23f: {  	v12 =	vadd.s32 s1, v3  }
0x240: {  	v8 =	vadd.f32 v11, v8;
	_ =	sdelay $0x1  }
0x241: {  	v11 =	vmul.f32 v8, v6;
	_ =	sdelay $0x1  }
0x242: {  	[tilespmem:v12+s12+$0x0] =	vst.idx.msk $0xffff, v11  }
0x243: {  	v11 =	vld [tilespmem:s0+$0x30];
	_ =	sdelay $0x2  }
0x244: {  	v7 =	vmul.f32 $8.999999760e-01, v7  }
0x245: {  	v12 =	vadd.s32 s1, v4  }
0x246: {  	v7 =	vadd.f32 v11, v7;
	_ =	sdelay $0x1  }
0x247: {  	s13 =	sor.u32 $0x2, s18;
	v11 =	vmul.f32 v7, v6  }
0x248: {  	s15 =	sshll.u32 s13, $0x7  }
0x249: {  	s0 =	sand.u32 $0x3FFFFF00, s15;
	[tilespmem:v12+s12+$0x0] =	vst.idx.msk $0xffff, v11  }
0x24a: {  	v11 =	vld [tilespmem:s0+$0x0];
	_ =	sdelay $0x2  }
0x24b: {  	v10 =	vmul.f32 $8.999999760e-01, v10  }
0x24c: {  	v12 =	vadd.s32 s13, v1  }
0x24d: {  	v10 =	vadd.f32 v11, v10;
	_ =	sdelay $0x1  }
0x24e: {  	v11 =	vmul.f32 v10, v6;
	_ =	sdelay $0x1  }
0x24f: {  	[tilespmem:v12+s12+$0x0] =	vst.idx.msk $0xffff, v11  }
0x250: {  	v11 =	vld [tilespmem:s0+$0x10];
	_ =	sdelay $0x2  }
0x251: {  	v9 =	vmul.f32 $8.999999760e-01, v9  }
0x252: {  	v12 =	vadd.s32 s13, v2  }
0x253: {  	v9 =	vadd.f32 v11, v9;
	_ =	sdelay $0x1  }
0x254: {  	v11 =	vmul.f32 v9, v6;
	_ =	sdelay $0x1  }
0x255: {  	[tilespmem:v12+s12+$0x0] =	vst.idx.msk $0xffff, v11  }
0x256: {  	v11 =	vld [tilespmem:s0+$0x20];
	_ =	sdelay $0x2  }
0x257: {  	v8 =	vmul.f32 $8.999999760e-01, v8  }
0x258: {  	v12 =	vadd.s32 s13, v3  }
0x259: {  	v8 =	vadd.f32 v11, v8;
	_ =	sdelay $0x1  }
0x25a: {  	v11 =	vmul.f32 v8, v6;
	_ =	sdelay $0x1  }
0x25b: {  	[tilespmem:v12+s12+$0x0] =	vst.idx.msk $0xffff, v11  }
0x25c: {  	v11 =	vld [tilespmem:s0+$0x30];
	_ =	sdelay $0x2  }
0x25d: {  	v7 =	vmul.f32 $8.999999760e-01, v7  }
0x25e: {  	v12 =	vadd.s32 s13, v4  }
0x25f: {  	v7 =	vadd.f32 v11, v7;
	_ =	sdelay $0x1  }
0x260: {  	s16 =	sshllo.u32 s14, $0x2;
	v11 =	vmul.f32 v7, v6  }
0x261: {  	s17 =	sshll.u32 s16, $0x7  }
0x262: {  	s0 =	sand.u32 $0x3FFFFF80, s17;
	[tilespmem:v12+s12+$0x0] =	vst.idx.msk $0xffff, v11  }
0x263: {  	v11 =	vld [tilespmem:s0+$0x0];
	_ =	sdelay $0x2  }
0x264: {  	v10 =	vmul.f32 $8.999999760e-01, v10  }
0x265: {  	v12 =	vadd.s32 s16, v1  }
0x266: {  	v10 =	vadd.f32 v11, v10;
	_ =	sdelay $0x1  }
0x267: {  	v11 =	vmul.f32 v10, v6;
	_ =	sdelay $0x1  }
0x268: {  	[tilespmem:v12+s12+$0x0] =	vst.idx.msk $0xffff, v11  }
0x269: {  	v11 =	vld [tilespmem:s0+$0x10];
	_ =	sdelay $0x2  }
0x26a: {  	v9 =	vmul.f32 $8.999999760e-01, v9  }
0x26b: {  	v12 =	vadd.s32 s16, v2  }
0x26c: {  	v9 =	vadd.f32 v11, v9;
	_ =	sdelay $0x1  }
0x26d: {  	v11 =	vmul.f32 v9, v6;
	_ =	sdelay $0x1  }
0x26e: {  	[tilespmem:v12+s12+$0x0] =	vst.idx.msk $0xffff, v11  }
0x26f: {  	v11 =	vld [tilespmem:s0+$0x20];
	_ =	sdelay $0x2  }
0x270: {  	v8 =	vmul.f32 $8.999999760e-01, v8  }
0x271: {  	v12 =	vadd.s32 s16, v3  }
0x272: {  	v8 =	vadd.f32 v11, v8;
	_ =	sdelay $0x1  }
0x273: {  	v11 =	vmul.f32 v8, v6;
	_ =	sdelay $0x1  }
0x274: {  	[tilespmem:v12+s12+$0x0] =	vst.idx.msk $0xffff, v11  }
0x275: {  	v11 =	vld [tilespmem:s0+$0x30];
	_ =	sdelay $0x2  }
0x276: {  	v7 =	vmul.f32 $8.999999760e-01, v7  }
0x277: {  	v12 =	vadd.s32 s16, v4  }
0x278: {  	v7 =	vadd.f32 v11, v7;
	_ =	sdelay $0x1  }
0x279: {  	[dreg:$0xb] =	wrdreg s16;
	v11 =	vmul.f32 v7, v6  }
0x27a: {  	p1 =	slt.u32 s14, $0x2;
	[dreg:$0x9] =	wrdreg s1  }
0x27b: {  	[dreg:$0xa] =	wrdreg s13;
	s1 =	simm.s32 @!p1 $0x1;
	[tilespmem:v12+s12+$0x0] =	vst.idx.msk $0xffff, v11  }
0x27c: {  	_ =	swait.ge @!p1 [sflag:s1], $0x1000  }
0x27d: {  	s19 =	simm.s32 $0x0;
	[sflag:s1] =	ssyncset.done @!p1 $0x0  }
0x27e: {  	s0 =	sand.u32 $0x1E, s19;
	[sflag:s1] =	ssyncadd.s32 @!p1 $0xFFFFF000  }
0x27f: {  	s2 =	simm.s32 $0x0;
	s4 =	sor.u32 $0x1, s0;
	_ =	swait.ge @!p1 [sflag:s1], $0x1000  }
0x280: {  	s2 =	sor.u32 s18, s2;
	s6 =	sshll.u32 s4, $0x9;
	[sflag:s1] =	ssyncset.done @!p1 $0x0  }
0x281: {  	s7 =	sadd.s32 s6, s2;
	[sflag:s1] =	ssyncadd.s32 @!p1 $0xFFFFF000  }
0x282: {  	s22 =	sor.u32 s2, s6;
	s8 =	sadd.s32 $0x40, s7;
	_ =	swait.ge @!p1 [sflag:s1], $0x1000  }
0x283: {  	s6 =	sor.u32 $0x100, s22;
	v11 =	vmov s8;
	[sflag:s1] =	ssyncset.done @!p1 $0x0  }
0x284: {  	v12 =	vadd.s32 s6, v0;
	[sflag:s1] =	ssyncadd.s32 @!p1 $0xFFFFF000  }
0x285: {  	s20 =	sand.u32 $0x1, s14;
	_ =	swait.ge @!p1 [sflag:s1], $0x1000  }
0x286: {  	s6 =	sshll.u32 s20, $0x9;
	[sflag:s1] =	ssyncset.done @!p1 $0x0  }
0x287: {  	[dreg:$0x4] =	wrdreg s6;
	[sflag:s1] =	ssyncadd.s32 @!p1 $0xFFFFF000  }
0x288: {  	v17 =	vld.idx.msk [tilespmem:v11+s12+$0x0], $0xffff  }
0x289: {  	v11 =	vld.idx.msk [tilespmem:v12+s12+$0x0], $0xffff  }
0x28a: {  	s21 =	sadd.s32 $0x140, s7  }
0x28b: {  	s24 =	sadd.s32 $0x3F, s22;
	v12 =	vmov s21  }
0x28c: {  	s9 =	simm.s32 $0x2;
	s13 =	simm.s32 $0x0;
	s25 =	sshll.u32 s0, $0x9;
	v13 =	vadd.s32 s24, v5  }
0x28d: {  	s4 =	sshll.u32 s4, $0xA;
	s5 =	sadd.s32 s25, s2;
	s23 =	rddreg [dreg:$0x4]  }
0x28e: {  	s10 =	sadd.s32 $0x40, s5;
	s6 =	sand.u32 $0x1E, s9;
	s26 =	sadd.s32 $0x0, s23;
	v11 =	vadd.f32 v11, v17  }
0x28f: {  	s9 =	sor.u32 $0x1, s6;
	s1 =	sor.u32 s2, s25;
	s28 =	sadd.s32 s26, s4  }
0x290: {  	s2 =	sor.u32 s18, s13;
	s15 =	sshll.u32 s9, $0x9;
	s11 =	sor.u32 $0x100, s1;
	v29 =	vld.idx.msk [tilespmem:v12+s12+$0x0], $0xffff;
	[tilespmem:s28+$0x8000] =	vst v11;
	v11 =	vmov s10  }
0x291: {  	s10 =	sadd.s32 s15, s2;
	v12 =	vld.idx.msk [tilespmem:v13+s12+$0x0], $0xffff;
	v13 =	vadd.s32 s11, v0  }
0x292: {  	s13 =	sadd.s32 $0x40, s10  }
0x293: {  	s8 =	sor.u32 s2, s15;
	s11 =	sadd.s32 $0x110, s22;
	v15 =	vmov s13  }
0x294: {  	s16 =	sor.u32 $0x100, s8;
	v14 =	vadd.s32 s11, v0  }
0x295: {  	v24 =	vld.idx.msk [tilespmem:v11+s12+$0x0], $0xffff;
	v11 =	vadd.s32 s16, v0  }
0x296: {  	s4 =	sadd.s32 $0x140, s5;
	v12 =	vadd.f32 v12, v29;
	v13 =	vld.idx.msk [tilespmem:v13+s12+$0x0], $0xffff  }
0x297: {  	s17 =	sshll.u32 s6, $0x9;
	v16 =	vmov s4  }
0x298: {  	s20 =	sadd.s32 $0x3F, s1;
	s21 =	sadd.s32 s17, s2;
	v21 =	vld.idx.msk [tilespmem:v15+s12+$0x0], $0xffff;
	[tilespmem:s28+$0x8040] =	vst v12  }
0x299: {  	s23 =	sadd.s32 $0x40, s21;
	v12 =	vld.idx.msk [tilespmem:v14+s12+$0x0], $0xffff;
	v14 =	vadd.s32 s20, v5  }
0x29a: {  	s10 =	sadd.s32 $0x140, s10;
	v15 =	vmov s23;
	v18 =	vld.idx.msk [tilespmem:v11+s12+$0x0], $0xffff  }
0x29b: {  	s0 =	sshll.u32 s0, $0xA;
	s24 =	sadd.s32 $0x2F, s22;
	v19 =	vmov s10;
	v13 =	vadd.f32 v13, v24  }
0x29c: {  	s19 =	sadd.s32 s26, s0;
	s7 =	sor.u32 s2, s17;
	s26 =	sadd.s32 $0x3F, s8;
	v11 =	vld.idx.msk [tilespmem:v16+s12+$0x0], $0xffff;
	v16 =	vadd.s32 s24, v5  }
0x29d: {  	s4 =	sor.u32 $0x100, s7;
	v20 =	vadd.s32 s26, v5;
	[tilespmem:s19+$0x8000] =	vst v13  }
0x29e: {  	s25 =	rddreg [dreg:$0x4];
	v22 =	vadd.s32 s4, v0;
	v14 =	vld.idx.msk [tilespmem:v14+s12+$0x0], $0xffff;
	v12 =	vadd.f32 v12, v17  }
0x29f: {  	s5 =	sshll.u32 s9, $0xA;
	s10 =	sadd.s32 $0x0, s25;
	v13 =	vld.idx.msk [tilespmem:v15+s12+$0x0], $0xffff;
	v15 =	vadd.f32 v18, v21  }
0x2a0: {  	s9 =	sadd.s32 $0x110, s1;
	s0 =	sadd.s32 s10, s5;
	v34 =	vld.idx.msk [tilespmem:v19+s12+$0x0], $0xffff;
	[tilespmem:s28+$0x8010] =	vst v12  }
0x2a1: {  	s11 =	simm.s32 $0x4;
	v12 =	vadd.s32 s9, v0;
	v16 =	vld.idx.msk [tilespmem:v16+s12+$0x0], $0xffff;
	[tilespmem:s0+$0x8000] =	vst v15  }
0x2a2: {  	s13 =	sadd.s32 $0x140, s21;
	s4 =	sand.u32 $0x1E, s11;
	v15 =	vld.idx.msk [tilespmem:v20+s12+$0x0], $0xffff  }
0x2a3: {  	s15 =	simm.s32 $0x0;
	s16 =	sadd.s32 $0x120, s22;
	v19 =	vld.idx.msk [tilespmem:v22+s12+$0x0], $0xffff;
	v18 =	vmov s13;
	s9 =	sor.u32 $0x1, s4;
	v14 =	vadd.f32 v14, v11  }
0x2a4: {  	s17 =	sor.u32 s18, s15;
	s24 =	sadd.s32 $0x110, s8;
	s23 =	sshll.u32 s9, $0x9;
	v20 =	vadd.s32 s16, v0  }
0x2a5: {  	s20 =	sadd.s32 $0x3F, s7;
	s21 =	sadd.s32 s23, s17;
	[tilespmem:s19+$0x8040] =	vst v14;
	v14 =	vadd.s32 s24, v0  }
0x2a6: {  	v22 =	vadd.s32 s20, v5;
	s2 =	sor.u32 s17, s23;
	s25 =	sadd.s32 $0x40, s21;
	v23 =	vld.idx.msk [tilespmem:v12+s12+$0x0], $0xffff;
	v16 =	vadd.f32 v16, v29  }
0x2a7: {  	s23 =	sshll.u32 s4, $0x9;
	s26 =	sor.u32 $0x100, s2;
	v25 =	vmov s25;
	v15 =	vadd.f32 v15, v34  }
0x2a8: {  	s6 =	sshll.u32 s6, $0xA;
	s5 =	sadd.s32 $0x2F, s1;
	s24 =	sadd.s32 s23, s17;
	v12 =	vld.idx.msk [tilespmem:v18+s12+$0x0], $0xffff;
	v18 =	vadd.f32 v19, v13;
	v19 =	vadd.s32 s26, v0;
	[tilespmem:s28+$0x8050] =	vst v16  }
0x2a9: {  	s20 =	sadd.s32 s10, s6;
	s10 =	sor.u32 s17, s23;
	s11 =	sadd.s32 $0x40, s24;
	v16 =	vadd.s32 s5, v5;
	v20 =	vld.idx.msk [tilespmem:v20+s12+$0x0], $0xffff;
	[tilespmem:s0+$0x8040] =	vst v15  }
0x2aa: {  	s13 =	sor.u32 $0x100, s10;
	[tilespmem:s20+$0x8000] =	vst v18;
	v15 =	vmov s11;
	v18 =	vld.idx.msk [tilespmem:v14+s12+$0x0], $0xffff  }
0x2ab: {  	s15 =	sadd.s32 $0x1F, s22;
	v22 =	vld.idx.msk [tilespmem:v22+s12+$0x0], $0xffff;
	v14 =	vadd.f32 v23, v24;
	v23 =	vadd.s32 s13, v0  }
0x2ac: {  	s16 =	sadd.s32 $0x2F, s8;
	v36 =	vld.idx.msk [tilespmem:v25+s12+$0x0], $0xffff;
	v25 =	vadd.s32 s15, v5  }
0x2ad: {  	v26 =	vadd.s32 s16, v5;
	s17 =	sadd.s32 $0x140, s21;
	v19 =	vld.idx.msk [tilespmem:v19+s12+$0x0], $0xffff;
	[tilespmem:s19+$0x8010] =	vst v14  }
0x2ae: {  	s21 =	sadd.s32 $0x110, s7;
	v27 =	vld.idx.msk [tilespmem:v16+s12+$0x0], $0xffff;
	v16 =	vadd.f32 v20, v17;
	v20 =	vmov s17  }
0x2af: {  	s25 =	sadd.s32 $0x3F, s2;
	v28 =	vadd.s32 s21, v0;
	v14 =	vld.idx.msk [tilespmem:v15+s12+$0x0], $0xffff;
	v15 =	vadd.f32 v18, v21  }
0x2b0: {  	v18 =	vld.idx.msk [tilespmem:v23+s12+$0x0], $0xffff;
	v23 =	vadd.s32 s25, v5;
	[tilespmem:s28+$0x8020] =	vst v16  }
0x2b1: {  	s23 =	rddreg [dreg:$0x4];
	s26 =	sadd.s32 $0x140, s24;
	v16 =	vadd.f32 v22, v12;
	v22 =	vld.idx.msk [tilespmem:v25+s12+$0x0], $0xffff;
	[tilespmem:s0+$0x8010] =	vst v15  }
0x2b2: {  	s9 =	sshll.u32 s9, $0xA;
	s5 =	sadd.s32 $0x120, s1;
	s11 =	sadd.s32 $0x0, s23;
	v19 =	vadd.f32 v19, v36;
	v15 =	vmov s26;
	v25 =	vld.idx.msk [tilespmem:v26+s12+$0x0], $0xffff  }
0x2b3: {  	s16 =	simm.s32 $0x6;
	s15 =	sadd.s32 $0x3F, s10;
	s25 =	sadd.s32 s11, s9;
	v26 =	vadd.s32 s5, v0;
	[tilespmem:s20+$0x8040] =	vst v16;
	v16 =	vld.idx.msk [tilespmem:v20+s12+$0x0], $0xffff  }
0x2b4: {  	s4 =	sshll.u32 s4, $0xA;
	s6 =	sand.u32 $0x1E, s16;
	s21 =	sadd.s32 $0x130, s22;
	v20 =	vadd.s32 s15, v5;
	v28 =	vld.idx.msk [tilespmem:v28+s12+$0x0], $0xffff;
	[tilespmem:s25+$0x8000] =	vst v19  }
0x2b5: {  	s24 =	sadd.s32 $0x120, s8;
	s23 =	simm.s32 $0x0;
	s9 =	sor.u32 $0x1, s6;
	v19 =	vadd.f32 v27, v11;
	v27 =	vadd.s32 s21, v0;
	v23 =	vld.idx.msk [tilespmem:v23+s12+$0x0], $0xffff  }
0x2b6: {  	v30 =	vadd.s32 s24, v0;
	s17 =	sadd.s32 $0x2F, s7;
	s26 =	sor.u32 s18, s23;
	s5 =	sshll.u32 s9, $0x9;
	v18 =	vadd.f32 v18, v14  }
0x2b7: {  	s24 =	sadd.s32 s11, s4;
	s13 =	sadd.s32 $0x110, s2;
	v31 =	vadd.s32 s17, v5;
	s4 =	sadd.s32 s5, s26;
	[tilespmem:s19+$0x8050] =	vst v19;
	v15 =	vld.idx.msk [tilespmem:v15+s12+$0x0], $0xffff;
	v19 =	vadd.f32 v22, v29  }
0x2b8: {  	s15 =	sshll.u32 s6, $0x9;
	s21 =	sor.u32 s26, s5;
	s16 =	sadd.s32 $0x40, s4;
	[tilespmem:s24+$0x8000] =	vst v18;
	v22 =	vld.idx.msk [tilespmem:v26+s12+$0x0], $0xffff;
	v18 =	vadd.s32 s13, v0;
	v25 =	vadd.f32 v25, v34  }
0x2b9: {  	s11 =	sadd.s32 s15, s26;
	s17 =	sor.u32 $0x100, s21;
	v26 =	vld.idx.msk [tilespmem:v20+s12+$0x0], $0xffff;
	v20 =	vadd.f32 v28, v13;
	[tilespmem:s28+$0x8060] =	vst v19;
	v19 =	vmov s16  }
0x2ba: {  	s31 =	sor.u32 s26, s15;
	s26 =	sadd.s32 $0x40, s11;
	v28 =	vadd.s32 s17, v0;
	v27 =	vld.idx.msk [tilespmem:v27+s12+$0x0], $0xffff;
	[tilespmem:s0+$0x8050] =	vst v25;
	v23 =	vadd.f32 v23, v16  }
0x2bb: {  	s5 =	sor.u32 $0x100, s31;
	v25 =	vmov s26;
	[tilespmem:s20+$0x8010] =	vst v20;
	v30 =	vld.idx.msk [tilespmem:v30+s12+$0x0], $0xffff  }
0x2bc: {  	s15 =	sadd.s32 $0xF, s22;
	v32 =	vadd.s32 s5, v0;
	v31 =	vld.idx.msk [tilespmem:v31+s12+$0x0], $0xffff;
	[tilespmem:s25+$0x8040] =	vst v23  }
0x2bd: {  	s16 =	sadd.s32 $0x1F, s8;
	v23 =	vadd.s32 s15, v5;
	v18 =	vld.idx.msk [tilespmem:v18+s12+$0x0], $0xffff  }
0x2be: {  	s17 =	sadd.s32 $0x110, s10;
	v20 =	vld.idx.msk [tilespmem:v19+s12+$0x0], $0xffff;
	v19 =	vadd.s32 s16, v5  }
0x2bf: {  	s4 =	sadd.s32 $0x140, s4;
	v35 =	vadd.s32 s17, v0;
	v28 =	vld.idx.msk [tilespmem:v28+s12+$0x0], $0xffff;
	v27 =	vadd.f32 v27, v17  }
0x2c0: {  	s22 =	sadd.s32 $0x2F, s2;
	v17 =	vld.idx.msk [tilespmem:v25+s12+$0x0], $0xffff;
	v25 =	vadd.f32 v30, v21;
	v30 =	vmov s4  }
0x2c1: {  	v37 =	vadd.s32 s22, v5;
	v32 =	vld.idx.msk [tilespmem:v32+s12+$0x0], $0xffff;
	s15 =	sadd.s32 $0x120, s7;
	v26 =	vadd.f32 v26, v15;
	[tilespmem:s28+$0x8030] =	vst v27  }
0x2c2: {  	s23 =	rddreg [dreg:$0x4];
	s9 =	sshll.u32 s9, $0xA;
	s26 =	sadd.s32 $0x3F, s21;
	v27 =	vadd.s32 s15, v0;
	v33 =	vld.idx.msk [tilespmem:v23+s12+$0x0], $0xffff;
	[tilespmem:s0+$0x8020] =	vst v25  }
0x2c3: {  	s6 =	sshll.u32 s6, $0xA;
	s11 =	sadd.s32 $0x140, s11;
	s22 =	simm.s32 $0x8;
	[tilespmem:s24+$0x8040] =	vst v26;
	v23 =	vadd.s32 s26, v5;
	v18 =	vadd.f32 v18, v36;
	v26 =	vld.idx.msk [tilespmem:v19+s12+$0x0], $0xffff  }
0x2c4: {  	s5 =	sadd.s32 $0x1F, s1;
	s16 =	sadd.s32 $0x3F, s31;
	s4 =	sadd.s32 $0x0, s23;
	v31 =	vadd.f32 v31, v12;
	v25 =	vmov s11;
	v19 =	vadd.f32 v28, v20;
	v28 =	vld.idx.msk [tilespmem:v35+s12+$0x0], $0xffff  }
0x2c5: {  	s13 =	simm.s32 $0x0;
	v47 =	vadd.s32 s16, v5;
	s23 =	sadd.s32 s4, s9;
	s9 =	sand.u32 $0x1E, s22;
	[tilespmem:s25+$0x8010] =	vst v18;
	v18 =	vld.idx.msk [tilespmem:v30+s12+$0x0], $0xffff  }
0x2c6: {  	s22 =	sadd.s32 s4, s6;
	s6 =	sor.u32 $0x1, s9;
	[tilespmem:s20+$0x8050] =	vst v31;
	v30 =	vadd.s32 s5, v5;
	s5 =	sadd.s32 $0x130, s8;
	v37 =	vld.idx.msk [tilespmem:v37+s12+$0x0], $0xffff  }
0x2c7: {  	s17 =	sadd.s32 $0x2F, s10;
	s4 =	sor.u32 s18, s13;
	s16 =	sshll.u32 s6, $0x9;
	v32 =	vadd.f32 v32, v17;
	[tilespmem:s23+$0x8000] =	vst v19;
	v38 =	vadd.s32 s5, v0;
	v31 =	vld.idx.msk [tilespmem:v27+s12+$0x0], $0xffff  }
0x2c8: {  	v39 =	vadd.s32 s17, v5;
	v22 =	vadd.f32 v22, v24;
	s15 =	sadd.s32 $0x120, s2;
	s11 =	sadd.s32 s16, s4;
	v23 =	vld.idx.msk [tilespmem:v23+s12+$0x0], $0xffff  }
0x2c9: {  	s30 =	sadd.s32 $0x40, s11;
	v19 =	vld.idx.msk [tilespmem:v25+s12+$0x0], $0xffff;
	[tilespmem:s22+$0x8000] =	vst v32;
	v25 =	vadd.s32 s15, v0;
	v26 =	vadd.f32 v26, v34  }
0x2ca: {  	s17 =	sadd.s32 $0x110, s21;
	[tilespmem:s19+$0x8020] =	vst v22;
	s29 =	sshll.u32 s9, $0x9;
	s26 =	sor.u32 s4, s16;
	v48 =	vmov s30;
	v27 =	vld.idx.msk [tilespmem:v47+s12+$0x0], $0xffff;
	v22 =	vadd.f32 v28, v14  }
0x2cb: {  	s5 =	sadd.s32 s29, s4;
	s30 =	sor.u32 $0x100, s26;
	v28 =	vadd.s32 s17, v0;
	v49 =	vld.idx.msk [tilespmem:v30+s12+$0x0], $0xffff;
	[tilespmem:s0+$0x8060] =	vst v26;
	v30 =	vadd.f32 v37, v16  }
0x2cc: {  	s4 =	sor.u32 s4, s29;
	s29 =	sadd.s32 $0x40, s5;
	v26 =	vadd.s32 s30, v0;
	[tilespmem:s24+$0x8010] =	vst v22;
	v22 =	vld.idx.msk [tilespmem:v38+s12+$0x0], $0xffff  }
0x2cd: {  	s16 =	sadd.s32 $0x110, s31;
	v50 =	vmov s29;
	v51 =	vld.idx.msk [tilespmem:v39+s12+$0x0], $0xffff;
	v23 =	vadd.f32 v23, v18;
	[tilespmem:s25+$0x8050] =	vst v30  }
0x2ce: {  	v41 =	vadd.s32 s16, v0;
	s29 =	sor.u32 $0x100, s4;
	v25 =	vld.idx.msk [tilespmem:v25+s12+$0x0], $0xffff  }
0x2cf: {  	s13 =	sadd.s32 $0x140, s5;
	v30 =	vadd.s32 s29, v0;
	[tilespmem:s23+$0x8040] =	vst v23;
	v23 =	vld.idx.msk [tilespmem:v48+s12+$0x0], $0xffff  }
0x2d0: {  	v40 =	vmov s13;
	s17 =	sadd.s32 $0x140, s11;
	s11 =	sadd.s32 $0x130, s1;
	v27 =	vadd.f32 v27, v19;
	v28 =	vld.idx.msk [tilespmem:v28+s12+$0x0], $0xffff  }
0x2d1: {  	s8 =	sadd.s32 $0xF, s8;
	v57 =	vadd.s32 s11, v0;
	v26 =	vld.idx.msk [tilespmem:v26+s12+$0x0], $0xffff  }
0x2d2: {  	s9 =	sshll.u32 s9, $0xA;
	v52 =	vadd.s32 s8, v5;
	s15 =	sadd.s32 $0x1F, s2;
	[tilespmem:s22+$0x8040] =	vst v27;
	v35 =	vadd.f32 v49, v11;
	v21 =	vadd.f32 v22, v21;
	v22 =	vld.idx.msk [tilespmem:v50+s12+$0x0], $0xffff  }
0x2d3: {  	s6 =	sshll.u32 s6, $0xA;
	s16 =	sadd.s32 $0x3F, s26;
	s5 =	sadd.s32 $0x2F, s21;
	v53 =	vadd.s32 s15, v5;
	v41 =	vld.idx.msk [tilespmem:v41+s12+$0x0], $0xffff  }
0x2d4: {  	v42 =	vadd.s32 s5, v5;
	s15 =	rddreg [dreg:$0x4];
	s13 =	sadd.s32 $0x130, s7;
	s5 =	sadd.s32 $0xF, s7;
	v54 =	vmov s17;
	[tilespmem:s19+$0x8060] =	vst v35;
	v30 =	vld.idx.msk [tilespmem:v30+s12+$0x0], $0xffff;
	v25 =	vadd.f32 v25, v36  }
0x2d5: {  	v43 =	vadd.s32 s16, v5;
	s17 =	sadd.s32 $0x3F, s4;
	s8 =	sadd.s32 $0x0, s15;
	s30 =	sadd.s32 $0x120, s10;
	v31 =	vadd.f32 v31, v13;
	[tilespmem:s0+$0x8030] =	vst v21;
	v21 =	vld.idx.msk [tilespmem:v40+s12+$0x0], $0xffff  }
0x2d6: {  	v55 =	vadd.s32 s30, v0;
	s30 =	sadd.s32 s8, s6;
	s29 =	sadd.s32 $0x1F, s7;
	s7 =	simm.s32 $0xA;
	v56 =	vadd.f32 v51, v15;
	v51 =	vld.idx.msk [tilespmem:v57+s12+$0x0], $0xffff;
	[tilespmem:s25+$0x8020] =	vst v25;
	v25 =	vadd.f32 v28, v20  }
0x2d7: {  	s6 =	sadd.s32 $0x130, s2;
	[tilespmem:s20+$0x8020] =	vst v31;
	v45 =	vadd.s32 s29, v5;
	s29 =	sadd.s32 s8, s9;
	s8 =	sand.u32 $0x1E, s7;
	v39 =	vld.idx.msk [tilespmem:v52+s12+$0x0], $0xffff;
	v26 =	vadd.f32 v26, v23  }
0x2d8: {  	s11 =	simm.s32 $0x0;
	v44 =	vadd.s32 s17, v5;
	v46 =	vadd.s32 s6, v0;
	s6 =	sor.u32 $0x1, s8;
	v28 =	vld.idx.msk [tilespmem:v53+s12+$0x0], $0xffff;
	[tilespmem:s23+$0x8010] =	vst v25  }
0x2d9: {  	s9 =	sadd.s32 $0x2F, s31;
	s17 =	sshll.u32 s6, $0x9;
	v52 =	vadd.f32 v33, v29;
	v25 =	vld.idx.msk [tilespmem:v54+s12+$0x0], $0xffff;
	[tilespmem:s30+$0x8000] =	vst v26;
	v26 =	vadd.s32 s5, v5;
	s5 =	sor.u32 s18, s11  }
0x2da: {  	s16 =	sadd.s32 $0x130, s10;
	s15 =	sadd.s32 $0x1F, s10;
	v47 =	vadd.s32 s9, v5;
	[tilespmem:s24+$0x8050] =	vst v56;
	v59 =	vadd.f32 v30, v22;
	v58 =	vld.idx.msk [tilespmem:v42+s12+$0x0], $0xffff;
	s9 =	sadd.s32 s17, s5  }
0x2db: {  	v32 =	vadd.s32 s15, v5;
	v31 =	vadd.s32 s16, v0;
	v61 =	vadd.f32 v41, v17;
	[tilespmem:s28+$0x8070] =	vst v52;
	v43 =	vld.idx.msk [tilespmem:v43+s12+$0x0], $0xffff;
	s15 =	sadd.s32 $0x40, s9  }
0x2dc: {  	s1 =	sadd.s32 $0xF, s1;
	v40 =	vld.idx.msk [tilespmem:v55+s12+$0x0], $0xffff;
	v30 =	vadd.s32 s13, v0;
	s13 =	sadd.s32 $0x120, s21;
	v51 =	vadd.f32 v51, v24;
	[tilespmem:s29+$0x8000] =	vst v59;
	v41 =	vmov s15  }
0x2dd: {  	s16 =	sadd.s32 $0x120, s31;
	v27 =	vadd.s32 s1, v5;
	[tilespmem:s22+$0x8010] =	vst v61;
	v60 =	vadd.s32 s13, v0;
	s13 =	sadd.s32 $0x110, s26;
	s1 =	sor.u32 s5, s17;
	v44 =	vld.idx.msk [tilespmem:v44+s12+$0x0], $0xffff;
	v48 =	vadd.f32 v28, v16  }
0x2de: {  	v38 =	vadd.s32 s16, v0;
	s16 =	sadd.s32 $0x130, s31;
	v45 =	vld.idx.msk [tilespmem:v45+s12+$0x0], $0xffff;
	s11 =	sshll.u32 s8, $0x9;
	v34 =	vadd.f32 v39, v34;
	v49 =	vadd.s32 s13, v0;
	s17 =	sor.u32 $0x100, s1;
	[tilespmem:s19+$0x8030] =	vst v51  }
0x2df: {  	s10 =	sadd.s32 $0xF, s10;
	v33 =	vadd.s32 s16, v0;
	s16 =	sadd.s32 $0x110, s4;
	v47 =	vld.idx.msk [tilespmem:v47+s12+$0x0], $0xffff;
	s13 =	sadd.s32 s11, s5;
	v50 =	vadd.f32 v58, v18;
	[tilespmem:s25+$0x8060] =	vst v48;
	v48 =	vadd.s32 s17, v0  }
0x2e0: {  	s2 =	sadd.s32 $0xF, s2;
	v55 =	vadd.s32 s16, v0;
	s15 =	sadd.s32 $0x40, s13;
	[tilespmem:s0+$0x8070] =	vst v34;
	v28 =	vadd.s32 s10, v5;
	s10 =	sor.u32 s5, s11;
	v62 =	vadd.f32 v43, v25;
	v46 =	vld.idx.msk [tilespmem:v46+s12+$0x0], $0xffff  }
0x2e1: {  	s6 =	sshll.u32 s6, $0xA;
	s16 =	sadd.s32 $0x120, s4;
	v43 =	vmov s15;
	s17 =	sor.u32 $0x100, s10;
	[tilespmem:s23+$0x8050] =	vst v50;
	v37 =	vld.idx.msk [tilespmem:v41+s12+$0x0], $0xffff  }
0x2e2: {  	v54 =	vadd.s32 s2, v5;
	s13 =	sadd.s32 $0x140, s13;
	s11 =	sadd.s32 $0x1F, s31;
	s5 =	sadd.s32 $0x130, s4;
	v63 =	vadd.s32 s17, v0;
	[tilespmem:s30+$0x8040] =	vst v62;
	v44 =	vadd.f32 v44, v21;
	v60 =	vld.idx.msk [tilespmem:v60+s12+$0x0], $0xffff  }
0x2e3: {  	v56 =	vmov s13;
	v35 =	vadd.s32 s11, v5;
	s11 =	simm.s32 $0x1;
	v34 =	vadd.s32 s5, v0;
	s5 =	rddreg [dreg:$0x4];
	s15 =	sadd.s32 $0xF, s31;
	v52 =	vld.idx.msk [tilespmem:v49+s12+$0x0], $0xffff  }
0x2e4: {  	v61 =	vadd.f32 v40, v14;
	v45 =	vadd.f32 v45, v12;
	s11 =	simm.s32 @!p0 $0x0;
	v29 =	vadd.s32 s15, v5;
	s17 =	sadd.s32 $0x2F, s4;
	s15 =	sadd.s32 $0x1F, s21;
	[tilespmem:s29+$0x8040] =	vst v44;
	v58 =	vld.idx.msk [tilespmem:v48+s12+$0x0], $0xffff  }
0x2e5: {  	s2 =	sshll.u32 s11, $0x9;
	s11 =	sadd.s32 $0x2F, s26;
	v42 =	vadd.s32 s17, v5;
	s17 =	sadd.s32 $0x1F, s4;
	v57 =	vadd.s32 s15, v5;
	v41 =	vadd.s32 s16, v0;
	v55 =	vld.idx.msk [tilespmem:v55+s12+$0x0], $0xffff  }
0x2e6: {  	[tilespmem:s24+$0x8020] =	vst v61;
	s13 =	sadd.s32 $0x3F, s10;
	s5 =	sadd.s32 $0x0, s5;
	s4 =	sadd.s32 $0xF, s4;
	v59 =	vadd.s32 s11, v5;
	v40 =	vadd.s32 s17, v5;
	v62 =	vadd.f32 v46, v36;
	v36 =	vld.idx.msk [tilespmem:v43+s12+$0x0], $0xffff  }
0x2e7: {  	[tilespmem:s20+$0x8060] =	vst v45;
	s28 =	sor.u32 $0x8180, s2;
	s15 =	sadd.s32 $0x110, s10;
	s16 =	sadd.s32 $0x2F, s10;
	v39 =	vadd.s32 s4, v5;
	v49 =	vadd.s32 s13, v5;
	v53 =	vld.idx.msk [tilespmem:v63+s12+$0x0], $0xffff;
	v43 =	vadd.f32 v60, v20  }
0x2e8: {  	s31 =	sor.u32 $0x8100, s2;
	v45 =	vadd.s32 s15, v0;
	s17 =	sadd.s32 $0x120, s10;
	s15 =	sadd.s32 $0xF, s10;
	v44 =	vadd.s32 s16, v5;
	v46 =	vld.idx.msk [tilespmem:v56+s12+$0x0], $0xffff;
	[tilespmem:s25+$0x8030] =	vst v62;
	v63 =	vadd.f32 v52, v23  }
0x2e9: {  	s11 =	sadd.s32 $0x1F, s10;
	s0 =	sor.u32 $0x8080, s2;
	s16 =	sadd.s32 $0x140, s9;
	v24 =	vadd.s32 s15, v5;
	v48 =	vadd.s32 s17, v0;
	v60 =	vadd.f32 v47, v19;
	v50 =	vld.idx.msk [tilespmem:v54+s12+$0x0], $0xffff;
	[tilespmem:s23+$0x8020] =	vst v43  }
0x2ea: {  	s4 =	sshll.u32 s8, $0xA;
	s13 =	sadd.s32 $0x130, s10;
	s17 =	sadd.s32 $0x3F, s1;
	v56 =	vmov s16;
	v47 =	vadd.s32 s11, v5;
	[tilespmem:s30+$0x8010] =	vst v63;
	v52 =	vld.idx.msk [tilespmem:v57+s12+$0x0], $0xffff  }
0x2eb: {  	s2 =	sor.u32 $0x8000, s2;
	s8 =	sadd.s32 s5, s6;
	s10 =	sadd.s32 s5, s4;
	[tilespmem:s22+$0x8050] =	vst v60;
	v43 =	vadd.s32 s13, v0;
	v58 =	vadd.f32 v58, v37;
	v57 =	vadd.s32 s17, v5;
	v54 =	vld.idx.msk [tilespmem:v59+s12+$0x0], $0xffff  }
.LBB2_3:
0x2ec: {  	_ =	sdelay $0x2  }
0x2ed: {  	v1 =	vadd.f32 v53, v36  }
0x2ee: {  	s7 =	sadd.s32 $0x2, s7;
	v53 =	vld.idx.msk [tilespmem:v56+s12+$0x0], $0xffff;
	s5 =	sadd.s32 $0x130, s21;
	[tilespmem:s8+$0x8000] =	vst v58  }
0x2ef: {  	s4 =	smov.u32 s20;
	s13 =	sand.u32 $0x1E, s7;
	v61 =	vadd.s32 s5, v0;
	v60 =	vld.idx.msk [tilespmem:v57+s12+$0x0], $0xffff;
	[tilespmem:s10+$0x8000] =	vst v1  }
0x2f0: {  	s20 =	smov.u32 s24;
	s9 =	sshrl.u32 s7, $0x5;
	v50 =	vadd.f32 v50, v16;
	v16 =	vmov v18;
	s6 =	sor.u32 $0x1, s13;
	v58 =	vld.idx.msk [tilespmem:v38+s12+$0x0], $0xffff  }
0x2f1: {  	s11 =	sadd.s32 $0x120, s26;
	v18 =	vmovc v25;
	s15 =	sor.u32 s18, s9;
	v38 =	vmov v41;
	v51 =	vmov v46;
	s24 =	sshll.u32 s6, $0x9;
	v46 =	vld.idx.msk [tilespmem:v49+s12+$0x0], $0xffff;
	v1 =	vadd.f32 v52, v16  }
0x2f2: {  	v41 =	vmovc v48;
	v48 =	vadd.s32 s11, v0;
	[tilespmem:s25+$0x8070] =	vst v50;
	s11 =	sadd.s32 s24, s15;
	s25 =	sadd.s32 $0x110, s1;
	v62 =	vadd.f32 v55, v22;
	v50 =	vld.idx.msk [tilespmem:v32+s12+$0x0], $0xffff;
	v32 =	vmov v35  }
0x2f3: {  	s16 =	sshll.u32 s13, $0x9;
	v35 =	vmovc v40;
	v40 =	vmov v47;
	s24 =	sor.u32 s15, s24;
	v63 =	vadd.f32 v54, v18;
	v54 =	vld.idx.msk [tilespmem:v30+s12+$0x0], $0xffff;
	s17 =	sadd.s32 $0x40, s11;
	v47 =	vadd.s32 s25, v0;
	[tilespmem:s23+$0x8060] =	vst v1  }
0x2f4: {  	s5 =	sadd.s32 s16, s15;
	s16 =	sor.u32 s15, s16;
	v30 =	vmov v31;
	v25 =	vmov v53;
	v55 =	vmov s17;
	s17 =	sor.u32 $0x100, s24;
	[tilespmem:s29+$0x8010] =	vst v62;
	v57 =	vld.idx.msk [tilespmem:v61+s12+$0x0], $0xffff  }
0x2f5: {  	v31 =	vmovc v33;
	s15 =	sadd.s32 $0x40, s5;
	v33 =	vmovc v34;
	v34 =	vmov v43;
	s25 =	sor.u32 $0x100, s16;
	v59 =	vadd.s32 s17, v0;
	v43 =	vadd.f32 v60, v25;
	v56 =	vld.idx.msk [tilespmem:v42+s12+$0x0], $0xffff  }
0x2f6: {  	v53 =	vmov s15;
	[tilespmem:s30+$0x8050] =	vst v63;
	v60 =	vadd.s32 s25, v0;
	s25 =	sadd.s32 $0x2F, s16;
	v63 =	vld.idx.msk [tilespmem:v27+s12+$0x0], $0xffff  }
0x2f7: {  	s5 =	sadd.s32 $0x140, s5;
	s15 =	sadd.s32 $0x3F, s16;
	v42 =	vmov v44;
	v61 =	vld.idx.msk [tilespmem:v48+s12+$0x0], $0xffff;
	v44 =	vadd.s32 s25, v5;
	v46 =	vadd.f32 v46, v51;
	s25 =	sadd.s32 $0xF, s21;
	[tilespmem:s8+$0x8040] =	vst v43  }
0x2f8: {  	v49 =	vadd.s32 s15, v5;
	s15 =	sadd.s32 $0x110, s16;
	v58 =	vadd.f32 v58, v17;
	s21 =	smov.u32 s26;
	s26 =	smov.u32 s1;
	v2 =	vadd.s32 s25, v5;
	v1 =	vld.idx.msk [tilespmem:v47+s12+$0x0], $0xffff  }
0x2f9: {  	v52 =	vmov s5;
	v62 =	vadd.s32 s15, v0;
	v27 =	vmovc v26;
	s1 =	smov.u32 s24;
	s24 =	smov.u32 s22;
	s25 =	sadd.s32 $0x1F, s21;
	[tilespmem:s10+$0x8040] =	vst v46;
	v46 =	vadd.f32 v50, v15;
	v55 =	vld.idx.msk [tilespmem:v55+s12+$0x0], $0xffff  }
0x2fa: {  	s17 =	sadd.s32 $0x120, s16;
	v26 =	vmovc v28;
	v28 =	vmov v29;
	s22 =	smov.u32 s29;
	v3 =	vadd.s32 s25, v5;
	[tilespmem:s24+$0x8020] =	vst v58;
	v57 =	vadd.f32 v57, v20;
	v59 =	vld.idx.msk [tilespmem:v59+s12+$0x0], $0xffff  }
0x2fb: {  	v29 =	vmovc v39;
	v48 =	vadd.s32 s17, v0;
	s29 =	smov.u32 s10;
	s25 =	smov.u32 s23;
	s10 =	sadd.s32 $0x2F, s26;
	v20 =	vmov v23;
	v4 =	vld.idx.msk [tilespmem:v53+s12+$0x0], $0xffff;
	v39 =	vadd.f32 v56, v21;
	[tilespmem:s20+$0x8060] =	vst v46  }
0x2fc: {  	p1 =	slt.u32 s7, $0x7E;
	s5 =	sadd.s32 $0x1F, s16;
	s15 =	sadd.s32 $0x130, s16;
	v54 =	vadd.f32 v54, v13;
	v53 =	vld.idx.msk [tilespmem:v60+s12+$0x0], $0xffff;
	v60 =	vadd.s32 s10, v5;
	v61 =	vadd.f32 v61, v20;
	[tilespmem:s25+$0x8030] =	vst v57  }
.Ltmp0:
0x2fd: {  	s16 =	sadd.s32 $0xF, s16;
	v43 =	vadd.s32 s15, v0;
	v13 =	vmovc v14;
	v14 =	vmovc v17;
	v17 =	vmov v22;
	s23 =	smov.u32 s30;
	v23 =	vmov v37;
	[tilespmem:s22+$0x8050] =	vst v39;
	v50 =	vld.idx.msk [tilespmem:v2+s12+$0x0], $0xffff;
	(pc) =	sbr.rel @p1 .LBB2_3-.Ltmp0, $4  }
0x2fe: {  	s13 =	sshll.u32 s13, $0xA;
	v22 =	vmovc v36;
	v47 =	vadd.s32 s5, v5;
	v58 =	vadd.s32 s16, v5;
	s16 =	sadd.s32 $0x3F, s1;
	v46 =	vld.idx.msk [tilespmem:v52+s12+$0x0], $0xffff;
	v1 =	vadd.f32 v1, v23;
	[tilespmem:s23+$0x8020] =	vst v61  }
0x2ff: {  	s17 =	sshll.u32 s9, $0x7;
	s15 =	rddreg [dreg:$0x4];
	s30 =	smov.u32 s8;
	v57 =	vadd.s32 s16, v5;
	v2 =	vadd.f32 v63, v11;
	v11 =	vmovc v12;
	v12 =	vmov v15;
	[tilespmem:s4+$0x8030] =	vst v54;
	v52 =	vld.idx.msk [tilespmem:v3+s12+$0x0], $0xffff  }
0x300: {  	s6 =	sshll.u32 s6, $0xA;
	s11 =	sadd.s32 $0x140, s11;
	s5 =	sadd.s32 s15, s17;
	v15 =	vmovc v19;
	v19 =	vmovc v21;
	v21 =	vmov v51;
	v39 =	vmov v24;
	v37 =	vmov v55;
	v55 =	vld.idx.msk [tilespmem:v45+s12+$0x0], $0xffff;
	[tilespmem:s30+$0x8010] =	vst v1  }
0x301: {  	s8 =	sadd.s32 s5, s6;
	v56 =	vmov s11;
	s10 =	sadd.s32 s5, s13;
	v24 =	vmovc v58;
	v45 =	vmovc v62;
	[tilespmem:s19+$0x8070] =	vst v2;
	s19 =	smov.u32 s4;
	v58 =	vadd.f32 v59, v37;
	v36 =	vmov v4;
	v54 =	vld.idx.msk [tilespmem:v60+s12+$0x0], $0xffff  }
0x302: {  	_ =	sdelay $0x3  }
0x303: {  	v51 =	vld.idx.msk [tilespmem:v56+s12+$0x0], $0xffff;
	[tilespmem:s8+$0x8000] =	vst v58  }
0x304: {  	v1 =	vadd.f32 v53, v36;
	v2 =	vld.idx.msk [tilespmem:v57+s12+$0x0], $0xffff;
	_ =	sdelay $0x1  }
0x305: {  	s4 =	sadd.s32 $0x110, s1;
	[tilespmem:s10+$0x8000] =	vst v1  }
0x306: {  	v3 =	vadd.s32 s4, v0;
	v1 =	vld.idx.msk [tilespmem:v49+s12+$0x0], $0xffff;
	_ =	sdelay $0x1  }
0x307: {  	v2 =	vadd.f32 v2, v51;
	_ =	sdelay $0x1  }
0x308: {  	[tilespmem:s8+$0x8040] =	vst v2  }
0x309: {  	v1 =	vadd.f32 v1, v46;
	v2 =	vld.idx.msk [tilespmem:v3+s12+$0x0], $0xffff;
	_ =	sdelay $0x1  }
0x30a: {  	s7 =	sadd.s32 $0x2F, s1;
	[tilespmem:s10+$0x8040] =	vst v1  }
0x30b: {  	v1 =	vadd.s32 s7, v5;
	v3 =	vld.idx.msk [tilespmem:v45+s12+$0x0], $0xffff;
	_ =	sdelay $0x1  }
0x30c: {  	v2 =	vadd.f32 v2, v37;
	_ =	sdelay $0x1  }
0x30d: {  	v4 =	vadd.f32 v55, v22;
	[tilespmem:s8+$0x8010] =	vst v2  }
0x30e: {  	s9 =	sadd.s32 $0x120, s26;
	v2 =	vadd.f32 v3, v36;
	v1 =	vld.idx.msk [tilespmem:v1+s12+$0x0], $0xffff  }
0x30f: {  	[tilespmem:s29+$0x8010] =	vst v4;
	v3 =	vadd.s32 s9, v0  }
0x310: {  	s11 =	sadd.s32 $0x120, s1;
	v4 =	vld.idx.msk [tilespmem:v42+s12+$0x0], $0xffff;
	[tilespmem:s10+$0x8010] =	vst v2  }
0x311: {  	v61 =	vadd.s32 s11, v0;
	v2 =	vadd.f32 v54, v25;
	v44 =	vld.idx.msk [tilespmem:v44+s12+$0x0], $0xffff;
	_ =	sdelay $0x1  }
0x312: {  	[tilespmem:s30+$0x8050] =	vst v2;
	v1 =	vadd.f32 v1, v51  }
0x313: {  	v2 =	vld.idx.msk [tilespmem:v3+s12+$0x0], $0xffff  }
0x314: {  	v3 =	vadd.f32 v4, v21;
	[tilespmem:s8+$0x8050] =	vst v1  }
0x315: {  	s13 =	sadd.s32 $0x1F, s26;
	v4 =	vadd.f32 v44, v46;
	v1 =	vld.idx.msk [tilespmem:v61+s12+$0x0], $0xffff  }
0x316: {  	s15 =	sadd.s32 $0x130, s21;
	v38 =	vld.idx.msk [tilespmem:v38+s12+$0x0], $0xffff;
	v62 =	vadd.s32 s13, v5;
	[tilespmem:s29+$0x8050] =	vst v3  }
0x317: {  	s16 =	sadd.s32 $0x1F, s1;
	v3 =	vadd.s32 s15, v0;
	v41 =	vld.idx.msk [tilespmem:v41+s12+$0x0], $0xffff;
	[tilespmem:s10+$0x8050] =	vst v4  }
0x318: {  	v2 =	vadd.f32 v2, v23;
	v4 =	vadd.s32 s16, v5;
	v63 =	vld.idx.msk [tilespmem:v48+s12+$0x0], $0xffff  }
0x319: {  	v48 =	vadd.f32 v52, v18  }
0x31a: {  	v32 =	vld.idx.msk [tilespmem:v32+s12+$0x0], $0xffff;
	[tilespmem:s30+$0x8020] =	vst v2;
	v1 =	vadd.f32 v1, v37  }
0x31b: {  	v2 =	vadd.f32 v38, v17;
	[tilespmem:s23+$0x8060] =	vst v48;
	v49 =	vld.idx.msk [tilespmem:v62+s12+$0x0], $0xffff  }
0x31c: {  	v41 =	vadd.f32 v41, v22;
	v3 =	vld.idx.msk [tilespmem:v3+s12+$0x0], $0xffff;
	[tilespmem:s8+$0x8020] =	vst v1  }
0x31d: {  	s17 =	sadd.s32 $0x130, s26;
	[tilespmem:s22+$0x8020] =	vst v2;
	v2 =	vadd.f32 v63, v36;
	v1 =	vld.idx.msk [tilespmem:v4+s12+$0x0], $0xffff  }
0x31e: {  	v52 =	vadd.s32 s17, v0;
	v35 =	vld.idx.msk [tilespmem:v35+s12+$0x0], $0xffff;
	[tilespmem:s29+$0x8020] =	vst v41;
	v4 =	vadd.f32 v50, v16  }
0x31f: {  	s18 =	sadd.s32 $0x130, s1;
	v32 =	vadd.f32 v32, v15;
	v40 =	vld.idx.msk [tilespmem:v40+s12+$0x0], $0xffff;
	[tilespmem:s10+$0x8020] =	vst v2  }
0x320: {  	v30 =	vld.idx.msk [tilespmem:v30+s12+$0x0], $0xffff;
	v2 =	vadd.f32 v49, v25;
	[tilespmem:s25+$0x8070] =	vst v4;
	v4 =	vadd.s32 s18, v0  }
0x321: {  	[tilespmem:s24+$0x8060] =	vst v32;
	v53 =	vld.idx.msk [tilespmem:v47+s12+$0x0], $0xffff;
	v3 =	vadd.f32 v3, v20  }
0x322: {  	s21 =	sadd.s32 $0xF, s21;
	v54 =	vld.idx.msk [tilespmem:v27+s12+$0x0], $0xffff;
	[tilespmem:s30+$0x8060] =	vst v2;
	v1 =	vadd.f32 v1, v51  }
0x323: {  	v55 =	vadd.s32 s21, v5;
	[tilespmem:s23+$0x8030] =	vst v3;
	v2 =	vld.idx.msk [tilespmem:v52+s12+$0x0], $0xffff;
	v3 =	vadd.f32 v35, v19  }
0x324: {  	v56 =	vld.idx.msk [tilespmem:v31+s12+$0x0], $0xffff;
	[tilespmem:s8+$0x8060] =	vst v1;
	v1 =	vadd.f32 v40, v21  }
0x325: {  	v13 =	vadd.f32 v30, v13;
	s25 =	sadd.s32 $0xF, s26;
	[tilespmem:s22+$0x8060] =	vst v3;
	v3 =	vld.idx.msk [tilespmem:v4+s12+$0x0], $0xffff  }
0x326: {  	v57 =	vadd.s32 s25, v5;
	v58 =	vld.idx.msk [tilespmem:v33+s12+$0x0], $0xffff;
	v4 =	vadd.f32 v53, v46;
	[tilespmem:s29+$0x8060] =	vst v1  }
0x327: {  	[tilespmem:s20+$0x8030] =	vst v13;
	s26 =	sadd.s32 $0xF, s1;
	v1 =	vadd.f32 v54, v11;
	v11 =	vld.idx.msk [tilespmem:v34+s12+$0x0], $0xffff  }
0x328: {  	v16 =	vld.idx.msk [tilespmem:v55+s12+$0x0], $0xffff;
	v2 =	vadd.f32 v2, v23;
	[tilespmem:s10+$0x8060] =	vst v4;
	v4 =	vadd.s32 s26, v5  }
0x329: {  	v59 =	vld.idx.msk [tilespmem:v43+s12+$0x0], $0xffff;
	[tilespmem:s19+$0x8070] =	vst v1;
	v1 =	vadd.f32 v56, v14  }
0x32a: {  	v60 =	vld.idx.msk [tilespmem:v26+s12+$0x0], $0xffff;
	[tilespmem:s30+$0x8030] =	vst v2;
	v2 =	vadd.f32 v3, v37  }
0x32b: {  	v3 =	vld.idx.msk [tilespmem:v57+s12+$0x0], $0xffff;
	[tilespmem:s24+$0x8030] =	vst v1;
	v1 =	vadd.f32 v58, v17  }
0x32c: {  	v61 =	vld.idx.msk [tilespmem:v28+s12+$0x0], $0xffff;
	[tilespmem:s8+$0x8030] =	vst v2;
	v2 =	vadd.f32 v11, v22  }
0x32d: {  	[tilespmem:s22+$0x8030] =	vst v1;
	v11 =	vadd.f32 v16, v18;
	v4 =	vld.idx.msk [tilespmem:v4+s12+$0x0], $0xffff  }
0x32e: {  	v1 =	vadd.f32 v59, v36;
	v62 =	vld.idx.msk [tilespmem:v29+s12+$0x0], $0xffff;
	[tilespmem:s29+$0x8030] =	vst v2  }
0x32f: {  	v2 =	vadd.f32 v60, v12;
	[tilespmem:s23+$0x8070] =	vst v11;
	v63 =	vld.idx.msk [tilespmem:v39+s12+$0x0], $0xffff  }
0x330: {  	[tilespmem:s10+$0x8030] =	vst v1;
	v1 =	vadd.f32 v3, v25  }
0x331: {  	[tilespmem:s20+$0x8070] =	vst v2;
	v2 =	vadd.f32 v61, v15  }
0x332: {  	v3 =	vld.idx.msk [tilespmem:v24+s12+$0x0], $0xffff;
	[tilespmem:s30+$0x8070] =	vst v1;
	v1 =	vadd.f32 v4, v51  }
0x333: {  	[tilespmem:s24+$0x8070] =	vst v2;
	v2 =	vadd.f32 v62, v19  }
0x334: {  	[tilespmem:s8+$0x8070] =	vst v1;
	v1 =	vadd.f32 v63, v21  }
0x335: {  	[tilespmem:s22+$0x8070] =	vst v2  }
0x336: {  	[tilespmem:s29+$0x8070] =	vst v1  }
0x337: {  	s30 =	sshll.u32 s14, $0x10;
	v2 =	vadd.f32 v3, v46;
	s8 =	rddreg [dreg:$0x6]  }
0x338: {  	s1 =	sadd.s32 s30, s8  }
0x339: {  	s6 =	sadd.s32 $0x400, s2;
	s4 =	simm.s32 $0x10;
	[tilespmem:s10+$0x8070] =	vst v2;
	s7 =	sadd.s32 $0x0, s1  }
.LBB2_5:
0x33a: {  	[hbm4b:s7+s3] =	stream.linear.scatter [tilespmem:s2], [sflag:$0x1], $0x80, $0x38;
	[tilespmem:$0x10080] =	vst v63  }
0x33b: {  	s5 =	smov.u32 s4;
	s2 =	smov.u32 s6;
	p1 =	sne.s32 s4, $0x1F0  }
.Ltmp1:
0x33c: {  	s4 =	sadd.s32 $0x10, s4;
	(pc) =	sbr.rel @p1 .LBB2_5-.Ltmp1, $2  }
0x33d: {  	_ =	sdelay $0x2  }
0x33e: {  	s6 =	sadd.s32 $0x400, s6;
	s7 =	sadd.s32 s5, s1  }
0x33f: {  	[hbm4b:s7+s3] =	stream.linear.scatter [tilespmem:s2], [sflag:$0x1], $0x80, $0x38;
	[tilespmem:$0x10080] =	vst v63  }
0x340: {  	s1 =	rddreg [dreg:$0x9]  }
0x341: {  	s1 =	sshll.u32 s1, $0xE  }
0x342: {  	s1 =	sadd.s32 s1, s8  }
0x343: {  	s2 =	simm.s32 $0x10;
	s4 =	sadd.s32 $0x400, s0;
	s6 =	sadd.s32 $0x0, s1  }
.LBB2_7:
0x344: {  	[hbm4b:s6+s3] =	stream.linear.scatter [tilespmem:s0], [sflag:$0x1], $0x80, $0x38;
	[tilespmem:$0x10080] =	vst v63  }
0x345: {  	s5 =	smov.u32 s2;
	s0 =	smov.u32 s4;
	p1 =	sne.s32 s2, $0x1F0  }
.Ltmp2:
0x346: {  	s2 =	sadd.s32 $0x10, s2;
	(pc) =	sbr.rel @p1 .LBB2_7-.Ltmp2, $2  }
0x347: {  	_ =	sdelay $0x2  }
0x348: {  	s4 =	sadd.s32 $0x400, s4;
	s6 =	sadd.s32 s5, s1  }
0x349: {  	[hbm4b:s6+s3] =	stream.linear.scatter [tilespmem:s0], [sflag:$0x1], $0x80, $0x38;
	[tilespmem:$0x10080] =	vst v63  }
0x34a: {  	s30 =	rddreg [dreg:$0xa]  }
0x34b: {  	s0 =	sshll.u32 s30, $0xE  }
0x34c: {  	s0 =	sadd.s32 s0, s8  }
0x34d: {  	s1 =	simm.s32 $0x10;
	s2 =	sadd.s32 $0x400, s31;
	s4 =	sadd.s32 $0x0, s0  }
.LBB2_9:
0x34e: {  	[hbm4b:s4+s3] =	stream.linear.scatter [tilespmem:s31], [sflag:$0x1], $0x80, $0x38;
	[tilespmem:$0x10080] =	vst v63  }
0x34f: {  	s4 =	smov.u32 s1;
	s31 =	smov.u32 s2;
	p1 =	sne.s32 s1, $0x1F0  }
.Ltmp3:
0x350: {  	s1 =	sadd.s32 $0x10, s1;
	(pc) =	sbr.rel @p1 .LBB2_9-.Ltmp3, $2  }
0x351: {  	_ =	sdelay $0x2  }
0x352: {  	s2 =	sadd.s32 $0x400, s2;
	s4 =	sadd.s32 s4, s0  }
0x353: {  	[hbm4b:s4+s3] =	stream.linear.scatter [tilespmem:s31], [sflag:$0x1], $0x80, $0x38;
	[tilespmem:$0x10080] =	vst v63  }
0x354: {  	s0 =	rddreg [dreg:$0xb]  }
0x355: {  	s0 =	sshll.u32 s0, $0xE  }
0x356: {  	s0 =	sadd.s32 s0, s8  }
0x357: {  	s1 =	simm.s32 $0x10;
	s2 =	sadd.s32 $0x400, s28;
	s4 =	sadd.s32 $0x0, s0  }
.LBB2_11:
0x358: {  	[hbm4b:s4+s3] =	stream.linear.scatter [tilespmem:s28], [sflag:$0x1], $0x80, $0x38;
	[tilespmem:$0x10080] =	vst v63  }
0x359: {  	s4 =	smov.u32 s1;
	s28 =	smov.u32 s2;
	p1 =	sne.s32 s1, $0x1F0  }
.Ltmp4:
0x35a: {  	s1 =	sadd.s32 $0x10, s1;
	(pc) =	sbr.rel @p1 .LBB2_11-.Ltmp4, $2  }
0x35b: {  	_ =	sdelay $0x2  }
0x35c: {  	s2 =	sadd.s32 $0x400, s2;
	s4 =	sadd.s32 s4, s0  }
0x35d: {  	s14 =	sadd.s32 $0x1, s14  }
0x35e: {  	p1 =	sne.s32 s14, $0x20  }
.Ltmp5:
0x35f: {  	_ = 	snop;
	(pc) =	sbr.rel @p1 .LBB2_2-.Ltmp5, $3  }
0x360: {  	_ =	sdelay $0x1  }
0x361: {  	[hbm4b:s4+s3] =	stream.linear.scatter [tilespmem:s28], [sflag:$0x1], $0x80, $0x38;
	[tilespmem:$0x10080] =	vst v63  }
0x362: {  	p0 =	por !p0, !p0  }
0x363: {  	s1 =	simm.s32 $0x1  }
0x364: {  	_ =	swait.ge [sflag:s1], $0x1000  }
0x365: {  	[sflag:s1] =	ssyncset.done $0x0  }
0x366: {  	[sflag:s1] =	ssyncadd.s32 $0xFFFFF000  }
0x367: {  	_ =	swait.ge [sflag:s1], $0x1000  }
0x368: {  	[sflag:s1] =	ssyncset.done $0x0  }
0x369: {  	[sflag:s1] =	ssyncadd.s32 $0xFFFFF000  }
0x36a: {  	_ =	swait.ge [sflag:s1], $0x1000  }
0x36b: {  	[sflag:s1] =	ssyncset.done $0x0  }
0x36c: {  	[sflag:s1] =	ssyncadd.s32 $0xFFFFF000  }
0x36d: {  	_ =	swait.ge [sflag:s1], $0x1000  }
0x36e: {  	[sflag:s1] =	ssyncset.done $0x0  }
0x36f: {  	[sflag:s1] =	ssyncadd.s32 $0xFFFFF000  }
0x370: {  	_ =	swait.ge [sflag:s1], $0x1000  }
0x371: {  	[sflag:s1] =	ssyncset.done $0x0  }
0x372: {  	[sflag:s1] =	ssyncadd.s32 $0xFFFFF000  }
0x373: {  	_ =	swait.ge [sflag:s1], $0x1000  }
0x374: {  	[sflag:s1] =	ssyncset.done $0x0  }
0x375: {  	[sflag:s1] =	ssyncadd.s32 $0xFFFFF000  }
0x376: {  	_ =	swait.ge [sflag:s1], $0x1000  }
0x377: {  	[sflag:s1] =	ssyncset.done $0x0  }
0x378: {  	[sflag:s1] =	ssyncadd.s32 $0xFFFFF000  }
0x379: {  	_ =	swait.ge [sflag:s1], $0x1000  }
0x37a: {  	s2 =	rddreg [dreg:$0x8]  }
0x37b: {  	s0 =	rddreg [dreg:$0x7];
	s2 =	sadd.s32 $0x1, s2  }
0x37c: {  	p0 =	sne.s32 s2, s0  }
.Ltmp6:
0x37d: {  	_ = 	snop;
	(pc) =	sbr.rel @p0 .LBB2_1-.Ltmp6, $3  }
0x37e: {  	_ =	sdelay $0x1  }
0x37f: {  	[sflag:s1] =	ssyncset.done $0x0  }
0x380: {  	[sflag:s1] =	ssyncadd.s32 $0xFFFFF000  }
0x381: {  	_ =	sfence.sel $0x180000  }
0x382: {  	[bflag:$0x0] =	sbarrier.arrive $0xFFFF  }
0x383: {  	_ =	strace $0x90000047  }
0x384: {  	s0 =	stileid.u32;
	[bflag:$0x2] =	sbarrier.arrive $0xFFFF  }
0x385: {  	p0 =	sne.s32 s0, $0x0;
	s0 =	rddreg [dreg:$0x3]  }
0x386: {  	s0 =	sadd.s32 @!p0 $0x100000, s0  }
0x387: {  	[sflag:s0] =	ssyncadd.tile.s32 @!p0 $0x1;
	_ =	shalt  }
.Lfunc_end2:
_tile_overlayer_lowered:
.L_overlay_start_2:
0x388: {  	(tag) =	ssettag $0x2  }
0x389: {  	s0 =	rddreg [dreg:$0x0];
	s2 =	stileid.u32  }
0x38a: {  	s1 =	rddreg [dreg:$0x1];
	p0 =	sne.s32 s2, $0x0  }
0x38b: {  	s3 =	rddreg [dreg:$0x2];
	[bflag:$0x3] =	sbarrier.arrive $0xFFFF;
	s2 =	simm.s32 @!p0 $0x1C02  }
0x38c: {  	[timem:s3], [sflag:s2] =	dma.local @!p0 [hbm:s0], s1  }
0x38d: {  	s0 =	simm.s32 @!p0 $0x2  }
0x38e: {  	_ =	swait.ge @!p0 [sflag:s0], s1  }
0x38f: {  	s1 =	ssub.s32 @!p0 $0x0, s1;
	[sflag:s0] =	ssyncset.done @!p0 $0x0  }
0x390: {  	[sflag:s0] =	ssyncadd.s32 @!p0 s1  }
0x391: {  	[bflag:$0x3] =	sbarrier.arrive $0xFFFF  }
0x392: {  	_ =	shalt  }

</sc_bundles>
